<compile_context>
chip_gen: v7x
topology: tpu7x:2x2x1
jax: 0.10.2.dev20260603
libtpu: 0.0.44.dev20260713+nightly
codegen_flags: <defaults>
</compile_context>

<pallas_src>
import functools

import numpy as np

import jax
import jax.numpy as jnp
from jax import lax
from jax.experimental import pallas as pl
from jax.experimental.pallas import tpu as pltpu
from jax.experimental.pallas import tpu_sc as plsc

N = 10000
E = 320000
DIN = 128
DH = 64

NC = 2
NS = 16
NW = NC * NS

K = 128
SUB = 16
CH = 80
SHARE = CH * K
NPAD = 10240
ROWS_PER = NPAD // NS


def _tile_bounds():
  half = E // NC
  units, rem = divmod(half // 320, NS)
  sizes = [(units + 1) * 320 if i < rem else units * 320 for i in range(NS)]
  b = [0]
  for c in range(NC):
    for s in sizes:
      b.append(b[-1] + s)
  return b


_BOUNDS = _tile_bounds()
_TILE_OF_POS = np.searchsorted(np.asarray(_BOUNDS[1:]), np.arange(E),
                               side='right').astype(np.int32)
_POS_RAW = np.stack([
    np.arange(_BOUNDS[t], _BOUNDS[t] + SHARE, dtype=np.int64)
    for t in range(NW)]).reshape(NW, CH, K)
_PAD_MASK = np.stack([
    (np.arange(SHARE) >= (_BOUNDS[t + 1] - _BOUNDS[t]))
    for t in range(NW)]).reshape(NW, CH, K)
_POS_CLIP = np.minimum(_POS_RAW, E - 1).astype(np.int32)
_TRASH = (N + 64 + np.arange(NW, dtype=np.int32))[:, None, None] + np.zeros(
    (NW, CH, K), np.int32)


def _seg_body(h_hbm, src_hbm, dst_hbm, zeros_hbm, out_hbm,
              src_v, dst_v, rows_v, agg_sh, sem):
  c = lax.axis_index("c")
  s = lax.axis_index("s")
  wid = c * NS + s
  pltpu.sync_copy(zeros_hbm.at[pl.ds(s * ROWS_PER, ROWS_PER)],
                  agg_sh.at[pl.ds(s * ROWS_PER, ROWS_PER)])
  pltpu.sync_copy(src_hbm.at[wid], src_v)
  pltpu.sync_copy(dst_hbm.at[wid], dst_v)
  plsc.subcore_barrier()

  def chunk(j, carry):
    pltpu.async_copy(h_hbm.at[src_v.at[j]], rows_v, sem).wait()
    for b in range(K // SUB):
      pltpu.sync_copy(rows_v.at[pl.ds(b * SUB, SUB)],
                      agg_sh.at[dst_v.at[j, pl.ds(b * SUB, SUB)]], add=True)
    return carry

  lax.fori_loop(0, CH, chunk, 0)
  plsc.subcore_barrier()
  pltpu.sync_copy(agg_sh.at[pl.ds(s * ROWS_PER, ROWS_PER)],
                  out_hbm.at[c, pl.ds(s * ROWS_PER, ROWS_PER)])


def _make_seg_sum(d):
  mesh = plsc.VectorSubcoreMesh(core_axis_name="c", subcore_axis_name="s")
  return pl.kernel(
      _seg_body,
      out_type=jax.ShapeDtypeStruct((NC, NPAD, d), jnp.float32),
      mesh=mesh,
      scratch_types=[
          pltpu.VMEM((CH, K), jnp.int32),
          pltpu.VMEM((CH, K), jnp.int32),
          pltpu.VMEM((K, d), jnp.float32),
          pltpu.VMEM_SHARED((NPAD, d), jnp.float32),
          pltpu.SemaphoreType.DMA,
      ],
      compiler_params=pltpu.CompilerParams(use_tc_tiling_on_sc=False),
  )


def _tc_first(x_ref, wt_ref, out_ref):
  out_ref[...] = jnp.dot(x_ref[...], wt_ref[...].T)


def _tc_mlp(h_ref, parts_ref, dtile_ref, w1_ref, b1_ref, w2_ref, b2_ref,
            out_ref):
  agg = parts_ref[0, :N, :] + parts_ref[1, :N, :]
  rows = lax.broadcasted_iota(jnp.int32, (N, 1), 0)
  for t in range(1, NW):
    d = dtile_ref[t]
    dummy = parts_ref[t // NS, N + t, :]
    agg = agg + jnp.where(rows == d, dummy[None, :], 0.0)
  z = h_ref[...] + agg
  t1 = jnp.maximum(jnp.dot(z, w1_ref[...].T) + b1_ref[...], 0.0)
  out_ref[...] = jnp.dot(t1, w2_ref[...].T) + b2_ref[...]


def _tc_bn(t_ref, mu_ref, var_ref, g_ref, bt_ref, out_ref):
  h = (g_ref[...] * (t_ref[...] - mu_ref[...]) /
       jnp.sqrt(var_ref[...] + 1e-5) + bt_ref[...])
  out_ref[...] = jnp.maximum(h, 0.0)


def _tc_mlp_call(h, parts, dtile, w1, b1, w2, b2):
  return pl.pallas_call(
      _tc_mlp,
      out_shape=jax.ShapeDtypeStruct((N, DH), jnp.float32),
      in_specs=[
          pl.BlockSpec(memory_space=pltpu.VMEM),
          pl.BlockSpec(memory_space=pltpu.VMEM),
          pl.BlockSpec(memory_space=pltpu.SMEM),
          pl.BlockSpec(memory_space=pltpu.VMEM),
          pl.BlockSpec(memory_space=pltpu.VMEM),
          pl.BlockSpec(memory_space=pltpu.VMEM),
          pl.BlockSpec(memory_space=pltpu.VMEM),
      ],
  )(h, parts, dtile, w1, b1, w2, b2)


def _tc_bn_call(t, mu, var, g, bt):
  return pl.pallas_call(
      _tc_bn,
      out_shape=jax.ShapeDtypeStruct((N, DH), jnp.float32),
  )(t, mu, var, g, bt)


def kernel(x, edge_index, W_t, W1_0, b1_0, W2_0, b2_0, g0, bt0,
           W1s, b1s, W2s, b2s, gs, bs):
  src = edge_index[0]
  dst = edge_index[1]
  order = jnp.argsort(dst, stable=True)
  src_s = src[order]
  dst_s = dst[order]
  tile_of_pos = jnp.asarray(_TILE_OF_POS)
  bounds = jnp.asarray(np.asarray(_BOUNDS[:NW], np.int32))
  d_head = dst_s[bounds]
  head_of_pos = d_head[tile_of_pos]
  dst_r = jnp.where((tile_of_pos > 0) & (dst_s == head_of_pos),
                    N + tile_of_pos, dst_s)
  pos = jnp.asarray(_POS_CLIP)
  padm = jnp.asarray(_PAD_MASK)
  srcp = jnp.where(padm, 0, src_s[pos])
  dstp = jnp.where(padm, jnp.asarray(_TRASH), dst_r[pos])
  zeros128 = jnp.zeros((NPAD, DIN), jnp.float32)
  zeros64 = jnp.zeros((NPAD, DH), jnp.float32)
  dtile = d_head.astype(jnp.int32)

  seg128 = _make_seg_sum(DIN)
  seg64 = _make_seg_sum(DH)

  h = pl.pallas_call(
      _tc_first,
      out_shape=jax.ShapeDtypeStruct((N, DIN), jnp.float32),
  )(x, W_t)

  layer_ws = [
      (W1_0, b1_0, W2_0, b2_0, g0, bt0),
      (W1s[0], b1s[0], W2s[0], b2s[0], gs[0], bs[0]),
      (W1s[1], b1s[1], W2s[1], b2s[1], gs[1], bs[1]),
      (W1s[2], b1s[2], W2s[2], b2s[2], gs[2], bs[2]),
  ]
  for l in range(4):
    if l == 0:
      parts = seg128(h, srcp, dstp, zeros128)
    else:
      parts = seg64(h, srcp, dstp, zeros64)
    w1, b1, w2, b2, g, bt = layer_ws[l]
    t = _tc_mlp_call(h, parts, dtile, w1, b1, w2, b2)
    mu = t.mean(axis=0, keepdims=True)
    var = t.var(axis=0, keepdims=True)
    h = _tc_bn_call(t, mu, var, g, bt)
  return h

# --- scband reference (transcript-rebuilt; emitter-appended) ---
"""Pipeline reference for scband-mainmodel-66546223284649 (READ-ONLY COPY).

The authoritative reference and input builder live on the scoring server;
editing this copy changes nothing except your own understanding.
"""

import jax, jax.numpy as jnp
import numpy as np

N = 10000
E = 320000
DIN = 128
DH = 64


def _bn(h, g, b):
    mu = h.mean(axis=0, keepdims=True)
    var = h.var(axis=0, keepdims=True)
    return g * (h - mu) / jnp.sqrt(var + 1e-5) + b


def setup_inputs(seed: int = 0):
    key = jax.random.key(seed)
    ks = jax.random.split(key, 8)
    x = jax.random.normal(ks[0], (N, DIN), dtype=jnp.float32)
    edge_index = jax.random.randint(ks[1], (2, E), 0, N, dtype=jnp.int32)
    s_in = 1.0 / np.sqrt(DIN)
    s_h = 1.0 / np.sqrt(DH)
    return {
        'x': x,
        'edge_index': edge_index,
        'W_t': jax.random.normal(ks[2], (DIN, DIN), dtype=jnp.float32) * s_in,
        'W1_0': jax.random.normal(ks[3], (DH, DIN), dtype=jnp.float32) * s_in,
        'b1_0': jnp.zeros((DH,), dtype=jnp.float32),
        'W2_0': jax.random.normal(ks[4], (DH, DH), dtype=jnp.float32) * s_h,
        'b2_0': jnp.zeros((DH,), dtype=jnp.float32),
        'g0': jnp.ones((DH,), dtype=jnp.float32),
        'bt0': jnp.zeros((DH,), dtype=jnp.float32),
        'W1s': jax.random.normal(ks[5], (3, DH, DH), dtype=jnp.float32) * s_h,
        'b1s': jnp.zeros((3, DH), dtype=jnp.float32),
        'W2s': jax.random.normal(ks[6], (3, DH, DH), dtype=jnp.float32) * s_h,
        'b2s': jnp.zeros((3, DH), dtype=jnp.float32),
        'gs': jnp.ones((3, DH), dtype=jnp.float32),
        'bs': jnp.zeros((3, DH), dtype=jnp.float32),
    }


def reference(x, edge_index, W_t, W1_0, b1_0, W2_0, b2_0, g0, bt0, W1s, b1s, W2s, b2s, gs, bs):
    # Faithful translation of the GIN encoder path inside Mainmodel.forward:
    # transfer_d (Linear, no bias) followed by 4 x [GINConv(sum agg, eps=0) -> MLP -> BatchNorm1d -> ReLU]
    src = edge_index[0]
    dst = edge_index[1]
    h = x @ W_t.T  # transfer_d
    # layer 0: GINConv with MLP(DIN -> DH -> DH)
    agg = jax.ops.segment_sum(h[src], dst, num_segments=N)
    z = h + agg  # (1 + eps) * h + sum_neighbors, eps = 0
    z = jax.nn.relu(z @ W1_0.T + b1_0) @ W2_0.T + b2_0
    h = jax.nn.relu(_bn(z, g0, bt0))
    # layers 1..3: GINConv with MLP(DH -> DH -> DH)
    for l in range(3):
        agg = jax.ops.segment_sum(h[src], dst, num_segments=N)
        z = h + agg
        z = jax.nn.relu(z @ W1s[l].T + b1s[l]) @ W2s[l].T + b2s[l]
        h = jax.nn.relu(_bn(z, gs[l], bs[l]))
    return h

if __name__ == "__main__":
    import jax
    _d = setup_inputs()
    print(jax.jit(kernel)(*tuple(_d.values())))

</pallas_src>

<mosaic_0001>
#map = affine_map<(d0, d1) -> (0, 0)>
#map1 = affine_map<(d0, d1) -> (0, 0, 0)>
module attributes {stable_mosaic.version = 14 : i64} {
  func.func @_seg_body(%arg0: i32, %arg1: i32, %arg2: memref<10000x128xf32, #tpu.memory_space<hbm>>, %arg3: memref<32x80x128xi32, #tpu.memory_space<hbm>>, %arg4: memref<32x80x128xi32, #tpu.memory_space<hbm>>, %arg5: memref<10240x128xf32, #tpu.memory_space<hbm>>, %arg6: memref<2x10240x128xf32, #tpu.memory_space<hbm>>, %arg7: memref<80x128xi32, #tpu.memory_space<vmem>>, %arg8: memref<80x128xi32, #tpu.memory_space<vmem>>, %arg9: memref<128x128xf32, #tpu.memory_space<vmem>>, %arg10: memref<10240x128xf32, #tpu.memory_space<vmem_shared>>, %arg11: memref<!tpu.dma_semaphore, #tpu.memory_space<semaphore_mem>>) attributes {dimension_semantics = [#tpu.dimension_semantics<core_parallel>, #tpu.dimension_semantics<subcore_parallel>], iteration_bounds = array<i64: 2, 16>, scalar_prefetch = 0 : i64, scratch_operands = 5 : i64, tpu.core_type = #tpu.core_type<sc_vector_subcore>, window_params = [{transform_indices = #map}, {transform_indices = #map1}, {transform_indices = #map1}, {transform_indices = #map}, {transform_indices = #map1}]} {
    %mul3A = arith.constant 16 : i32
    %mul3A_0 = arith.muli %arg0, %mul3A : i32
    %add3A = arith.addi %mul3A_0, %arg1 : i32
    %mul3A_1 = arith.constant 640 : i32
    %mul3A_2 = arith.muli %arg1, %mul3A_1 : i32
    %mul3A_3 = arith.constant 640 : i32
    %mul3A_4 = arith.muli %arg1, %mul3A_3 : i32
    "tpu.region"() ({
      %run_scoped3A = tpu.sem_alloc : memref<!tpu.dma_semaphore, #tpu.memory_space<semaphore_mem>>
      %dma_start3A = arith.constant 0 : i32
      %dma_start3A_15 = tpu.memref_slice %arg10[%mul3A_4, %dma_start3A] : memref<10240x128xf32, #tpu.memory_space<vmem_shared>> -> memref<640x128xf32, #tpu.memory_space<vmem_shared>>
      %dma_start3A_16 = arith.constant 0 : i32
      %dma_start3A_17 = tpu.memref_slice %arg5[%mul3A_2, %dma_start3A_16] : memref<10240x128xf32, #tpu.memory_space<hbm>> -> memref<640x128xf32, #tpu.memory_space<hbm>>
      tpu.enqueue_dma source(%dma_start3A_17 : memref<640x128xf32, #tpu.memory_space<hbm>>) target(%dma_start3A_15 : memref<640x128xf32, #tpu.memory_space<vmem_shared>>) target_semaphore(%run_scoped3A : memref<!tpu.dma_semaphore, #tpu.memory_space<semaphore_mem>>)
      %dma_wait3A = arith.constant 0 : i32
      %dma_wait3A_18 = tpu.memref_slice %arg10[%mul3A_4, %dma_wait3A] : memref<10240x128xf32, #tpu.memory_space<vmem_shared>> -> memref<640x128xf32, #tpu.memory_space<vmem_shared>>
      %dma_wait3A_19 = arith.constant 0 : i32
      %dma_wait3A_20 = tpu.memref_slice %arg5[%mul3A_2, %dma_wait3A_19] : memref<10240x128xf32, #tpu.memory_space<hbm>> -> memref<640x128xf32, #tpu.memory_space<hbm>>
      tpu.wait_dma2 semaphore(%run_scoped3A : memref<!tpu.dma_semaphore, #tpu.memory_space<semaphore_mem>>) src(%dma_wait3A_20 : memref<640x128xf32, #tpu.memory_space<hbm>>) dst(%dma_wait3A_18 : memref<640x128xf32, #tpu.memory_space<vmem_shared>>)
      tpu.yield
    }) : () -> ()
    "tpu.region"() ({
      %run_scoped3A = tpu.sem_alloc : memref<!tpu.dma_semaphore, #tpu.memory_space<semaphore_mem>>
      %dma_start3A = arith.constant 0 : i32
      %dma_start3A_15 = arith.constant 0 : i32
      %dma_start3A_16 = tpu.memref_slice %arg3[%add3A, %dma_start3A, %dma_start3A_15] : memref<32x80x128xi32, #tpu.memory_space<hbm>> -> memref<1x80x128xi32, #tpu.memory_space<hbm>>
      %dma_start3A_17 = tpu.memref_squeeze %dma_start3A_16 : memref<1x80x128xi32, #tpu.memory_space<hbm>> -> memref<80x128xi32, #tpu.memory_space<hbm>>
      %dma_start3A_18 = arith.constant 0 : i32
      %dma_start3A_19 = arith.constant 0 : i32
      %dma_start3A_20 = tpu.memref_slice %arg3[%add3A, %dma_start3A_18, %dma_start3A_19] : memref<32x80x128xi32, #tpu.memory_space<hbm>> -> memref<1x80x128xi32, #tpu.memory_space<hbm>>
      %dma_start3A_21 = tpu.memref_squeeze %dma_start3A_20 : memref<1x80x128xi32, #tpu.memory_space<hbm>> -> memref<80x128xi32, #tpu.memory_space<hbm>>
      tpu.enqueue_dma source(%dma_start3A_21 : memref<80x128xi32, #tpu.memory_space<hbm>>) target(%arg7 : memref<80x128xi32, #tpu.memory_space<vmem>>) target_semaphore(%run_scoped3A : memref<!tpu.dma_semaphore, #tpu.memory_space<semaphore_mem>>)
      %dma_wait3A = arith.constant 0 : i32
      %dma_wait3A_22 = arith.constant 0 : i32
      %dma_wait3A_23 = tpu.memref_slice %arg3[%add3A, %dma_wait3A, %dma_wait3A_22] : memref<32x80x128xi32, #tpu.memory_space<hbm>> -> memref<1x80x128xi32, #tpu.memory_space<hbm>>
      %dma_wait3A_24 = tpu.memref_squeeze %dma_wait3A_23 : memref<1x80x128xi32, #tpu.memory_space<hbm>> -> memref<80x128xi32, #tpu.memory_space<hbm>>
      %dma_wait3A_25 = arith.constant 0 : i32
      %dma_wait3A_26 = arith.constant 0 : i32
      %dma_wait3A_27 = tpu.memref_slice %arg3[%add3A, %dma_wait3A_25, %dma_wait3A_26] : memref<32x80x128xi32, #tpu.memory_space<hbm>> -> memref<1x80x128xi32, #tpu.memory_space<hbm>>
      %dma_wait3A_28 = tpu.memref_squeeze %dma_wait3A_27 : memref<1x80x128xi32, #tpu.memory_space<hbm>> -> memref<80x128xi32, #tpu.memory_space<hbm>>
      tpu.wait_dma2 semaphore(%run_scoped3A : memref<!tpu.dma_semaphore, #tpu.memory_space<semaphore_mem>>) src(%dma_wait3A_28 : memref<80x128xi32, #tpu.memory_space<hbm>>) dst(%arg7 : memref<80x128xi32, #tpu.memory_space<vmem>>)
      tpu.yield
    }) : () -> ()
    "tpu.region"() ({
      %run_scoped3A = tpu.sem_alloc : memref<!tpu.dma_semaphore, #tpu.memory_space<semaphore_mem>>
      %dma_start3A = arith.constant 0 : i32
      %dma_start3A_15 = arith.constant 0 : i32
      %dma_start3A_16 = tpu.memref_slice %arg4[%add3A, %dma_start3A, %dma_start3A_15] : memref<32x80x128xi32, #tpu.memory_space<hbm>> -> memref<1x80x128xi32, #tpu.memory_space<hbm>>
      %dma_start3A_17 = tpu.memref_squeeze %dma_start3A_16 : memref<1x80x128xi32, #tpu.memory_space<hbm>> -> memref<80x128xi32, #tpu.memory_space<hbm>>
      %dma_start3A_18 = arith.constant 0 : i32
      %dma_start3A_19 = arith.constant 0 : i32
      %dma_start3A_20 = tpu.memref_slice %arg4[%add3A, %dma_start3A_18, %dma_start3A_19] : memref<32x80x128xi32, #tpu.memory_space<hbm>> -> memref<1x80x128xi32, #tpu.memory_space<hbm>>
      %dma_start3A_21 = tpu.memref_squeeze %dma_start3A_20 : memref<1x80x128xi32, #tpu.memory_space<hbm>> -> memref<80x128xi32, #tpu.memory_space<hbm>>
      tpu.enqueue_dma source(%dma_start3A_21 : memref<80x128xi32, #tpu.memory_space<hbm>>) target(%arg8 : memref<80x128xi32, #tpu.memory_space<vmem>>) target_semaphore(%run_scoped3A : memref<!tpu.dma_semaphore, #tpu.memory_space<semaphore_mem>>)
      %dma_wait3A = arith.constant 0 : i32
      %dma_wait3A_22 = arith.constant 0 : i32
      %dma_wait3A_23 = tpu.memref_slice %arg4[%add3A, %dma_wait3A, %dma_wait3A_22] : memref<32x80x128xi32, #tpu.memory_space<hbm>> -> memref<1x80x128xi32, #tpu.memory_space<hbm>>
      %dma_wait3A_24 = tpu.memref_squeeze %dma_wait3A_23 : memref<1x80x128xi32, #tpu.memory_space<hbm>> -> memref<80x128xi32, #tpu.memory_space<hbm>>
      %dma_wait3A_25 = arith.constant 0 : i32
      %dma_wait3A_26 = arith.constant 0 : i32
      %dma_wait3A_27 = tpu.memref_slice %arg4[%add3A, %dma_wait3A_25, %dma_wait3A_26] : memref<32x80x128xi32, #tpu.memory_space<hbm>> -> memref<1x80x128xi32, #tpu.memory_space<hbm>>
      %dma_wait3A_28 = tpu.memref_squeeze %dma_wait3A_27 : memref<1x80x128xi32, #tpu.memory_space<hbm>> -> memref<80x128xi32, #tpu.memory_space<hbm>>
      tpu.wait_dma2 semaphore(%run_scoped3A : memref<!tpu.dma_semaphore, #tpu.memory_space<semaphore_mem>>) src(%dma_wait3A_28 : memref<80x128xi32, #tpu.memory_space<hbm>>) dst(%arg8 : memref<80x128xi32, #tpu.memory_space<vmem>>)
      tpu.yield
    }) : () -> ()
    %barrier3A = arith.constant 0 : index
    tpu.barrier barrier_id(%barrier3A)
    %scan3A = arith.constant 0 : i32
    %scan3A_5 = arith.constant 0 : i32
    %scan3A_6 = arith.constant 80 : i32
    %scan3A_7 = arith.addi %scan3A_5, %scan3A_6 : i32
    %scan3A_8 = arith.constant 1 : i32
    scf.for %scan3A_15 = %scan3A_5 to %scan3A_7 step %scan3A_8  : i32 {
      %dma_start3A = arith.constant 0 : i32
      %dma_start3A_16 = tpu.memref_slice %arg7[%scan3A_15, %dma_start3A] : memref<80x128xi32, #tpu.memory_space<vmem>> -> memref<1x128xi32, #tpu.memory_space<vmem>>
      %dma_start3A_17 = tpu.memref_squeeze %dma_start3A_16 : memref<1x128xi32, #tpu.memory_space<vmem>> -> memref<128xi32, #tpu.memory_space<vmem>>
      %dma_start3A_18 = arith.constant 0 : i32
      %dma_start3A_19 = arith.constant 0 : i32
      %dma_start3A_20 = tpu.memref_slice %arg2[%dma_start3A_18, %dma_start3A_19] : memref<10000x128xf32, #tpu.memory_space<hbm>> -> memref<10000x128xf32, #tpu.memory_space<hbm>>
      tpu.enqueue_indirect_dma source(%dma_start3A_20 : memref<10000x128xf32, #tpu.memory_space<hbm>>) target(%arg9 : memref<128x128xf32, #tpu.memory_space<vmem>>) offsets(%dma_start3A_17 : memref<128xi32, #tpu.memory_space<vmem>>) semaphore(%arg11 : memref<!tpu.dma_semaphore, #tpu.memory_space<semaphore_mem>>)
      %dma_wait3A = arith.constant 0 : i32
      %dma_wait3A_21 = tpu.memref_slice %arg7[%scan3A_15, %dma_wait3A] : memref<80x128xi32, #tpu.memory_space<vmem>> -> memref<1x128xi32, #tpu.memory_space<vmem>>
      %dma_wait3A_22 = tpu.memref_squeeze %dma_wait3A_21 : memref<1x128xi32, #tpu.memory_space<vmem>> -> memref<128xi32, #tpu.memory_space<vmem>>
      %dma_wait3A_23 = arith.constant 0 : i32
      %dma_wait3A_24 = arith.constant 0 : i32
      %dma_wait3A_25 = tpu.memref_slice %arg2[%dma_wait3A_23, %dma_wait3A_24] : memref<10000x128xf32, #tpu.memory_space<hbm>> -> memref<10000x128xf32, #tpu.memory_space<hbm>>
      tpu.wait_indirect_dma semaphore(%arg11 : memref<!tpu.dma_semaphore, #tpu.memory_space<semaphore_mem>>) src(%dma_wait3A_25 : memref<10000x128xf32, #tpu.memory_space<hbm>>) dst(%arg9 : memref<128x128xf32, #tpu.memory_space<vmem>>)
      "tpu.region"() ({
        %run_scoped3A = tpu.sem_alloc : memref<!tpu.dma_semaphore, #tpu.memory_space<semaphore_mem>>
        %dma_start3A_26 = arith.constant 0 : i32
        %dma_start3A_27 = arith.constant 0 : i32
        %dma_start3A_28 = tpu.memref_slice %arg9[%dma_start3A_26, %dma_start3A_27] : memref<128x128xf32, #tpu.memory_space<vmem>> -> memref<16x128xf32, #tpu.memory_space<vmem>>
        %dma_start3A_29 = arith.constant 0 : i32
        %dma_start3A_30 = tpu.memref_slice %arg8[%scan3A_15, %dma_start3A_29] : memref<80x128xi32, #tpu.memory_space<vmem>> -> memref<1x16xi32, #tpu.memory_space<vmem>>
        %dma_start3A_31 = tpu.memref_squeeze %dma_start3A_30 : memref<1x16xi32, #tpu.memory_space<vmem>> -> memref<16xi32, #tpu.memory_space<vmem>>
        %dma_start3A_32 = arith.constant 0 : i32
        %dma_start3A_33 = arith.constant 0 : i32
        %dma_start3A_34 = tpu.memref_slice %arg10[%dma_start3A_32, %dma_start3A_33] : memref<10240x128xf32, #tpu.memory_space<vmem_shared>> -> memref<10240x128xf32, #tpu.memory_space<vmem_shared>>
        tpu.enqueue_indirect_dma source(%dma_start3A_28 : memref<16x128xf32, #tpu.memory_space<vmem>>) target(%dma_start3A_34 : memref<10240x128xf32, #tpu.memory_space<vmem_shared>>) offsets(%dma_start3A_31 : memref<16xi32, #tpu.memory_space<vmem>>) semaphore(%run_scoped3A : memref<!tpu.dma_semaphore, #tpu.memory_space<semaphore_mem>>) {add = true}
        %dma_wait3A_35 = arith.constant 0 : i32
        %dma_wait3A_36 = arith.constant 0 : i32
        %dma_wait3A_37 = tpu.memref_slice %arg9[%dma_wait3A_35, %dma_wait3A_36] : memref<128x128xf32, #tpu.memory_space<vmem>> -> memref<16x128xf32, #tpu.memory_space<vmem>>
        %dma_wait3A_38 = arith.constant 0 : i32
        %dma_wait3A_39 = tpu.memref_slice %arg8[%scan3A_15, %dma_wait3A_38] : memref<80x128xi32, #tpu.memory_space<vmem>> -> memref<1x16xi32, #tpu.memory_space<vmem>>
        %dma_wait3A_40 = tpu.memref_squeeze %dma_wait3A_39 : memref<1x16xi32, #tpu.memory_space<vmem>> -> memref<16xi32, #tpu.memory_space<vmem>>
        %dma_wait3A_41 = arith.constant 0 : i32
        %dma_wait3A_42 = arith.constant 0 : i32
        %dma_wait3A_43 = tpu.memref_slice %arg10[%dma_wait3A_41, %dma_wait3A_42] : memref<10240x128xf32, #tpu.memory_space<vmem_shared>> -> memref<10240x128xf32, #tpu.memory_space<vmem_shared>>
        tpu.wait_indirect_dma semaphore(%run_scoped3A : memref<!tpu.dma_semaphore, #tpu.memory_space<semaphore_mem>>) src(%dma_wait3A_37 : memref<16x128xf32, #tpu.memory_space<vmem>>) dst(%dma_wait3A_43 : memref<10240x128xf32, #tpu.memory_space<vmem_shared>>)
        tpu.yield
      }) : () -> ()
      "tpu.region"() ({
        %run_scoped3A = tpu.sem_alloc : memref<!tpu.dma_semaphore, #tpu.memory_space<semaphore_mem>>
        %dma_start3A_26 = arith.constant 16 : i32
        %dma_start3A_27 = arith.constant 0 : i32
        %dma_start3A_28 = tpu.memref_slice %arg9[%dma_start3A_26, %dma_start3A_27] : memref<128x128xf32, #tpu.memory_space<vmem>> -> memref<16x128xf32, #tpu.memory_space<vmem>>
        %dma_start3A_29 = arith.constant 16 : i32
        %dma_start3A_30 = tpu.memref_slice %arg8[%scan3A_15, %dma_start3A_29] : memref<80x128xi32, #tpu.memory_space<vmem>> -> memref<1x16xi32, #tpu.memory_space<vmem>>
        %dma_start3A_31 = tpu.memref_squeeze %dma_start3A_30 : memref<1x16xi32, #tpu.memory_space<vmem>> -> memref<16xi32, #tpu.memory_space<vmem>>
        %dma_start3A_32 = arith.constant 0 : i32
        %dma_start3A_33 = arith.constant 0 : i32
        %dma_start3A_34 = tpu.memref_slice %arg10[%dma_start3A_32, %dma_start3A_33] : memref<10240x128xf32, #tpu.memory_space<vmem_shared>> -> memref<10240x128xf32, #tpu.memory_space<vmem_shared>>
        tpu.enqueue_indirect_dma source(%dma_start3A_28 : memref<16x128xf32, #tpu.memory_space<vmem>>) target(%dma_start3A_34 : memref<10240x128xf32, #tpu.memory_space<vmem_shared>>) offsets(%dma_start3A_31 : memref<16xi32, #tpu.memory_space<vmem>>) semaphore(%run_scoped3A : memref<!tpu.dma_semaphore, #tpu.memory_space<semaphore_mem>>) {add = true}
        %dma_wait3A_35 = arith.constant 16 : i32
        %dma_wait3A_36 = arith.constant 0 : i32
        %dma_wait3A_37 = tpu.memref_slice %arg9[%dma_wait3A_35, %dma_wait3A_36] : memref<128x128xf32, #tpu.memory_space<vmem>> -> memref<16x128xf32, #tpu.memory_space<vmem>>
        %dma_wait3A_38 = arith.constant 16 : i32
        %dma_wait3A_39 = tpu.memref_slice %arg8[%scan3A_15, %dma_wait3A_38] : memref<80x128xi32, #tpu.memory_space<vmem>> -> memref<1x16xi32, #tpu.memory_space<vmem>>
        %dma_wait3A_40 = tpu.memref_squeeze %dma_wait3A_39 : memref<1x16xi32, #tpu.memory_space<vmem>> -> memref<16xi32, #tpu.memory_space<vmem>>
        %dma_wait3A_41 = arith.constant 0 : i32
        %dma_wait3A_42 = arith.constant 0 : i32
        %dma_wait3A_43 = tpu.memref_slice %arg10[%dma_wait3A_41, %dma_wait3A_42] : memref<10240x128xf32, #tpu.memory_space<vmem_shared>> -> memref<10240x128xf32, #tpu.memory_space<vmem_shared>>
        tpu.wait_indirect_dma semaphore(%run_scoped3A : memref<!tpu.dma_semaphore, #tpu.memory_space<semaphore_mem>>) src(%dma_wait3A_37 : memref<16x128xf32, #tpu.memory_space<vmem>>) dst(%dma_wait3A_43 : memref<10240x128xf32, #tpu.memory_space<vmem_shared>>)
        tpu.yield
      }) : () -> ()
      "tpu.region"() ({
        %run_scoped3A = tpu.sem_alloc : memref<!tpu.dma_semaphore, #tpu.memory_space<semaphore_mem>>
        %dma_start3A_26 = arith.constant 32 : i32
        %dma_start3A_27 = arith.constant 0 : i32
        %dma_start3A_28 = tpu.memref_slice %arg9[%dma_start3A_26, %dma_start3A_27] : memref<128x128xf32, #tpu.memory_space<vmem>> -> memref<16x128xf32, #tpu.memory_space<vmem>>
        %dma_start3A_29 = arith.constant 32 : i32
        %dma_start3A_30 = tpu.memref_slice %arg8[%scan3A_15, %dma_start3A_29] : memref<80x128xi32, #tpu.memory_space<vmem>> -> memref<1x16xi32, #tpu.memory_space<vmem>>
        %dma_start3A_31 = tpu.memref_squeeze %dma_start3A_30 : memref<1x16xi32, #tpu.memory_space<vmem>> -> memref<16xi32, #tpu.memory_space<vmem>>
        %dma_start3A_32 = arith.constant 0 : i32
        %dma_start3A_33 = arith.constant 0 : i32
        %dma_start3A_34 = tpu.memref_slice %arg10[%dma_start3A_32, %dma_start3A_33] : memref<10240x128xf32, #tpu.memory_space<vmem_shared>> -> memref<10240x128xf32, #tpu.memory_space<vmem_shared>>
        tpu.enqueue_indirect_dma source(%dma_start3A_28 : memref<16x128xf32, #tpu.memory_space<vmem>>) target(%dma_start3A_34 : memref<10240x128xf32, #tpu.memory_space<vmem_shared>>) offsets(%dma_start3A_31 : memref<16xi32, #tpu.memory_space<vmem>>) semaphore(%run_scoped3A : memref<!tpu.dma_semaphore, #tpu.memory_space<semaphore_mem>>) {add = true}
        %dma_wait3A_35 = arith.constant 32 : i32
        %dma_wait3A_36 = arith.constant 0 : i32
        %dma_wait3A_37 = tpu.memref_slice %arg9[%dma_wait3A_35, %dma_wait3A_36] : memref<128x128xf32, #tpu.memory_space<vmem>> -> memref<16x128xf32, #tpu.memory_space<vmem>>
        %dma_wait3A_38 = arith.constant 32 : i32
        %dma_wait3A_39 = tpu.memref_slice %arg8[%scan3A_15, %dma_wait3A_38] : memref<80x128xi32, #tpu.memory_space<vmem>> -> memref<1x16xi32, #tpu.memory_space<vmem>>
        %dma_wait3A_40 = tpu.memref_squeeze %dma_wait3A_39 : memref<1x16xi32, #tpu.memory_space<vmem>> -> memref<16xi32, #tpu.memory_space<vmem>>
        %dma_wait3A_41 = arith.constant 0 : i32
        %dma_wait3A_42 = arith.constant 0 : i32
        %dma_wait3A_43 = tpu.memref_slice %arg10[%dma_wait3A_41, %dma_wait3A_42] : memref<10240x128xf32, #tpu.memory_space<vmem_shared>> -> memref<10240x128xf32, #tpu.memory_space<vmem_shared>>
        tpu.wait_indirect_dma semaphore(%run_scoped3A : memref<!tpu.dma_semaphore, #tpu.memory_space<semaphore_mem>>) src(%dma_wait3A_37 : memref<16x128xf32, #tpu.memory_space<vmem>>) dst(%dma_wait3A_43 : memref<10240x128xf32, #tpu.memory_space<vmem_shared>>)
        tpu.yield
      }) : () -> ()
      "tpu.region"() ({
        %run_scoped3A = tpu.sem_alloc : memref<!tpu.dma_semaphore, #tpu.memory_space<semaphore_mem>>
        %dma_start3A_26 = arith.constant 48 : i32
        %dma_start3A_27 = arith.constant 0 : i32
        %dma_start3A_28 = tpu.memref_slice %arg9[%dma_start3A_26, %dma_start3A_27] : memref<128x128xf32, #tpu.memory_space<vmem>> -> memref<16x128xf32, #tpu.memory_space<vmem>>
        %dma_start3A_29 = arith.constant 48 : i32
        %dma_start3A_30 = tpu.memref_slice %arg8[%scan3A_15, %dma_start3A_29] : memref<80x128xi32, #tpu.memory_space<vmem>> -> memref<1x16xi32, #tpu.memory_space<vmem>>
        %dma_start3A_31 = tpu.memref_squeeze %dma_start3A_30 : memref<1x16xi32, #tpu.memory_space<vmem>> -> memref<16xi32, #tpu.memory_space<vmem>>
        %dma_start3A_32 = arith.constant 0 : i32
        %dma_start3A_33 = arith.constant 0 : i32
        %dma_start3A_34 = tpu.memref_slice %arg10[%dma_start3A_32, %dma_start3A_33] : memref<10240x128xf32, #tpu.memory_space<vmem_shared>> -> memref<10240x128xf32, #tpu.memory_space<vmem_shared>>
        tpu.enqueue_indirect_dma source(%dma_start3A_28 : memref<16x128xf32, #tpu.memory_space<vmem>>) target(%dma_start3A_34 : memref<10240x128xf32, #tpu.memory_space<vmem_shared>>) offsets(%dma_start3A_31 : memref<16xi32, #tpu.memory_space<vmem>>) semaphore(%run_scoped3A : memref<!tpu.dma_semaphore, #tpu.memory_space<semaphore_mem>>) {add = true}
        %dma_wait3A_35 = arith.constant 48 : i32
        %dma_wait3A_36 = arith.constant 0 : i32
        %dma_wait3A_37 = tpu.memref_slice %arg9[%dma_wait3A_35, %dma_wait3A_36] : memref<128x128xf32, #tpu.memory_space<vmem>> -> memref<16x128xf32, #tpu.memory_space<vmem>>
        %dma_wait3A_38 = arith.constant 48 : i32
        %dma_wait3A_39 = tpu.memref_slice %arg8[%scan3A_15, %dma_wait3A_38] : memref<80x128xi32, #tpu.memory_space<vmem>> -> memref<1x16xi32, #tpu.memory_space<vmem>>
        %dma_wait3A_40 = tpu.memref_squeeze %dma_wait3A_39 : memref<1x16xi32, #tpu.memory_space<vmem>> -> memref<16xi32, #tpu.memory_space<vmem>>
        %dma_wait3A_41 = arith.constant 0 : i32
        %dma_wait3A_42 = arith.constant 0 : i32
        %dma_wait3A_43 = tpu.memref_slice %arg10[%dma_wait3A_41, %dma_wait3A_42] : memref<10240x128xf32, #tpu.memory_space<vmem_shared>> -> memref<10240x128xf32, #tpu.memory_space<vmem_shared>>
        tpu.wait_indirect_dma semaphore(%run_scoped3A : memref<!tpu.dma_semaphore, #tpu.memory_space<semaphore_mem>>) src(%dma_wait3A_37 : memref<16x128xf32, #tpu.memory_space<vmem>>) dst(%dma_wait3A_43 : memref<10240x128xf32, #tpu.memory_space<vmem_shared>>)
        tpu.yield
      }) : () -> ()
      "tpu.region"() ({
        %run_scoped3A = tpu.sem_alloc : memref<!tpu.dma_semaphore, #tpu.memory_space<semaphore_mem>>
        %dma_start3A_26 = arith.constant 64 : i32
        %dma_start3A_27 = arith.constant 0 : i32
        %dma_start3A_28 = tpu.memref_slice %arg9[%dma_start3A_26, %dma_start3A_27] : memref<128x128xf32, #tpu.memory_space<vmem>> -> memref<16x128xf32, #tpu.memory_space<vmem>>
        %dma_start3A_29 = arith.constant 64 : i32
        %dma_start3A_30 = tpu.memref_slice %arg8[%scan3A_15, %dma_start3A_29] : memref<80x128xi32, #tpu.memory_space<vmem>> -> memref<1x16xi32, #tpu.memory_space<vmem>>
        %dma_start3A_31 = tpu.memref_squeeze %dma_start3A_30 : memref<1x16xi32, #tpu.memory_space<vmem>> -> memref<16xi32, #tpu.memory_space<vmem>>
        %dma_start3A_32 = arith.constant 0 : i32
        %dma_start3A_33 = arith.constant 0 : i32
        %dma_start3A_34 = tpu.memref_slice %arg10[%dma_start3A_32, %dma_start3A_33] : memref<10240x128xf32, #tpu.memory_space<vmem_shared>> -> memref<10240x128xf32, #tpu.memory_space<vmem_shared>>
        tpu.enqueue_indirect_dma source(%dma_start3A_28 : memref<16x128xf32, #tpu.memory_space<vmem>>) target(%dma_start3A_34 : memref<10240x128xf32, #tpu.memory_space<vmem_shared>>) offsets(%dma_start3A_31 : memref<16xi32, #tpu.memory_space<vmem>>) semaphore(%run_scoped3A : memref<!tpu.dma_semaphore, #tpu.memory_space<semaphore_mem>>) {add = true}
        %dma_wait3A_35 = arith.constant 64 : i32
        %dma_wait3A_36 = arith.constant 0 : i32
        %dma_wait3A_37 = tpu.memref_slice %arg9[%dma_wait3A_35, %dma_wait3A_36] : memref<128x128xf32, #tpu.memory_space<vmem>> -> memref<16x128xf32, #tpu.memory_space<vmem>>
        %dma_wait3A_38 = arith.constant 64 : i32
        %dma_wait3A_39 = tpu.memref_slice %arg8[%scan3A_15, %dma_wait3A_38] : memref<80x128xi32, #tpu.memory_space<vmem>> -> memref<1x16xi32, #tpu.memory_space<vmem>>
        %dma_wait3A_40 = tpu.memref_squeeze %dma_wait3A_39 : memref<1x16xi32, #tpu.memory_space<vmem>> -> memref<16xi32, #tpu.memory_space<vmem>>
        %dma_wait3A_41 = arith.constant 0 : i32
        %dma_wait3A_42 = arith.constant 0 : i32
        %dma_wait3A_43 = tpu.memref_slice %arg10[%dma_wait3A_41, %dma_wait3A_42] : memref<10240x128xf32, #tpu.memory_space<vmem_shared>> -> memref<10240x128xf32, #tpu.memory_space<vmem_shared>>
        tpu.wait_indirect_dma semaphore(%run_scoped3A : memref<!tpu.dma_semaphore, #tpu.memory_space<semaphore_mem>>) src(%dma_wait3A_37 : memref<16x128xf32, #tpu.memory_space<vmem>>) dst(%dma_wait3A_43 : memref<10240x128xf32, #tpu.memory_space<vmem_shared>>)
        tpu.yield
      }) : () -> ()
      "tpu.region"() ({
        %run_scoped3A = tpu.sem_alloc : memref<!tpu.dma_semaphore, #tpu.memory_space<semaphore_mem>>
        %dma_start3A_26 = arith.constant 80 : i32
        %dma_start3A_27 = arith.constant 0 : i32
        %dma_start3A_28 = tpu.memref_slice %arg9[%dma_start3A_26, %dma_start3A_27] : memref<128x128xf32, #tpu.memory_space<vmem>> -> memref<16x128xf32, #tpu.memory_space<vmem>>
        %dma_start3A_29 = arith.constant 80 : i32
        %dma_start3A_30 = tpu.memref_slice %arg8[%scan3A_15, %dma_start3A_29] : memref<80x128xi32, #tpu.memory_space<vmem>> -> memref<1x16xi32, #tpu.memory_space<vmem>>
        %dma_start3A_31 = tpu.memref_squeeze %dma_start3A_30 : memref<1x16xi32, #tpu.memory_space<vmem>> -> memref<16xi32, #tpu.memory_space<vmem>>
        %dma_start3A_32 = arith.constant 0 : i32
        %dma_start3A_33 = arith.constant 0 : i32
        %dma_start3A_34 = tpu.memref_slice %arg10[%dma_start3A_32, %dma_start3A_33] : memref<10240x128xf32, #tpu.memory_space<vmem_shared>> -> memref<10240x128xf32, #tpu.memory_space<vmem_shared>>
        tpu.enqueue_indirect_dma source(%dma_start3A_28 : memref<16x128xf32, #tpu.memory_space<vmem>>) target(%dma_start3A_34 : memref<10240x128xf32, #tpu.memory_space<vmem_shared>>) offsets(%dma_start3A_31 : memref<16xi32, #tpu.memory_space<vmem>>) semaphore(%run_scoped3A : memref<!tpu.dma_semaphore, #tpu.memory_space<semaphore_mem>>) {add = true}
        %dma_wait3A_35 = arith.constant 80 : i32
        %dma_wait3A_36 = arith.constant 0 : i32
        %dma_wait3A_37 = tpu.memref_slice %arg9[%dma_wait3A_35, %dma_wait3A_36] : memref<128x128xf32, #tpu.memory_space<vmem>> -> memref<16x128xf32, #tpu.memory_space<vmem>>
        %dma_wait3A_38 = arith.constant 80 : i32
        %dma_wait3A_39 = tpu.memref_slice %arg8[%scan3A_15, %dma_wait3A_38] : memref<80x128xi32, #tpu.memory_space<vmem>> -> memref<1x16xi32, #tpu.memory_space<vmem>>
        %dma_wait3A_40 = tpu.memref_squeeze %dma_wait3A_39 : memref<1x16xi32, #tpu.memory_space<vmem>> -> memref<16xi32, #tpu.memory_space<vmem>>
        %dma_wait3A_41 = arith.constant 0 : i32
        %dma_wait3A_42 = arith.constant 0 : i32
        %dma_wait3A_43 = tpu.memref_slice %arg10[%dma_wait3A_41, %dma_wait3A_42] : memref<10240x128xf32, #tpu.memory_space<vmem_shared>> -> memref<10240x128xf32, #tpu.memory_space<vmem_shared>>
        tpu.wait_indirect_dma semaphore(%run_scoped3A : memref<!tpu.dma_semaphore, #tpu.memory_space<semaphore_mem>>) src(%dma_wait3A_37 : memref<16x128xf32, #tpu.memory_space<vmem>>) dst(%dma_wait3A_43 : memref<10240x128xf32, #tpu.memory_space<vmem_shared>>)
        tpu.yield
      }) : () -> ()
      "tpu.region"() ({
        %run_scoped3A = tpu.sem_alloc : memref<!tpu.dma_semaphore, #tpu.memory_space<semaphore_mem>>
        %dma_start3A_26 = arith.constant 96 : i32
        %dma_start3A_27 = arith.constant 0 : i32
        %dma_start3A_28 = tpu.memref_slice %arg9[%dma_start3A_26, %dma_start3A_27] : memref<128x128xf32, #tpu.memory_space<vmem>> -> memref<16x128xf32, #tpu.memory_space<vmem>>
        %dma_start3A_29 = arith.constant 96 : i32
        %dma_start3A_30 = tpu.memref_slice %arg8[%scan3A_15, %dma_start3A_29] : memref<80x128xi32, #tpu.memory_space<vmem>> -> memref<1x16xi32, #tpu.memory_space<vmem>>
        %dma_start3A_31 = tpu.memref_squeeze %dma_start3A_30 : memref<1x16xi32, #tpu.memory_space<vmem>> -> memref<16xi32, #tpu.memory_space<vmem>>
        %dma_start3A_32 = arith.constant 0 : i32
        %dma_start3A_33 = arith.constant 0 : i32
        %dma_start3A_34 = tpu.memref_slice %arg10[%dma_start3A_32, %dma_start3A_33] : memref<10240x128xf32, #tpu.memory_space<vmem_shared>> -> memref<10240x128xf32, #tpu.memory_space<vmem_shared>>
        tpu.enqueue_indirect_dma source(%dma_start3A_28 : memref<16x128xf32, #tpu.memory_space<vmem>>) target(%dma_start3A_34 : memref<10240x128xf32, #tpu.memory_space<vmem_shared>>) offsets(%dma_start3A_31 : memref<16xi32, #tpu.memory_space<vmem>>) semaphore(%run_scoped3A : memref<!tpu.dma_semaphore, #tpu.memory_space<semaphore_mem>>) {add = true}
        %dma_wait3A_35 = arith.constant 96 : i32
        %dma_wait3A_36 = arith.constant 0 : i32
        %dma_wait3A_37 = tpu.memref_slice %arg9[%dma_wait3A_35, %dma_wait3A_36] : memref<128x128xf32, #tpu.memory_space<vmem>> -> memref<16x128xf32, #tpu.memory_space<vmem>>
        %dma_wait3A_38 = arith.constant 96 : i32
        %dma_wait3A_39 = tpu.memref_slice %arg8[%scan3A_15, %dma_wait3A_38] : memref<80x128xi32, #tpu.memory_space<vmem>> -> memref<1x16xi32, #tpu.memory_space<vmem>>
        %dma_wait3A_40 = tpu.memref_squeeze %dma_wait3A_39 : memref<1x16xi32, #tpu.memory_space<vmem>> -> memref<16xi32, #tpu.memory_space<vmem>>
        %dma_wait3A_41 = arith.constant 0 : i32
        %dma_wait3A_42 = arith.constant 0 : i32
        %dma_wait3A_43 = tpu.memref_slice %arg10[%dma_wait3A_41, %dma_wait3A_42] : memref<10240x128xf32, #tpu.memory_space<vmem_shared>> -> memref<10240x128xf32, #tpu.memory_space<vmem_shared>>
        tpu.wait_indirect_dma semaphore(%run_scoped3A : memref<!tpu.dma_semaphore, #tpu.memory_space<semaphore_mem>>) src(%dma_wait3A_37 : memref<16x128xf32, #tpu.memory_space<vmem>>) dst(%dma_wait3A_43 : memref<10240x128xf32, #tpu.memory_space<vmem_shared>>)
        tpu.yield
      }) : () -> ()
      "tpu.region"() ({
        %run_scoped3A = tpu.sem_alloc : memref<!tpu.dma_semaphore, #tpu.memory_space<semaphore_mem>>
        %dma_start3A_26 = arith.constant 112 : i32
        %dma_start3A_27 = arith.constant 0 : i32
        %dma_start3A_28 = tpu.memref_slice %arg9[%dma_start3A_26, %dma_start3A_27] : memref<128x128xf32, #tpu.memory_space<vmem>> -> memref<16x128xf32, #tpu.memory_space<vmem>>
        %dma_start3A_29 = arith.constant 112 : i32
        %dma_start3A_30 = tpu.memref_slice %arg8[%scan3A_15, %dma_start3A_29] : memref<80x128xi32, #tpu.memory_space<vmem>> -> memref<1x16xi32, #tpu.memory_space<vmem>>
        %dma_start3A_31 = tpu.memref_squeeze %dma_start3A_30 : memref<1x16xi32, #tpu.memory_space<vmem>> -> memref<16xi32, #tpu.memory_space<vmem>>
        %dma_start3A_32 = arith.constant 0 : i32
        %dma_start3A_33 = arith.constant 0 : i32
        %dma_start3A_34 = tpu.memref_slice %arg10[%dma_start3A_32, %dma_start3A_33] : memref<10240x128xf32, #tpu.memory_space<vmem_shared>> -> memref<10240x128xf32, #tpu.memory_space<vmem_shared>>
        tpu.enqueue_indirect_dma source(%dma_start3A_28 : memref<16x128xf32, #tpu.memory_space<vmem>>) target(%dma_start3A_34 : memref<10240x128xf32, #tpu.memory_space<vmem_shared>>) offsets(%dma_start3A_31 : memref<16xi32, #tpu.memory_space<vmem>>) semaphore(%run_scoped3A : memref<!tpu.dma_semaphore, #tpu.memory_space<semaphore_mem>>) {add = true}
        %dma_wait3A_35 = arith.constant 112 : i32
        %dma_wait3A_36 = arith.constant 0 : i32
        %dma_wait3A_37 = tpu.memref_slice %arg9[%dma_wait3A_35, %dma_wait3A_36] : memref<128x128xf32, #tpu.memory_space<vmem>> -> memref<16x128xf32, #tpu.memory_space<vmem>>
        %dma_wait3A_38 = arith.constant 112 : i32
        %dma_wait3A_39 = tpu.memref_slice %arg8[%scan3A_15, %dma_wait3A_38] : memref<80x128xi32, #tpu.memory_space<vmem>> -> memref<1x16xi32, #tpu.memory_space<vmem>>
        %dma_wait3A_40 = tpu.memref_squeeze %dma_wait3A_39 : memref<1x16xi32, #tpu.memory_space<vmem>> -> memref<16xi32, #tpu.memory_space<vmem>>
        %dma_wait3A_41 = arith.constant 0 : i32
        %dma_wait3A_42 = arith.constant 0 : i32
        %dma_wait3A_43 = tpu.memref_slice %arg10[%dma_wait3A_41, %dma_wait3A_42] : memref<10240x128xf32, #tpu.memory_space<vmem_shared>> -> memref<10240x128xf32, #tpu.memory_space<vmem_shared>>
        tpu.wait_indirect_dma semaphore(%run_scoped3A : memref<!tpu.dma_semaphore, #tpu.memory_space<semaphore_mem>>) src(%dma_wait3A_37 : memref<16x128xf32, #tpu.memory_space<vmem>>) dst(%dma_wait3A_43 : memref<10240x128xf32, #tpu.memory_space<vmem_shared>>)
        tpu.yield
      }) : () -> ()
    }
    %scan3A_9 = arith.constant 80 : i32
    %barrier3A_10 = arith.constant 0 : index
    tpu.barrier barrier_id(%barrier3A_10)
    %mul3A_11 = arith.constant 640 : i32
    %mul3A_12 = arith.muli %arg1, %mul3A_11 : i32
    %mul3A_13 = arith.constant 640 : i32
    %mul3A_14 = arith.muli %arg1, %mul3A_13 : i32
    "tpu.region"() ({
      %run_scoped3A = tpu.sem_alloc : memref<!tpu.dma_semaphore, #tpu.memory_space<semaphore_mem>>
      %dma_start3A = arith.constant 0 : i32
      %dma_start3A_15 = tpu.memref_slice %arg6[%arg0, %mul3A_14, %dma_start3A] : memref<2x10240x128xf32, #tpu.memory_space<hbm>> -> memref<1x640x128xf32, #tpu.memory_space<hbm>>
      %dma_start3A_16 = tpu.memref_squeeze %dma_start3A_15 : memref<1x640x128xf32, #tpu.memory_space<hbm>> -> memref<640x128xf32, #tpu.memory_space<hbm>>
      %dma_start3A_17 = arith.constant 0 : i32
      %dma_start3A_18 = tpu.memref_slice %arg10[%mul3A_12, %dma_start3A_17] : memref<10240x128xf32, #tpu.memory_space<vmem_shared>> -> memref<640x128xf32, #tpu.memory_space<vmem_shared>>
      tpu.enqueue_dma source(%dma_start3A_18 : memref<640x128xf32, #tpu.memory_space<vmem_shared>>) target(%dma_start3A_16 : memref<640x128xf32, #tpu.memory_space<hbm>>) target_semaphore(%run_scoped3A : memref<!tpu.dma_semaphore, #tpu.memory_space<semaphore_mem>>)
      %dma_wait3A = arith.constant 0 : i32
      %dma_wait3A_19 = tpu.memref_slice %arg6[%arg0, %mul3A_14, %dma_wait3A] : memref<2x10240x128xf32, #tpu.memory_space<hbm>> -> memref<1x640x128xf32, #tpu.memory_space<hbm>>
      %dma_wait3A_20 = tpu.memref_squeeze %dma_wait3A_19 : memref<1x640x128xf32, #tpu.memory_space<hbm>> -> memref<640x128xf32, #tpu.memory_space<hbm>>
      %dma_wait3A_21 = arith.constant 0 : i32
      %dma_wait3A_22 = tpu.memref_slice %arg10[%mul3A_12, %dma_wait3A_21] : memref<10240x128xf32, #tpu.memory_space<vmem_shared>> -> memref<640x128xf32, #tpu.memory_space<vmem_shared>>
      tpu.wait_dma2 semaphore(%run_scoped3A : memref<!tpu.dma_semaphore, #tpu.memory_space<semaphore_mem>>) src(%dma_wait3A_22 : memref<640x128xf32, #tpu.memory_space<vmem_shared>>) dst(%dma_wait3A_20 : memref<640x128xf32, #tpu.memory_space<hbm>>)
      tpu.yield
    }) : () -> ()
    return
  }
}

#map = affine_map<(d0, d1) -> (0, 0)>
#map1 = affine_map<(d0, d1) -> (0, 0, 0)>
module attributes {stable_mosaic.version = 14 : i64} {
  func.func @_seg_body(%arg0: i32, %arg1: i32, %arg2: memref<10000x64xf32, #tpu.memory_space<hbm>>, %arg3: memref<32x80x128xi32, #tpu.memory_space<hbm>>, %arg4: memref<32x80x128xi32, #tpu.memory_space<hbm>>, %arg5: memref<10240x64xf32, #tpu.memory_space<hbm>>, %arg6: memref<2x10240x64xf32, #tpu.memory_space<hbm>>, %arg7: memref<80x128xi32, #tpu.memory_space<vmem>>, %arg8: memref<80x128xi32, #tpu.memory_space<vmem>>, %arg9: memref<128x64xf32, #tpu.memory_space<vmem>>, %arg10: memref<10240x64xf32, #tpu.memory_space<vmem_shared>>, %arg11: memref<!tpu.dma_semaphore, #tpu.memory_space<semaphore_mem>>) attributes {dimension_semantics = [#tpu.dimension_semantics<core_parallel>, #tpu.dimension_semantics<subcore_parallel>], iteration_bounds = array<i64: 2, 16>, scalar_prefetch = 0 : i64, scratch_operands = 5 : i64, tpu.core_type = #tpu.core_type<sc_vector_subcore>, window_params = [{transform_indices = #map}, {transform_indices = #map1}, {transform_indices = #map1}, {transform_indices = #map}, {transform_indices = #map1}]} {
    %mul3A = arith.constant 16 : i32
    %mul3A_0 = arith.muli %arg0, %mul3A : i32
    %add3A = arith.addi %mul3A_0, %arg1 : i32
    %mul3A_1 = arith.constant 640 : i32
    %mul3A_2 = arith.muli %arg1, %mul3A_1 : i32
    %mul3A_3 = arith.constant 640 : i32
    %mul3A_4 = arith.muli %arg1, %mul3A_3 : i32
    "tpu.region"() ({
      %run_scoped3A = tpu.sem_alloc : memref<!tpu.dma_semaphore, #tpu.memory_space<semaphore_mem>>
      %dma_start3A = arith.constant 0 : i32
      %dma_start3A_15 = tpu.memref_slice %arg10[%mul3A_4, %dma_start3A] : memref<10240x64xf32, #tpu.memory_space<vmem_shared>> -> memref<640x64xf32, #tpu.memory_space<vmem_shared>>
      %dma_start3A_16 = arith.constant 0 : i32
      %dma_start3A_17 = tpu.memref_slice %arg5[%mul3A_2, %dma_start3A_16] : memref<10240x64xf32, #tpu.memory_space<hbm>> -> memref<640x64xf32, #tpu.memory_space<hbm>>
      tpu.enqueue_dma source(%dma_start3A_17 : memref<640x64xf32, #tpu.memory_space<hbm>>) target(%dma_start3A_15 : memref<640x64xf32, #tpu.memory_space<vmem_shared>>) target_semaphore(%run_scoped3A : memref<!tpu.dma_semaphore, #tpu.memory_space<semaphore_mem>>)
      %dma_wait3A = arith.constant 0 : i32
      %dma_wait3A_18 = tpu.memref_slice %arg10[%mul3A_4, %dma_wait3A] : memref<10240x64xf32, #tpu.memory_space<vmem_shared>> -> memref<640x64xf32, #tpu.memory_space<vmem_shared>>
      %dma_wait3A_19 = arith.constant 0 : i32
      %dma_wait3A_20 = tpu.memref_slice %arg5[%mul3A_2, %dma_wait3A_19] : memref<10240x64xf32, #tpu.memory_space<hbm>> -> memref<640x64xf32, #tpu.memory_space<hbm>>
      tpu.wait_dma2 semaphore(%run_scoped3A : memref<!tpu.dma_semaphore, #tpu.memory_space<semaphore_mem>>) src(%dma_wait3A_20 : memref<640x64xf32, #tpu.memory_space<hbm>>) dst(%dma_wait3A_18 : memref<640x64xf32, #tpu.memory_space<vmem_shared>>)
      tpu.yield
    }) : () -> ()
    "tpu.region"() ({
      %run_scoped3A = tpu.sem_alloc : memref<!tpu.dma_semaphore, #tpu.memory_space<semaphore_mem>>
      %dma_start3A = arith.constant 0 : i32
      %dma_start3A_15 = arith.constant 0 : i32
      %dma_start3A_16 = tpu.memref_slice %arg3[%add3A, %dma_start3A, %dma_start3A_15] : memref<32x80x128xi32, #tpu.memory_space<hbm>> -> memref<1x80x128xi32, #tpu.memory_space<hbm>>
      %dma_start3A_17 = tpu.memref_squeeze %dma_start3A_16 : memref<1x80x128xi32, #tpu.memory_space<hbm>> -> memref<80x128xi32, #tpu.memory_space<hbm>>
      %dma_start3A_18 = arith.constant 0 : i32
      %dma_start3A_19 = arith.constant 0 : i32
      %dma_start3A_20 = tpu.memref_slice %arg3[%add3A, %dma_start3A_18, %dma_start3A_19] : memref<32x80x128xi32, #tpu.memory_space<hbm>> -> memref<1x80x128xi32, #tpu.memory_space<hbm>>
      %dma_start3A_21 = tpu.memref_squeeze %dma_start3A_20 : memref<1x80x128xi32, #tpu.memory_space<hbm>> -> memref<80x128xi32, #tpu.memory_space<hbm>>
      tpu.enqueue_dma source(%dma_start3A_21 : memref<80x128xi32, #tpu.memory_space<hbm>>) target(%arg7 : memref<80x128xi32, #tpu.memory_space<vmem>>) target_semaphore(%run_scoped3A : memref<!tpu.dma_semaphore, #tpu.memory_space<semaphore_mem>>)
      %dma_wait3A = arith.constant 0 : i32
      %dma_wait3A_22 = arith.constant 0 : i32
      %dma_wait3A_23 = tpu.memref_slice %arg3[%add3A, %dma_wait3A, %dma_wait3A_22] : memref<32x80x128xi32, #tpu.memory_space<hbm>> -> memref<1x80x128xi32, #tpu.memory_space<hbm>>
      %dma_wait3A_24 = tpu.memref_squeeze %dma_wait3A_23 : memref<1x80x128xi32, #tpu.memory_space<hbm>> -> memref<80x128xi32, #tpu.memory_space<hbm>>
      %dma_wait3A_25 = arith.constant 0 : i32
      %dma_wait3A_26 = arith.constant 0 : i32
      %dma_wait3A_27 = tpu.memref_slice %arg3[%add3A, %dma_wait3A_25, %dma_wait3A_26] : memref<32x80x128xi32, #tpu.memory_space<hbm>> -> memref<1x80x128xi32, #tpu.memory_space<hbm>>
      %dma_wait3A_28 = tpu.memref_squeeze %dma_wait3A_27 : memref<1x80x128xi32, #tpu.memory_space<hbm>> -> memref<80x128xi32, #tpu.memory_space<hbm>>
      tpu.wait_dma2 semaphore(%run_scoped3A : memref<!tpu.dma_semaphore, #tpu.memory_space<semaphore_mem>>) src(%dma_wait3A_28 : memref<80x128xi32, #tpu.memory_space<hbm>>) dst(%arg7 : memref<80x128xi32, #tpu.memory_space<vmem>>)
      tpu.yield
    }) : () -> ()
    "tpu.region"() ({
      %run_scoped3A = tpu.sem_alloc : memref<!tpu.dma_semaphore, #tpu.memory_space<semaphore_mem>>
      %dma_start3A = arith.constant 0 : i32
      %dma_start3A_15 = arith.constant 0 : i32
      %dma_start3A_16 = tpu.memref_slice %arg4[%add3A, %dma_start3A, %dma_start3A_15] : memref<32x80x128xi32, #tpu.memory_space<hbm>> -> memref<1x80x128xi32, #tpu.memory_space<hbm>>
      %dma_start3A_17 = tpu.memref_squeeze %dma_start3A_16 : memref<1x80x128xi32, #tpu.memory_space<hbm>> -> memref<80x128xi32, #tpu.memory_space<hbm>>
      %dma_start3A_18 = arith.constant 0 : i32
      %dma_start3A_19 = arith.constant 0 : i32
      %dma_start3A_20 = tpu.memref_slice %arg4[%add3A, %dma_start3A_18, %dma_start3A_19] : memref<32x80x128xi32, #tpu.memory_space<hbm>> -> memref<1x80x128xi32, #tpu.memory_space<hbm>>
      %dma_start3A_21 = tpu.memref_squeeze %dma_start3A_20 : memref<1x80x128xi32, #tpu.memory_space<hbm>> -> memref<80x128xi32, #tpu.memory_space<hbm>>
      tpu.enqueue_dma source(%dma_start3A_21 : memref<80x128xi32, #tpu.memory_space<hbm>>) target(%arg8 : memref<80x128xi32, #tpu.memory_space<vmem>>) target_semaphore(%run_scoped3A : memref<!tpu.dma_semaphore, #tpu.memory_space<semaphore_mem>>)
      %dma_wait3A = arith.constant 0 : i32
      %dma_wait3A_22 = arith.constant 0 : i32
      %dma_wait3A_23 = tpu.memref_slice %arg4[%add3A, %dma_wait3A, %dma_wait3A_22] : memref<32x80x128xi32, #tpu.memory_space<hbm>> -> memref<1x80x128xi32, #tpu.memory_space<hbm>>
      %dma_wait3A_24 = tpu.memref_squeeze %dma_wait3A_23 : memref<1x80x128xi32, #tpu.memory_space<hbm>> -> memref<80x128xi32, #tpu.memory_space<hbm>>
      %dma_wait3A_25 = arith.constant 0 : i32
      %dma_wait3A_26 = arith.constant 0 : i32
      %dma_wait3A_27 = tpu.memref_slice %arg4[%add3A, %dma_wait3A_25, %dma_wait3A_26] : memref<32x80x128xi32, #tpu.memory_space<hbm>> -> memref<1x80x128xi32, #tpu.memory_space<hbm>>
      %dma_wait3A_28 = tpu.memref_squeeze %dma_wait3A_27 : memref<1x80x128xi32, #tpu.memory_space<hbm>> -> memref<80x128xi32, #tpu.memory_space<hbm>>
      tpu.wait_dma2 semaphore(%run_scoped3A : memref<!tpu.dma_semaphore, #tpu.memory_space<semaphore_mem>>) src(%dma_wait3A_28 : memref<80x128xi32, #tpu.memory_space<hbm>>) dst(%arg8 : memref<80x128xi32, #tpu.memory_space<vmem>>)
      tpu.yield
    }) : () -> ()
    %barrier3A = arith.constant 0 : index
    tpu.barrier barrier_id(%barrier3A)
    %scan3A = arith.constant 0 : i32
    %scan3A_5 = arith.constant 0 : i32
    %scan3A_6 = arith.constant 80 : i32
    %scan3A_7 = arith.addi %scan3A_5, %scan3A_6 : i32
    %scan3A_8 = arith.constant 1 : i32
    scf.for %scan3A_15 = %scan3A_5 to %scan3A_7 step %scan3A_8  : i32 {
      %dma_start3A = arith.constant 0 : i32
      %dma_start3A_16 = tpu.memref_slice %arg7[%scan3A_15, %dma_start3A] : memref<80x128xi32, #tpu.memory_space<vmem>> -> memref<1x128xi32, #tpu.memory_space<vmem>>
      %dma_start3A_17 = tpu.memref_squeeze %dma_start3A_16 : memref<1x128xi32, #tpu.memory_space<vmem>> -> memref<128xi32, #tpu.memory_space<vmem>>
      %dma_start3A_18 = arith.constant 0 : i32
      %dma_start3A_19 = arith.constant 0 : i32
      %dma_start3A_20 = tpu.memref_slice %arg2[%dma_start3A_18, %dma_start3A_19] : memref<10000x64xf32, #tpu.memory_space<hbm>> -> memref<10000x64xf32, #tpu.memory_space<hbm>>
      tpu.enqueue_indirect_dma source(%dma_start3A_20 : memref<10000x64xf32, #tpu.memory_space<hbm>>) target(%arg9 : memref<128x64xf32, #tpu.memory_space<vmem>>) offsets(%dma_start3A_17 : memref<128xi32, #tpu.memory_space<vmem>>) semaphore(%arg11 : memref<!tpu.dma_semaphore, #tpu.memory_space<semaphore_mem>>)
      %dma_wait3A = arith.constant 0 : i32
      %dma_wait3A_21 = tpu.memref_slice %arg7[%scan3A_15, %dma_wait3A] : memref<80x128xi32, #tpu.memory_space<vmem>> -> memref<1x128xi32, #tpu.memory_space<vmem>>
      %dma_wait3A_22 = tpu.memref_squeeze %dma_wait3A_21 : memref<1x128xi32, #tpu.memory_space<vmem>> -> memref<128xi32, #tpu.memory_space<vmem>>
      %dma_wait3A_23 = arith.constant 0 : i32
      %dma_wait3A_24 = arith.constant 0 : i32
      %dma_wait3A_25 = tpu.memref_slice %arg2[%dma_wait3A_23, %dma_wait3A_24] : memref<10000x64xf32, #tpu.memory_space<hbm>> -> memref<10000x64xf32, #tpu.memory_space<hbm>>
      tpu.wait_indirect_dma semaphore(%arg11 : memref<!tpu.dma_semaphore, #tpu.memory_space<semaphore_mem>>) src(%dma_wait3A_25 : memref<10000x64xf32, #tpu.memory_space<hbm>>) dst(%arg9 : memref<128x64xf32, #tpu.memory_space<vmem>>)
      "tpu.region"() ({
        %run_scoped3A = tpu.sem_alloc : memref<!tpu.dma_semaphore, #tpu.memory_space<semaphore_mem>>
        %dma_start3A_26 = arith.constant 0 : i32
        %dma_start3A_27 = arith.constant 0 : i32
        %dma_start3A_28 = tpu.memref_slice %arg9[%dma_start3A_26, %dma_start3A_27] : memref<128x64xf32, #tpu.memory_space<vmem>> -> memref<16x64xf32, #tpu.memory_space<vmem>>
        %dma_start3A_29 = arith.constant 0 : i32
        %dma_start3A_30 = tpu.memref_slice %arg8[%scan3A_15, %dma_start3A_29] : memref<80x128xi32, #tpu.memory_space<vmem>> -> memref<1x16xi32, #tpu.memory_space<vmem>>
        %dma_start3A_31 = tpu.memref_squeeze %dma_start3A_30 : memref<1x16xi32, #tpu.memory_space<vmem>> -> memref<16xi32, #tpu.memory_space<vmem>>
        %dma_start3A_32 = arith.constant 0 : i32
        %dma_start3A_33 = arith.constant 0 : i32
        %dma_start3A_34 = tpu.memref_slice %arg10[%dma_start3A_32, %dma_start3A_33] : memref<10240x64xf32, #tpu.memory_space<vmem_shared>> -> memref<10240x64xf32, #tpu.memory_space<vmem_shared>>
        tpu.enqueue_indirect_dma source(%dma_start3A_28 : memref<16x64xf32, #tpu.memory_space<vmem>>) target(%dma_start3A_34 : memref<10240x64xf32, #tpu.memory_space<vmem_shared>>) offsets(%dma_start3A_31 : memref<16xi32, #tpu.memory_space<vmem>>) semaphore(%run_scoped3A : memref<!tpu.dma_semaphore, #tpu.memory_space<semaphore_mem>>) {add = true}
        %dma_wait3A_35 = arith.constant 0 : i32
        %dma_wait3A_36 = arith.constant 0 : i32
        %dma_wait3A_37 = tpu.memref_slice %arg9[%dma_wait3A_35, %dma_wait3A_36] : memref<128x64xf32, #tpu.memory_space<vmem>> -> memref<16x64xf32, #tpu.memory_space<vmem>>
        %dma_wait3A_38 = arith.constant 0 : i32
        %dma_wait3A_39 = tpu.memref_slice %arg8[%scan3A_15, %dma_wait3A_38] : memref<80x128xi32, #tpu.memory_space<vmem>> -> memref<1x16xi32, #tpu.memory_space<vmem>>
        %dma_wait3A_40 = tpu.memref_squeeze %dma_wait3A_39 : memref<1x16xi32, #tpu.memory_space<vmem>> -> memref<16xi32, #tpu.memory_space<vmem>>
        %dma_wait3A_41 = arith.constant 0 : i32
        %dma_wait3A_42 = arith.constant 0 : i32
        %dma_wait3A_43 = tpu.memref_slice %arg10[%dma_wait3A_41, %dma_wait3A_42] : memref<10240x64xf32, #tpu.memory_space<vmem_shared>> -> memref<10240x64xf32, #tpu.memory_space<vmem_shared>>
        tpu.wait_indirect_dma semaphore(%run_scoped3A : memref<!tpu.dma_semaphore, #tpu.memory_space<semaphore_mem>>) src(%dma_wait3A_37 : memref<16x64xf32, #tpu.memory_space<vmem>>) dst(%dma_wait3A_43 : memref<10240x64xf32, #tpu.memory_space<vmem_shared>>)
        tpu.yield
      }) : () -> ()
      "tpu.region"() ({
        %run_scoped3A = tpu.sem_alloc : memref<!tpu.dma_semaphore, #tpu.memory_space<semaphore_mem>>
        %dma_start3A_26 = arith.constant 16 : i32
        %dma_start3A_27 = arith.constant 0 : i32
        %dma_start3A_28 = tpu.memref_slice %arg9[%dma_start3A_26, %dma_start3A_27] : memref<128x64xf32, #tpu.memory_space<vmem>> -> memref<16x64xf32, #tpu.memory_space<vmem>>
        %dma_start3A_29 = arith.constant 16 : i32
        %dma_start3A_30 = tpu.memref_slice %arg8[%scan3A_15, %dma_start3A_29] : memref<80x128xi32, #tpu.memory_space<vmem>> -> memref<1x16xi32, #tpu.memory_space<vmem>>
        %dma_start3A_31 = tpu.memref_squeeze %dma_start3A_30 : memref<1x16xi32, #tpu.memory_space<vmem>> -> memref<16xi32, #tpu.memory_space<vmem>>
        %dma_start3A_32 = arith.constant 0 : i32
        %dma_start3A_33 = arith.constant 0 : i32
        %dma_start3A_34 = tpu.memref_slice %arg10[%dma_start3A_32, %dma_start3A_33] : memref<10240x64xf32, #tpu.memory_space<vmem_shared>> -> memref<10240x64xf32, #tpu.memory_space<vmem_shared>>
        tpu.enqueue_indirect_dma source(%dma_start3A_28 : memref<16x64xf32, #tpu.memory_space<vmem>>) target(%dma_start3A_34 : memref<10240x64xf32, #tpu.memory_space<vmem_shared>>) offsets(%dma_start3A_31 : memref<16xi32, #tpu.memory_space<vmem>>) semaphore(%run_scoped3A : memref<!tpu.dma_semaphore, #tpu.memory_space<semaphore_mem>>) {add = true}
        %dma_wait3A_35 = arith.constant 16 : i32
        %dma_wait3A_36 = arith.constant 0 : i32
        %dma_wait3A_37 = tpu.memref_slice %arg9[%dma_wait3A_35, %dma_wait3A_36] : memref<128x64xf32, #tpu.memory_space<vmem>> -> memref<16x64xf32, #tpu.memory_space<vmem>>
        %dma_wait3A_38 = arith.constant 16 : i32
        %dma_wait3A_39 = tpu.memref_slice %arg8[%scan3A_15, %dma_wait3A_38] : memref<80x128xi32, #tpu.memory_space<vmem>> -> memref<1x16xi32, #tpu.memory_space<vmem>>
        %dma_wait3A_40 = tpu.memref_squeeze %dma_wait3A_39 : memref<1x16xi32, #tpu.memory_space<vmem>> -> memref<16xi32, #tpu.memory_space<vmem>>
        %dma_wait3A_41 = arith.constant 0 : i32
        %dma_wait3A_42 = arith.constant 0 : i32
        %dma_wait3A_43 = tpu.memref_slice %arg10[%dma_wait3A_41, %dma_wait3A_42] : memref<10240x64xf32, #tpu.memory_space<vmem_shared>> -> memref<10240x64xf32, #tpu.memory_space<vmem_shared>>
        tpu.wait_indirect_dma semaphore(%run_scoped3A : memref<!tpu.dma_semaphore, #tpu.memory_space<semaphore_mem>>) src(%dma_wait3A_37 : memref<16x64xf32, #tpu.memory_space<vmem>>) dst(%dma_wait3A_43 : memref<10240x64xf32, #tpu.memory_space<vmem_shared>>)
        tpu.yield
      }) : () -> ()
      "tpu.region"() ({
        %run_scoped3A = tpu.sem_alloc : memref<!tpu.dma_semaphore, #tpu.memory_space<semaphore_mem>>
        %dma_start3A_26 = arith.constant 32 : i32
        %dma_start3A_27 = arith.constant 0 : i32
        %dma_start3A_28 = tpu.memref_slice %arg9[%dma_start3A_26, %dma_start3A_27] : memref<128x64xf32, #tpu.memory_space<vmem>> -> memref<16x64xf32, #tpu.memory_space<vmem>>
        %dma_start3A_29 = arith.constant 32 : i32
        %dma_start3A_30 = tpu.memref_slice %arg8[%scan3A_15, %dma_start3A_29] : memref<80x128xi32, #tpu.memory_space<vmem>> -> memref<1x16xi32, #tpu.memory_space<vmem>>
        %dma_start3A_31 = tpu.memref_squeeze %dma_start3A_30 : memref<1x16xi32, #tpu.memory_space<vmem>> -> memref<16xi32, #tpu.memory_space<vmem>>
        %dma_start3A_32 = arith.constant 0 : i32
        %dma_start3A_33 = arith.constant 0 : i32
        %dma_start3A_34 = tpu.memref_slice %arg10[%dma_start3A_32, %dma_start3A_33] : memref<10240x64xf32, #tpu.memory_space<vmem_shared>> -> memref<10240x64xf32, #tpu.memory_space<vmem_shared>>
        tpu.enqueue_indirect_dma source(%dma_start3A_28 : memref<16x64xf32, #tpu.memory_space<vmem>>) target(%dma_start3A_34 : memref<10240x64xf32, #tpu.memory_space<vmem_shared>>) offsets(%dma_start3A_31 : memref<16xi32, #tpu.memory_space<vmem>>) semaphore(%run_scoped3A : memref<!tpu.dma_semaphore, #tpu.memory_space<semaphore_mem>>) {add = true}
        %dma_wait3A_35 = arith.constant 32 : i32
        %dma_wait3A_36 = arith.constant 0 : i32
        %dma_wait3A_37 = tpu.memref_slice %arg9[%dma_wait3A_35, %dma_wait3A_36] : memref<128x64xf32, #tpu.memory_space<vmem>> -> memref<16x64xf32, #tpu.memory_space<vmem>>
        %dma_wait3A_38 = arith.constant 32 : i32
        %dma_wait3A_39 = tpu.memref_slice %arg8[%scan3A_15, %dma_wait3A_38] : memref<80x128xi32, #tpu.memory_space<vmem>> -> memref<1x16xi32, #tpu.memory_space<vmem>>
        %dma_wait3A_40 = tpu.memref_squeeze %dma_wait3A_39 : memref<1x16xi32, #tpu.memory_space<vmem>> -> memref<16xi32, #tpu.memory_space<vmem>>
        %dma_wait3A_41 = arith.constant 0 : i32
        %dma_wait3A_42 = arith.constant 0 : i32
        %dma_wait3A_43 = tpu.memref_slice %arg10[%dma_wait3A_41, %dma_wait3A_42] : memref<10240x64xf32, #tpu.memory_space<vmem_shared>> -> memref<10240x64xf32, #tpu.memory_space<vmem_shared>>
        tpu.wait_indirect_dma semaphore(%run_scoped3A : memref<!tpu.dma_semaphore, #tpu.memory_space<semaphore_mem>>) src(%dma_wait3A_37 : memref<16x64xf32, #tpu.memory_space<vmem>>) dst(%dma_wait3A_43 : memref<10240x64xf32, #tpu.memory_space<vmem_shared>>)
        tpu.yield
      }) : () -> ()
      "tpu.region"() ({
        %run_scoped3A = tpu.sem_alloc : memref<!tpu.dma_semaphore, #tpu.memory_space<semaphore_mem>>
        %dma_start3A_26 = arith.constant 48 : i32
        %dma_start3A_27 = arith.constant 0 : i32
        %dma_start3A_28 = tpu.memref_slice %arg9[%dma_start3A_26, %dma_start3A_27] : memref<128x64xf32, #tpu.memory_space<vmem>> -> memref<16x64xf32, #tpu.memory_space<vmem>>
        %dma_start3A_29 = arith.constant 48 : i32
        %dma_start3A_30 = tpu.memref_slice %arg8[%scan3A_15, %dma_start3A_29] : memref<80x128xi32, #tpu.memory_space<vmem>> -> memref<1x16xi32, #tpu.memory_space<vmem>>
        %dma_start3A_31 = tpu.memref_squeeze %dma_start3A_30 : memref<1x16xi32, #tpu.memory_space<vmem>> -> memref<16xi32, #tpu.memory_space<vmem>>
        %dma_start3A_32 = arith.constant 0 : i32
        %dma_start3A_33 = arith.constant 0 : i32
        %dma_start3A_34 = tpu.memref_slice %arg10[%dma_start3A_32, %dma_start3A_33] : memref<10240x64xf32, #tpu.memory_space<vmem_shared>> -> memref<10240x64xf32, #tpu.memory_space<vmem_shared>>
        tpu.enqueue_indirect_dma source(%dma_start3A_28 : memref<16x64xf32, #tpu.memory_space<vmem>>) target(%dma_start3A_34 : memref<10240x64xf32, #tpu.memory_space<vmem_shared>>) offsets(%dma_start3A_31 : memref<16xi32, #tpu.memory_space<vmem>>) semaphore(%run_scoped3A : memref<!tpu.dma_semaphore, #tpu.memory_space<semaphore_mem>>) {add = true}
        %dma_wait3A_35 = arith.constant 48 : i32
        %dma_wait3A_36 = arith.constant 0 : i32
        %dma_wait3A_37 = tpu.memref_slice %arg9[%dma_wait3A_35, %dma_wait3A_36] : memref<128x64xf32, #tpu.memory_space<vmem>> -> memref<16x64xf32, #tpu.memory_space<vmem>>
        %dma_wait3A_38 = arith.constant 48 : i32
        %dma_wait3A_39 = tpu.memref_slice %arg8[%scan3A_15, %dma_wait3A_38] : memref<80x128xi32, #tpu.memory_space<vmem>> -> memref<1x16xi32, #tpu.memory_space<vmem>>
        %dma_wait3A_40 = tpu.memref_squeeze %dma_wait3A_39 : memref<1x16xi32, #tpu.memory_space<vmem>> -> memref<16xi32, #tpu.memory_space<vmem>>
        %dma_wait3A_41 = arith.constant 0 : i32
        %dma_wait3A_42 = arith.constant 0 : i32
        %dma_wait3A_43 = tpu.memref_slice %arg10[%dma_wait3A_41, %dma_wait3A_42] : memref<10240x64xf32, #tpu.memory_space<vmem_shared>> -> memref<10240x64xf32, #tpu.memory_space<vmem_shared>>
        tpu.wait_indirect_dma semaphore(%run_scoped3A : memref<!tpu.dma_semaphore, #tpu.memory_space<semaphore_mem>>) src(%dma_wait3A_37 : memref<16x64xf32, #tpu.memory_space<vmem>>) dst(%dma_wait3A_43 : memref<10240x64xf32, #tpu.memory_space<vmem_shared>>)
        tpu.yield
      }) : () -> ()
      "tpu.region"() ({
        %run_scoped3A = tpu.sem_alloc : memref<!tpu.dma_semaphore, #tpu.memory_space<semaphore_mem>>
        %dma_start3A_26 = arith.constant 64 : i32
        %dma_start3A_27 = arith.constant 0 : i32
        %dma_start3A_28 = tpu.memref_slice %arg9[%dma_start3A_26, %dma_start3A_27] : memref<128x64xf32, #tpu.memory_space<vmem>> -> memref<16x64xf32, #tpu.memory_space<vmem>>
        %dma_start3A_29 = arith.constant 64 : i32
        %dma_start3A_30 = tpu.memref_slice %arg8[%scan3A_15, %dma_start3A_29] : memref<80x128xi32, #tpu.memory_space<vmem>> -> memref<1x16xi32, #tpu.memory_space<vmem>>
        %dma_start3A_31 = tpu.memref_squeeze %dma_start3A_30 : memref<1x16xi32, #tpu.memory_space<vmem>> -> memref<16xi32, #tpu.memory_space<vmem>>
        %dma_start3A_32 = arith.constant 0 : i32
        %dma_start3A_33 = arith.constant 0 : i32
        %dma_start3A_34 = tpu.memref_slice %arg10[%dma_start3A_32, %dma_start3A_33] : memref<10240x64xf32, #tpu.memory_space<vmem_shared>> -> memref<10240x64xf32, #tpu.memory_space<vmem_shared>>
        tpu.enqueue_indirect_dma source(%dma_start3A_28 : memref<16x64xf32, #tpu.memory_space<vmem>>) target(%dma_start3A_34 : memref<10240x64xf32, #tpu.memory_space<vmem_shared>>) offsets(%dma_start3A_31 : memref<16xi32, #tpu.memory_space<vmem>>) semaphore(%run_scoped3A : memref<!tpu.dma_semaphore, #tpu.memory_space<semaphore_mem>>) {add = true}
        %dma_wait3A_35 = arith.constant 64 : i32
        %dma_wait3A_36 = arith.constant 0 : i32
        %dma_wait3A_37 = tpu.memref_slice %arg9[%dma_wait3A_35, %dma_wait3A_36] : memref<128x64xf32, #tpu.memory_space<vmem>> -> memref<16x64xf32, #tpu.memory_space<vmem>>
        %dma_wait3A_38 = arith.constant 64 : i32
        %dma_wait3A_39 = tpu.memref_slice %arg8[%scan3A_15, %dma_wait3A_38] : memref<80x128xi32, #tpu.memory_space<vmem>> -> memref<1x16xi32, #tpu.memory_space<vmem>>
        %dma_wait3A_40 = tpu.memref_squeeze %dma_wait3A_39 : memref<1x16xi32, #tpu.memory_space<vmem>> -> memref<16xi32, #tpu.memory_space<vmem>>
        %dma_wait3A_41 = arith.constant 0 : i32
        %dma_wait3A_42 = arith.constant 0 : i32
        %dma_wait3A_43 = tpu.memref_slice %arg10[%dma_wait3A_41, %dma_wait3A_42] : memref<10240x64xf32, #tpu.memory_space<vmem_shared>> -> memref<10240x64xf32, #tpu.memory_space<vmem_shared>>
        tpu.wait_indirect_dma semaphore(%run_scoped3A : memref<!tpu.dma_semaphore, #tpu.memory_space<semaphore_mem>>) src(%dma_wait3A_37 : memref<16x64xf32, #tpu.memory_space<vmem>>) dst(%dma_wait3A_43 : memref<10240x64xf32, #tpu.memory_space<vmem_shared>>)
        tpu.yield
      }) : () -> ()
      "tpu.region"() ({
        %run_scoped3A = tpu.sem_alloc : memref<!tpu.dma_semaphore, #tpu.memory_space<semaphore_mem>>
        %dma_start3A_26 = arith.constant 80 : i32
        %dma_start3A_27 = arith.constant 0 : i32
        %dma_start3A_28 = tpu.memref_slice %arg9[%dma_start3A_26, %dma_start3A_27] : memref<128x64xf32, #tpu.memory_space<vmem>> -> memref<16x64xf32, #tpu.memory_space<vmem>>
        %dma_start3A_29 = arith.constant 80 : i32
        %dma_start3A_30 = tpu.memref_slice %arg8[%scan3A_15, %dma_start3A_29] : memref<80x128xi32, #tpu.memory_space<vmem>> -> memref<1x16xi32, #tpu.memory_space<vmem>>
        %dma_start3A_31 = tpu.memref_squeeze %dma_start3A_30 : memref<1x16xi32, #tpu.memory_space<vmem>> -> memref<16xi32, #tpu.memory_space<vmem>>
        %dma_start3A_32 = arith.constant 0 : i32
        %dma_start3A_33 = arith.constant 0 : i32
        %dma_start3A_34 = tpu.memref_slice %arg10[%dma_start3A_32, %dma_start3A_33] : memref<10240x64xf32, #tpu.memory_space<vmem_shared>> -> memref<10240x64xf32, #tpu.memory_space<vmem_shared>>
        tpu.enqueue_indirect_dma source(%dma_start3A_28 : memref<16x64xf32, #tpu.memory_space<vmem>>) target(%dma_start3A_34 : memref<10240x64xf32, #tpu.memory_space<vmem_shared>>) offsets(%dma_start3A_31 : memref<16xi32, #tpu.memory_space<vmem>>) semaphore(%run_scoped3A : memref<!tpu.dma_semaphore, #tpu.memory_space<semaphore_mem>>) {add = true}
        %dma_wait3A_35 = arith.constant 80 : i32
        %dma_wait3A_36 = arith.constant 0 : i32
        %dma_wait3A_37 = tpu.memref_slice %arg9[%dma_wait3A_35, %dma_wait3A_36] : memref<128x64xf32, #tpu.memory_space<vmem>> -> memref<16x64xf32, #tpu.memory_space<vmem>>
        %dma_wait3A_38 = arith.constant 80 : i32
        %dma_wait3A_39 = tpu.memref_slice %arg8[%scan3A_15, %dma_wait3A_38] : memref<80x128xi32, #tpu.memory_space<vmem>> -> memref<1x16xi32, #tpu.memory_space<vmem>>
        %dma_wait3A_40 = tpu.memref_squeeze %dma_wait3A_39 : memref<1x16xi32, #tpu.memory_space<vmem>> -> memref<16xi32, #tpu.memory_space<vmem>>
        %dma_wait3A_41 = arith.constant 0 : i32
        %dma_wait3A_42 = arith.constant 0 : i32
        %dma_wait3A_43 = tpu.memref_slice %arg10[%dma_wait3A_41, %dma_wait3A_42] : memref<10240x64xf32, #tpu.memory_space<vmem_shared>> -> memref<10240x64xf32, #tpu.memory_space<vmem_shared>>
        tpu.wait_indirect_dma semaphore(%run_scoped3A : memref<!tpu.dma_semaphore, #tpu.memory_space<semaphore_mem>>) src(%dma_wait3A_37 : memref<16x64xf32, #tpu.memory_space<vmem>>) dst(%dma_wait3A_43 : memref<10240x64xf32, #tpu.memory_space<vmem_shared>>)
        tpu.yield
      }) : () -> ()
      "tpu.region"() ({
        %run_scoped3A = tpu.sem_alloc : memref<!tpu.dma_semaphore, #tpu.memory_space<semaphore_mem>>
        %dma_start3A_26 = arith.constant 96 : i32
        %dma_start3A_27 = arith.constant 0 : i32
        %dma_start3A_28 = tpu.memref_slice %arg9[%dma_start3A_26, %dma_start3A_27] : memref<128x64xf32, #tpu.memory_space<vmem>> -> memref<16x64xf32, #tpu.memory_space<vmem>>
        %dma_start3A_29 = arith.constant 96 : i32
        %dma_start3A_30 = tpu.memref_slice %arg8[%scan3A_15, %dma_start3A_29] : memref<80x128xi32, #tpu.memory_space<vmem>> -> memref<1x16xi32, #tpu.memory_space<vmem>>
        %dma_start3A_31 = tpu.memref_squeeze %dma_start3A_30 : memref<1x16xi32, #tpu.memory_space<vmem>> -> memref<16xi32, #tpu.memory_space<vmem>>
        %dma_start3A_32 = arith.constant 0 : i32
        %dma_start3A_33 = arith.constant 0 : i32
        %dma_start3A_34 = tpu.memref_slice %arg10[%dma_start3A_32, %dma_start3A_33] : memref<10240x64xf32, #tpu.memory_space<vmem_shared>> -> memref<10240x64xf32, #tpu.memory_space<vmem_shared>>
        tpu.enqueue_indirect_dma source(%dma_start3A_28 : memref<16x64xf32, #tpu.memory_space<vmem>>) target(%dma_start3A_34 : memref<10240x64xf32, #tpu.memory_space<vmem_shared>>) offsets(%dma_start3A_31 : memref<16xi32, #tpu.memory_space<vmem>>) semaphore(%run_scoped3A : memref<!tpu.dma_semaphore, #tpu.memory_space<semaphore_mem>>) {add = true}
        %dma_wait3A_35 = arith.constant 96 : i32
        %dma_wait3A_36 = arith.constant 0 : i32
        %dma_wait3A_37 = tpu.memref_slice %arg9[%dma_wait3A_35, %dma_wait3A_36] : memref<128x64xf32, #tpu.memory_space<vmem>> -> memref<16x64xf32, #tpu.memory_space<vmem>>
        %dma_wait3A_38 = arith.constant 96 : i32
        %dma_wait3A_39 = tpu.memref_slice %arg8[%scan3A_15, %dma_wait3A_38] : memref<80x128xi32, #tpu.memory_space<vmem>> -> memref<1x16xi32, #tpu.memory_space<vmem>>
        %dma_wait3A_40 = tpu.memref_squeeze %dma_wait3A_39 : memref<1x16xi32, #tpu.memory_space<vmem>> -> memref<16xi32, #tpu.memory_space<vmem>>
        %dma_wait3A_41 = arith.constant 0 : i32
        %dma_wait3A_42 = arith.constant 0 : i32
        %dma_wait3A_43 = tpu.memref_slice %arg10[%dma_wait3A_41, %dma_wait3A_42] : memref<10240x64xf32, #tpu.memory_space<vmem_shared>> -> memref<10240x64xf32, #tpu.memory_space<vmem_shared>>
        tpu.wait_indirect_dma semaphore(%run_scoped3A : memref<!tpu.dma_semaphore, #tpu.memory_space<semaphore_mem>>) src(%dma_wait3A_37 : memref<16x64xf32, #tpu.memory_space<vmem>>) dst(%dma_wait3A_43 : memref<10240x64xf32, #tpu.memory_space<vmem_shared>>)
        tpu.yield
      }) : () -> ()
      "tpu.region"() ({
        %run_scoped3A = tpu.sem_alloc : memref<!tpu.dma_semaphore, #tpu.memory_space<semaphore_mem>>
        %dma_start3A_26 = arith.constant 112 : i32
        %dma_start3A_27 = arith.constant 0 : i32
        %dma_start3A_28 = tpu.memref_slice %arg9[%dma_start3A_26, %dma_start3A_27] : memref<128x64xf32, #tpu.memory_space<vmem>> -> memref<16x64xf32, #tpu.memory_space<vmem>>
        %dma_start3A_29 = arith.constant 112 : i32
        %dma_start3A_30 = tpu.memref_slice %arg8[%scan3A_15, %dma_start3A_29] : memref<80x128xi32, #tpu.memory_space<vmem>> -> memref<1x16xi32, #tpu.memory_space<vmem>>
        %dma_start3A_31 = tpu.memref_squeeze %dma_start3A_30 : memref<1x16xi32, #tpu.memory_space<vmem>> -> memref<16xi32, #tpu.memory_space<vmem>>
        %dma_start3A_32 = arith.constant 0 : i32
        %dma_start3A_33 = arith.constant 0 : i32
        %dma_start3A_34 = tpu.memref_slice %arg10[%dma_start3A_32, %dma_start3A_33] : memref<10240x64xf32, #tpu.memory_space<vmem_shared>> -> memref<10240x64xf32, #tpu.memory_space<vmem_shared>>
        tpu.enqueue_indirect_dma source(%dma_start3A_28 : memref<16x64xf32, #tpu.memory_space<vmem>>) target(%dma_start3A_34 : memref<10240x64xf32, #tpu.memory_space<vmem_shared>>) offsets(%dma_start3A_31 : memref<16xi32, #tpu.memory_space<vmem>>) semaphore(%run_scoped3A : memref<!tpu.dma_semaphore, #tpu.memory_space<semaphore_mem>>) {add = true}
        %dma_wait3A_35 = arith.constant 112 : i32
        %dma_wait3A_36 = arith.constant 0 : i32
        %dma_wait3A_37 = tpu.memref_slice %arg9[%dma_wait3A_35, %dma_wait3A_36] : memref<128x64xf32, #tpu.memory_space<vmem>> -> memref<16x64xf32, #tpu.memory_space<vmem>>
        %dma_wait3A_38 = arith.constant 112 : i32
        %dma_wait3A_39 = tpu.memref_slice %arg8[%scan3A_15, %dma_wait3A_38] : memref<80x128xi32, #tpu.memory_space<vmem>> -> memref<1x16xi32, #tpu.memory_space<vmem>>
        %dma_wait3A_40 = tpu.memref_squeeze %dma_wait3A_39 : memref<1x16xi32, #tpu.memory_space<vmem>> -> memref<16xi32, #tpu.memory_space<vmem>>
        %dma_wait3A_41 = arith.constant 0 : i32
        %dma_wait3A_42 = arith.constant 0 : i32
        %dma_wait3A_43 = tpu.memref_slice %arg10[%dma_wait3A_41, %dma_wait3A_42] : memref<10240x64xf32, #tpu.memory_space<vmem_shared>> -> memref<10240x64xf32, #tpu.memory_space<vmem_shared>>
        tpu.wait_indirect_dma semaphore(%run_scoped3A : memref<!tpu.dma_semaphore, #tpu.memory_space<semaphore_mem>>) src(%dma_wait3A_37 : memref<16x64xf32, #tpu.memory_space<vmem>>) dst(%dma_wait3A_43 : memref<10240x64xf32, #tpu.memory_space<vmem_shared>>)
        tpu.yield
      }) : () -> ()
    }
    %scan3A_9 = arith.constant 80 : i32
    %barrier3A_10 = arith.constant 0 : index
    tpu.barrier barrier_id(%barrier3A_10)
    %mul3A_11 = arith.constant 640 : i32
    %mul3A_12 = arith.muli %arg1, %mul3A_11 : i32
    %mul3A_13 = arith.constant 640 : i32
    %mul3A_14 = arith.muli %arg1, %mul3A_13 : i32
    "tpu.region"() ({
      %run_scoped3A = tpu.sem_alloc : memref<!tpu.dma_semaphore, #tpu.memory_space<semaphore_mem>>
      %dma_start3A = arith.constant 0 : i32
      %dma_start3A_15 = tpu.memref_slice %arg6[%arg0, %mul3A_14, %dma_start3A] : memref<2x10240x64xf32, #tpu.memory_space<hbm>> -> memref<1x640x64xf32, #tpu.memory_space<hbm>>
      %dma_start3A_16 = tpu.memref_squeeze %dma_start3A_15 : memref<1x640x64xf32, #tpu.memory_space<hbm>> -> memref<640x64xf32, #tpu.memory_space<hbm>>
      %dma_start3A_17 = arith.constant 0 : i32
      %dma_start3A_18 = tpu.memref_slice %arg10[%mul3A_12, %dma_start3A_17] : memref<10240x64xf32, #tpu.memory_space<vmem_shared>> -> memref<640x64xf32, #tpu.memory_space<vmem_shared>>
      tpu.enqueue_dma source(%dma_start3A_18 : memref<640x64xf32, #tpu.memory_space<vmem_shared>>) target(%dma_start3A_16 : memref<640x64xf32, #tpu.memory_space<hbm>>) target_semaphore(%run_scoped3A : memref<!tpu.dma_semaphore, #tpu.memory_space<semaphore_mem>>)
      %dma_wait3A = arith.constant 0 : i32
      %dma_wait3A_19 = tpu.memref_slice %arg6[%arg0, %mul3A_14, %dma_wait3A] : memref<2x10240x64xf32, #tpu.memory_space<hbm>> -> memref<1x640x64xf32, #tpu.memory_space<hbm>>
      %dma_wait3A_20 = tpu.memref_squeeze %dma_wait3A_19 : memref<1x640x64xf32, #tpu.memory_space<hbm>> -> memref<640x64xf32, #tpu.memory_space<hbm>>
      %dma_wait3A_21 = arith.constant 0 : i32
      %dma_wait3A_22 = tpu.memref_slice %arg10[%mul3A_12, %dma_wait3A_21] : memref<10240x64xf32, #tpu.memory_space<vmem_shared>> -> memref<640x64xf32, #tpu.memory_space<vmem_shared>>
      tpu.wait_dma2 semaphore(%run_scoped3A : memref<!tpu.dma_semaphore, #tpu.memory_space<semaphore_mem>>) src(%dma_wait3A_22 : memref<640x64xf32, #tpu.memory_space<vmem_shared>>) dst(%dma_wait3A_20 : memref<640x64xf32, #tpu.memory_space<hbm>>)
      tpu.yield
    }) : () -> ()
    return
  }
}

#map = affine_map<(d0, d1) -> (0, 0)>
#map1 = affine_map<(d0, d1) -> (0, 0, 0)>
module attributes {stable_mosaic.version = 14 : i64} {
  func.func @_seg_body(%arg0: i32, %arg1: i32, %arg2: memref<10000x64xf32, #tpu.memory_space<hbm>>, %arg3: memref<32x80x128xi32, #tpu.memory_space<hbm>>, %arg4: memref<32x80x128xi32, #tpu.memory_space<hbm>>, %arg5: memref<10240x64xf32, #tpu.memory_space<hbm>>, %arg6: memref<2x10240x64xf32, #tpu.memory_space<hbm>>, %arg7: memref<80x128xi32, #tpu.memory_space<vmem>>, %arg8: memref<80x128xi32, #tpu.memory_space<vmem>>, %arg9: memref<128x64xf32, #tpu.memory_space<vmem>>, %arg10: memref<10240x64xf32, #tpu.memory_space<vmem_shared>>, %arg11: memref<!tpu.dma_semaphore, #tpu.memory_space<semaphore_mem>>) attributes {dimension_semantics = [#tpu.dimension_semantics<core_parallel>, #tpu.dimension_semantics<subcore_parallel>], iteration_bounds = array<i64: 2, 16>, scalar_prefetch = 0 : i64, scratch_operands = 5 : i64, tpu.core_type = #tpu.core_type<sc_vector_subcore>, window_params = [{transform_indices = #map}, {transform_indices = #map1}, {transform_indices = #map1}, {transform_indices = #map}, {transform_indices = #map1}]} {
    %mul3A = arith.constant 16 : i32
    %mul3A_0 = arith.muli %arg0, %mul3A : i32
    %add3A = arith.addi %mul3A_0, %arg1 : i32
    %mul3A_1 = arith.constant 640 : i32
    %mul3A_2 = arith.muli %arg1, %mul3A_1 : i32
    %mul3A_3 = arith.constant 640 : i32
    %mul3A_4 = arith.muli %arg1, %mul3A_3 : i32
    "tpu.region"() ({
      %run_scoped3A = tpu.sem_alloc : memref<!tpu.dma_semaphore, #tpu.memory_space<semaphore_mem>>
      %dma_start3A = arith.constant 0 : i32
      %dma_start3A_15 = tpu.memref_slice %arg10[%mul3A_4, %dma_start3A] : memref<10240x64xf32, #tpu.memory_space<vmem_shared>> -> memref<640x64xf32, #tpu.memory_space<vmem_shared>>
      %dma_start3A_16 = arith.constant 0 : i32
      %dma_start3A_17 = tpu.memref_slice %arg5[%mul3A_2, %dma_start3A_16] : memref<10240x64xf32, #tpu.memory_space<hbm>> -> memref<640x64xf32, #tpu.memory_space<hbm>>
      tpu.enqueue_dma source(%dma_start3A_17 : memref<640x64xf32, #tpu.memory_space<hbm>>) target(%dma_start3A_15 : memref<640x64xf32, #tpu.memory_space<vmem_shared>>) target_semaphore(%run_scoped3A : memref<!tpu.dma_semaphore, #tpu.memory_space<semaphore_mem>>)
      %dma_wait3A = arith.constant 0 : i32
      %dma_wait3A_18 = tpu.memref_slice %arg10[%mul3A_4, %dma_wait3A] : memref<10240x64xf32, #tpu.memory_space<vmem_shared>> -> memref<640x64xf32, #tpu.memory_space<vmem_shared>>
      %dma_wait3A_19 = arith.constant 0 : i32
      %dma_wait3A_20 = tpu.memref_slice %arg5[%mul3A_2, %dma_wait3A_19] : memref<10240x64xf32, #tpu.memory_space<hbm>> -> memref<640x64xf32, #tpu.memory_space<hbm>>
      tpu.wait_dma2 semaphore(%run_scoped3A : memref<!tpu.dma_semaphore, #tpu.memory_space<semaphore_mem>>) src(%dma_wait3A_20 : memref<640x64xf32, #tpu.memory_space<hbm>>) dst(%dma_wait3A_18 : memref<640x64xf32, #tpu.memory_space<vmem_shared>>)
      tpu.yield
    }) : () -> ()
    "tpu.region"() ({
      %run_scoped3A = tpu.sem_alloc : memref<!tpu.dma_semaphore, #tpu.memory_space<semaphore_mem>>
      %dma_start3A = arith.constant 0 : i32
      %dma_start3A_15 = arith.constant 0 : i32
      %dma_start3A_16 = tpu.memref_slice %arg3[%add3A, %dma_start3A, %dma_start3A_15] : memref<32x80x128xi32, #tpu.memory_space<hbm>> -> memref<1x80x128xi32, #tpu.memory_space<hbm>>
      %dma_start3A_17 = tpu.memref_squeeze %dma_start3A_16 : memref<1x80x128xi32, #tpu.memory_space<hbm>> -> memref<80x128xi32, #tpu.memory_space<hbm>>
      %dma_start3A_18 = arith.constant 0 : i32
      %dma_start3A_19 = arith.constant 0 : i32
      %dma_start3A_20 = tpu.memref_slice %arg3[%add3A, %dma_start3A_18, %dma_start3A_19] : memref<32x80x128xi32, #tpu.memory_space<hbm>> -> memref<1x80x128xi32, #tpu.memory_space<hbm>>
      %dma_start3A_21 = tpu.memref_squeeze %dma_start3A_20 : memref<1x80x128xi32, #tpu.memory_space<hbm>> -> memref<80x128xi32, #tpu.memory_space<hbm>>
      tpu.enqueue_dma source(%dma_start3A_21 : memref<80x128xi32, #tpu.memory_space<hbm>>) target(%arg7 : memref<80x128xi32, #tpu.memory_space<vmem>>) target_semaphore(%run_scoped3A : memref<!tpu.dma_semaphore, #tpu.memory_space<semaphore_mem>>)
      %dma_wait3A = arith.constant 0 : i32
      %dma_wait3A_22 = arith.constant 0 : i32
      %dma_wait3A_23 = tpu.memref_slice %arg3[%add3A, %dma_wait3A, %dma_wait3A_22] : memref<32x80x128xi32, #tpu.memory_space<hbm>> -> memref<1x80x128xi32, #tpu.memory_space<hbm>>
      %dma_wait3A_24 = tpu.memref_squeeze %dma_wait3A_23 : memref<1x80x128xi32, #tpu.memory_space<hbm>> -> memref<80x128xi32, #tpu.memory_space<hbm>>
      %dma_wait3A_25 = arith.constant 0 : i32
      %dma_wait3A_26 = arith.constant 0 : i32
      %dma_wait3A_27 = tpu.memref_slice %arg3[%add3A, %dma_wait3A_25, %dma_wait3A_26] : memref<32x80x128xi32, #tpu.memory_space<hbm>> -> memref<1x80x128xi32, #tpu.memory_space<hbm>>
      %dma_wait3A_28 = tpu.memref_squeeze %dma_wait3A_27 : memref<1x80x128xi32, #tpu.memory_space<hbm>> -> memref<80x128xi32, #tpu.memory_space<hbm>>
      tpu.wait_dma2 semaphore(%run_scoped3A : memref<!tpu.dma_semaphore, #tpu.memory_space<semaphore_mem>>) src(%dma_wait3A_28 : memref<80x128xi32, #tpu.memory_space<hbm>>) dst(%arg7 : memref<80x128xi32, #tpu.memory_space<vmem>>)
      tpu.yield
    }) : () -> ()
    "tpu.region"() ({
      %run_scoped3A = tpu.sem_alloc : memref<!tpu.dma_semaphore, #tpu.memory_space<semaphore_mem>>
      %dma_start3A = arith.constant 0 : i32
      %dma_start3A_15 = arith.constant 0 : i32
      %dma_start3A_16 = tpu.memref_slice %arg4[%add3A, %dma_start3A, %dma_start3A_15] : memref<32x80x128xi32, #tpu.memory_space<hbm>> -> memref<1x80x128xi32, #tpu.memory_space<hbm>>
      %dma_start3A_17 = tpu.memref_squeeze %dma_start3A_16 : memref<1x80x128xi32, #tpu.memory_space<hbm>> -> memref<80x128xi32, #tpu.memory_space<hbm>>
      %dma_start3A_18 = arith.constant 0 : i32
      %dma_start3A_19 = arith.constant 0 : i32
      %dma_start3A_20 = tpu.memref_slice %arg4[%add3A, %dma_start3A_18, %dma_start3A_19] : memref<32x80x128xi32, #tpu.memory_space<hbm>> -> memref<1x80x128xi32, #tpu.memory_space<hbm>>
      %dma_start3A_21 = tpu.memref_squeeze %dma_start3A_20 : memref<1x80x128xi32, #tpu.memory_space<hbm>> -> memref<80x128xi32, #tpu.memory_space<hbm>>
      tpu.enqueue_dma source(%dma_start3A_21 : memref<80x128xi32, #tpu.memory_space<hbm>>) target(%arg8 : memref<80x128xi32, #tpu.memory_space<vmem>>) target_semaphore(%run_scoped3A : memref<!tpu.dma_semaphore, #tpu.memory_space<semaphore_mem>>)
      %dma_wait3A = arith.constant 0 : i32
      %dma_wait3A_22 = arith.constant 0 : i32
      %dma_wait3A_23 = tpu.memref_slice %arg4[%add3A, %dma_wait3A, %dma_wait3A_22] : memref<32x80x128xi32, #tpu.memory_space<hbm>> -> memref<1x80x128xi32, #tpu.memory_space<hbm>>
      %dma_wait3A_24 = tpu.memref_squeeze %dma_wait3A_23 : memref<1x80x128xi32, #tpu.memory_space<hbm>> -> memref<80x128xi32, #tpu.memory_space<hbm>>
      %dma_wait3A_25 = arith.constant 0 : i32
      %dma_wait3A_26 = arith.constant 0 : i32
      %dma_wait3A_27 = tpu.memref_slice %arg4[%add3A, %dma_wait3A_25, %dma_wait3A_26] : memref<32x80x128xi32, #tpu.memory_space<hbm>> -> memref<1x80x128xi32, #tpu.memory_space<hbm>>
      %dma_wait3A_28 = tpu.memref_squeeze %dma_wait3A_27 : memref<1x80x128xi32, #tpu.memory_space<hbm>> -> memref<80x128xi32, #tpu.memory_space<hbm>>
      tpu.wait_dma2 semaphore(%run_scoped3A : memref<!tpu.dma_semaphore, #tpu.memory_space<semaphore_mem>>) src(%dma_wait3A_28 : memref<80x128xi32, #tpu.memory_space<hbm>>) dst(%arg8 : memref<80x128xi32, #tpu.memory_space<vmem>>)
      tpu.yield
    }) : () -> ()
    %barrier3A = arith.constant 0 : index
    tpu.barrier barrier_id(%barrier3A)
    %scan3A = arith.constant 0 : i32
    %scan3A_5 = arith.constant 0 : i32
    %scan3A_6 = arith.constant 80 : i32
    %scan3A_7 = arith.addi %scan3A_5, %scan3A_6 : i32
    %scan3A_8 = arith.constant 1 : i32
    scf.for %scan3A_15 = %scan3A_5 to %scan3A_7 step %scan3A_8  : i32 {
      %dma_start3A = arith.constant 0 : i32
      %dma_start3A_16 = tpu.memref_slice %arg7[%scan3A_15, %dma_start3A] : memref<80x128xi32, #tpu.memory_space<vmem>> -> memref<1x128xi32, #tpu.memory_space<vmem>>
      %dma_start3A_17 = tpu.memref_squeeze %dma_start3A_16 : memref<1x128xi32, #tpu.memory_space<vmem>> -> memref<128xi32, #tpu.memory_space<vmem>>
      %dma_start3A_18 = arith.constant 0 : i32
      %dma_start3A_19 = arith.constant 0 : i32
      %dma_start3A_20 = tpu.memref_slice %arg2[%dma_start3A_18, %dma_start3A_19] : memref<10000x64xf32, #tpu.memory_space<hbm>> -> memref<10000x64xf32, #tpu.memory_space<hbm>>
      tpu.enqueue_indirect_dma source(%dma_start3A_20 : memref<10000x64xf32, #tpu.memory_space<hbm>>) target(%arg9 : memref<128x64xf32, #tpu.memory_space<vmem>>) offsets(%dma_start3A_17 : memref<128xi32, #tpu.memory_space<vmem>>) semaphore(%arg11 : memref<!tpu.dma_semaphore, #tpu.memory_space<semaphore_mem>>)
      %dma_wait3A = arith.constant 0 : i32
      %dma_wait3A_21 = tpu.memref_slice %arg7[%scan3A_15, %dma_wait3A] : memref<80x128xi32, #tpu.memory_space<vmem>> -> memref<1x128xi32, #tpu.memory_space<vmem>>
      %dma_wait3A_22 = tpu.memref_squeeze %dma_wait3A_21 : memref<1x128xi32, #tpu.memory_space<vmem>> -> memref<128xi32, #tpu.memory_space<vmem>>
      %dma_wait3A_23 = arith.constant 0 : i32
      %dma_wait3A_24 = arith.constant 0 : i32
      %dma_wait3A_25 = tpu.memref_slice %arg2[%dma_wait3A_23, %dma_wait3A_24] : memref<10000x64xf32, #tpu.memory_space<hbm>> -> memref<10000x64xf32, #tpu.memory_space<hbm>>
      tpu.wait_indirect_dma semaphore(%arg11 : memref<!tpu.dma_semaphore, #tpu.memory_space<semaphore_mem>>) src(%dma_wait3A_25 : memref<10000x64xf32, #tpu.memory_space<hbm>>) dst(%arg9 : memref<128x64xf32, #tpu.memory_space<vmem>>)
      "tpu.region"() ({
        %run_scoped3A = tpu.sem_alloc : memref<!tpu.dma_semaphore, #tpu.memory_space<semaphore_mem>>
        %dma_start3A_26 = arith.constant 0 : i32
        %dma_start3A_27 = arith.constant 0 : i32
        %dma_start3A_28 = tpu.memref_slice %arg9[%dma_start3A_26, %dma_start3A_27] : memref<128x64xf32, #tpu.memory_space<vmem>> -> memref<16x64xf32, #tpu.memory_space<vmem>>
        %dma_start3A_29 = arith.constant 0 : i32
        %dma_start3A_30 = tpu.memref_slice %arg8[%scan3A_15, %dma_start3A_29] : memref<80x128xi32, #tpu.memory_space<vmem>> -> memref<1x16xi32, #tpu.memory_space<vmem>>
        %dma_start3A_31 = tpu.memref_squeeze %dma_start3A_30 : memref<1x16xi32, #tpu.memory_space<vmem>> -> memref<16xi32, #tpu.memory_space<vmem>>
        %dma_start3A_32 = arith.constant 0 : i32
        %dma_start3A_33 = arith.constant 0 : i32
        %dma_start3A_34 = tpu.memref_slice %arg10[%dma_start3A_32, %dma_start3A_33] : memref<10240x64xf32, #tpu.memory_space<vmem_shared>> -> memref<10240x64xf32, #tpu.memory_space<vmem_shared>>
        tpu.enqueue_indirect_dma source(%dma_start3A_28 : memref<16x64xf32, #tpu.memory_space<vmem>>) target(%dma_start3A_34 : memref<10240x64xf32, #tpu.memory_space<vmem_shared>>) offsets(%dma_start3A_31 : memref<16xi32, #tpu.memory_space<vmem>>) semaphore(%run_scoped3A : memref<!tpu.dma_semaphore, #tpu.memory_space<semaphore_mem>>) {add = true}
        %dma_wait3A_35 = arith.constant 0 : i32
        %dma_wait3A_36 = arith.constant 0 : i32
        %dma_wait3A_37 = tpu.memref_slice %arg9[%dma_wait3A_35, %dma_wait3A_36] : memref<128x64xf32, #tpu.memory_space<vmem>> -> memref<16x64xf32, #tpu.memory_space<vmem>>
        %dma_wait3A_38 = arith.constant 0 : i32
        %dma_wait3A_39 = tpu.memref_slice %arg8[%scan3A_15, %dma_wait3A_38] : memref<80x128xi32, #tpu.memory_space<vmem>> -> memref<1x16xi32, #tpu.memory_space<vmem>>
        %dma_wait3A_40 = tpu.memref_squeeze %dma_wait3A_39 : memref<1x16xi32, #tpu.memory_space<vmem>> -> memref<16xi32, #tpu.memory_space<vmem>>
        %dma_wait3A_41 = arith.constant 0 : i32
        %dma_wait3A_42 = arith.constant 0 : i32
        %dma_wait3A_43 = tpu.memref_slice %arg10[%dma_wait3A_41, %dma_wait3A_42] : memref<10240x64xf32, #tpu.memory_space<vmem_shared>> -> memref<10240x64xf32, #tpu.memory_space<vmem_shared>>
        tpu.wait_indirect_dma semaphore(%run_scoped3A : memref<!tpu.dma_semaphore, #tpu.memory_space<semaphore_mem>>) src(%dma_wait3A_37 : memref<16x64xf32, #tpu.memory_space<vmem>>) dst(%dma_wait3A_43 : memref<10240x64xf32, #tpu.memory_space<vmem_shared>>)
        tpu.yield
      }) : () -> ()
      "tpu.region"() ({
        %run_scoped3A = tpu.sem_alloc : memref<!tpu.dma_semaphore, #tpu.memory_space<semaphore_mem>>
        %dma_start3A_26 = arith.constant 16 : i32
        %dma_start3A_27 = arith.constant 0 : i32
        %dma_start3A_28 = tpu.memref_slice %arg9[%dma_start3A_26, %dma_start3A_27] : memref<128x64xf32, #tpu.memory_space<vmem>> -> memref<16x64xf32, #tpu.memory_space<vmem>>
        %dma_start3A_29 = arith.constant 16 : i32
        %dma_start3A_30 = tpu.memref_slice %arg8[%scan3A_15, %dma_start3A_29] : memref<80x128xi32, #tpu.memory_space<vmem>> -> memref<1x16xi32, #tpu.memory_space<vmem>>
        %dma_start3A_31 = tpu.memref_squeeze %dma_start3A_30 : memref<1x16xi32, #tpu.memory_space<vmem>> -> memref<16xi32, #tpu.memory_space<vmem>>
        %dma_start3A_32 = arith.constant 0 : i32
        %dma_start3A_33 = arith.constant 0 : i32
        %dma_start3A_34 = tpu.memref_slice %arg10[%dma_start3A_32, %dma_start3A_33] : memref<10240x64xf32, #tpu.memory_space<vmem_shared>> -> memref<10240x64xf32, #tpu.memory_space<vmem_shared>>
        tpu.enqueue_indirect_dma source(%dma_start3A_28 : memref<16x64xf32, #tpu.memory_space<vmem>>) target(%dma_start3A_34 : memref<10240x64xf32, #tpu.memory_space<vmem_shared>>) offsets(%dma_start3A_31 : memref<16xi32, #tpu.memory_space<vmem>>) semaphore(%run_scoped3A : memref<!tpu.dma_semaphore, #tpu.memory_space<semaphore_mem>>) {add = true}
        %dma_wait3A_35 = arith.constant 16 : i32
        %dma_wait3A_36 = arith.constant 0 : i32
        %dma_wait3A_37 = tpu.memref_slice %arg9[%dma_wait3A_35, %dma_wait3A_36] : memref<128x64xf32, #tpu.memory_space<vmem>> -> memref<16x64xf32, #tpu.memory_space<vmem>>
        %dma_wait3A_38 = arith.constant 16 : i32
        %dma_wait3A_39 = tpu.memref_slice %arg8[%scan3A_15, %dma_wait3A_38] : memref<80x128xi32, #tpu.memory_space<vmem>> -> memref<1x16xi32, #tpu.memory_space<vmem>>
        %dma_wait3A_40 = tpu.memref_squeeze %dma_wait3A_39 : memref<1x16xi32, #tpu.memory_space<vmem>> -> memref<16xi32, #tpu.memory_space<vmem>>
        %dma_wait3A_41 = arith.constant 0 : i32
        %dma_wait3A_42 = arith.constant 0 : i32
        %dma_wait3A_43 = tpu.memref_slice %arg10[%dma_wait3A_41, %dma_wait3A_42] : memref<10240x64xf32, #tpu.memory_space<vmem_shared>> -> memref<10240x64xf32, #tpu.memory_space<vmem_shared>>
        tpu.wait_indirect_dma semaphore(%run_scoped3A : memref<!tpu.dma_semaphore, #tpu.memory_space<semaphore_mem>>) src(%dma_wait3A_37 : memref<16x64xf32, #tpu.memory_space<vmem>>) dst(%dma_wait3A_43 : memref<10240x64xf32, #tpu.memory_space<vmem_shared>>)
        tpu.yield
      }) : () -> ()
      "tpu.region"() ({
        %run_scoped3A = tpu.sem_alloc : memref<!tpu.dma_semaphore, #tpu.memory_space<semaphore_mem>>
        %dma_start3A_26 = arith.constant 32 : i32
        %dma_start3A_27 = arith.constant 0 : i32
        %dma_start3A_28 = tpu.memref_slice %arg9[%dma_start3A_26, %dma_start3A_27] : memref<128x64xf32, #tpu.memory_space<vmem>> -> memref<16x64xf32, #tpu.memory_space<vmem>>
        %dma_start3A_29 = arith.constant 32 : i32
        %dma_start3A_30 = tpu.memref_slice %arg8[%scan3A_15, %dma_start3A_29] : memref<80x128xi32, #tpu.memory_space<vmem>> -> memref<1x16xi32, #tpu.memory_space<vmem>>
        %dma_start3A_31 = tpu.memref_squeeze %dma_start3A_30 : memref<1x16xi32, #tpu.memory_space<vmem>> -> memref<16xi32, #tpu.memory_space<vmem>>
        %dma_start3A_32 = arith.constant 0 : i32
        %dma_start3A_33 = arith.constant 0 : i32
        %dma_start3A_34 = tpu.memref_slice %arg10[%dma_start3A_32, %dma_start3A_33] : memref<10240x64xf32, #tpu.memory_space<vmem_shared>> -> memref<10240x64xf32, #tpu.memory_space<vmem_shared>>
        tpu.enqueue_indirect_dma source(%dma_start3A_28 : memref<16x64xf32, #tpu.memory_space<vmem>>) target(%dma_start3A_34 : memref<10240x64xf32, #tpu.memory_space<vmem_shared>>) offsets(%dma_start3A_31 : memref<16xi32, #tpu.memory_space<vmem>>) semaphore(%run_scoped3A : memref<!tpu.dma_semaphore, #tpu.memory_space<semaphore_mem>>) {add = true}
        %dma_wait3A_35 = arith.constant 32 : i32
        %dma_wait3A_36 = arith.constant 0 : i32
        %dma_wait3A_37 = tpu.memref_slice %arg9[%dma_wait3A_35, %dma_wait3A_36] : memref<128x64xf32, #tpu.memory_space<vmem>> -> memref<16x64xf32, #tpu.memory_space<vmem>>
        %dma_wait3A_38 = arith.constant 32 : i32
        %dma_wait3A_39 = tpu.memref_slice %arg8[%scan3A_15, %dma_wait3A_38] : memref<80x128xi32, #tpu.memory_space<vmem>> -> memref<1x16xi32, #tpu.memory_space<vmem>>
        %dma_wait3A_40 = tpu.memref_squeeze %dma_wait3A_39 : memref<1x16xi32, #tpu.memory_space<vmem>> -> memref<16xi32, #tpu.memory_space<vmem>>
        %dma_wait3A_41 = arith.constant 0 : i32
        %dma_wait3A_42 = arith.constant 0 : i32
        %dma_wait3A_43 = tpu.memref_slice %arg10[%dma_wait3A_41, %dma_wait3A_42] : memref<10240x64xf32, #tpu.memory_space<vmem_shared>> -> memref<10240x64xf32, #tpu.memory_space<vmem_shared>>
        tpu.wait_indirect_dma semaphore(%run_scoped3A : memref<!tpu.dma_semaphore, #tpu.memory_space<semaphore_mem>>) src(%dma_wait3A_37 : memref<16x64xf32, #tpu.memory_space<vmem>>) dst(%dma_wait3A_43 : memref<10240x64xf32, #tpu.memory_space<vmem_shared>>)
        tpu.yield
      }) : () -> ()
      "tpu.region"() ({
        %run_scoped3A = tpu.sem_alloc : memref<!tpu.dma_semaphore, #tpu.memory_space<semaphore_mem>>
        %dma_start3A_26 = arith.constant 48 : i32
        %dma_start3A_27 = arith.constant 0 : i32
        %dma_start3A_28 = tpu.memref_slice %arg9[%dma_start3A_26, %dma_start3A_27] : memref<128x64xf32, #tpu.memory_space<vmem>> -> memref<16x64xf32, #tpu.memory_space<vmem>>
        %dma_start3A_29 = arith.constant 48 : i32
        %dma_start3A_30 = tpu.memref_slice %arg8[%scan3A_15, %dma_start3A_29] : memref<80x128xi32, #tpu.memory_space<vmem>> -> memref<1x16xi32, #tpu.memory_space<vmem>>
        %dma_start3A_31 = tpu.memref_squeeze %dma_start3A_30 : memref<1x16xi32, #tpu.memory_space<vmem>> -> memref<16xi32, #tpu.memory_space<vmem>>
        %dma_start3A_32 = arith.constant 0 : i32
        %dma_start3A_33 = arith.constant 0 : i32
        %dma_start3A_34 = tpu.memref_slice %arg10[%dma_start3A_32, %dma_start3A_33] : memref<10240x64xf32, #tpu.memory_space<vmem_shared>> -> memref<10240x64xf32, #tpu.memory_space<vmem_shared>>
        tpu.enqueue_indirect_dma source(%dma_start3A_28 : memref<16x64xf32, #tpu.memory_space<vmem>>) target(%dma_start3A_34 : memref<10240x64xf32, #tpu.memory_space<vmem_shared>>) offsets(%dma_start3A_31 : memref<16xi32, #tpu.memory_space<vmem>>) semaphore(%run_scoped3A : memref<!tpu.dma_semaphore, #tpu.memory_space<semaphore_mem>>) {add = true}
        %dma_wait3A_35 = arith.constant 48 : i32
        %dma_wait3A_36 = arith.constant 0 : i32
        %dma_wait3A_37 = tpu.memref_slice %arg9[%dma_wait3A_35, %dma_wait3A_36] : memref<128x64xf32, #tpu.memory_space<vmem>> -> memref<16x64xf32, #tpu.memory_space<vmem>>
        %dma_wait3A_38 = arith.constant 48 : i32
        %dma_wait3A_39 = tpu.memref_slice %arg8[%scan3A_15, %dma_wait3A_38] : memref<80x128xi32, #tpu.memory_space<vmem>> -> memref<1x16xi32, #tpu.memory_space<vmem>>
        %dma_wait3A_40 = tpu.memref_squeeze %dma_wait3A_39 : memref<1x16xi32, #tpu.memory_space<vmem>> -> memref<16xi32, #tpu.memory_space<vmem>>
        %dma_wait3A_41 = arith.constant 0 : i32
        %dma_wait3A_42 = arith.constant 0 : i32
        %dma_wait3A_43 = tpu.memref_slice %arg10[%dma_wait3A_41, %dma_wait3A_42] : memref<10240x64xf32, #tpu.memory_space<vmem_shared>> -> memref<10240x64xf32, #tpu.memory_space<vmem_shared>>
        tpu.wait_indirect_dma semaphore(%run_scoped3A : memref<!tpu.dma_semaphore, #tpu.memory_space<semaphore_mem>>) src(%dma_wait3A_37 : memref<16x64xf32, #tpu.memory_space<vmem>>) dst(%dma_wait3A_43 : memref<10240x64xf32, #tpu.memory_space<vmem_shared>>)
        tpu.yield
      }) : () -> ()
      "tpu.region"() ({
        %run_scoped3A = tpu.sem_alloc : memref<!tpu.dma_semaphore, #tpu.memory_space<semaphore_mem>>
        %dma_start3A_26 = arith.constant 64 : i32
        %dma_start3A_27 = arith.constant 0 : i32
        %dma_start3A_28 = tpu.memref_slice %arg9[%dma_start3A_26, %dma_start3A_27] : memref<128x64xf32, #tpu.memory_space<vmem>> -> memref<16x64xf32, #tpu.memory_space<vmem>>
        %dma_start3A_29 = arith.constant 64 : i32
        %dma_start3A_30 = tpu.memref_slice %arg8[%scan3A_15, %dma_start3A_29] : memref<80x128xi32, #tpu.memory_space<vmem>> -> memref<1x16xi32, #tpu.memory_space<vmem>>
        %dma_start3A_31 = tpu.memref_squeeze %dma_start3A_30 : memref<1x16xi32, #tpu.memory_space<vmem>> -> memref<16xi32, #tpu.memory_space<vmem>>
        %dma_start3A_32 = arith.constant 0 : i32
        %dma_start3A_33 = arith.constant 0 : i32
        %dma_start3A_34 = tpu.memref_slice %arg10[%dma_start3A_32, %dma_start3A_33] : memref<10240x64xf32, #tpu.memory_space<vmem_shared>> -> memref<10240x64xf32, #tpu.memory_space<vmem_shared>>
        tpu.enqueue_indirect_dma source(%dma_start3A_28 : memref<16x64xf32, #tpu.memory_space<vmem>>) target(%dma_start3A_34 : memref<10240x64xf32, #tpu.memory_space<vmem_shared>>) offsets(%dma_start3A_31 : memref<16xi32, #tpu.memory_space<vmem>>) semaphore(%run_scoped3A : memref<!tpu.dma_semaphore, #tpu.memory_space<semaphore_mem>>) {add = true}
        %dma_wait3A_35 = arith.constant 64 : i32
        %dma_wait3A_36 = arith.constant 0 : i32
        %dma_wait3A_37 = tpu.memref_slice %arg9[%dma_wait3A_35, %dma_wait3A_36] : memref<128x64xf32, #tpu.memory_space<vmem>> -> memref<16x64xf32, #tpu.memory_space<vmem>>
        %dma_wait3A_38 = arith.constant 64 : i32
        %dma_wait3A_39 = tpu.memref_slice %arg8[%scan3A_15, %dma_wait3A_38] : memref<80x128xi32, #tpu.memory_space<vmem>> -> memref<1x16xi32, #tpu.memory_space<vmem>>
        %dma_wait3A_40 = tpu.memref_squeeze %dma_wait3A_39 : memref<1x16xi32, #tpu.memory_space<vmem>> -> memref<16xi32, #tpu.memory_space<vmem>>
        %dma_wait3A_41 = arith.constant 0 : i32
        %dma_wait3A_42 = arith.constant 0 : i32
        %dma_wait3A_43 = tpu.memref_slice %arg10[%dma_wait3A_41, %dma_wait3A_42] : memref<10240x64xf32, #tpu.memory_space<vmem_shared>> -> memref<10240x64xf32, #tpu.memory_space<vmem_shared>>
        tpu.wait_indirect_dma semaphore(%run_scoped3A : memref<!tpu.dma_semaphore, #tpu.memory_space<semaphore_mem>>) src(%dma_wait3A_37 : memref<16x64xf32, #tpu.memory_space<vmem>>) dst(%dma_wait3A_43 : memref<10240x64xf32, #tpu.memory_space<vmem_shared>>)
        tpu.yield
      }) : () -> ()
      "tpu.region"() ({
        %run_scoped3A = tpu.sem_alloc : memref<!tpu.dma_semaphore, #tpu.memory_space<semaphore_mem>>
        %dma_start3A_26 = arith.constant 80 : i32
        %dma_start3A_27 = arith.constant 0 : i32
        %dma_start3A_28 = tpu.memref_slice %arg9[%dma_start3A_26, %dma_start3A_27] : memref<128x64xf32, #tpu.memory_space<vmem>> -> memref<16x64xf32, #tpu.memory_space<vmem>>
        %dma_start3A_29 = arith.constant 80 : i32
        %dma_start3A_30 = tpu.memref_slice %arg8[%scan3A_15, %dma_start3A_29] : memref<80x128xi32, #tpu.memory_space<vmem>> -> memref<1x16xi32, #tpu.memory_space<vmem>>
        %dma_start3A_31 = tpu.memref_squeeze %dma_start3A_30 : memref<1x16xi32, #tpu.memory_space<vmem>> -> memref<16xi32, #tpu.memory_space<vmem>>
        %dma_start3A_32 = arith.constant 0 : i32
        %dma_start3A_33 = arith.constant 0 : i32
        %dma_start3A_34 = tpu.memref_slice %arg10[%dma_start3A_32, %dma_start3A_33] : memref<10240x64xf32, #tpu.memory_space<vmem_shared>> -> memref<10240x64xf32, #tpu.memory_space<vmem_shared>>
        tpu.enqueue_indirect_dma source(%dma_start3A_28 : memref<16x64xf32, #tpu.memory_space<vmem>>) target(%dma_start3A_34 : memref<10240x64xf32, #tpu.memory_space<vmem_shared>>) offsets(%dma_start3A_31 : memref<16xi32, #tpu.memory_space<vmem>>) semaphore(%run_scoped3A : memref<!tpu.dma_semaphore, #tpu.memory_space<semaphore_mem>>) {add = true}
        %dma_wait3A_35 = arith.constant 80 : i32
        %dma_wait3A_36 = arith.constant 0 : i32
        %dma_wait3A_37 = tpu.memref_slice %arg9[%dma_wait3A_35, %dma_wait3A_36] : memref<128x64xf32, #tpu.memory_space<vmem>> -> memref<16x64xf32, #tpu.memory_space<vmem>>
        %dma_wait3A_38 = arith.constant 80 : i32
        %dma_wait3A_39 = tpu.memref_slice %arg8[%scan3A_15, %dma_wait3A_38] : memref<80x128xi32, #tpu.memory_space<vmem>> -> memref<1x16xi32, #tpu.memory_space<vmem>>
        %dma_wait3A_40 = tpu.memref_squeeze %dma_wait3A_39 : memref<1x16xi32, #tpu.memory_space<vmem>> -> memref<16xi32, #tpu.memory_space<vmem>>
        %dma_wait3A_41 = arith.constant 0 : i32
        %dma_wait3A_42 = arith.constant 0 : i32
        %dma_wait3A_43 = tpu.memref_slice %arg10[%dma_wait3A_41, %dma_wait3A_42] : memref<10240x64xf32, #tpu.memory_space<vmem_shared>> -> memref<10240x64xf32, #tpu.memory_space<vmem_shared>>
        tpu.wait_indirect_dma semaphore(%run_scoped3A : memref<!tpu.dma_semaphore, #tpu.memory_space<semaphore_mem>>) src(%dma_wait3A_37 : memref<16x64xf32, #tpu.memory_space<vmem>>) dst(%dma_wait3A_43 : memref<10240x64xf32, #tpu.memory_space<vmem_shared>>)
        tpu.yield
      }) : () -> ()
      "tpu.region"() ({
        %run_scoped3A = tpu.sem_alloc : memref<!tpu.dma_semaphore, #tpu.memory_space<semaphore_mem>>
        %dma_start3A_26 = arith.constant 96 : i32
        %dma_start3A_27 = arith.constant 0 : i32
        %dma_start3A_28 = tpu.memref_slice %arg9[%dma_start3A_26, %dma_start3A_27] : memref<128x64xf32, #tpu.memory_space<vmem>> -> memref<16x64xf32, #tpu.memory_space<vmem>>
        %dma_start3A_29 = arith.constant 96 : i32
        %dma_start3A_30 = tpu.memref_slice %arg8[%scan3A_15, %dma_start3A_29] : memref<80x128xi32, #tpu.memory_space<vmem>> -> memref<1x16xi32, #tpu.memory_space<vmem>>
        %dma_start3A_31 = tpu.memref_squeeze %dma_start3A_30 : memref<1x16xi32, #tpu.memory_space<vmem>> -> memref<16xi32, #tpu.memory_space<vmem>>
        %dma_start3A_32 = arith.constant 0 : i32
        %dma_start3A_33 = arith.constant 0 : i32
        %dma_start3A_34 = tpu.memref_slice %arg10[%dma_start3A_32, %dma_start3A_33] : memref<10240x64xf32, #tpu.memory_space<vmem_shared>> -> memref<10240x64xf32, #tpu.memory_space<vmem_shared>>
        tpu.enqueue_indirect_dma source(%dma_start3A_28 : memref<16x64xf32, #tpu.memory_space<vmem>>) target(%dma_start3A_34 : memref<10240x64xf32, #tpu.memory_space<vmem_shared>>) offsets(%dma_start3A_31 : memref<16xi32, #tpu.memory_space<vmem>>) semaphore(%run_scoped3A : memref<!tpu.dma_semaphore, #tpu.memory_space<semaphore_mem>>) {add = true}
        %dma_wait3A_35 = arith.constant 96 : i32
        %dma_wait3A_36 = arith.constant 0 : i32
        %dma_wait3A_37 = tpu.memref_slice %arg9[%dma_wait3A_35, %dma_wait3A_36] : memref<128x64xf32, #tpu.memory_space<vmem>> -> memref<16x64xf32, #tpu.memory_space<vmem>>
        %dma_wait3A_38 = arith.constant 96 : i32
        %dma_wait3A_39 = tpu.memref_slice %arg8[%scan3A_15, %dma_wait3A_38] : memref<80x128xi32, #tpu.memory_space<vmem>> -> memref<1x16xi32, #tpu.memory_space<vmem>>
        %dma_wait3A_40 = tpu.memref_squeeze %dma_wait3A_39 : memref<1x16xi32, #tpu.memory_space<vmem>> -> memref<16xi32, #tpu.memory_space<vmem>>
        %dma_wait3A_41 = arith.constant 0 : i32
        %dma_wait3A_42 = arith.constant 0 : i32
        %dma_wait3A_43 = tpu.memref_slice %arg10[%dma_wait3A_41, %dma_wait3A_42] : memref<10240x64xf32, #tpu.memory_space<vmem_shared>> -> memref<10240x64xf32, #tpu.memory_space<vmem_shared>>
        tpu.wait_indirect_dma semaphore(%run_scoped3A : memref<!tpu.dma_semaphore, #tpu.memory_space<semaphore_mem>>) src(%dma_wait3A_37 : memref<16x64xf32, #tpu.memory_space<vmem>>) dst(%dma_wait3A_43 : memref<10240x64xf32, #tpu.memory_space<vmem_shared>>)
        tpu.yield
      }) : () -> ()
      "tpu.region"() ({
        %run_scoped3A = tpu.sem_alloc : memref<!tpu.dma_semaphore, #tpu.memory_space<semaphore_mem>>
        %dma_start3A_26 = arith.constant 112 : i32
        %dma_start3A_27 = arith.constant 0 : i32
        %dma_start3A_28 = tpu.memref_slice %arg9[%dma_start3A_26, %dma_start3A_27] : memref<128x64xf32, #tpu.memory_space<vmem>> -> memref<16x64xf32, #tpu.memory_space<vmem>>
        %dma_start3A_29 = arith.constant 112 : i32
        %dma_start3A_30 = tpu.memref_slice %arg8[%scan3A_15, %dma_start3A_29] : memref<80x128xi32, #tpu.memory_space<vmem>> -> memref<1x16xi32, #tpu.memory_space<vmem>>
        %dma_start3A_31 = tpu.memref_squeeze %dma_start3A_30 : memref<1x16xi32, #tpu.memory_space<vmem>> -> memref<16xi32, #tpu.memory_space<vmem>>
        %dma_start3A_32 = arith.constant 0 : i32
        %dma_start3A_33 = arith.constant 0 : i32
        %dma_start3A_34 = tpu.memref_slice %arg10[%dma_start3A_32, %dma_start3A_33] : memref<10240x64xf32, #tpu.memory_space<vmem_shared>> -> memref<10240x64xf32, #tpu.memory_space<vmem_shared>>
        tpu.enqueue_indirect_dma source(%dma_start3A_28 : memref<16x64xf32, #tpu.memory_space<vmem>>) target(%dma_start3A_34 : memref<10240x64xf32, #tpu.memory_space<vmem_shared>>) offsets(%dma_start3A_31 : memref<16xi32, #tpu.memory_space<vmem>>) semaphore(%run_scoped3A : memref<!tpu.dma_semaphore, #tpu.memory_space<semaphore_mem>>) {add = true}
        %dma_wait3A_35 = arith.constant 112 : i32
        %dma_wait3A_36 = arith.constant 0 : i32
        %dma_wait3A_37 = tpu.memref_slice %arg9[%dma_wait3A_35, %dma_wait3A_36] : memref<128x64xf32, #tpu.memory_space<vmem>> -> memref<16x64xf32, #tpu.memory_space<vmem>>
        %dma_wait3A_38 = arith.constant 112 : i32
        %dma_wait3A_39 = tpu.memref_slice %arg8[%scan3A_15, %dma_wait3A_38] : memref<80x128xi32, #tpu.memory_space<vmem>> -> memref<1x16xi32, #tpu.memory_space<vmem>>
        %dma_wait3A_40 = tpu.memref_squeeze %dma_wait3A_39 : memref<1x16xi32, #tpu.memory_space<vmem>> -> memref<16xi32, #tpu.memory_space<vmem>>
        %dma_wait3A_41 = arith.constant 0 : i32
        %dma_wait3A_42 = arith.constant 0 : i32
        %dma_wait3A_43 = tpu.memref_slice %arg10[%dma_wait3A_41, %dma_wait3A_42] : memref<10240x64xf32, #tpu.memory_space<vmem_shared>> -> memref<10240x64xf32, #tpu.memory_space<vmem_shared>>
        tpu.wait_indirect_dma semaphore(%run_scoped3A : memref<!tpu.dma_semaphore, #tpu.memory_space<semaphore_mem>>) src(%dma_wait3A_37 : memref<16x64xf32, #tpu.memory_space<vmem>>) dst(%dma_wait3A_43 : memref<10240x64xf32, #tpu.memory_space<vmem_shared>>)
        tpu.yield
      }) : () -> ()
    }
    %scan3A_9 = arith.constant 80 : i32
    %barrier3A_10 = arith.constant 0 : index
    tpu.barrier barrier_id(%barrier3A_10)
    %mul3A_11 = arith.constant 640 : i32
    %mul3A_12 = arith.muli %arg1, %mul3A_11 : i32
    %mul3A_13 = arith.constant 640 : i32
    %mul3A_14 = arith.muli %arg1, %mul3A_13 : i32
    "tpu.region"() ({
      %run_scoped3A = tpu.sem_alloc : memref<!tpu.dma_semaphore, #tpu.memory_space<semaphore_mem>>
      %dma_start3A = arith.constant 0 : i32
      %dma_start3A_15 = tpu.memref_slice %arg6[%arg0, %mul3A_14, %dma_start3A] : memref<2x10240x64xf32, #tpu.memory_space<hbm>> -> memref<1x640x64xf32, #tpu.memory_space<hbm>>
      %dma_start3A_16 = tpu.memref_squeeze %dma_start3A_15 : memref<1x640x64xf32, #tpu.memory_space<hbm>> -> memref<640x64xf32, #tpu.memory_space<hbm>>
      %dma_start3A_17 = arith.constant 0 : i32
      %dma_start3A_18 = tpu.memref_slice %arg10[%mul3A_12, %dma_start3A_17] : memref<10240x64xf32, #tpu.memory_space<vmem_shared>> -> memref<640x64xf32, #tpu.memory_space<vmem_shared>>
      tpu.enqueue_dma source(%dma_start3A_18 : memref<640x64xf32, #tpu.memory_space<vmem_shared>>) target(%dma_start3A_16 : memref<640x64xf32, #tpu.memory_space<hbm>>) target_semaphore(%run_scoped3A : memref<!tpu.dma_semaphore, #tpu.memory_space<semaphore_mem>>)
      %dma_wait3A = arith.constant 0 : i32
      %dma_wait3A_19 = tpu.memref_slice %arg6[%arg0, %mul3A_14, %dma_wait3A] : memref<2x10240x64xf32, #tpu.memory_space<hbm>> -> memref<1x640x64xf32, #tpu.memory_space<hbm>>
      %dma_wait3A_20 = tpu.memref_squeeze %dma_wait3A_19 : memref<1x640x64xf32, #tpu.memory_space<hbm>> -> memref<640x64xf32, #tpu.memory_space<hbm>>
      %dma_wait3A_21 = arith.constant 0 : i32
      %dma_wait3A_22 = tpu.memref_slice %arg10[%mul3A_12, %dma_wait3A_21] : memref<10240x64xf32, #tpu.memory_space<vmem_shared>> -> memref<640x64xf32, #tpu.memory_space<vmem_shared>>
      tpu.wait_dma2 semaphore(%run_scoped3A : memref<!tpu.dma_semaphore, #tpu.memory_space<semaphore_mem>>) src(%dma_wait3A_22 : memref<640x64xf32, #tpu.memory_space<vmem_shared>>) dst(%dma_wait3A_20 : memref<640x64xf32, #tpu.memory_space<hbm>>)
      tpu.yield
    }) : () -> ()
    return
  }
}

#map = affine_map<(d0, d1) -> (0, 0)>
#map1 = affine_map<(d0, d1) -> (0, 0, 0)>
module attributes {stable_mosaic.version = 14 : i64} {
  func.func @_seg_body(%arg0: i32, %arg1: i32, %arg2: memref<10000x64xf32, #tpu.memory_space<hbm>>, %arg3: memref<32x80x128xi32, #tpu.memory_space<hbm>>, %arg4: memref<32x80x128xi32, #tpu.memory_space<hbm>>, %arg5: memref<10240x64xf32, #tpu.memory_space<hbm>>, %arg6: memref<2x10240x64xf32, #tpu.memory_space<hbm>>, %arg7: memref<80x128xi32, #tpu.memory_space<vmem>>, %arg8: memref<80x128xi32, #tpu.memory_space<vmem>>, %arg9: memref<128x64xf32, #tpu.memory_space<vmem>>, %arg10: memref<10240x64xf32, #tpu.memory_space<vmem_shared>>, %arg11: memref<!tpu.dma_semaphore, #tpu.memory_space<semaphore_mem>>) attributes {dimension_semantics = [#tpu.dimension_semantics<core_parallel>, #tpu.dimension_semantics<subcore_parallel>], iteration_bounds = array<i64: 2, 16>, scalar_prefetch = 0 : i64, scratch_operands = 5 : i64, tpu.core_type = #tpu.core_type<sc_vector_subcore>, window_params = [{transform_indices = #map}, {transform_indices = #map1}, {transform_indices = #map1}, {transform_indices = #map}, {transform_indices = #map1}]} {
    %mul3A = arith.constant 16 : i32
    %mul3A_0 = arith.muli %arg0, %mul3A : i32
    %add3A = arith.addi %mul3A_0, %arg1 : i32
    %mul3A_1 = arith.constant 640 : i32
    %mul3A_2 = arith.muli %arg1, %mul3A_1 : i32
    %mul3A_3 = arith.constant 640 : i32
    %mul3A_4 = arith.muli %arg1, %mul3A_3 : i32
    "tpu.region"() ({
      %run_scoped3A = tpu.sem_alloc : memref<!tpu.dma_semaphore, #tpu.memory_space<semaphore_mem>>
      %dma_start3A = arith.constant 0 : i32
      %dma_start3A_15 = tpu.memref_slice %arg10[%mul3A_4, %dma_start3A] : memref<10240x64xf32, #tpu.memory_space<vmem_shared>> -> memref<640x64xf32, #tpu.memory_space<vmem_shared>>
      %dma_start3A_16 = arith.constant 0 : i32
      %dma_start3A_17 = tpu.memref_slice %arg5[%mul3A_2, %dma_start3A_16] : memref<10240x64xf32, #tpu.memory_space<hbm>> -> memref<640x64xf32, #tpu.memory_space<hbm>>
      tpu.enqueue_dma source(%dma_start3A_17 : memref<640x64xf32, #tpu.memory_space<hbm>>) target(%dma_start3A_15 : memref<640x64xf32, #tpu.memory_space<vmem_shared>>) target_semaphore(%run_scoped3A : memref<!tpu.dma_semaphore, #tpu.memory_space<semaphore_mem>>)
      %dma_wait3A = arith.constant 0 : i32
      %dma_wait3A_18 = tpu.memref_slice %arg10[%mul3A_4, %dma_wait3A] : memref<10240x64xf32, #tpu.memory_space<vmem_shared>> -> memref<640x64xf32, #tpu.memory_space<vmem_shared>>
      %dma_wait3A_19 = arith.constant 0 : i32
      %dma_wait3A_20 = tpu.memref_slice %arg5[%mul3A_2, %dma_wait3A_19] : memref<10240x64xf32, #tpu.memory_space<hbm>> -> memref<640x64xf32, #tpu.memory_space<hbm>>
      tpu.wait_dma2 semaphore(%run_scoped3A : memref<!tpu.dma_semaphore, #tpu.memory_space<semaphore_mem>>) src(%dma_wait3A_20 : memref<640x64xf32, #tpu.memory_space<hbm>>) dst(%dma_wait3A_18 : memref<640x64xf32, #tpu.memory_space<vmem_shared>>)
      tpu.yield
    }) : () -> ()
    "tpu.region"() ({
      %run_scoped3A = tpu.sem_alloc : memref<!tpu.dma_semaphore, #tpu.memory_space<semaphore_mem>>
      %dma_start3A = arith.constant 0 : i32
      %dma_start3A_15 = arith.constant 0 : i32
      %dma_start3A_16 = tpu.memref_slice %arg3[%add3A, %dma_start3A, %dma_start3A_15] : memref<32x80x128xi32, #tpu.memory_space<hbm>> -> memref<1x80x128xi32, #tpu.memory_space<hbm>>
      %dma_start3A_17 = tpu.memref_squeeze %dma_start3A_16 : memref<1x80x128xi32, #tpu.memory_space<hbm>> -> memref<80x128xi32, #tpu.memory_space<hbm>>
      %dma_start3A_18 = arith.constant 0 : i32
      %dma_start3A_19 = arith.constant 0 : i32
      %dma_start3A_20 = tpu.memref_slice %arg3[%add3A, %dma_start3A_18, %dma_start3A_19] : memref<32x80x128xi32, #tpu.memory_space<hbm>> -> memref<1x80x128xi32, #tpu.memory_space<hbm>>
      %dma_start3A_21 = tpu.memref_squeeze %dma_start3A_20 : memref<1x80x128xi32, #tpu.memory_space<hbm>> -> memref<80x128xi32, #tpu.memory_space<hbm>>
      tpu.enqueue_dma source(%dma_start3A_21 : memref<80x128xi32, #tpu.memory_space<hbm>>) target(%arg7 : memref<80x128xi32, #tpu.memory_space<vmem>>) target_semaphore(%run_scoped3A : memref<!tpu.dma_semaphore, #tpu.memory_space<semaphore_mem>>)
      %dma_wait3A = arith.constant 0 : i32
      %dma_wait3A_22 = arith.constant 0 : i32
      %dma_wait3A_23 = tpu.memref_slice %arg3[%add3A, %dma_wait3A, %dma_wait3A_22] : memref<32x80x128xi32, #tpu.memory_space<hbm>> -> memref<1x80x128xi32, #tpu.memory_space<hbm>>
      %dma_wait3A_24 = tpu.memref_squeeze %dma_wait3A_23 : memref<1x80x128xi32, #tpu.memory_space<hbm>> -> memref<80x128xi32, #tpu.memory_space<hbm>>
      %dma_wait3A_25 = arith.constant 0 : i32
      %dma_wait3A_26 = arith.constant 0 : i32
      %dma_wait3A_27 = tpu.memref_slice %arg3[%add3A, %dma_wait3A_25, %dma_wait3A_26] : memref<32x80x128xi32, #tpu.memory_space<hbm>> -> memref<1x80x128xi32, #tpu.memory_space<hbm>>
      %dma_wait3A_28 = tpu.memref_squeeze %dma_wait3A_27 : memref<1x80x128xi32, #tpu.memory_space<hbm>> -> memref<80x128xi32, #tpu.memory_space<hbm>>
      tpu.wait_dma2 semaphore(%run_scoped3A : memref<!tpu.dma_semaphore, #tpu.memory_space<semaphore_mem>>) src(%dma_wait3A_28 : memref<80x128xi32, #tpu.memory_space<hbm>>) dst(%arg7 : memref<80x128xi32, #tpu.memory_space<vmem>>)
      tpu.yield
    }) : () -> ()
    "tpu.region"() ({
      %run_scoped3A = tpu.sem_alloc : memref<!tpu.dma_semaphore, #tpu.memory_space<semaphore_mem>>
      %dma_start3A = arith.constant 0 : i32
      %dma_start3A_15 = arith.constant 0 : i32
      %dma_start3A_16 = tpu.memref_slice %arg4[%add3A, %dma_start3A, %dma_start3A_15] : memref<32x80x128xi32, #tpu.memory_space<hbm>> -> memref<1x80x128xi32, #tpu.memory_space<hbm>>
      %dma_start3A_17 = tpu.memref_squeeze %dma_start3A_16 : memref<1x80x128xi32, #tpu.memory_space<hbm>> -> memref<80x128xi32, #tpu.memory_space<hbm>>
      %dma_start3A_18 = arith.constant 0 : i32
      %dma_start3A_19 = arith.constant 0 : i32
      %dma_start3A_20 = tpu.memref_slice %arg4[%add3A, %dma_start3A_18, %dma_start3A_19] : memref<32x80x128xi32, #tpu.memory_space<hbm>> -> memref<1x80x128xi32, #tpu.memory_space<hbm>>
      %dma_start3A_21 = tpu.memref_squeeze %dma_start3A_20 : memref<1x80x128xi32, #tpu.memory_space<hbm>> -> memref<80x128xi32, #tpu.memory_space<hbm>>
      tpu.enqueue_dma source(%dma_start3A_21 : memref<80x128xi32, #tpu.memory_space<hbm>>) target(%arg8 : memref<80x128xi32, #tpu.memory_space<vmem>>) target_semaphore(%run_scoped3A : memref<!tpu.dma_semaphore, #tpu.memory_space<semaphore_mem>>)
      %dma_wait3A = arith.constant 0 : i32
      %dma_wait3A_22 = arith.constant 0 : i32
      %dma_wait3A_23 = tpu.memref_slice %arg4[%add3A, %dma_wait3A, %dma_wait3A_22] : memref<32x80x128xi32, #tpu.memory_space<hbm>> -> memref<1x80x128xi32, #tpu.memory_space<hbm>>
      %dma_wait3A_24 = tpu.memref_squeeze %dma_wait3A_23 : memref<1x80x128xi32, #tpu.memory_space<hbm>> -> memref<80x128xi32, #tpu.memory_space<hbm>>
      %dma_wait3A_25 = arith.constant 0 : i32
      %dma_wait3A_26 = arith.constant 0 : i32
      %dma_wait3A_27 = tpu.memref_slice %arg4[%add3A, %dma_wait3A_25, %dma_wait3A_26] : memref<32x80x128xi32, #tpu.memory_space<hbm>> -> memref<1x80x128xi32, #tpu.memory_space<hbm>>
      %dma_wait3A_28 = tpu.memref_squeeze %dma_wait3A_27 : memref<1x80x128xi32, #tpu.memory_space<hbm>> -> memref<80x128xi32, #tpu.memory_space<hbm>>
      tpu.wait_dma2 semaphore(%run_scoped3A : memref<!tpu.dma_semaphore, #tpu.memory_space<semaphore_mem>>) src(%dma_wait3A_28 : memref<80x128xi32, #tpu.memory_space<hbm>>) dst(%arg8 : memref<80x128xi32, #tpu.memory_space<vmem>>)
      tpu.yield
    }) : () -> ()
    %barrier3A = arith.constant 0 : index
    tpu.barrier barrier_id(%barrier3A)
    %scan3A = arith.constant 0 : i32
    %scan3A_5 = arith.constant 0 : i32
    %scan3A_6 = arith.constant 80 : i32
    %scan3A_7 = arith.addi %scan3A_5, %scan3A_6 : i32
    %scan3A_8 = arith.constant 1 : i32
    scf.for %scan3A_15 = %scan3A_5 to %scan3A_7 step %scan3A_8  : i32 {
      %dma_start3A = arith.constant 0 : i32
      %dma_start3A_16 = tpu.memref_slice %arg7[%scan3A_15, %dma_start3A] : memref<80x128xi32, #tpu.memory_space<vmem>> -> memref<1x128xi32, #tpu.memory_space<vmem>>
      %dma_start3A_17 = tpu.memref_squeeze %dma_start3A_16 : memref<1x128xi32, #tpu.memory_space<vmem>> -> memref<128xi32, #tpu.memory_space<vmem>>
      %dma_start3A_18 = arith.constant 0 : i32
      %dma_start3A_19 = arith.constant 0 : i32
      %dma_start3A_20 = tpu.memref_slice %arg2[%dma_start3A_18, %dma_start3A_19] : memref<10000x64xf32, #tpu.memory_space<hbm>> -> memref<10000x64xf32, #tpu.memory_space<hbm>>
      tpu.enqueue_indirect_dma source(%dma_start3A_20 : memref<10000x64xf32, #tpu.memory_space<hbm>>) target(%arg9 : memref<128x64xf32, #tpu.memory_space<vmem>>) offsets(%dma_start3A_17 : memref<128xi32, #tpu.memory_space<vmem>>) semaphore(%arg11 : memref<!tpu.dma_semaphore, #tpu.memory_space<semaphore_mem>>)
      %dma_wait3A = arith.constant 0 : i32
      %dma_wait3A_21 = tpu.memref_slice %arg7[%scan3A_15, %dma_wait3A] : memref<80x128xi32, #tpu.memory_space<vmem>> -> memref<1x128xi32, #tpu.memory_space<vmem>>
      %dma_wait3A_22 = tpu.memref_squeeze %dma_wait3A_21 : memref<1x128xi32, #tpu.memory_space<vmem>> -> memref<128xi32, #tpu.memory_space<vmem>>
      %dma_wait3A_23 = arith.constant 0 : i32
      %dma_wait3A_24 = arith.constant 0 : i32
      %dma_wait3A_25 = tpu.memref_slice %arg2[%dma_wait3A_23, %dma_wait3A_24] : memref<10000x64xf32, #tpu.memory_space<hbm>> -> memref<10000x64xf32, #tpu.memory_space<hbm>>
      tpu.wait_indirect_dma semaphore(%arg11 : memref<!tpu.dma_semaphore, #tpu.memory_space<semaphore_mem>>) src(%dma_wait3A_25 : memref<10000x64xf32, #tpu.memory_space<hbm>>) dst(%arg9 : memref<128x64xf32, #tpu.memory_space<vmem>>)
      "tpu.region"() ({
        %run_scoped3A = tpu.sem_alloc : memref<!tpu.dma_semaphore, #tpu.memory_space<semaphore_mem>>
        %dma_start3A_26 = arith.constant 0 : i32
        %dma_start3A_27 = arith.constant 0 : i32
        %dma_start3A_28 = tpu.memref_slice %arg9[%dma_start3A_26, %dma_start3A_27] : memref<128x64xf32, #tpu.memory_space<vmem>> -> memref<16x64xf32, #tpu.memory_space<vmem>>
        %dma_start3A_29 = arith.constant 0 : i32
        %dma_start3A_30 = tpu.memref_slice %arg8[%scan3A_15, %dma_start3A_29] : memref<80x128xi32, #tpu.memory_space<vmem>> -> memref<1x16xi32, #tpu.memory_space<vmem>>
        %dma_start3A_31 = tpu.memref_squeeze %dma_start3A_30 : memref<1x16xi32, #tpu.memory_space<vmem>> -> memref<16xi32, #tpu.memory_space<vmem>>
        %dma_start3A_32 = arith.constant 0 : i32
        %dma_start3A_33 = arith.constant 0 : i32
        %dma_start3A_34 = tpu.memref_slice %arg10[%dma_start3A_32, %dma_start3A_33] : memref<10240x64xf32, #tpu.memory_space<vmem_shared>> -> memref<10240x64xf32, #tpu.memory_space<vmem_shared>>
        tpu.enqueue_indirect_dma source(%dma_start3A_28 : memref<16x64xf32, #tpu.memory_space<vmem>>) target(%dma_start3A_34 : memref<10240x64xf32, #tpu.memory_space<vmem_shared>>) offsets(%dma_start3A_31 : memref<16xi32, #tpu.memory_space<vmem>>) semaphore(%run_scoped3A : memref<!tpu.dma_semaphore, #tpu.memory_space<semaphore_mem>>) {add = true}
        %dma_wait3A_35 = arith.constant 0 : i32
        %dma_wait3A_36 = arith.constant 0 : i32
        %dma_wait3A_37 = tpu.memref_slice %arg9[%dma_wait3A_35, %dma_wait3A_36] : memref<128x64xf32, #tpu.memory_space<vmem>> -> memref<16x64xf32, #tpu.memory_space<vmem>>
        %dma_wait3A_38 = arith.constant 0 : i32
        %dma_wait3A_39 = tpu.memref_slice %arg8[%scan3A_15, %dma_wait3A_38] : memref<80x128xi32, #tpu.memory_space<vmem>> -> memref<1x16xi32, #tpu.memory_space<vmem>>
        %dma_wait3A_40 = tpu.memref_squeeze %dma_wait3A_39 : memref<1x16xi32, #tpu.memory_space<vmem>> -> memref<16xi32, #tpu.memory_space<vmem>>
        %dma_wait3A_41 = arith.constant 0 : i32
        %dma_wait3A_42 = arith.constant 0 : i32
        %dma_wait3A_43 = tpu.memref_slice %arg10[%dma_wait3A_41, %dma_wait3A_42] : memref<10240x64xf32, #tpu.memory_space<vmem_shared>> -> memref<10240x64xf32, #tpu.memory_space<vmem_shared>>
        tpu.wait_indirect_dma semaphore(%run_scoped3A : memref<!tpu.dma_semaphore, #tpu.memory_space<semaphore_mem>>) src(%dma_wait3A_37 : memref<16x64xf32, #tpu.memory_space<vmem>>) dst(%dma_wait3A_43 : memref<10240x64xf32, #tpu.memory_space<vmem_shared>>)
        tpu.yield
      }) : () -> ()
      "tpu.region"() ({
        %run_scoped3A = tpu.sem_alloc : memref<!tpu.dma_semaphore, #tpu.memory_space<semaphore_mem>>
        %dma_start3A_26 = arith.constant 16 : i32
        %dma_start3A_27 = arith.constant 0 : i32
        %dma_start3A_28 = tpu.memref_slice %arg9[%dma_start3A_26, %dma_start3A_27] : memref<128x64xf32, #tpu.memory_space<vmem>> -> memref<16x64xf32, #tpu.memory_space<vmem>>
        %dma_start3A_29 = arith.constant 16 : i32
        %dma_start3A_30 = tpu.memref_slice %arg8[%scan3A_15, %dma_start3A_29] : memref<80x128xi32, #tpu.memory_space<vmem>> -> memref<1x16xi32, #tpu.memory_space<vmem>>
        %dma_start3A_31 = tpu.memref_squeeze %dma_start3A_30 : memref<1x16xi32, #tpu.memory_space<vmem>> -> memref<16xi32, #tpu.memory_space<vmem>>
        %dma_start3A_32 = arith.constant 0 : i32
        %dma_start3A_33 = arith.constant 0 : i32
        %dma_start3A_34 = tpu.memref_slice %arg10[%dma_start3A_32, %dma_start3A_33] : memref<10240x64xf32, #tpu.memory_space<vmem_shared>> -> memref<10240x64xf32, #tpu.memory_space<vmem_shared>>
        tpu.enqueue_indirect_dma source(%dma_start3A_28 : memref<16x64xf32, #tpu.memory_space<vmem>>) target(%dma_start3A_34 : memref<10240x64xf32, #tpu.memory_space<vmem_shared>>) offsets(%dma_start3A_31 : memref<16xi32, #tpu.memory_space<vmem>>) semaphore(%run_scoped3A : memref<!tpu.dma_semaphore, #tpu.memory_space<semaphore_mem>>) {add = true}
        %dma_wait3A_35 = arith.constant 16 : i32
        %dma_wait3A_36 = arith.constant 0 : i32
        %dma_wait3A_37 = tpu.memref_slice %arg9[%dma_wait3A_35, %dma_wait3A_36] : memref<128x64xf32, #tpu.memory_space<vmem>> -> memref<16x64xf32, #tpu.memory_space<vmem>>
        %dma_wait3A_38 = arith.constant 16 : i32
        %dma_wait3A_39 = tpu.memref_slice %arg8[%scan3A_15, %dma_wait3A_38] : memref<80x128xi32, #tpu.memory_space<vmem>> -> memref<1x16xi32, #tpu.memory_space<vmem>>
        %dma_wait3A_40 = tpu.memref_squeeze %dma_wait3A_39 : memref<1x16xi32, #tpu.memory_space<vmem>> -> memref<16xi32, #tpu.memory_space<vmem>>
        %dma_wait3A_41 = arith.constant 0 : i32
        %dma_wait3A_42 = arith.constant 0 : i32
        %dma_wait3A_43 = tpu.memref_slice %arg10[%dma_wait3A_41, %dma_wait3A_42] : memref<10240x64xf32, #tpu.memory_space<vmem_shared>> -> memref<10240x64xf32, #tpu.memory_space<vmem_shared>>
        tpu.wait_indirect_dma semaphore(%run_scoped3A : memref<!tpu.dma_semaphore, #tpu.memory_space<semaphore_mem>>) src(%dma_wait3A_37 : memref<16x64xf32, #tpu.memory_space<vmem>>) dst(%dma_wait3A_43 : memref<10240x64xf32, #tpu.memory_space<vmem_shared>>)
        tpu.yield
      }) : () -> ()
      "tpu.region"() ({
        %run_scoped3A = tpu.sem_alloc : memref<!tpu.dma_semaphore, #tpu.memory_space<semaphore_mem>>
        %dma_start3A_26 = arith.constant 32 : i32
        %dma_start3A_27 = arith.constant 0 : i32
        %dma_start3A_28 = tpu.memref_slice %arg9[%dma_start3A_26, %dma_start3A_27] : memref<128x64xf32, #tpu.memory_space<vmem>> -> memref<16x64xf32, #tpu.memory_space<vmem>>
        %dma_start3A_29 = arith.constant 32 : i32
        %dma_start3A_30 = tpu.memref_slice %arg8[%scan3A_15, %dma_start3A_29] : memref<80x128xi32, #tpu.memory_space<vmem>> -> memref<1x16xi32, #tpu.memory_space<vmem>>
        %dma_start3A_31 = tpu.memref_squeeze %dma_start3A_30 : memref<1x16xi32, #tpu.memory_space<vmem>> -> memref<16xi32, #tpu.memory_space<vmem>>
        %dma_start3A_32 = arith.constant 0 : i32
        %dma_start3A_33 = arith.constant 0 : i32
        %dma_start3A_34 = tpu.memref_slice %arg10[%dma_start3A_32, %dma_start3A_33] : memref<10240x64xf32, #tpu.memory_space<vmem_shared>> -> memref<10240x64xf32, #tpu.memory_space<vmem_shared>>
        tpu.enqueue_indirect_dma source(%dma_start3A_28 : memref<16x64xf32, #tpu.memory_space<vmem>>) target(%dma_start3A_34 : memref<10240x64xf32, #tpu.memory_space<vmem_shared>>) offsets(%dma_start3A_31 : memref<16xi32, #tpu.memory_space<vmem>>) semaphore(%run_scoped3A : memref<!tpu.dma_semaphore, #tpu.memory_space<semaphore_mem>>) {add = true}
        %dma_wait3A_35 = arith.constant 32 : i32
        %dma_wait3A_36 = arith.constant 0 : i32
        %dma_wait3A_37 = tpu.memref_slice %arg9[%dma_wait3A_35, %dma_wait3A_36] : memref<128x64xf32, #tpu.memory_space<vmem>> -> memref<16x64xf32, #tpu.memory_space<vmem>>
        %dma_wait3A_38 = arith.constant 32 : i32
        %dma_wait3A_39 = tpu.memref_slice %arg8[%scan3A_15, %dma_wait3A_38] : memref<80x128xi32, #tpu.memory_space<vmem>> -> memref<1x16xi32, #tpu.memory_space<vmem>>
        %dma_wait3A_40 = tpu.memref_squeeze %dma_wait3A_39 : memref<1x16xi32, #tpu.memory_space<vmem>> -> memref<16xi32, #tpu.memory_space<vmem>>
        %dma_wait3A_41 = arith.constant 0 : i32
        %dma_wait3A_42 = arith.constant 0 : i32
        %dma_wait3A_43 = tpu.memref_slice %arg10[%dma_wait3A_41, %dma_wait3A_42] : memref<10240x64xf32, #tpu.memory_space<vmem_shared>> -> memref<10240x64xf32, #tpu.memory_space<vmem_shared>>
        tpu.wait_indirect_dma semaphore(%run_scoped3A : memref<!tpu.dma_semaphore, #tpu.memory_space<semaphore_mem>>) src(%dma_wait3A_37 : memref<16x64xf32, #tpu.memory_space<vmem>>) dst(%dma_wait3A_43 : memref<10240x64xf32, #tpu.memory_space<vmem_shared>>)
        tpu.yield
      }) : () -> ()
      "tpu.region"() ({
        %run_scoped3A = tpu.sem_alloc : memref<!tpu.dma_semaphore, #tpu.memory_space<semaphore_mem>>
        %dma_start3A_26 = arith.constant 48 : i32
        %dma_start3A_27 = arith.constant 0 : i32
        %dma_start3A_28 = tpu.memref_slice %arg9[%dma_start3A_26, %dma_start3A_27] : memref<128x64xf32, #tpu.memory_space<vmem>> -> memref<16x64xf32, #tpu.memory_space<vmem>>
        %dma_start3A_29 = arith.constant 48 : i32
        %dma_start3A_30 = tpu.memref_slice %arg8[%scan3A_15, %dma_start3A_29] : memref<80x128xi32, #tpu.memory_space<vmem>> -> memref<1x16xi32, #tpu.memory_space<vmem>>
        %dma_start3A_31 = tpu.memref_squeeze %dma_start3A_30 : memref<1x16xi32, #tpu.memory_space<vmem>> -> memref<16xi32, #tpu.memory_space<vmem>>
        %dma_start3A_32 = arith.constant 0 : i32
        %dma_start3A_33 = arith.constant 0 : i32
        %dma_start3A_34 = tpu.memref_slice %arg10[%dma_start3A_32, %dma_start3A_33] : memref<10240x64xf32, #tpu.memory_space<vmem_shared>> -> memref<10240x64xf32, #tpu.memory_space<vmem_shared>>
        tpu.enqueue_indirect_dma source(%dma_start3A_28 : memref<16x64xf32, #tpu.memory_space<vmem>>) target(%dma_start3A_34 : memref<10240x64xf32, #tpu.memory_space<vmem_shared>>) offsets(%dma_start3A_31 : memref<16xi32, #tpu.memory_space<vmem>>) semaphore(%run_scoped3A : memref<!tpu.dma_semaphore, #tpu.memory_space<semaphore_mem>>) {add = true}
        %dma_wait3A_35 = arith.constant 48 : i32
        %dma_wait3A_36 = arith.constant 0 : i32
        %dma_wait3A_37 = tpu.memref_slice %arg9[%dma_wait3A_35, %dma_wait3A_36] : memref<128x64xf32, #tpu.memory_space<vmem>> -> memref<16x64xf32, #tpu.memory_space<vmem>>
        %dma_wait3A_38 = arith.constant 48 : i32
        %dma_wait3A_39 = tpu.memref_slice %arg8[%scan3A_15, %dma_wait3A_38] : memref<80x128xi32, #tpu.memory_space<vmem>> -> memref<1x16xi32, #tpu.memory_space<vmem>>
        %dma_wait3A_40 = tpu.memref_squeeze %dma_wait3A_39 : memref<1x16xi32, #tpu.memory_space<vmem>> -> memref<16xi32, #tpu.memory_space<vmem>>
        %dma_wait3A_41 = arith.constant 0 : i32
        %dma_wait3A_42 = arith.constant 0 : i32
        %dma_wait3A_43 = tpu.memref_slice %arg10[%dma_wait3A_41, %dma_wait3A_42] : memref<10240x64xf32, #tpu.memory_space<vmem_shared>> -> memref<10240x64xf32, #tpu.memory_space<vmem_shared>>
        tpu.wait_indirect_dma semaphore(%run_scoped3A : memref<!tpu.dma_semaphore, #tpu.memory_space<semaphore_mem>>) src(%dma_wait3A_37 : memref<16x64xf32, #tpu.memory_space<vmem>>) dst(%dma_wait3A_43 : memref<10240x64xf32, #tpu.memory_space<vmem_shared>>)
        tpu.yield
      }) : () -> ()
      "tpu.region"() ({
        %run_scoped3A = tpu.sem_alloc : memref<!tpu.dma_semaphore, #tpu.memory_space<semaphore_mem>>
        %dma_start3A_26 = arith.constant 64 : i32
        %dma_start3A_27 = arith.constant 0 : i32
        %dma_start3A_28 = tpu.memref_slice %arg9[%dma_start3A_26, %dma_start3A_27] : memref<128x64xf32, #tpu.memory_space<vmem>> -> memref<16x64xf32, #tpu.memory_space<vmem>>
        %dma_start3A_29 = arith.constant 64 : i32
        %dma_start3A_30 = tpu.memref_slice %arg8[%scan3A_15, %dma_start3A_29] : memref<80x128xi32, #tpu.memory_space<vmem>> -> memref<1x16xi32, #tpu.memory_space<vmem>>
        %dma_start3A_31 = tpu.memref_squeeze %dma_start3A_30 : memref<1x16xi32, #tpu.memory_space<vmem>> -> memref<16xi32, #tpu.memory_space<vmem>>
        %dma_start3A_32 = arith.constant 0 : i32
        %dma_start3A_33 = arith.constant 0 : i32
        %dma_start3A_34 = tpu.memref_slice %arg10[%dma_start3A_32, %dma_start3A_33] : memref<10240x64xf32, #tpu.memory_space<vmem_shared>> -> memref<10240x64xf32, #tpu.memory_space<vmem_shared>>
        tpu.enqueue_indirect_dma source(%dma_start3A_28 : memref<16x64xf32, #tpu.memory_space<vmem>>) target(%dma_start3A_34 : memref<10240x64xf32, #tpu.memory_space<vmem_shared>>) offsets(%dma_start3A_31 : memref<16xi32, #tpu.memory_space<vmem>>) semaphore(%run_scoped3A : memref<!tpu.dma_semaphore, #tpu.memory_space<semaphore_mem>>) {add = true}
        %dma_wait3A_35 = arith.constant 64 : i32
        %dma_wait3A_36 = arith.constant 0 : i32
        %dma_wait3A_37 = tpu.memref_slice %arg9[%dma_wait3A_35, %dma_wait3A_36] : memref<128x64xf32, #tpu.memory_space<vmem>> -> memref<16x64xf32, #tpu.memory_space<vmem>>
        %dma_wait3A_38 = arith.constant 64 : i32
        %dma_wait3A_39 = tpu.memref_slice %arg8[%scan3A_15, %dma_wait3A_38] : memref<80x128xi32, #tpu.memory_space<vmem>> -> memref<1x16xi32, #tpu.memory_space<vmem>>
        %dma_wait3A_40 = tpu.memref_squeeze %dma_wait3A_39 : memref<1x16xi32, #tpu.memory_space<vmem>> -> memref<16xi32, #tpu.memory_space<vmem>>
        %dma_wait3A_41 = arith.constant 0 : i32
        %dma_wait3A_42 = arith.constant 0 : i32
        %dma_wait3A_43 = tpu.memref_slice %arg10[%dma_wait3A_41, %dma_wait3A_42] : memref<10240x64xf32, #tpu.memory_space<vmem_shared>> -> memref<10240x64xf32, #tpu.memory_space<vmem_shared>>
        tpu.wait_indirect_dma semaphore(%run_scoped3A : memref<!tpu.dma_semaphore, #tpu.memory_space<semaphore_mem>>) src(%dma_wait3A_37 : memref<16x64xf32, #tpu.memory_space<vmem>>) dst(%dma_wait3A_43 : memref<10240x64xf32, #tpu.memory_space<vmem_shared>>)
        tpu.yield
      }) : () -> ()
      "tpu.region"() ({
        %run_scoped3A = tpu.sem_alloc : memref<!tpu.dma_semaphore, #tpu.memory_space<semaphore_mem>>
        %dma_start3A_26 = arith.constant 80 : i32
        %dma_start3A_27 = arith.constant 0 : i32
        %dma_start3A_28 = tpu.memref_slice %arg9[%dma_start3A_26, %dma_start3A_27] : memref<128x64xf32, #tpu.memory_space<vmem>> -> memref<16x64xf32, #tpu.memory_space<vmem>>
        %dma_start3A_29 = arith.constant 80 : i32
        %dma_start3A_30 = tpu.memref_slice %arg8[%scan3A_15, %dma_start3A_29] : memref<80x128xi32, #tpu.memory_space<vmem>> -> memref<1x16xi32, #tpu.memory_space<vmem>>
        %dma_start3A_31 = tpu.memref_squeeze %dma_start3A_30 : memref<1x16xi32, #tpu.memory_space<vmem>> -> memref<16xi32, #tpu.memory_space<vmem>>
        %dma_start3A_32 = arith.constant 0 : i32
        %dma_start3A_33 = arith.constant 0 : i32
        %dma_start3A_34 = tpu.memref_slice %arg10[%dma_start3A_32, %dma_start3A_33] : memref<10240x64xf32, #tpu.memory_space<vmem_shared>> -> memref<10240x64xf32, #tpu.memory_space<vmem_shared>>
        tpu.enqueue_indirect_dma source(%dma_start3A_28 : memref<16x64xf32, #tpu.memory_space<vmem>>) target(%dma_start3A_34 : memref<10240x64xf32, #tpu.memory_space<vmem_shared>>) offsets(%dma_start3A_31 : memref<16xi32, #tpu.memory_space<vmem>>) semaphore(%run_scoped3A : memref<!tpu.dma_semaphore, #tpu.memory_space<semaphore_mem>>) {add = true}
        %dma_wait3A_35 = arith.constant 80 : i32
        %dma_wait3A_36 = arith.constant 0 : i32
        %dma_wait3A_37 = tpu.memref_slice %arg9[%dma_wait3A_35, %dma_wait3A_36] : memref<128x64xf32, #tpu.memory_space<vmem>> -> memref<16x64xf32, #tpu.memory_space<vmem>>
        %dma_wait3A_38 = arith.constant 80 : i32
        %dma_wait3A_39 = tpu.memref_slice %arg8[%scan3A_15, %dma_wait3A_38] : memref<80x128xi32, #tpu.memory_space<vmem>> -> memref<1x16xi32, #tpu.memory_space<vmem>>
        %dma_wait3A_40 = tpu.memref_squeeze %dma_wait3A_39 : memref<1x16xi32, #tpu.memory_space<vmem>> -> memref<16xi32, #tpu.memory_space<vmem>>
        %dma_wait3A_41 = arith.constant 0 : i32
        %dma_wait3A_42 = arith.constant 0 : i32
        %dma_wait3A_43 = tpu.memref_slice %arg10[%dma_wait3A_41, %dma_wait3A_42] : memref<10240x64xf32, #tpu.memory_space<vmem_shared>> -> memref<10240x64xf32, #tpu.memory_space<vmem_shared>>
        tpu.wait_indirect_dma semaphore(%run_scoped3A : memref<!tpu.dma_semaphore, #tpu.memory_space<semaphore_mem>>) src(%dma_wait3A_37 : memref<16x64xf32, #tpu.memory_space<vmem>>) dst(%dma_wait3A_43 : memref<10240x64xf32, #tpu.memory_space<vmem_shared>>)
        tpu.yield
      }) : () -> ()
      "tpu.region"() ({
        %run_scoped3A = tpu.sem_alloc : memref<!tpu.dma_semaphore, #tpu.memory_space<semaphore_mem>>
        %dma_start3A_26 = arith.constant 96 : i32
        %dma_start3A_27 = arith.constant 0 : i32
        %dma_start3A_28 = tpu.memref_slice %arg9[%dma_start3A_26, %dma_start3A_27] : memref<128x64xf32, #tpu.memory_space<vmem>> -> memref<16x64xf32, #tpu.memory_space<vmem>>
        %dma_start3A_29 = arith.constant 96 : i32
        %dma_start3A_30 = tpu.memref_slice %arg8[%scan3A_15, %dma_start3A_29] : memref<80x128xi32, #tpu.memory_space<vmem>> -> memref<1x16xi32, #tpu.memory_space<vmem>>
        %dma_start3A_31 = tpu.memref_squeeze %dma_start3A_30 : memref<1x16xi32, #tpu.memory_space<vmem>> -> memref<16xi32, #tpu.memory_space<vmem>>
        %dma_start3A_32 = arith.constant 0 : i32
        %dma_start3A_33 = arith.constant 0 : i32
        %dma_start3A_34 = tpu.memref_slice %arg10[%dma_start3A_32, %dma_start3A_33] : memref<10240x64xf32, #tpu.memory_space<vmem_shared>> -> memref<10240x64xf32, #tpu.memory_space<vmem_shared>>
        tpu.enqueue_indirect_dma source(%dma_start3A_28 : memref<16x64xf32, #tpu.memory_space<vmem>>) target(%dma_start3A_34 : memref<10240x64xf32, #tpu.memory_space<vmem_shared>>) offsets(%dma_start3A_31 : memref<16xi32, #tpu.memory_space<vmem>>) semaphore(%run_scoped3A : memref<!tpu.dma_semaphore, #tpu.memory_space<semaphore_mem>>) {add = true}
        %dma_wait3A_35 = arith.constant 96 : i32
        %dma_wait3A_36 = arith.constant 0 : i32
        %dma_wait3A_37 = tpu.memref_slice %arg9[%dma_wait3A_35, %dma_wait3A_36] : memref<128x64xf32, #tpu.memory_space<vmem>> -> memref<16x64xf32, #tpu.memory_space<vmem>>
        %dma_wait3A_38 = arith.constant 96 : i32
        %dma_wait3A_39 = tpu.memref_slice %arg8[%scan3A_15, %dma_wait3A_38] : memref<80x128xi32, #tpu.memory_space<vmem>> -> memref<1x16xi32, #tpu.memory_space<vmem>>
        %dma_wait3A_40 = tpu.memref_squeeze %dma_wait3A_39 : memref<1x16xi32, #tpu.memory_space<vmem>> -> memref<16xi32, #tpu.memory_space<vmem>>
        %dma_wait3A_41 = arith.constant 0 : i32
        %dma_wait3A_42 = arith.constant 0 : i32
        %dma_wait3A_43 = tpu.memref_slice %arg10[%dma_wait3A_41, %dma_wait3A_42] : memref<10240x64xf32, #tpu.memory_space<vmem_shared>> -> memref<10240x64xf32, #tpu.memory_space<vmem_shared>>
        tpu.wait_indirect_dma semaphore(%run_scoped3A : memref<!tpu.dma_semaphore, #tpu.memory_space<semaphore_mem>>) src(%dma_wait3A_37 : memref<16x64xf32, #tpu.memory_space<vmem>>) dst(%dma_wait3A_43 : memref<10240x64xf32, #tpu.memory_space<vmem_shared>>)
        tpu.yield
      }) : () -> ()
      "tpu.region"() ({
        %run_scoped3A = tpu.sem_alloc : memref<!tpu.dma_semaphore, #tpu.memory_space<semaphore_mem>>
        %dma_start3A_26 = arith.constant 112 : i32
        %dma_start3A_27 = arith.constant 0 : i32
        %dma_start3A_28 = tpu.memref_slice %arg9[%dma_start3A_26, %dma_start3A_27] : memref<128x64xf32, #tpu.memory_space<vmem>> -> memref<16x64xf32, #tpu.memory_space<vmem>>
        %dma_start3A_29 = arith.constant 112 : i32
        %dma_start3A_30 = tpu.memref_slice %arg8[%scan3A_15, %dma_start3A_29] : memref<80x128xi32, #tpu.memory_space<vmem>> -> memref<1x16xi32, #tpu.memory_space<vmem>>
        %dma_start3A_31 = tpu.memref_squeeze %dma_start3A_30 : memref<1x16xi32, #tpu.memory_space<vmem>> -> memref<16xi32, #tpu.memory_space<vmem>>
        %dma_start3A_32 = arith.constant 0 : i32
        %dma_start3A_33 = arith.constant 0 : i32
        %dma_start3A_34 = tpu.memref_slice %arg10[%dma_start3A_32, %dma_start3A_33] : memref<10240x64xf32, #tpu.memory_space<vmem_shared>> -> memref<10240x64xf32, #tpu.memory_space<vmem_shared>>
        tpu.enqueue_indirect_dma source(%dma_start3A_28 : memref<16x64xf32, #tpu.memory_space<vmem>>) target(%dma_start3A_34 : memref<10240x64xf32, #tpu.memory_space<vmem_shared>>) offsets(%dma_start3A_31 : memref<16xi32, #tpu.memory_space<vmem>>) semaphore(%run_scoped3A : memref<!tpu.dma_semaphore, #tpu.memory_space<semaphore_mem>>) {add = true}
        %dma_wait3A_35 = arith.constant 112 : i32
        %dma_wait3A_36 = arith.constant 0 : i32
        %dma_wait3A_37 = tpu.memref_slice %arg9[%dma_wait3A_35, %dma_wait3A_36] : memref<128x64xf32, #tpu.memory_space<vmem>> -> memref<16x64xf32, #tpu.memory_space<vmem>>
        %dma_wait3A_38 = arith.constant 112 : i32
        %dma_wait3A_39 = tpu.memref_slice %arg8[%scan3A_15, %dma_wait3A_38] : memref<80x128xi32, #tpu.memory_space<vmem>> -> memref<1x16xi32, #tpu.memory_space<vmem>>
        %dma_wait3A_40 = tpu.memref_squeeze %dma_wait3A_39 : memref<1x16xi32, #tpu.memory_space<vmem>> -> memref<16xi32, #tpu.memory_space<vmem>>
        %dma_wait3A_41 = arith.constant 0 : i32
        %dma_wait3A_42 = arith.constant 0 : i32
        %dma_wait3A_43 = tpu.memref_slice %arg10[%dma_wait3A_41, %dma_wait3A_42] : memref<10240x64xf32, #tpu.memory_space<vmem_shared>> -> memref<10240x64xf32, #tpu.memory_space<vmem_shared>>
        tpu.wait_indirect_dma semaphore(%run_scoped3A : memref<!tpu.dma_semaphore, #tpu.memory_space<semaphore_mem>>) src(%dma_wait3A_37 : memref<16x64xf32, #tpu.memory_space<vmem>>) dst(%dma_wait3A_43 : memref<10240x64xf32, #tpu.memory_space<vmem_shared>>)
        tpu.yield
      }) : () -> ()
    }
    %scan3A_9 = arith.constant 80 : i32
    %barrier3A_10 = arith.constant 0 : index
    tpu.barrier barrier_id(%barrier3A_10)
    %mul3A_11 = arith.constant 640 : i32
    %mul3A_12 = arith.muli %arg1, %mul3A_11 : i32
    %mul3A_13 = arith.constant 640 : i32
    %mul3A_14 = arith.muli %arg1, %mul3A_13 : i32
    "tpu.region"() ({
      %run_scoped3A = tpu.sem_alloc : memref<!tpu.dma_semaphore, #tpu.memory_space<semaphore_mem>>
      %dma_start3A = arith.constant 0 : i32
      %dma_start3A_15 = tpu.memref_slice %arg6[%arg0, %mul3A_14, %dma_start3A] : memref<2x10240x64xf32, #tpu.memory_space<hbm>> -> memref<1x640x64xf32, #tpu.memory_space<hbm>>
      %dma_start3A_16 = tpu.memref_squeeze %dma_start3A_15 : memref<1x640x64xf32, #tpu.memory_space<hbm>> -> memref<640x64xf32, #tpu.memory_space<hbm>>
      %dma_start3A_17 = arith.constant 0 : i32
      %dma_start3A_18 = tpu.memref_slice %arg10[%mul3A_12, %dma_start3A_17] : memref<10240x64xf32, #tpu.memory_space<vmem_shared>> -> memref<640x64xf32, #tpu.memory_space<vmem_shared>>
      tpu.enqueue_dma source(%dma_start3A_18 : memref<640x64xf32, #tpu.memory_space<vmem_shared>>) target(%dma_start3A_16 : memref<640x64xf32, #tpu.memory_space<hbm>>) target_semaphore(%run_scoped3A : memref<!tpu.dma_semaphore, #tpu.memory_space<semaphore_mem>>)
      %dma_wait3A = arith.constant 0 : i32
      %dma_wait3A_19 = tpu.memref_slice %arg6[%arg0, %mul3A_14, %dma_wait3A] : memref<2x10240x64xf32, #tpu.memory_space<hbm>> -> memref<1x640x64xf32, #tpu.memory_space<hbm>>
      %dma_wait3A_20 = tpu.memref_squeeze %dma_wait3A_19 : memref<1x640x64xf32, #tpu.memory_space<hbm>> -> memref<640x64xf32, #tpu.memory_space<hbm>>
      %dma_wait3A_21 = arith.constant 0 : i32
      %dma_wait3A_22 = tpu.memref_slice %arg10[%mul3A_12, %dma_wait3A_21] : memref<10240x64xf32, #tpu.memory_space<vmem_shared>> -> memref<640x64xf32, #tpu.memory_space<vmem_shared>>
      tpu.wait_dma2 semaphore(%run_scoped3A : memref<!tpu.dma_semaphore, #tpu.memory_space<semaphore_mem>>) src(%dma_wait3A_22 : memref<640x64xf32, #tpu.memory_space<vmem_shared>>) dst(%dma_wait3A_20 : memref<640x64xf32, #tpu.memory_space<hbm>>)
      tpu.yield
    }) : () -> ()
    return
  }
}

module attributes {stable_mosaic.version = 14 : i64} {
  func.func @_tc_first(%arg0: memref<10000x128xf32, #tpu.memory_space<vmem>>, %arg1: memref<128x128xf32, #tpu.memory_space<vmem>>, %arg2: memref<10000x128xf32, #tpu.memory_space<vmem>>) attributes {dimension_semantics = [], scalar_prefetch = 0 : i64, scratch_operands = 0 : i64, tpu.core_type = #tpu.core_type<tc>} {
    %get3A = arith.constant 0 : index
    %get3A_0 = arith.constant 0 : index
    %get3A_1 = vector.load %arg0[%get3A, %get3A_0] : memref<10000x128xf32, #tpu.memory_space<vmem>>, vector<10000x128xf32>
    %get3A_2 = arith.constant 0 : index
    %get3A_3 = arith.constant 0 : index
    %get3A_4 = vector.load %arg1[%get3A_2, %get3A_3] : memref<128x128xf32, #tpu.memory_space<vmem>>, vector<128x128xf32>
    %transpose3A = tpu.transpose %get3A_4, [1, 0] : vector<128x128xf32> -> vector<128x128xf32>
    %dot_general3A = arith.constant dense<0.000000e+00> : vector<10000x128xf32>
    %dot_general3A_5 = tpu.matmul %get3A_1, %transpose3A, %dot_general3A {dimension_numbers = #tpu.dot_dimension_numbers<[1], [0], [0], [1], [0, 0, 1, 1], [], []>, transpose_lhs_hint = false} : vector<10000x128xf32>, vector<128x128xf32>, vector<10000x128xf32> -> vector<10000x128xf32>
    %swap3A = arith.constant 0 : index
    %swap3A_6 = arith.constant 0 : index
    %swap3A_7 = vector.load %arg2[%swap3A, %swap3A_6] : memref<10000x128xf32, #tpu.memory_space<vmem>>, vector<10000x128xf32>
    tpu.vector_store %arg2[%swap3A, %swap3A_6], %dot_general3A_5 {strides = array<i32>} : memref<10000x128xf32, #tpu.memory_space<vmem>>, vector<10000x128xf32>,
    return
  }
}

module attributes {stable_mosaic.version = 14 : i64} {
  func.func @_tc_mlp(%arg0: memref<10000x128xf32, #tpu.memory_space<vmem>>, %arg1: memref<2x10240x128xf32, #tpu.memory_space<vmem>>, %arg2: memref<32xi32, #tpu.memory_space<smem>>, %arg3: memref<64x128xf32, #tpu.memory_space<vmem>>, %arg4: memref<64xf32, #tpu.memory_space<vmem>>, %arg5: memref<64x64xf32, #tpu.memory_space<vmem>>, %arg6: memref<64xf32, #tpu.memory_space<vmem>>, %arg7: memref<10000x64xf32, #tpu.memory_space<vmem>>) attributes {dimension_semantics = [], scalar_prefetch = 0 : i64, scratch_operands = 0 : i64, tpu.core_type = #tpu.core_type<tc>} {
    %get3A = arith.constant 0 : index
    %get3A_0 = arith.constant 0 : index
    %get3A_1 = arith.constant 0 : index
    %get3A_2 = vector.load %arg1[%get3A, %get3A_0, %get3A_1] : memref<2x10240x128xf32, #tpu.memory_space<vmem>>, vector<1x10000x128xf32>
    %get3A_3 = vector.shape_cast %get3A_2 : vector<1x10000x128xf32> to vector<10000x128xf32>
    %get3A_4 = arith.constant 1 : index
    %get3A_5 = arith.constant 0 : index
    %get3A_6 = arith.constant 0 : index
    %get3A_7 = vector.load %arg1[%get3A_4, %get3A_5, %get3A_6] : memref<2x10240x128xf32, #tpu.memory_space<vmem>>, vector<1x10000x128xf32>
    %get3A_8 = vector.shape_cast %get3A_7 : vector<1x10000x128xf32> to vector<10000x128xf32>
    %add3A = arith.addf %get3A_3, %get3A_8 : vector<10000x128xf32>
    %iota3A = tpu.iota {dimensions = array<i32: 0>} : vector<10000x1xi32>
    %get3A_9 = arith.constant 1 : index
    %get3A_10 = memref.load %arg2[%get3A_9] : memref<32xi32, #tpu.memory_space<smem>>
    %get3A_11 = arith.constant 0 : index
    %get3A_12 = arith.constant 10001 : index
    %get3A_13 = arith.constant 0 : index
    %get3A_14 = vector.load %arg1[%get3A_11, %get3A_12, %get3A_13] : memref<2x10240x128xf32, #tpu.memory_space<vmem>>, vector<1x1x128xf32>
    %get3A_15 = vector.shape_cast %get3A_14 : vector<1x1x128xf32> to vector<128xf32>
    %eq3A = vector.broadcast %get3A_10 : i32 to vector<10000x1xi32>
    %eq3A_16 = arith.cmpi eq, %iota3A, %eq3A : vector<10000x1xi32>
    %broadcast_in_dim3A = vector.shape_cast %get3A_15 : vector<128xf32> to vector<1x128xf32>
    %jit3A = arith.constant 0.000000e+00 : f32
    %broadcast_in_dim3A_17 = vector.shape_cast %eq3A_16 : vector<10000x1xi1> to vector<10000x1xi1>
    %broadcast_in_dim3A_18 = vector.broadcast %broadcast_in_dim3A_17 : vector<10000x1xi1> to vector<10000x128xi1>
    %broadcast_in_dim3A_19 = vector.shape_cast %broadcast_in_dim3A : vector<1x128xf32> to vector<1x128xf32>
    %broadcast_in_dim3A_20 = vector.broadcast %broadcast_in_dim3A_19 : vector<1x128xf32> to vector<10000x128xf32>
    %broadcast_in_dim3A_21 = vector.broadcast %jit3A : f32 to vector<10000x128xf32>
    %select_n3A = arith.select %broadcast_in_dim3A_18, %broadcast_in_dim3A_20, %broadcast_in_dim3A_21 : vector<10000x128xi1>, vector<10000x128xf32>
    %add3A_22 = arith.addf %add3A, %select_n3A : vector<10000x128xf32>
    %get3A_23 = arith.constant 2 : index
    %get3A_24 = memref.load %arg2[%get3A_23] : memref<32xi32, #tpu.memory_space<smem>>
    %get3A_25 = arith.constant 0 : index
    %get3A_26 = arith.constant 10002 : index
    %get3A_27 = arith.constant 0 : index
    %get3A_28 = vector.load %arg1[%get3A_25, %get3A_26, %get3A_27] : memref<2x10240x128xf32, #tpu.memory_space<vmem>>, vector<1x1x128xf32>
    %get3A_29 = vector.shape_cast %get3A_28 : vector<1x1x128xf32> to vector<128xf32>
    %eq3A_30 = vector.broadcast %get3A_24 : i32 to vector<10000x1xi32>
    %eq3A_31 = arith.cmpi eq, %iota3A, %eq3A_30 : vector<10000x1xi32>
    %broadcast_in_dim3A_32 = vector.shape_cast %get3A_29 : vector<128xf32> to vector<1x128xf32>
    %jit3A_33 = arith.constant 0.000000e+00 : f32
    %broadcast_in_dim3A_34 = vector.shape_cast %eq3A_31 : vector<10000x1xi1> to vector<10000x1xi1>
    %broadcast_in_dim3A_35 = vector.broadcast %broadcast_in_dim3A_34 : vector<10000x1xi1> to vector<10000x128xi1>
    %broadcast_in_dim3A_36 = vector.shape_cast %broadcast_in_dim3A_32 : vector<1x128xf32> to vector<1x128xf32>
    %broadcast_in_dim3A_37 = vector.broadcast %broadcast_in_dim3A_36 : vector<1x128xf32> to vector<10000x128xf32>
    %broadcast_in_dim3A_38 = vector.broadcast %jit3A_33 : f32 to vector<10000x128xf32>
    %select_n3A_39 = arith.select %broadcast_in_dim3A_35, %broadcast_in_dim3A_37, %broadcast_in_dim3A_38 : vector<10000x128xi1>, vector<10000x128xf32>
    %add3A_40 = arith.addf %add3A_22, %select_n3A_39 : vector<10000x128xf32>
    %get3A_41 = arith.constant 3 : index
    %get3A_42 = memref.load %arg2[%get3A_41] : memref<32xi32, #tpu.memory_space<smem>>
    %get3A_43 = arith.constant 0 : index
    %get3A_44 = arith.constant 10003 : index
    %get3A_45 = arith.constant 0 : index
    %get3A_46 = vector.load %arg1[%get3A_43, %get3A_44, %get3A_45] : memref<2x10240x128xf32, #tpu.memory_space<vmem>>, vector<1x1x128xf32>
    %get3A_47 = vector.shape_cast %get3A_46 : vector<1x1x128xf32> to vector<128xf32>
    %eq3A_48 = vector.broadcast %get3A_42 : i32 to vector<10000x1xi32>
    %eq3A_49 = arith.cmpi eq, %iota3A, %eq3A_48 : vector<10000x1xi32>
    %broadcast_in_dim3A_50 = vector.shape_cast %get3A_47 : vector<128xf32> to vector<1x128xf32>
    %jit3A_51 = arith.constant 0.000000e+00 : f32
    %broadcast_in_dim3A_52 = vector.shape_cast %eq3A_49 : vector<10000x1xi1> to vector<10000x1xi1>
    %broadcast_in_dim3A_53 = vector.broadcast %broadcast_in_dim3A_52 : vector<10000x1xi1> to vector<10000x128xi1>
    %broadcast_in_dim3A_54 = vector.shape_cast %broadcast_in_dim3A_50 : vector<1x128xf32> to vector<1x128xf32>
    %broadcast_in_dim3A_55 = vector.broadcast %broadcast_in_dim3A_54 : vector<1x128xf32> to vector<10000x128xf32>
    %broadcast_in_dim3A_56 = vector.broadcast %jit3A_51 : f32 to vector<10000x128xf32>
    %select_n3A_57 = arith.select %broadcast_in_dim3A_53, %broadcast_in_dim3A_55, %broadcast_in_dim3A_56 : vector<10000x128xi1>, vector<10000x128xf32>
    %add3A_58 = arith.addf %add3A_40, %select_n3A_57 : vector<10000x128xf32>
    %get3A_59 = arith.constant 4 : index
    %get3A_60 = memref.load %arg2[%get3A_59] : memref<32xi32, #tpu.memory_space<smem>>
    %get3A_61 = arith.constant 0 : index
    %get3A_62 = arith.constant 10004 : index
    %get3A_63 = arith.constant 0 : index
    %get3A_64 = vector.load %arg1[%get3A_61, %get3A_62, %get3A_63] : memref<2x10240x128xf32, #tpu.memory_space<vmem>>, vector<1x1x128xf32>
    %get3A_65 = vector.shape_cast %get3A_64 : vector<1x1x128xf32> to vector<128xf32>
    %eq3A_66 = vector.broadcast %get3A_60 : i32 to vector<10000x1xi32>
    %eq3A_67 = arith.cmpi eq, %iota3A, %eq3A_66 : vector<10000x1xi32>
    %broadcast_in_dim3A_68 = vector.shape_cast %get3A_65 : vector<128xf32> to vector<1x128xf32>
    %jit3A_69 = arith.constant 0.000000e+00 : f32
    %broadcast_in_dim3A_70 = vector.shape_cast %eq3A_67 : vector<10000x1xi1> to vector<10000x1xi1>
    %broadcast_in_dim3A_71 = vector.broadcast %broadcast_in_dim3A_70 : vector<10000x1xi1> to vector<10000x128xi1>
    %broadcast_in_dim3A_72 = vector.shape_cast %broadcast_in_dim3A_68 : vector<1x128xf32> to vector<1x128xf32>
    %broadcast_in_dim3A_73 = vector.broadcast %broadcast_in_dim3A_72 : vector<1x128xf32> to vector<10000x128xf32>
    %broadcast_in_dim3A_74 = vector.broadcast %jit3A_69 : f32 to vector<10000x128xf32>
    %select_n3A_75 = arith.select %broadcast_in_dim3A_71, %broadcast_in_dim3A_73, %broadcast_in_dim3A_74 : vector<10000x128xi1>, vector<10000x128xf32>
    %add3A_76 = arith.addf %add3A_58, %select_n3A_75 : vector<10000x128xf32>
    %get3A_77 = arith.constant 5 : index
    %get3A_78 = memref.load %arg2[%get3A_77] : memref<32xi32, #tpu.memory_space<smem>>
    %get3A_79 = arith.constant 0 : index
    %get3A_80 = arith.constant 10005 : index
    %get3A_81 = arith.constant 0 : index
    %get3A_82 = vector.load %arg1[%get3A_79, %get3A_80, %get3A_81] : memref<2x10240x128xf32, #tpu.memory_space<vmem>>, vector<1x1x128xf32>
    %get3A_83 = vector.shape_cast %get3A_82 : vector<1x1x128xf32> to vector<128xf32>
    %eq3A_84 = vector.broadcast %get3A_78 : i32 to vector<10000x1xi32>
    %eq3A_85 = arith.cmpi eq, %iota3A, %eq3A_84 : vector<10000x1xi32>
    %broadcast_in_dim3A_86 = vector.shape_cast %get3A_83 : vector<128xf32> to vector<1x128xf32>
    %jit3A_87 = arith.constant 0.000000e+00 : f32
    %broadcast_in_dim3A_88 = vector.shape_cast %eq3A_85 : vector<10000x1xi1> to vector<10000x1xi1>
    %broadcast_in_dim3A_89 = vector.broadcast %broadcast_in_dim3A_88 : vector<10000x1xi1> to vector<10000x128xi1>
    %broadcast_in_dim3A_90 = vector.shape_cast %broadcast_in_dim3A_86 : vector<1x128xf32> to vector<1x128xf32>
    %broadcast_in_dim3A_91 = vector.broadcast %broadcast_in_dim3A_90 : vector<1x128xf32> to vector<10000x128xf32>
    %broadcast_in_dim3A_92 = vector.broadcast %jit3A_87 : f32 to vector<10000x128xf32>
    %select_n3A_93 = arith.select %broadcast_in_dim3A_89, %broadcast_in_dim3A_91, %broadcast_in_dim3A_92 : vector<10000x128xi1>, vector<10000x128xf32>
    %add3A_94 = arith.addf %add3A_76, %select_n3A_93 : vector<10000x128xf32>
    %get3A_95 = arith.constant 6 : index
    %get3A_96 = memref.load %arg2[%get3A_95] : memref<32xi32, #tpu.memory_space<smem>>
    %get3A_97 = arith.constant 0 : index
    %get3A_98 = arith.constant 10006 : index
    %get3A_99 = arith.constant 0 : index
    %get3A_100 = vector.load %arg1[%get3A_97, %get3A_98, %get3A_99] : memref<2x10240x128xf32, #tpu.memory_space<vmem>>, vector<1x1x128xf32>
    %get3A_101 = vector.shape_cast %get3A_100 : vector<1x1x128xf32> to vector<128xf32>
    %eq3A_102 = vector.broadcast %get3A_96 : i32 to vector<10000x1xi32>
    %eq3A_103 = arith.cmpi eq, %iota3A, %eq3A_102 : vector<10000x1xi32>
    %broadcast_in_dim3A_104 = vector.shape_cast %get3A_101 : vector<128xf32> to vector<1x128xf32>
    %jit3A_105 = arith.constant 0.000000e+00 : f32
    %broadcast_in_dim3A_106 = vector.shape_cast %eq3A_103 : vector<10000x1xi1> to vector<10000x1xi1>
    %broadcast_in_dim3A_107 = vector.broadcast %broadcast_in_dim3A_106 : vector<10000x1xi1> to vector<10000x128xi1>
    %broadcast_in_dim3A_108 = vector.shape_cast %broadcast_in_dim3A_104 : vector<1x128xf32> to vector<1x128xf32>
    %broadcast_in_dim3A_109 = vector.broadcast %broadcast_in_dim3A_108 : vector<1x128xf32> to vector<10000x128xf32>
    %broadcast_in_dim3A_110 = vector.broadcast %jit3A_105 : f32 to vector<10000x128xf32>
    %select_n3A_111 = arith.select %broadcast_in_dim3A_107, %broadcast_in_dim3A_109, %broadcast_in_dim3A_110 : vector<10000x128xi1>, vector<10000x128xf32>
    %add3A_112 = arith.addf %add3A_94, %select_n3A_111 : vector<10000x128xf32>
    %get3A_113 = arith.constant 7 : index
    %get3A_114 = memref.load %arg2[%get3A_113] : memref<32xi32, #tpu.memory_space<smem>>
    %get3A_115 = arith.constant 0 : index
    %get3A_116 = arith.constant 10007 : index
    %get3A_117 = arith.constant 0 : index
    %get3A_118 = vector.load %arg1[%get3A_115, %get3A_116, %get3A_117] : memref<2x10240x128xf32, #tpu.memory_space<vmem>>, vector<1x1x128xf32>
    %get3A_119 = vector.shape_cast %get3A_118 : vector<1x1x128xf32> to vector<128xf32>
    %eq3A_120 = vector.broadcast %get3A_114 : i32 to vector<10000x1xi32>
    %eq3A_121 = arith.cmpi eq, %iota3A, %eq3A_120 : vector<10000x1xi32>
    %broadcast_in_dim3A_122 = vector.shape_cast %get3A_119 : vector<128xf32> to vector<1x128xf32>
    %jit3A_123 = arith.constant 0.000000e+00 : f32
    %broadcast_in_dim3A_124 = vector.shape_cast %eq3A_121 : vector<10000x1xi1> to vector<10000x1xi1>
    %broadcast_in_dim3A_125 = vector.broadcast %broadcast_in_dim3A_124 : vector<10000x1xi1> to vector<10000x128xi1>
    %broadcast_in_dim3A_126 = vector.shape_cast %broadcast_in_dim3A_122 : vector<1x128xf32> to vector<1x128xf32>
    %broadcast_in_dim3A_127 = vector.broadcast %broadcast_in_dim3A_126 : vector<1x128xf32> to vector<10000x128xf32>
    %broadcast_in_dim3A_128 = vector.broadcast %jit3A_123 : f32 to vector<10000x128xf32>
    %select_n3A_129 = arith.select %broadcast_in_dim3A_125, %broadcast_in_dim3A_127, %broadcast_in_dim3A_128 : vector<10000x128xi1>, vector<10000x128xf32>
    %add3A_130 = arith.addf %add3A_112, %select_n3A_129 : vector<10000x128xf32>
    %get3A_131 = arith.constant 8 : index
    %get3A_132 = memref.load %arg2[%get3A_131] : memref<32xi32, #tpu.memory_space<smem>>
    %get3A_133 = arith.constant 0 : index
    %get3A_134 = arith.constant 10008 : index
    %get3A_135 = arith.constant 0 : index
    %get3A_136 = vector.load %arg1[%get3A_133, %get3A_134, %get3A_135] : memref<2x10240x128xf32, #tpu.memory_space<vmem>>, vector<1x1x128xf32>
    %get3A_137 = vector.shape_cast %get3A_136 : vector<1x1x128xf32> to vector<128xf32>
    %eq3A_138 = vector.broadcast %get3A_132 : i32 to vector<10000x1xi32>
    %eq3A_139 = arith.cmpi eq, %iota3A, %eq3A_138 : vector<10000x1xi32>
    %broadcast_in_dim3A_140 = vector.shape_cast %get3A_137 : vector<128xf32> to vector<1x128xf32>
    %jit3A_141 = arith.constant 0.000000e+00 : f32
    %broadcast_in_dim3A_142 = vector.shape_cast %eq3A_139 : vector<10000x1xi1> to vector<10000x1xi1>
    %broadcast_in_dim3A_143 = vector.broadcast %broadcast_in_dim3A_142 : vector<10000x1xi1> to vector<10000x128xi1>
    %broadcast_in_dim3A_144 = vector.shape_cast %broadcast_in_dim3A_140 : vector<1x128xf32> to vector<1x128xf32>
    %broadcast_in_dim3A_145 = vector.broadcast %broadcast_in_dim3A_144 : vector<1x128xf32> to vector<10000x128xf32>
    %broadcast_in_dim3A_146 = vector.broadcast %jit3A_141 : f32 to vector<10000x128xf32>
    %select_n3A_147 = arith.select %broadcast_in_dim3A_143, %broadcast_in_dim3A_145, %broadcast_in_dim3A_146 : vector<10000x128xi1>, vector<10000x128xf32>
    %add3A_148 = arith.addf %add3A_130, %select_n3A_147 : vector<10000x128xf32>
    %get3A_149 = arith.constant 9 : index
    %get3A_150 = memref.load %arg2[%get3A_149] : memref<32xi32, #tpu.memory_space<smem>>
    %get3A_151 = arith.constant 0 : index
    %get3A_152 = arith.constant 10009 : index
    %get3A_153 = arith.constant 0 : index
    %get3A_154 = vector.load %arg1[%get3A_151, %get3A_152, %get3A_153] : memref<2x10240x128xf32, #tpu.memory_space<vmem>>, vector<1x1x128xf32>
    %get3A_155 = vector.shape_cast %get3A_154 : vector<1x1x128xf32> to vector<128xf32>
    %eq3A_156 = vector.broadcast %get3A_150 : i32 to vector<10000x1xi32>
    %eq3A_157 = arith.cmpi eq, %iota3A, %eq3A_156 : vector<10000x1xi32>
    %broadcast_in_dim3A_158 = vector.shape_cast %get3A_155 : vector<128xf32> to vector<1x128xf32>
    %jit3A_159 = arith.constant 0.000000e+00 : f32
    %broadcast_in_dim3A_160 = vector.shape_cast %eq3A_157 : vector<10000x1xi1> to vector<10000x1xi1>
    %broadcast_in_dim3A_161 = vector.broadcast %broadcast_in_dim3A_160 : vector<10000x1xi1> to vector<10000x128xi1>
    %broadcast_in_dim3A_162 = vector.shape_cast %broadcast_in_dim3A_158 : vector<1x128xf32> to vector<1x128xf32>
    %broadcast_in_dim3A_163 = vector.broadcast %broadcast_in_dim3A_162 : vector<1x128xf32> to vector<10000x128xf32>
    %broadcast_in_dim3A_164 = vector.broadcast %jit3A_159 : f32 to vector<10000x128xf32>
    %select_n3A_165 = arith.select %broadcast_in_dim3A_161, %broadcast_in_dim3A_163, %broadcast_in_dim3A_164 : vector<10000x128xi1>, vector<10000x128xf32>
    %add3A_166 = arith.addf %add3A_148, %select_n3A_165 : vector<10000x128xf32>
    %get3A_167 = arith.constant 10 : index
    %get3A_168 = memref.load %arg2[%get3A_167] : memref<32xi32, #tpu.memory_space<smem>>
    %get3A_169 = arith.constant 0 : index
    %get3A_170 = arith.constant 10010 : index
    %get3A_171 = arith.constant 0 : index
    %get3A_172 = vector.load %arg1[%get3A_169, %get3A_170, %get3A_171] : memref<2x10240x128xf32, #tpu.memory_space<vmem>>, vector<1x1x128xf32>
    %get3A_173 = vector.shape_cast %get3A_172 : vector<1x1x128xf32> to vector<128xf32>
    %eq3A_174 = vector.broadcast %get3A_168 : i32 to vector<10000x1xi32>
    %eq3A_175 = arith.cmpi eq, %iota3A, %eq3A_174 : vector<10000x1xi32>
    %broadcast_in_dim3A_176 = vector.shape_cast %get3A_173 : vector<128xf32> to vector<1x128xf32>
    %jit3A_177 = arith.constant 0.000000e+00 : f32
    %broadcast_in_dim3A_178 = vector.shape_cast %eq3A_175 : vector<10000x1xi1> to vector<10000x1xi1>
    %broadcast_in_dim3A_179 = vector.broadcast %broadcast_in_dim3A_178 : vector<10000x1xi1> to vector<10000x128xi1>
    %broadcast_in_dim3A_180 = vector.shape_cast %broadcast_in_dim3A_176 : vector<1x128xf32> to vector<1x128xf32>
    %broadcast_in_dim3A_181 = vector.broadcast %broadcast_in_dim3A_180 : vector<1x128xf32> to vector<10000x128xf32>
    %broadcast_in_dim3A_182 = vector.broadcast %jit3A_177 : f32 to vector<10000x128xf32>
    %select_n3A_183 = arith.select %broadcast_in_dim3A_179, %broadcast_in_dim3A_181, %broadcast_in_dim3A_182 : vector<10000x128xi1>, vector<10000x128xf32>
    %add3A_184 = arith.addf %add3A_166, %select_n3A_183 : vector<10000x128xf32>
    %get3A_185 = arith.constant 11 : index
    %get3A_186 = memref.load %arg2[%get3A_185] : memref<32xi32, #tpu.memory_space<smem>>
    %get3A_187 = arith.constant 0 : index
    %get3A_188 = arith.constant 10011 : index
    %get3A_189 = arith.constant 0 : index
    %get3A_190 = vector.load %arg1[%get3A_187, %get3A_188, %get3A_189] : memref<2x10240x128xf32, #tpu.memory_space<vmem>>, vector<1x1x128xf32>
    %get3A_191 = vector.shape_cast %get3A_190 : vector<1x1x128xf32> to vector<128xf32>
    %eq3A_192 = vector.broadcast %get3A_186 : i32 to vector<10000x1xi32>
    %eq3A_193 = arith.cmpi eq, %iota3A, %eq3A_192 : vector<10000x1xi32>
    %broadcast_in_dim3A_194 = vector.shape_cast %get3A_191 : vector<128xf32> to vector<1x128xf32>
    %jit3A_195 = arith.constant 0.000000e+00 : f32
    %broadcast_in_dim3A_196 = vector.shape_cast %eq3A_193 : vector<10000x1xi1> to vector<10000x1xi1>
    %broadcast_in_dim3A_197 = vector.broadcast %broadcast_in_dim3A_196 : vector<10000x1xi1> to vector<10000x128xi1>
    %broadcast_in_dim3A_198 = vector.shape_cast %broadcast_in_dim3A_194 : vector<1x128xf32> to vector<1x128xf32>
    %broadcast_in_dim3A_199 = vector.broadcast %broadcast_in_dim3A_198 : vector<1x128xf32> to vector<10000x128xf32>
    %broadcast_in_dim3A_200 = vector.broadcast %jit3A_195 : f32 to vector<10000x128xf32>
    %select_n3A_201 = arith.select %broadcast_in_dim3A_197, %broadcast_in_dim3A_199, %broadcast_in_dim3A_200 : vector<10000x128xi1>, vector<10000x128xf32>
    %add3A_202 = arith.addf %add3A_184, %select_n3A_201 : vector<10000x128xf32>
    %get3A_203 = arith.constant 12 : index
    %get3A_204 = memref.load %arg2[%get3A_203] : memref<32xi32, #tpu.memory_space<smem>>
    %get3A_205 = arith.constant 0 : index
    %get3A_206 = arith.constant 10012 : index
    %get3A_207 = arith.constant 0 : index
    %get3A_208 = vector.load %arg1[%get3A_205, %get3A_206, %get3A_207] : memref<2x10240x128xf32, #tpu.memory_space<vmem>>, vector<1x1x128xf32>
    %get3A_209 = vector.shape_cast %get3A_208 : vector<1x1x128xf32> to vector<128xf32>
    %eq3A_210 = vector.broadcast %get3A_204 : i32 to vector<10000x1xi32>
    %eq3A_211 = arith.cmpi eq, %iota3A, %eq3A_210 : vector<10000x1xi32>
    %broadcast_in_dim3A_212 = vector.shape_cast %get3A_209 : vector<128xf32> to vector<1x128xf32>
    %jit3A_213 = arith.constant 0.000000e+00 : f32
    %broadcast_in_dim3A_214 = vector.shape_cast %eq3A_211 : vector<10000x1xi1> to vector<10000x1xi1>
    %broadcast_in_dim3A_215 = vector.broadcast %broadcast_in_dim3A_214 : vector<10000x1xi1> to vector<10000x128xi1>
    %broadcast_in_dim3A_216 = vector.shape_cast %broadcast_in_dim3A_212 : vector<1x128xf32> to vector<1x128xf32>
    %broadcast_in_dim3A_217 = vector.broadcast %broadcast_in_dim3A_216 : vector<1x128xf32> to vector<10000x128xf32>
    %broadcast_in_dim3A_218 = vector.broadcast %jit3A_213 : f32 to vector<10000x128xf32>
    %select_n3A_219 = arith.select %broadcast_in_dim3A_215, %broadcast_in_dim3A_217, %broadcast_in_dim3A_218 : vector<10000x128xi1>, vector<10000x128xf32>
    %add3A_220 = arith.addf %add3A_202, %select_n3A_219 : vector<10000x128xf32>
    %get3A_221 = arith.constant 13 : index
    %get3A_222 = memref.load %arg2[%get3A_221] : memref<32xi32, #tpu.memory_space<smem>>
    %get3A_223 = arith.constant 0 : index
    %get3A_224 = arith.constant 10013 : index
    %get3A_225 = arith.constant 0 : index
    %get3A_226 = vector.load %arg1[%get3A_223, %get3A_224, %get3A_225] : memref<2x10240x128xf32, #tpu.memory_space<vmem>>, vector<1x1x128xf32>
    %get3A_227 = vector.shape_cast %get3A_226 : vector<1x1x128xf32> to vector<128xf32>
    %eq3A_228 = vector.broadcast %get3A_222 : i32 to vector<10000x1xi32>
    %eq3A_229 = arith.cmpi eq, %iota3A, %eq3A_228 : vector<10000x1xi32>
    %broadcast_in_dim3A_230 = vector.shape_cast %get3A_227 : vector<128xf32> to vector<1x128xf32>
    %jit3A_231 = arith.constant 0.000000e+00 : f32
    %broadcast_in_dim3A_232 = vector.shape_cast %eq3A_229 : vector<10000x1xi1> to vector<10000x1xi1>
    %broadcast_in_dim3A_233 = vector.broadcast %broadcast_in_dim3A_232 : vector<10000x1xi1> to vector<10000x128xi1>
    %broadcast_in_dim3A_234 = vector.shape_cast %broadcast_in_dim3A_230 : vector<1x128xf32> to vector<1x128xf32>
    %broadcast_in_dim3A_235 = vector.broadcast %broadcast_in_dim3A_234 : vector<1x128xf32> to vector<10000x128xf32>
    %broadcast_in_dim3A_236 = vector.broadcast %jit3A_231 : f32 to vector<10000x128xf32>
    %select_n3A_237 = arith.select %broadcast_in_dim3A_233, %broadcast_in_dim3A_235, %broadcast_in_dim3A_236 : vector<10000x128xi1>, vector<10000x128xf32>
    %add3A_238 = arith.addf %add3A_220, %select_n3A_237 : vector<10000x128xf32>
    %get3A_239 = arith.constant 14 : index
    %get3A_240 = memref.load %arg2[%get3A_239] : memref<32xi32, #tpu.memory_space<smem>>
    %get3A_241 = arith.constant 0 : index
    %get3A_242 = arith.constant 10014 : index
    %get3A_243 = arith.constant 0 : index
    %get3A_244 = vector.load %arg1[%get3A_241, %get3A_242, %get3A_243] : memref<2x10240x128xf32, #tpu.memory_space<vmem>>, vector<1x1x128xf32>
    %get3A_245 = vector.shape_cast %get3A_244 : vector<1x1x128xf32> to vector<128xf32>
    %eq3A_246 = vector.broadcast %get3A_240 : i32 to vector<10000x1xi32>
    %eq3A_247 = arith.cmpi eq, %iota3A, %eq3A_246 : vector<10000x1xi32>
    %broadcast_in_dim3A_248 = vector.shape_cast %get3A_245 : vector<128xf32> to vector<1x128xf32>
    %jit3A_249 = arith.constant 0.000000e+00 : f32
    %broadcast_in_dim3A_250 = vector.shape_cast %eq3A_247 : vector<10000x1xi1> to vector<10000x1xi1>
    %broadcast_in_dim3A_251 = vector.broadcast %broadcast_in_dim3A_250 : vector<10000x1xi1> to vector<10000x128xi1>
    %broadcast_in_dim3A_252 = vector.shape_cast %broadcast_in_dim3A_248 : vector<1x128xf32> to vector<1x128xf32>
    %broadcast_in_dim3A_253 = vector.broadcast %broadcast_in_dim3A_252 : vector<1x128xf32> to vector<10000x128xf32>
    %broadcast_in_dim3A_254 = vector.broadcast %jit3A_249 : f32 to vector<10000x128xf32>
    %select_n3A_255 = arith.select %broadcast_in_dim3A_251, %broadcast_in_dim3A_253, %broadcast_in_dim3A_254 : vector<10000x128xi1>, vector<10000x128xf32>
    %add3A_256 = arith.addf %add3A_238, %select_n3A_255 : vector<10000x128xf32>
    %get3A_257 = arith.constant 15 : index
    %get3A_258 = memref.load %arg2[%get3A_257] : memref<32xi32, #tpu.memory_space<smem>>
    %get3A_259 = arith.constant 0 : index
    %get3A_260 = arith.constant 10015 : index
    %get3A_261 = arith.constant 0 : index
    %get3A_262 = vector.load %arg1[%get3A_259, %get3A_260, %get3A_261] : memref<2x10240x128xf32, #tpu.memory_space<vmem>>, vector<1x1x128xf32>
    %get3A_263 = vector.shape_cast %get3A_262 : vector<1x1x128xf32> to vector<128xf32>
    %eq3A_264 = vector.broadcast %get3A_258 : i32 to vector<10000x1xi32>
    %eq3A_265 = arith.cmpi eq, %iota3A, %eq3A_264 : vector<10000x1xi32>
    %broadcast_in_dim3A_266 = vector.shape_cast %get3A_263 : vector<128xf32> to vector<1x128xf32>
    %jit3A_267 = arith.constant 0.000000e+00 : f32
    %broadcast_in_dim3A_268 = vector.shape_cast %eq3A_265 : vector<10000x1xi1> to vector<10000x1xi1>
    %broadcast_in_dim3A_269 = vector.broadcast %broadcast_in_dim3A_268 : vector<10000x1xi1> to vector<10000x128xi1>
    %broadcast_in_dim3A_270 = vector.shape_cast %broadcast_in_dim3A_266 : vector<1x128xf32> to vector<1x128xf32>
    %broadcast_in_dim3A_271 = vector.broadcast %broadcast_in_dim3A_270 : vector<1x128xf32> to vector<10000x128xf32>
    %broadcast_in_dim3A_272 = vector.broadcast %jit3A_267 : f32 to vector<10000x128xf32>
    %select_n3A_273 = arith.select %broadcast_in_dim3A_269, %broadcast_in_dim3A_271, %broadcast_in_dim3A_272 : vector<10000x128xi1>, vector<10000x128xf32>
    %add3A_274 = arith.addf %add3A_256, %select_n3A_273 : vector<10000x128xf32>
    %get3A_275 = arith.constant 16 : index
    %get3A_276 = memref.load %arg2[%get3A_275] : memref<32xi32, #tpu.memory_space<smem>>
    %get3A_277 = arith.constant 1 : index
    %get3A_278 = arith.constant 10016 : index
    %get3A_279 = arith.constant 0 : index
    %get3A_280 = vector.load %arg1[%get3A_277, %get3A_278, %get3A_279] : memref<2x10240x128xf32, #tpu.memory_space<vmem>>, vector<1x1x128xf32>
    %get3A_281 = vector.shape_cast %get3A_280 : vector<1x1x128xf32> to vector<128xf32>
    %eq3A_282 = vector.broadcast %get3A_276 : i32 to vector<10000x1xi32>
    %eq3A_283 = arith.cmpi eq, %iota3A, %eq3A_282 : vector<10000x1xi32>
    %broadcast_in_dim3A_284 = vector.shape_cast %get3A_281 : vector<128xf32> to vector<1x128xf32>
    %jit3A_285 = arith.constant 0.000000e+00 : f32
    %broadcast_in_dim3A_286 = vector.shape_cast %eq3A_283 : vector<10000x1xi1> to vector<10000x1xi1>
    %broadcast_in_dim3A_287 = vector.broadcast %broadcast_in_dim3A_286 : vector<10000x1xi1> to vector<10000x128xi1>
    %broadcast_in_dim3A_288 = vector.shape_cast %broadcast_in_dim3A_284 : vector<1x128xf32> to vector<1x128xf32>
    %broadcast_in_dim3A_289 = vector.broadcast %broadcast_in_dim3A_288 : vector<1x128xf32> to vector<10000x128xf32>
    %broadcast_in_dim3A_290 = vector.broadcast %jit3A_285 : f32 to vector<10000x128xf32>
    %select_n3A_291 = arith.select %broadcast_in_dim3A_287, %broadcast_in_dim3A_289, %broadcast_in_dim3A_290 : vector<10000x128xi1>, vector<10000x128xf32>
    %add3A_292 = arith.addf %add3A_274, %select_n3A_291 : vector<10000x128xf32>
    %get3A_293 = arith.constant 17 : index
    %get3A_294 = memref.load %arg2[%get3A_293] : memref<32xi32, #tpu.memory_space<smem>>
    %get3A_295 = arith.constant 1 : index
    %get3A_296 = arith.constant 10017 : index
    %get3A_297 = arith.constant 0 : index
    %get3A_298 = vector.load %arg1[%get3A_295, %get3A_296, %get3A_297] : memref<2x10240x128xf32, #tpu.memory_space<vmem>>, vector<1x1x128xf32>
    %get3A_299 = vector.shape_cast %get3A_298 : vector<1x1x128xf32> to vector<128xf32>
    %eq3A_300 = vector.broadcast %get3A_294 : i32 to vector<10000x1xi32>
    %eq3A_301 = arith.cmpi eq, %iota3A, %eq3A_300 : vector<10000x1xi32>
    %broadcast_in_dim3A_302 = vector.shape_cast %get3A_299 : vector<128xf32> to vector<1x128xf32>
    %jit3A_303 = arith.constant 0.000000e+00 : f32
    %broadcast_in_dim3A_304 = vector.shape_cast %eq3A_301 : vector<10000x1xi1> to vector<10000x1xi1>
    %broadcast_in_dim3A_305 = vector.broadcast %broadcast_in_dim3A_304 : vector<10000x1xi1> to vector<10000x128xi1>
    %broadcast_in_dim3A_306 = vector.shape_cast %broadcast_in_dim3A_302 : vector<1x128xf32> to vector<1x128xf32>
    %broadcast_in_dim3A_307 = vector.broadcast %broadcast_in_dim3A_306 : vector<1x128xf32> to vector<10000x128xf32>
    %broadcast_in_dim3A_308 = vector.broadcast %jit3A_303 : f32 to vector<10000x128xf32>
    %select_n3A_309 = arith.select %broadcast_in_dim3A_305, %broadcast_in_dim3A_307, %broadcast_in_dim3A_308 : vector<10000x128xi1>, vector<10000x128xf32>
    %add3A_310 = arith.addf %add3A_292, %select_n3A_309 : vector<10000x128xf32>
    %get3A_311 = arith.constant 18 : index
    %get3A_312 = memref.load %arg2[%get3A_311] : memref<32xi32, #tpu.memory_space<smem>>
    %get3A_313 = arith.constant 1 : index
    %get3A_314 = arith.constant 10018 : index
    %get3A_315 = arith.constant 0 : index
    %get3A_316 = vector.load %arg1[%get3A_313, %get3A_314, %get3A_315] : memref<2x10240x128xf32, #tpu.memory_space<vmem>>, vector<1x1x128xf32>
    %get3A_317 = vector.shape_cast %get3A_316 : vector<1x1x128xf32> to vector<128xf32>
    %eq3A_318 = vector.broadcast %get3A_312 : i32 to vector<10000x1xi32>
    %eq3A_319 = arith.cmpi eq, %iota3A, %eq3A_318 : vector<10000x1xi32>
    %broadcast_in_dim3A_320 = vector.shape_cast %get3A_317 : vector<128xf32> to vector<1x128xf32>
    %jit3A_321 = arith.constant 0.000000e+00 : f32
    %broadcast_in_dim3A_322 = vector.shape_cast %eq3A_319 : vector<10000x1xi1> to vector<10000x1xi1>
    %broadcast_in_dim3A_323 = vector.broadcast %broadcast_in_dim3A_322 : vector<10000x1xi1> to vector<10000x128xi1>
    %broadcast_in_dim3A_324 = vector.shape_cast %broadcast_in_dim3A_320 : vector<1x128xf32> to vector<1x128xf32>
    %broadcast_in_dim3A_325 = vector.broadcast %broadcast_in_dim3A_324 : vector<1x128xf32> to vector<10000x128xf32>
    %broadcast_in_dim3A_326 = vector.broadcast %jit3A_321 : f32 to vector<10000x128xf32>
    %select_n3A_327 = arith.select %broadcast_in_dim3A_323, %broadcast_in_dim3A_325, %broadcast_in_dim3A_326 : vector<10000x128xi1>, vector<10000x128xf32>
    %add3A_328 = arith.addf %add3A_310, %select_n3A_327 : vector<10000x128xf32>
    %get3A_329 = arith.constant 19 : index
    %get3A_330 = memref.load %arg2[%get3A_329] : memref<32xi32, #tpu.memory_space<smem>>
    %get3A_331 = arith.constant 1 : index
    %get3A_332 = arith.constant 10019 : index
    %get3A_333 = arith.constant 0 : index
    %get3A_334 = vector.load %arg1[%get3A_331, %get3A_332, %get3A_333] : memref<2x10240x128xf32, #tpu.memory_space<vmem>>, vector<1x1x128xf32>
    %get3A_335 = vector.shape_cast %get3A_334 : vector<1x1x128xf32> to vector<128xf32>
    %eq3A_336 = vector.broadcast %get3A_330 : i32 to vector<10000x1xi32>
    %eq3A_337 = arith.cmpi eq, %iota3A, %eq3A_336 : vector<10000x1xi32>
    %broadcast_in_dim3A_338 = vector.shape_cast %get3A_335 : vector<128xf32> to vector<1x128xf32>
    %jit3A_339 = arith.constant 0.000000e+00 : f32
    %broadcast_in_dim3A_340 = vector.shape_cast %eq3A_337 : vector<10000x1xi1> to vector<10000x1xi1>
    %broadcast_in_dim3A_341 = vector.broadcast %broadcast_in_dim3A_340 : vector<10000x1xi1> to vector<10000x128xi1>
    %broadcast_in_dim3A_342 = vector.shape_cast %broadcast_in_dim3A_338 : vector<1x128xf32> to vector<1x128xf32>
    %broadcast_in_dim3A_343 = vector.broadcast %broadcast_in_dim3A_342 : vector<1x128xf32> to vector<10000x128xf32>
    %broadcast_in_dim3A_344 = vector.broadcast %jit3A_339 : f32 to vector<10000x128xf32>
    %select_n3A_345 = arith.select %broadcast_in_dim3A_341, %broadcast_in_dim3A_343, %broadcast_in_dim3A_344 : vector<10000x128xi1>, vector<10000x128xf32>
    %add3A_346 = arith.addf %add3A_328, %select_n3A_345 : vector<10000x128xf32>
    %get3A_347 = arith.constant 20 : index
    %get3A_348 = memref.load %arg2[%get3A_347] : memref<32xi32, #tpu.memory_space<smem>>
    %get3A_349 = arith.constant 1 : index
    %get3A_350 = arith.constant 10020 : index
    %get3A_351 = arith.constant 0 : index
    %get3A_352 = vector.load %arg1[%get3A_349, %get3A_350, %get3A_351] : memref<2x10240x128xf32, #tpu.memory_space<vmem>>, vector<1x1x128xf32>
    %get3A_353 = vector.shape_cast %get3A_352 : vector<1x1x128xf32> to vector<128xf32>
    %eq3A_354 = vector.broadcast %get3A_348 : i32 to vector<10000x1xi32>
    %eq3A_355 = arith.cmpi eq, %iota3A, %eq3A_354 : vector<10000x1xi32>
    %broadcast_in_dim3A_356 = vector.shape_cast %get3A_353 : vector<128xf32> to vector<1x128xf32>
    %jit3A_357 = arith.constant 0.000000e+00 : f32
    %broadcast_in_dim3A_358 = vector.shape_cast %eq3A_355 : vector<10000x1xi1> to vector<10000x1xi1>
    %broadcast_in_dim3A_359 = vector.broadcast %broadcast_in_dim3A_358 : vector<10000x1xi1> to vector<10000x128xi1>
    %broadcast_in_dim3A_360 = vector.shape_cast %broadcast_in_dim3A_356 : vector<1x128xf32> to vector<1x128xf32>
    %broadcast_in_dim3A_361 = vector.broadcast %broadcast_in_dim3A_360 : vector<1x128xf32> to vector<10000x128xf32>
    %broadcast_in_dim3A_362 = vector.broadcast %jit3A_357 : f32 to vector<10000x128xf32>
    %select_n3A_363 = arith.select %broadcast_in_dim3A_359, %broadcast_in_dim3A_361, %broadcast_in_dim3A_362 : vector<10000x128xi1>, vector<10000x128xf32>
    %add3A_364 = arith.addf %add3A_346, %select_n3A_363 : vector<10000x128xf32>
    %get3A_365 = arith.constant 21 : index
    %get3A_366 = memref.load %arg2[%get3A_365] : memref<32xi32, #tpu.memory_space<smem>>
    %get3A_367 = arith.constant 1 : index
    %get3A_368 = arith.constant 10021 : index
    %get3A_369 = arith.constant 0 : index
    %get3A_370 = vector.load %arg1[%get3A_367, %get3A_368, %get3A_369] : memref<2x10240x128xf32, #tpu.memory_space<vmem>>, vector<1x1x128xf32>
    %get3A_371 = vector.shape_cast %get3A_370 : vector<1x1x128xf32> to vector<128xf32>
    %eq3A_372 = vector.broadcast %get3A_366 : i32 to vector<10000x1xi32>
    %eq3A_373 = arith.cmpi eq, %iota3A, %eq3A_372 : vector<10000x1xi32>
    %broadcast_in_dim3A_374 = vector.shape_cast %get3A_371 : vector<128xf32> to vector<1x128xf32>
    %jit3A_375 = arith.constant 0.000000e+00 : f32
    %broadcast_in_dim3A_376 = vector.shape_cast %eq3A_373 : vector<10000x1xi1> to vector<10000x1xi1>
    %broadcast_in_dim3A_377 = vector.broadcast %broadcast_in_dim3A_376 : vector<10000x1xi1> to vector<10000x128xi1>
    %broadcast_in_dim3A_378 = vector.shape_cast %broadcast_in_dim3A_374 : vector<1x128xf32> to vector<1x128xf32>
    %broadcast_in_dim3A_379 = vector.broadcast %broadcast_in_dim3A_378 : vector<1x128xf32> to vector<10000x128xf32>
    %broadcast_in_dim3A_380 = vector.broadcast %jit3A_375 : f32 to vector<10000x128xf32>
    %select_n3A_381 = arith.select %broadcast_in_dim3A_377, %broadcast_in_dim3A_379, %broadcast_in_dim3A_380 : vector<10000x128xi1>, vector<10000x128xf32>
    %add3A_382 = arith.addf %add3A_364, %select_n3A_381 : vector<10000x128xf32>
    %get3A_383 = arith.constant 22 : index
    %get3A_384 = memref.load %arg2[%get3A_383] : memref<32xi32, #tpu.memory_space<smem>>
    %get3A_385 = arith.constant 1 : index
    %get3A_386 = arith.constant 10022 : index
    %get3A_387 = arith.constant 0 : index
    %get3A_388 = vector.load %arg1[%get3A_385, %get3A_386, %get3A_387] : memref<2x10240x128xf32, #tpu.memory_space<vmem>>, vector<1x1x128xf32>
    %get3A_389 = vector.shape_cast %get3A_388 : vector<1x1x128xf32> to vector<128xf32>
    %eq3A_390 = vector.broadcast %get3A_384 : i32 to vector<10000x1xi32>
    %eq3A_391 = arith.cmpi eq, %iota3A, %eq3A_390 : vector<10000x1xi32>
    %broadcast_in_dim3A_392 = vector.shape_cast %get3A_389 : vector<128xf32> to vector<1x128xf32>
    %jit3A_393 = arith.constant 0.000000e+00 : f32
    %broadcast_in_dim3A_394 = vector.shape_cast %eq3A_391 : vector<10000x1xi1> to vector<10000x1xi1>
    %broadcast_in_dim3A_395 = vector.broadcast %broadcast_in_dim3A_394 : vector<10000x1xi1> to vector<10000x128xi1>
    %broadcast_in_dim3A_396 = vector.shape_cast %broadcast_in_dim3A_392 : vector<1x128xf32> to vector<1x128xf32>
    %broadcast_in_dim3A_397 = vector.broadcast %broadcast_in_dim3A_396 : vector<1x128xf32> to vector<10000x128xf32>
    %broadcast_in_dim3A_398 = vector.broadcast %jit3A_393 : f32 to vector<10000x128xf32>
    %select_n3A_399 = arith.select %broadcast_in_dim3A_395, %broadcast_in_dim3A_397, %broadcast_in_dim3A_398 : vector<10000x128xi1>, vector<10000x128xf32>
    %add3A_400 = arith.addf %add3A_382, %select_n3A_399 : vector<10000x128xf32>
    %get3A_401 = arith.constant 23 : index
    %get3A_402 = memref.load %arg2[%get3A_401] : memref<32xi32, #tpu.memory_space<smem>>
    %get3A_403 = arith.constant 1 : index
    %get3A_404 = arith.constant 10023 : index
    %get3A_405 = arith.constant 0 : index
    %get3A_406 = vector.load %arg1[%get3A_403, %get3A_404, %get3A_405] : memref<2x10240x128xf32, #tpu.memory_space<vmem>>, vector<1x1x128xf32>
    %get3A_407 = vector.shape_cast %get3A_406 : vector<1x1x128xf32> to vector<128xf32>
    %eq3A_408 = vector.broadcast %get3A_402 : i32 to vector<10000x1xi32>
    %eq3A_409 = arith.cmpi eq, %iota3A, %eq3A_408 : vector<10000x1xi32>
    %broadcast_in_dim3A_410 = vector.shape_cast %get3A_407 : vector<128xf32> to vector<1x128xf32>
    %jit3A_411 = arith.constant 0.000000e+00 : f32
    %broadcast_in_dim3A_412 = vector.shape_cast %eq3A_409 : vector<10000x1xi1> to vector<10000x1xi1>
    %broadcast_in_dim3A_413 = vector.broadcast %broadcast_in_dim3A_412 : vector<10000x1xi1> to vector<10000x128xi1>
    %broadcast_in_dim3A_414 = vector.shape_cast %broadcast_in_dim3A_410 : vector<1x128xf32> to vector<1x128xf32>
    %broadcast_in_dim3A_415 = vector.broadcast %broadcast_in_dim3A_414 : vector<1x128xf32> to vector<10000x128xf32>
    %broadcast_in_dim3A_416 = vector.broadcast %jit3A_411 : f32 to vector<10000x128xf32>
    %select_n3A_417 = arith.select %broadcast_in_dim3A_413, %broadcast_in_dim3A_415, %broadcast_in_dim3A_416 : vector<10000x128xi1>, vector<10000x128xf32>
    %add3A_418 = arith.addf %add3A_400, %select_n3A_417 : vector<10000x128xf32>
    %get3A_419 = arith.constant 24 : index
    %get3A_420 = memref.load %arg2[%get3A_419] : memref<32xi32, #tpu.memory_space<smem>>
    %get3A_421 = arith.constant 1 : index
    %get3A_422 = arith.constant 10024 : index
    %get3A_423 = arith.constant 0 : index
    %get3A_424 = vector.load %arg1[%get3A_421, %get3A_422, %get3A_423] : memref<2x10240x128xf32, #tpu.memory_space<vmem>>, vector<1x1x128xf32>
    %get3A_425 = vector.shape_cast %get3A_424 : vector<1x1x128xf32> to vector<128xf32>
    %eq3A_426 = vector.broadcast %get3A_420 : i32 to vector<10000x1xi32>
    %eq3A_427 = arith.cmpi eq, %iota3A, %eq3A_426 : vector<10000x1xi32>
    %broadcast_in_dim3A_428 = vector.shape_cast %get3A_425 : vector<128xf32> to vector<1x128xf32>
    %jit3A_429 = arith.constant 0.000000e+00 : f32
    %broadcast_in_dim3A_430 = vector.shape_cast %eq3A_427 : vector<10000x1xi1> to vector<10000x1xi1>
    %broadcast_in_dim3A_431 = vector.broadcast %broadcast_in_dim3A_430 : vector<10000x1xi1> to vector<10000x128xi1>
    %broadcast_in_dim3A_432 = vector.shape_cast %broadcast_in_dim3A_428 : vector<1x128xf32> to vector<1x128xf32>
    %broadcast_in_dim3A_433 = vector.broadcast %broadcast_in_dim3A_432 : vector<1x128xf32> to vector<10000x128xf32>
    %broadcast_in_dim3A_434 = vector.broadcast %jit3A_429 : f32 to vector<10000x128xf32>
    %select_n3A_435 = arith.select %broadcast_in_dim3A_431, %broadcast_in_dim3A_433, %broadcast_in_dim3A_434 : vector<10000x128xi1>, vector<10000x128xf32>
    %add3A_436 = arith.addf %add3A_418, %select_n3A_435 : vector<10000x128xf32>
    %get3A_437 = arith.constant 25 : index
    %get3A_438 = memref.load %arg2[%get3A_437] : memref<32xi32, #tpu.memory_space<smem>>
    %get3A_439 = arith.constant 1 : index
    %get3A_440 = arith.constant 10025 : index
    %get3A_441 = arith.constant 0 : index
    %get3A_442 = vector.load %arg1[%get3A_439, %get3A_440, %get3A_441] : memref<2x10240x128xf32, #tpu.memory_space<vmem>>, vector<1x1x128xf32>
    %get3A_443 = vector.shape_cast %get3A_442 : vector<1x1x128xf32> to vector<128xf32>
    %eq3A_444 = vector.broadcast %get3A_438 : i32 to vector<10000x1xi32>
    %eq3A_445 = arith.cmpi eq, %iota3A, %eq3A_444 : vector<10000x1xi32>
    %broadcast_in_dim3A_446 = vector.shape_cast %get3A_443 : vector<128xf32> to vector<1x128xf32>
    %jit3A_447 = arith.constant 0.000000e+00 : f32
    %broadcast_in_dim3A_448 = vector.shape_cast %eq3A_445 : vector<10000x1xi1> to vector<10000x1xi1>
    %broadcast_in_dim3A_449 = vector.broadcast %broadcast_in_dim3A_448 : vector<10000x1xi1> to vector<10000x128xi1>
    %broadcast_in_dim3A_450 = vector.shape_cast %broadcast_in_dim3A_446 : vector<1x128xf32> to vector<1x128xf32>
    %broadcast_in_dim3A_451 = vector.broadcast %broadcast_in_dim3A_450 : vector<1x128xf32> to vector<10000x128xf32>
    %broadcast_in_dim3A_452 = vector.broadcast %jit3A_447 : f32 to vector<10000x128xf32>
    %select_n3A_453 = arith.select %broadcast_in_dim3A_449, %broadcast_in_dim3A_451, %broadcast_in_dim3A_452 : vector<10000x128xi1>, vector<10000x128xf32>
    %add3A_454 = arith.addf %add3A_436, %select_n3A_453 : vector<10000x128xf32>
    %get3A_455 = arith.constant 26 : index
    %get3A_456 = memref.load %arg2[%get3A_455] : memref<32xi32, #tpu.memory_space<smem>>
    %get3A_457 = arith.constant 1 : index
    %get3A_458 = arith.constant 10026 : index
    %get3A_459 = arith.constant 0 : index
    %get3A_460 = vector.load %arg1[%get3A_457, %get3A_458, %get3A_459] : memref<2x10240x128xf32, #tpu.memory_space<vmem>>, vector<1x1x128xf32>
    %get3A_461 = vector.shape_cast %get3A_460 : vector<1x1x128xf32> to vector<128xf32>
    %eq3A_462 = vector.broadcast %get3A_456 : i32 to vector<10000x1xi32>
    %eq3A_463 = arith.cmpi eq, %iota3A, %eq3A_462 : vector<10000x1xi32>
    %broadcast_in_dim3A_464 = vector.shape_cast %get3A_461 : vector<128xf32> to vector<1x128xf32>
    %jit3A_465 = arith.constant 0.000000e+00 : f32
    %broadcast_in_dim3A_466 = vector.shape_cast %eq3A_463 : vector<10000x1xi1> to vector<10000x1xi1>
    %broadcast_in_dim3A_467 = vector.broadcast %broadcast_in_dim3A_466 : vector<10000x1xi1> to vector<10000x128xi1>
    %broadcast_in_dim3A_468 = vector.shape_cast %broadcast_in_dim3A_464 : vector<1x128xf32> to vector<1x128xf32>
    %broadcast_in_dim3A_469 = vector.broadcast %broadcast_in_dim3A_468 : vector<1x128xf32> to vector<10000x128xf32>
    %broadcast_in_dim3A_470 = vector.broadcast %jit3A_465 : f32 to vector<10000x128xf32>
    %select_n3A_471 = arith.select %broadcast_in_dim3A_467, %broadcast_in_dim3A_469, %broadcast_in_dim3A_470 : vector<10000x128xi1>, vector<10000x128xf32>
    %add3A_472 = arith.addf %add3A_454, %select_n3A_471 : vector<10000x128xf32>
    %get3A_473 = arith.constant 27 : index
    %get3A_474 = memref.load %arg2[%get3A_473] : memref<32xi32, #tpu.memory_space<smem>>
    %get3A_475 = arith.constant 1 : index
    %get3A_476 = arith.constant 10027 : index
    %get3A_477 = arith.constant 0 : index
    %get3A_478 = vector.load %arg1[%get3A_475, %get3A_476, %get3A_477] : memref<2x10240x128xf32, #tpu.memory_space<vmem>>, vector<1x1x128xf32>
    %get3A_479 = vector.shape_cast %get3A_478 : vector<1x1x128xf32> to vector<128xf32>
    %eq3A_480 = vector.broadcast %get3A_474 : i32 to vector<10000x1xi32>
    %eq3A_481 = arith.cmpi eq, %iota3A, %eq3A_480 : vector<10000x1xi32>
    %broadcast_in_dim3A_482 = vector.shape_cast %get3A_479 : vector<128xf32> to vector<1x128xf32>
    %jit3A_483 = arith.constant 0.000000e+00 : f32
    %broadcast_in_dim3A_484 = vector.shape_cast %eq3A_481 : vector<10000x1xi1> to vector<10000x1xi1>
    %broadcast_in_dim3A_485 = vector.broadcast %broadcast_in_dim3A_484 : vector<10000x1xi1> to vector<10000x128xi1>
    %broadcast_in_dim3A_486 = vector.shape_cast %broadcast_in_dim3A_482 : vector<1x128xf32> to vector<1x128xf32>
    %broadcast_in_dim3A_487 = vector.broadcast %broadcast_in_dim3A_486 : vector<1x128xf32> to vector<10000x128xf32>
    %broadcast_in_dim3A_488 = vector.broadcast %jit3A_483 : f32 to vector<10000x128xf32>
    %select_n3A_489 = arith.select %broadcast_in_dim3A_485, %broadcast_in_dim3A_487, %broadcast_in_dim3A_488 : vector<10000x128xi1>, vector<10000x128xf32>
    %add3A_490 = arith.addf %add3A_472, %select_n3A_489 : vector<10000x128xf32>
    %get3A_491 = arith.constant 28 : index
    %get3A_492 = memref.load %arg2[%get3A_491] : memref<32xi32, #tpu.memory_space<smem>>
    %get3A_493 = arith.constant 1 : index
    %get3A_494 = arith.constant 10028 : index
    %get3A_495 = arith.constant 0 : index
    %get3A_496 = vector.load %arg1[%get3A_493, %get3A_494, %get3A_495] : memref<2x10240x128xf32, #tpu.memory_space<vmem>>, vector<1x1x128xf32>
    %get3A_497 = vector.shape_cast %get3A_496 : vector<1x1x128xf32> to vector<128xf32>
    %eq3A_498 = vector.broadcast %get3A_492 : i32 to vector<10000x1xi32>
    %eq3A_499 = arith.cmpi eq, %iota3A, %eq3A_498 : vector<10000x1xi32>
    %broadcast_in_dim3A_500 = vector.shape_cast %get3A_497 : vector<128xf32> to vector<1x128xf32>
    %jit3A_501 = arith.constant 0.000000e+00 : f32
    %broadcast_in_dim3A_502 = vector.shape_cast %eq3A_499 : vector<10000x1xi1> to vector<10000x1xi1>
    %broadcast_in_dim3A_503 = vector.broadcast %broadcast_in_dim3A_502 : vector<10000x1xi1> to vector<10000x128xi1>
    %broadcast_in_dim3A_504 = vector.shape_cast %broadcast_in_dim3A_500 : vector<1x128xf32> to vector<1x128xf32>
    %broadcast_in_dim3A_505 = vector.broadcast %broadcast_in_dim3A_504 : vector<1x128xf32> to vector<10000x128xf32>
    %broadcast_in_dim3A_506 = vector.broadcast %jit3A_501 : f32 to vector<10000x128xf32>
    %select_n3A_507 = arith.select %broadcast_in_dim3A_503, %broadcast_in_dim3A_505, %broadcast_in_dim3A_506 : vector<10000x128xi1>, vector<10000x128xf32>
    %add3A_508 = arith.addf %add3A_490, %select_n3A_507 : vector<10000x128xf32>
    %get3A_509 = arith.constant 29 : index
    %get3A_510 = memref.load %arg2[%get3A_509] : memref<32xi32, #tpu.memory_space<smem>>
    %get3A_511 = arith.constant 1 : index
    %get3A_512 = arith.constant 10029 : index
    %get3A_513 = arith.constant 0 : index
    %get3A_514 = vector.load %arg1[%get3A_511, %get3A_512, %get3A_513] : memref<2x10240x128xf32, #tpu.memory_space<vmem>>, vector<1x1x128xf32>
    %get3A_515 = vector.shape_cast %get3A_514 : vector<1x1x128xf32> to vector<128xf32>
    %eq3A_516 = vector.broadcast %get3A_510 : i32 to vector<10000x1xi32>
    %eq3A_517 = arith.cmpi eq, %iota3A, %eq3A_516 : vector<10000x1xi32>
    %broadcast_in_dim3A_518 = vector.shape_cast %get3A_515 : vector<128xf32> to vector<1x128xf32>
    %jit3A_519 = arith.constant 0.000000e+00 : f32
    %broadcast_in_dim3A_520 = vector.shape_cast %eq3A_517 : vector<10000x1xi1> to vector<10000x1xi1>
    %broadcast_in_dim3A_521 = vector.broadcast %broadcast_in_dim3A_520 : vector<10000x1xi1> to vector<10000x128xi1>
    %broadcast_in_dim3A_522 = vector.shape_cast %broadcast_in_dim3A_518 : vector<1x128xf32> to vector<1x128xf32>
    %broadcast_in_dim3A_523 = vector.broadcast %broadcast_in_dim3A_522 : vector<1x128xf32> to vector<10000x128xf32>
    %broadcast_in_dim3A_524 = vector.broadcast %jit3A_519 : f32 to vector<10000x128xf32>
    %select_n3A_525 = arith.select %broadcast_in_dim3A_521, %broadcast_in_dim3A_523, %broadcast_in_dim3A_524 : vector<10000x128xi1>, vector<10000x128xf32>
    %add3A_526 = arith.addf %add3A_508, %select_n3A_525 : vector<10000x128xf32>
    %get3A_527 = arith.constant 30 : index
    %get3A_528 = memref.load %arg2[%get3A_527] : memref<32xi32, #tpu.memory_space<smem>>
    %get3A_529 = arith.constant 1 : index
    %get3A_530 = arith.constant 10030 : index
    %get3A_531 = arith.constant 0 : index
    %get3A_532 = vector.load %arg1[%get3A_529, %get3A_530, %get3A_531] : memref<2x10240x128xf32, #tpu.memory_space<vmem>>, vector<1x1x128xf32>
    %get3A_533 = vector.shape_cast %get3A_532 : vector<1x1x128xf32> to vector<128xf32>
    %eq3A_534 = vector.broadcast %get3A_528 : i32 to vector<10000x1xi32>
    %eq3A_535 = arith.cmpi eq, %iota3A, %eq3A_534 : vector<10000x1xi32>
    %broadcast_in_dim3A_536 = vector.shape_cast %get3A_533 : vector<128xf32> to vector<1x128xf32>
    %jit3A_537 = arith.constant 0.000000e+00 : f32
    %broadcast_in_dim3A_538 = vector.shape_cast %eq3A_535 : vector<10000x1xi1> to vector<10000x1xi1>
    %broadcast_in_dim3A_539 = vector.broadcast %broadcast_in_dim3A_538 : vector<10000x1xi1> to vector<10000x128xi1>
    %broadcast_in_dim3A_540 = vector.shape_cast %broadcast_in_dim3A_536 : vector<1x128xf32> to vector<1x128xf32>
    %broadcast_in_dim3A_541 = vector.broadcast %broadcast_in_dim3A_540 : vector<1x128xf32> to vector<10000x128xf32>
    %broadcast_in_dim3A_542 = vector.broadcast %jit3A_537 : f32 to vector<10000x128xf32>
    %select_n3A_543 = arith.select %broadcast_in_dim3A_539, %broadcast_in_dim3A_541, %broadcast_in_dim3A_542 : vector<10000x128xi1>, vector<10000x128xf32>
    %add3A_544 = arith.addf %add3A_526, %select_n3A_543 : vector<10000x128xf32>
    %get3A_545 = arith.constant 31 : index
    %get3A_546 = memref.load %arg2[%get3A_545] : memref<32xi32, #tpu.memory_space<smem>>
    %get3A_547 = arith.constant 1 : index
    %get3A_548 = arith.constant 10031 : index
    %get3A_549 = arith.constant 0 : index
    %get3A_550 = vector.load %arg1[%get3A_547, %get3A_548, %get3A_549] : memref<2x10240x128xf32, #tpu.memory_space<vmem>>, vector<1x1x128xf32>
    %get3A_551 = vector.shape_cast %get3A_550 : vector<1x1x128xf32> to vector<128xf32>
    %eq3A_552 = vector.broadcast %get3A_546 : i32 to vector<10000x1xi32>
    %eq3A_553 = arith.cmpi eq, %iota3A, %eq3A_552 : vector<10000x1xi32>
    %broadcast_in_dim3A_554 = vector.shape_cast %get3A_551 : vector<128xf32> to vector<1x128xf32>
    %jit3A_555 = arith.constant 0.000000e+00 : f32
    %broadcast_in_dim3A_556 = vector.shape_cast %eq3A_553 : vector<10000x1xi1> to vector<10000x1xi1>
    %broadcast_in_dim3A_557 = vector.broadcast %broadcast_in_dim3A_556 : vector<10000x1xi1> to vector<10000x128xi1>
    %broadcast_in_dim3A_558 = vector.shape_cast %broadcast_in_dim3A_554 : vector<1x128xf32> to vector<1x128xf32>
    %broadcast_in_dim3A_559 = vector.broadcast %broadcast_in_dim3A_558 : vector<1x128xf32> to vector<10000x128xf32>
    %broadcast_in_dim3A_560 = vector.broadcast %jit3A_555 : f32 to vector<10000x128xf32>
    %select_n3A_561 = arith.select %broadcast_in_dim3A_557, %broadcast_in_dim3A_559, %broadcast_in_dim3A_560 : vector<10000x128xi1>, vector<10000x128xf32>
    %add3A_562 = arith.addf %add3A_544, %select_n3A_561 : vector<10000x128xf32>
    %get3A_563 = arith.constant 0 : index
    %get3A_564 = arith.constant 0 : index
    %get3A_565 = vector.load %arg0[%get3A_563, %get3A_564] : memref<10000x128xf32, #tpu.memory_space<vmem>>, vector<10000x128xf32>
    %add3A_566 = arith.addf %get3A_565, %add3A_562 : vector<10000x128xf32>
    %get3A_567 = arith.constant 0 : index
    %get3A_568 = arith.constant 0 : index
    %get3A_569 = vector.load %arg3[%get3A_567, %get3A_568] : memref<64x128xf32, #tpu.memory_space<vmem>>, vector<64x128xf32>
    %transpose3A = tpu.transpose %get3A_569, [1, 0] : vector<64x128xf32> -> vector<128x64xf32>
    %dot_general3A = arith.constant dense<0.000000e+00> : vector<10000x64xf32>
    %dot_general3A_570 = tpu.matmul %add3A_566, %transpose3A, %dot_general3A {dimension_numbers = #tpu.dot_dimension_numbers<[1], [0], [0], [1], [0, 0, 1, 1], [], []>, transpose_lhs_hint = false} : vector<10000x128xf32>, vector<128x64xf32>, vector<10000x64xf32> -> vector<10000x64xf32>
    %get3A_571 = arith.constant 0 : index
    %get3A_572 = vector.load %arg4[%get3A_571] : memref<64xf32, #tpu.memory_space<vmem>>, vector<64xf32>
    %broadcast_in_dim3A_573 = vector.shape_cast %get3A_572 : vector<64xf32> to vector<1x64xf32>
    %add3A_574 = vector.broadcast %broadcast_in_dim3A_573 : vector<1x64xf32> to vector<10000x64xf32>
    %add3A_575 = arith.addf %dot_general3A_570, %add3A_574 : vector<10000x64xf32>
    %max3A = arith.constant 0.000000e+00 : f32
    %max3A_576 = vector.broadcast %max3A : f32 to vector<10000x64xf32>
    %max3A_577 = arith.maximumf %add3A_575, %max3A_576 : vector<10000x64xf32>
    %get3A_578 = arith.constant 0 : index
    %get3A_579 = arith.constant 0 : index
    %get3A_580 = vector.load %arg5[%get3A_578, %get3A_579] : memref<64x64xf32, #tpu.memory_space<vmem>>, vector<64x64xf32>
    %transpose3A_581 = tpu.transpose %get3A_580, [1, 0] : vector<64x64xf32> -> vector<64x64xf32>
    %dot_general3A_582 = arith.constant dense<0.000000e+00> : vector<10000x64xf32>
    %dot_general3A_583 = tpu.matmul %max3A_577, %transpose3A_581, %dot_general3A_582 {dimension_numbers = #tpu.dot_dimension_numbers<[1], [0], [0], [1], [0, 0, 1, 1], [], []>, transpose_lhs_hint = false} : vector<10000x64xf32>, vector<64x64xf32>, vector<10000x64xf32> -> vector<10000x64xf32>
    %get3A_584 = arith.constant 0 : index
    %get3A_585 = vector.load %arg6[%get3A_584] : memref<64xf32, #tpu.memory_space<vmem>>, vector<64xf32>
    %broadcast_in_dim3A_586 = vector.shape_cast %get3A_585 : vector<64xf32> to vector<1x64xf32>
    %add3A_587 = vector.broadcast %broadcast_in_dim3A_586 : vector<1x64xf32> to vector<10000x64xf32>
    %add3A_588 = arith.addf %dot_general3A_583, %add3A_587 : vector<10000x64xf32>
    %swap3A = arith.constant 0 : index
    %swap3A_589 = arith.constant 0 : index
    %swap3A_590 = vector.load %arg7[%swap3A, %swap3A_589] : memref<10000x64xf32, #tpu.memory_space<vmem>>, vector<10000x64xf32>
    tpu.vector_store %arg7[%swap3A, %swap3A_589], %add3A_588 {strides = array<i32>} : memref<10000x64xf32, #tpu.memory_space<vmem>>, vector<10000x64xf32>,
    return
  }
}

module attributes {stable_mosaic.version = 14 : i64} {
  func.func @_tc_bn(%arg0: memref<10000x64xf32, #tpu.memory_space<vmem>>, %arg1: memref<1x64xf32, #tpu.memory_space<vmem>>, %arg2: memref<1x64xf32, #tpu.memory_space<vmem>>, %arg3: memref<64xf32, #tpu.memory_space<vmem>>, %arg4: memref<64xf32, #tpu.memory_space<vmem>>, %arg5: memref<10000x64xf32, #tpu.memory_space<vmem>>) attributes {dimension_semantics = [], scalar_prefetch = 0 : i64, scratch_operands = 0 : i64, tpu.core_type = #tpu.core_type<tc>} {
    %get3A = arith.constant 0 : index
    %get3A_0 = vector.load %arg3[%get3A] : memref<64xf32, #tpu.memory_space<vmem>>, vector<64xf32>
    %get3A_1 = arith.constant 0 : index
    %get3A_2 = arith.constant 0 : index
    %get3A_3 = vector.load %arg0[%get3A_1, %get3A_2] : memref<10000x64xf32, #tpu.memory_space<vmem>>, vector<10000x64xf32>
    %get3A_4 = arith.constant 0 : index
    %get3A_5 = arith.constant 0 : index
    %get3A_6 = vector.load %arg1[%get3A_4, %get3A_5] : memref<1x64xf32, #tpu.memory_space<vmem>>, vector<1x64xf32>
    %sub3A = vector.broadcast %get3A_6 : vector<1x64xf32> to vector<10000x64xf32>
    %sub3A_7 = arith.subf %get3A_3, %sub3A : vector<10000x64xf32>
    %broadcast_in_dim3A = vector.shape_cast %get3A_0 : vector<64xf32> to vector<1x64xf32>
    %mul3A = vector.broadcast %broadcast_in_dim3A : vector<1x64xf32> to vector<10000x64xf32>
    %mul3A_8 = arith.mulf %mul3A, %sub3A_7 : vector<10000x64xf32>
    %get3A_9 = arith.constant 0 : index
    %get3A_10 = arith.constant 0 : index
    %get3A_11 = vector.load %arg2[%get3A_9, %get3A_10] : memref<1x64xf32, #tpu.memory_space<vmem>>, vector<1x64xf32>
    %add3A = arith.constant 9.99999974E-6 : f32
    %add3A_12 = vector.broadcast %add3A : f32 to vector<1x64xf32>
    %add3A_13 = arith.addf %get3A_11, %add3A_12 : vector<1x64xf32>
    %sqrt3A = math.sqrt %add3A_13 : vector<1x64xf32>
    %div3A = vector.broadcast %sqrt3A : vector<1x64xf32> to vector<10000x64xf32>
    %div3A_14 = arith.divf %mul3A_8, %div3A : vector<10000x64xf32>
    %get3A_15 = arith.constant 0 : index
    %get3A_16 = vector.load %arg4[%get3A_15] : memref<64xf32, #tpu.memory_space<vmem>>, vector<64xf32>
    %broadcast_in_dim3A_17 = vector.shape_cast %get3A_16 : vector<64xf32> to vector<1x64xf32>
    %add3A_18 = vector.broadcast %broadcast_in_dim3A_17 : vector<1x64xf32> to vector<10000x64xf32>
    %add3A_19 = arith.addf %div3A_14, %add3A_18 : vector<10000x64xf32>
    %max3A = arith.constant 0.000000e+00 : f32
    %max3A_20 = vector.broadcast %max3A : f32 to vector<10000x64xf32>
    %max3A_21 = arith.maximumf %add3A_19, %max3A_20 : vector<10000x64xf32>
    %swap3A = arith.constant 0 : index
    %swap3A_22 = arith.constant 0 : index
    %swap3A_23 = vector.load %arg5[%swap3A, %swap3A_22] : memref<10000x64xf32, #tpu.memory_space<vmem>>, vector<10000x64xf32>
    tpu.vector_store %arg5[%swap3A, %swap3A_22], %max3A_21 {strides = array<i32>} : memref<10000x64xf32, #tpu.memory_space<vmem>>, vector<10000x64xf32>,
    return
  }
}

module attributes {stable_mosaic.version = 14 : i64} {
  func.func @_tc_mlp(%arg0: memref<10000x64xf32, #tpu.memory_space<vmem>>, %arg1: memref<2x10240x64xf32, #tpu.memory_space<vmem>>, %arg2: memref<32xi32, #tpu.memory_space<smem>>, %arg3: memref<64x64xf32, #tpu.memory_space<vmem>>, %arg4: memref<64xf32, #tpu.memory_space<vmem>>, %arg5: memref<64x64xf32, #tpu.memory_space<vmem>>, %arg6: memref<64xf32, #tpu.memory_space<vmem>>, %arg7: memref<10000x64xf32, #tpu.memory_space<vmem>>) attributes {dimension_semantics = [], scalar_prefetch = 0 : i64, scratch_operands = 0 : i64, tpu.core_type = #tpu.core_type<tc>} {
    %get3A = arith.constant 0 : index
    %get3A_0 = arith.constant 0 : index
    %get3A_1 = arith.constant 0 : index
    %get3A_2 = vector.load %arg1[%get3A, %get3A_0, %get3A_1] : memref<2x10240x64xf32, #tpu.memory_space<vmem>>, vector<1x10000x64xf32>
    %get3A_3 = vector.shape_cast %get3A_2 : vector<1x10000x64xf32> to vector<10000x64xf32>
    %get3A_4 = arith.constant 1 : index
    %get3A_5 = arith.constant 0 : index
    %get3A_6 = arith.constant 0 : index
    %get3A_7 = vector.load %arg1[%get3A_4, %get3A_5, %get3A_6] : memref<2x10240x64xf32, #tpu.memory_space<vmem>>, vector<1x10000x64xf32>
    %get3A_8 = vector.shape_cast %get3A_7 : vector<1x10000x64xf32> to vector<10000x64xf32>
    %add3A = arith.addf %get3A_3, %get3A_8 : vector<10000x64xf32>
    %iota3A = tpu.iota {dimensions = array<i32: 0>} : vector<10000x1xi32>
    %get3A_9 = arith.constant 1 : index
    %get3A_10 = memref.load %arg2[%get3A_9] : memref<32xi32, #tpu.memory_space<smem>>
    %get3A_11 = arith.constant 0 : index
    %get3A_12 = arith.constant 10001 : index
    %get3A_13 = arith.constant 0 : index
    %get3A_14 = vector.load %arg1[%get3A_11, %get3A_12, %get3A_13] : memref<2x10240x64xf32, #tpu.memory_space<vmem>>, vector<1x1x64xf32>
    %get3A_15 = vector.shape_cast %get3A_14 : vector<1x1x64xf32> to vector<64xf32>
    %eq3A = vector.broadcast %get3A_10 : i32 to vector<10000x1xi32>
    %eq3A_16 = arith.cmpi eq, %iota3A, %eq3A : vector<10000x1xi32>
    %broadcast_in_dim3A = vector.shape_cast %get3A_15 : vector<64xf32> to vector<1x64xf32>
    %jit3A = arith.constant 0.000000e+00 : f32
    %broadcast_in_dim3A_17 = vector.shape_cast %eq3A_16 : vector<10000x1xi1> to vector<10000x1xi1>
    %broadcast_in_dim3A_18 = vector.broadcast %broadcast_in_dim3A_17 : vector<10000x1xi1> to vector<10000x64xi1>
    %broadcast_in_dim3A_19 = vector.shape_cast %broadcast_in_dim3A : vector<1x64xf32> to vector<1x64xf32>
    %broadcast_in_dim3A_20 = vector.broadcast %broadcast_in_dim3A_19 : vector<1x64xf32> to vector<10000x64xf32>
    %broadcast_in_dim3A_21 = vector.broadcast %jit3A : f32 to vector<10000x64xf32>
    %select_n3A = arith.select %broadcast_in_dim3A_18, %broadcast_in_dim3A_20, %broadcast_in_dim3A_21 : vector<10000x64xi1>, vector<10000x64xf32>
    %add3A_22 = arith.addf %add3A, %select_n3A : vector<10000x64xf32>
    %get3A_23 = arith.constant 2 : index
    %get3A_24 = memref.load %arg2[%get3A_23] : memref<32xi32, #tpu.memory_space<smem>>
    %get3A_25 = arith.constant 0 : index
    %get3A_26 = arith.constant 10002 : index
    %get3A_27 = arith.constant 0 : index
    %get3A_28 = vector.load %arg1[%get3A_25, %get3A_26, %get3A_27] : memref<2x10240x64xf32, #tpu.memory_space<vmem>>, vector<1x1x64xf32>
    %get3A_29 = vector.shape_cast %get3A_28 : vector<1x1x64xf32> to vector<64xf32>
    %eq3A_30 = vector.broadcast %get3A_24 : i32 to vector<10000x1xi32>
    %eq3A_31 = arith.cmpi eq, %iota3A, %eq3A_30 : vector<10000x1xi32>
    %broadcast_in_dim3A_32 = vector.shape_cast %get3A_29 : vector<64xf32> to vector<1x64xf32>
    %jit3A_33 = arith.constant 0.000000e+00 : f32
    %broadcast_in_dim3A_34 = vector.shape_cast %eq3A_31 : vector<10000x1xi1> to vector<10000x1xi1>
    %broadcast_in_dim3A_35 = vector.broadcast %broadcast_in_dim3A_34 : vector<10000x1xi1> to vector<10000x64xi1>
    %broadcast_in_dim3A_36 = vector.shape_cast %broadcast_in_dim3A_32 : vector<1x64xf32> to vector<1x64xf32>
    %broadcast_in_dim3A_37 = vector.broadcast %broadcast_in_dim3A_36 : vector<1x64xf32> to vector<10000x64xf32>
    %broadcast_in_dim3A_38 = vector.broadcast %jit3A_33 : f32 to vector<10000x64xf32>
    %select_n3A_39 = arith.select %broadcast_in_dim3A_35, %broadcast_in_dim3A_37, %broadcast_in_dim3A_38 : vector<10000x64xi1>, vector<10000x64xf32>
    %add3A_40 = arith.addf %add3A_22, %select_n3A_39 : vector<10000x64xf32>
    %get3A_41 = arith.constant 3 : index
    %get3A_42 = memref.load %arg2[%get3A_41] : memref<32xi32, #tpu.memory_space<smem>>
    %get3A_43 = arith.constant 0 : index
    %get3A_44 = arith.constant 10003 : index
    %get3A_45 = arith.constant 0 : index
    %get3A_46 = vector.load %arg1[%get3A_43, %get3A_44, %get3A_45] : memref<2x10240x64xf32, #tpu.memory_space<vmem>>, vector<1x1x64xf32>
    %get3A_47 = vector.shape_cast %get3A_46 : vector<1x1x64xf32> to vector<64xf32>
    %eq3A_48 = vector.broadcast %get3A_42 : i32 to vector<10000x1xi32>
    %eq3A_49 = arith.cmpi eq, %iota3A, %eq3A_48 : vector<10000x1xi32>
    %broadcast_in_dim3A_50 = vector.shape_cast %get3A_47 : vector<64xf32> to vector<1x64xf32>
    %jit3A_51 = arith.constant 0.000000e+00 : f32
    %broadcast_in_dim3A_52 = vector.shape_cast %eq3A_49 : vector<10000x1xi1> to vector<10000x1xi1>
    %broadcast_in_dim3A_53 = vector.broadcast %broadcast_in_dim3A_52 : vector<10000x1xi1> to vector<10000x64xi1>
    %broadcast_in_dim3A_54 = vector.shape_cast %broadcast_in_dim3A_50 : vector<1x64xf32> to vector<1x64xf32>
    %broadcast_in_dim3A_55 = vector.broadcast %broadcast_in_dim3A_54 : vector<1x64xf32> to vector<10000x64xf32>
    %broadcast_in_dim3A_56 = vector.broadcast %jit3A_51 : f32 to vector<10000x64xf32>
    %select_n3A_57 = arith.select %broadcast_in_dim3A_53, %broadcast_in_dim3A_55, %broadcast_in_dim3A_56 : vector<10000x64xi1>, vector<10000x64xf32>
    %add3A_58 = arith.addf %add3A_40, %select_n3A_57 : vector<10000x64xf32>
    %get3A_59 = arith.constant 4 : index
    %get3A_60 = memref.load %arg2[%get3A_59] : memref<32xi32, #tpu.memory_space<smem>>
    %get3A_61 = arith.constant 0 : index
    %get3A_62 = arith.constant 10004 : index
    %get3A_63 = arith.constant 0 : index
    %get3A_64 = vector.load %arg1[%get3A_61, %get3A_62, %get3A_63] : memref<2x10240x64xf32, #tpu.memory_space<vmem>>, vector<1x1x64xf32>
    %get3A_65 = vector.shape_cast %get3A_64 : vector<1x1x64xf32> to vector<64xf32>
    %eq3A_66 = vector.broadcast %get3A_60 : i32 to vector<10000x1xi32>
    %eq3A_67 = arith.cmpi eq, %iota3A, %eq3A_66 : vector<10000x1xi32>
    %broadcast_in_dim3A_68 = vector.shape_cast %get3A_65 : vector<64xf32> to vector<1x64xf32>
    %jit3A_69 = arith.constant 0.000000e+00 : f32
    %broadcast_in_dim3A_70 = vector.shape_cast %eq3A_67 : vector<10000x1xi1> to vector<10000x1xi1>
    %broadcast_in_dim3A_71 = vector.broadcast %broadcast_in_dim3A_70 : vector<10000x1xi1> to vector<10000x64xi1>
    %broadcast_in_dim3A_72 = vector.shape_cast %broadcast_in_dim3A_68 : vector<1x64xf32> to vector<1x64xf32>
    %broadcast_in_dim3A_73 = vector.broadcast %broadcast_in_dim3A_72 : vector<1x64xf32> to vector<10000x64xf32>
    %broadcast_in_dim3A_74 = vector.broadcast %jit3A_69 : f32 to vector<10000x64xf32>
    %select_n3A_75 = arith.select %broadcast_in_dim3A_71, %broadcast_in_dim3A_73, %broadcast_in_dim3A_74 : vector<10000x64xi1>, vector<10000x64xf32>
    %add3A_76 = arith.addf %add3A_58, %select_n3A_75 : vector<10000x64xf32>
    %get3A_77 = arith.constant 5 : index
    %get3A_78 = memref.load %arg2[%get3A_77] : memref<32xi32, #tpu.memory_space<smem>>
    %get3A_79 = arith.constant 0 : index
    %get3A_80 = arith.constant 10005 : index
    %get3A_81 = arith.constant 0 : index
    %get3A_82 = vector.load %arg1[%get3A_79, %get3A_80, %get3A_81] : memref<2x10240x64xf32, #tpu.memory_space<vmem>>, vector<1x1x64xf32>
    %get3A_83 = vector.shape_cast %get3A_82 : vector<1x1x64xf32> to vector<64xf32>
    %eq3A_84 = vector.broadcast %get3A_78 : i32 to vector<10000x1xi32>
    %eq3A_85 = arith.cmpi eq, %iota3A, %eq3A_84 : vector<10000x1xi32>
    %broadcast_in_dim3A_86 = vector.shape_cast %get3A_83 : vector<64xf32> to vector<1x64xf32>
    %jit3A_87 = arith.constant 0.000000e+00 : f32
    %broadcast_in_dim3A_88 = vector.shape_cast %eq3A_85 : vector<10000x1xi1> to vector<10000x1xi1>
    %broadcast_in_dim3A_89 = vector.broadcast %broadcast_in_dim3A_88 : vector<10000x1xi1> to vector<10000x64xi1>
    %broadcast_in_dim3A_90 = vector.shape_cast %broadcast_in_dim3A_86 : vector<1x64xf32> to vector<1x64xf32>
    %broadcast_in_dim3A_91 = vector.broadcast %broadcast_in_dim3A_90 : vector<1x64xf32> to vector<10000x64xf32>
    %broadcast_in_dim3A_92 = vector.broadcast %jit3A_87 : f32 to vector<10000x64xf32>
    %select_n3A_93 = arith.select %broadcast_in_dim3A_89, %broadcast_in_dim3A_91, %broadcast_in_dim3A_92 : vector<10000x64xi1>, vector<10000x64xf32>
    %add3A_94 = arith.addf %add3A_76, %select_n3A_93 : vector<10000x64xf32>
    %get3A_95 = arith.constant 6 : index
    %get3A_96 = memref.load %arg2[%get3A_95] : memref<32xi32, #tpu.memory_space<smem>>
    %get3A_97 = arith.constant 0 : index
    %get3A_98 = arith.constant 10006 : index
    %get3A_99 = arith.constant 0 : index
    %get3A_100 = vector.load %arg1[%get3A_97, %get3A_98, %get3A_99] : memref<2x10240x64xf32, #tpu.memory_space<vmem>>, vector<1x1x64xf32>
    %get3A_101 = vector.shape_cast %get3A_100 : vector<1x1x64xf32> to vector<64xf32>
    %eq3A_102 = vector.broadcast %get3A_96 : i32 to vector<10000x1xi32>
    %eq3A_103 = arith.cmpi eq, %iota3A, %eq3A_102 : vector<10000x1xi32>
    %broadcast_in_dim3A_104 = vector.shape_cast %get3A_101 : vector<64xf32> to vector<1x64xf32>
    %jit3A_105 = arith.constant 0.000000e+00 : f32
    %broadcast_in_dim3A_106 = vector.shape_cast %eq3A_103 : vector<10000x1xi1> to vector<10000x1xi1>
    %broadcast_in_dim3A_107 = vector.broadcast %broadcast_in_dim3A_106 : vector<10000x1xi1> to vector<10000x64xi1>
    %broadcast_in_dim3A_108 = vector.shape_cast %broadcast_in_dim3A_104 : vector<1x64xf32> to vector<1x64xf32>
    %broadcast_in_dim3A_109 = vector.broadcast %broadcast_in_dim3A_108 : vector<1x64xf32> to vector<10000x64xf32>
    %broadcast_in_dim3A_110 = vector.broadcast %jit3A_105 : f32 to vector<10000x64xf32>
    %select_n3A_111 = arith.select %broadcast_in_dim3A_107, %broadcast_in_dim3A_109, %broadcast_in_dim3A_110 : vector<10000x64xi1>, vector<10000x64xf32>
    %add3A_112 = arith.addf %add3A_94, %select_n3A_111 : vector<10000x64xf32>
    %get3A_113 = arith.constant 7 : index
    %get3A_114 = memref.load %arg2[%get3A_113] : memref<32xi32, #tpu.memory_space<smem>>
    %get3A_115 = arith.constant 0 : index
    %get3A_116 = arith.constant 10007 : index
    %get3A_117 = arith.constant 0 : index
    %get3A_118 = vector.load %arg1[%get3A_115, %get3A_116, %get3A_117] : memref<2x10240x64xf32, #tpu.memory_space<vmem>>, vector<1x1x64xf32>
    %get3A_119 = vector.shape_cast %get3A_118 : vector<1x1x64xf32> to vector<64xf32>
    %eq3A_120 = vector.broadcast %get3A_114 : i32 to vector<10000x1xi32>
    %eq3A_121 = arith.cmpi eq, %iota3A, %eq3A_120 : vector<10000x1xi32>
    %broadcast_in_dim3A_122 = vector.shape_cast %get3A_119 : vector<64xf32> to vector<1x64xf32>
    %jit3A_123 = arith.constant 0.000000e+00 : f32
    %broadcast_in_dim3A_124 = vector.shape_cast %eq3A_121 : vector<10000x1xi1> to vector<10000x1xi1>
    %broadcast_in_dim3A_125 = vector.broadcast %broadcast_in_dim3A_124 : vector<10000x1xi1> to vector<10000x64xi1>
    %broadcast_in_dim3A_126 = vector.shape_cast %broadcast_in_dim3A_122 : vector<1x64xf32> to vector<1x64xf32>
    %broadcast_in_dim3A_127 = vector.broadcast %broadcast_in_dim3A_126 : vector<1x64xf32> to vector<10000x64xf32>
    %broadcast_in_dim3A_128 = vector.broadcast %jit3A_123 : f32 to vector<10000x64xf32>
    %select_n3A_129 = arith.select %broadcast_in_dim3A_125, %broadcast_in_dim3A_127, %broadcast_in_dim3A_128 : vector<10000x64xi1>, vector<10000x64xf32>
    %add3A_130 = arith.addf %add3A_112, %select_n3A_129 : vector<10000x64xf32>
    %get3A_131 = arith.constant 8 : index
    %get3A_132 = memref.load %arg2[%get3A_131] : memref<32xi32, #tpu.memory_space<smem>>
    %get3A_133 = arith.constant 0 : index
    %get3A_134 = arith.constant 10008 : index
    %get3A_135 = arith.constant 0 : index
    %get3A_136 = vector.load %arg1[%get3A_133, %get3A_134, %get3A_135] : memref<2x10240x64xf32, #tpu.memory_space<vmem>>, vector<1x1x64xf32>
    %get3A_137 = vector.shape_cast %get3A_136 : vector<1x1x64xf32> to vector<64xf32>
    %eq3A_138 = vector.broadcast %get3A_132 : i32 to vector<10000x1xi32>
    %eq3A_139 = arith.cmpi eq, %iota3A, %eq3A_138 : vector<10000x1xi32>
    %broadcast_in_dim3A_140 = vector.shape_cast %get3A_137 : vector<64xf32> to vector<1x64xf32>
    %jit3A_141 = arith.constant 0.000000e+00 : f32
    %broadcast_in_dim3A_142 = vector.shape_cast %eq3A_139 : vector<10000x1xi1> to vector<10000x1xi1>
    %broadcast_in_dim3A_143 = vector.broadcast %broadcast_in_dim3A_142 : vector<10000x1xi1> to vector<10000x64xi1>
    %broadcast_in_dim3A_144 = vector.shape_cast %broadcast_in_dim3A_140 : vector<1x64xf32> to vector<1x64xf32>
    %broadcast_in_dim3A_145 = vector.broadcast %broadcast_in_dim3A_144 : vector<1x64xf32> to vector<10000x64xf32>
    %broadcast_in_dim3A_146 = vector.broadcast %jit3A_141 : f32 to vector<10000x64xf32>
    %select_n3A_147 = arith.select %broadcast_in_dim3A_143, %broadcast_in_dim3A_145, %broadcast_in_dim3A_146 : vector<10000x64xi1>, vector<10000x64xf32>
    %add3A_148 = arith.addf %add3A_130, %select_n3A_147 : vector<10000x64xf32>
    %get3A_149 = arith.constant 9 : index
    %get3A_150 = memref.load %arg2[%get3A_149] : memref<32xi32, #tpu.memory_space<smem>>
    %get3A_151 = arith.constant 0 : index
    %get3A_152 = arith.constant 10009 : index
    %get3A_153 = arith.constant 0 : index
    %get3A_154 = vector.load %arg1[%get3A_151, %get3A_152, %get3A_153] : memref<2x10240x64xf32, #tpu.memory_space<vmem>>, vector<1x1x64xf32>
    %get3A_155 = vector.shape_cast %get3A_154 : vector<1x1x64xf32> to vector<64xf32>
    %eq3A_156 = vector.broadcast %get3A_150 : i32 to vector<10000x1xi32>
    %eq3A_157 = arith.cmpi eq, %iota3A, %eq3A_156 : vector<10000x1xi32>
    %broadcast_in_dim3A_158 = vector.shape_cast %get3A_155 : vector<64xf32> to vector<1x64xf32>
    %jit3A_159 = arith.constant 0.000000e+00 : f32
    %broadcast_in_dim3A_160 = vector.shape_cast %eq3A_157 : vector<10000x1xi1> to vector<10000x1xi1>
    %broadcast_in_dim3A_161 = vector.broadcast %broadcast_in_dim3A_160 : vector<10000x1xi1> to vector<10000x64xi1>
    %broadcast_in_dim3A_162 = vector.shape_cast %broadcast_in_dim3A_158 : vector<1x64xf32> to vector<1x64xf32>
    %broadcast_in_dim3A_163 = vector.broadcast %broadcast_in_dim3A_162 : vector<1x64xf32> to vector<10000x64xf32>
    %broadcast_in_dim3A_164 = vector.broadcast %jit3A_159 : f32 to vector<10000x64xf32>
    %select_n3A_165 = arith.select %broadcast_in_dim3A_161, %broadcast_in_dim3A_163, %broadcast_in_dim3A_164 : vector<10000x64xi1>, vector<10000x64xf32>
    %add3A_166 = arith.addf %add3A_148, %select_n3A_165 : vector<10000x64xf32>
    %get3A_167 = arith.constant 10 : index
    %get3A_168 = memref.load %arg2[%get3A_167] : memref<32xi32, #tpu.memory_space<smem>>
    %get3A_169 = arith.constant 0 : index
    %get3A_170 = arith.constant 10010 : index
    %get3A_171 = arith.constant 0 : index
    %get3A_172 = vector.load %arg1[%get3A_169, %get3A_170, %get3A_171] : memref<2x10240x64xf32, #tpu.memory_space<vmem>>, vector<1x1x64xf32>
    %get3A_173 = vector.shape_cast %get3A_172 : vector<1x1x64xf32> to vector<64xf32>
    %eq3A_174 = vector.broadcast %get3A_168 : i32 to vector<10000x1xi32>
    %eq3A_175 = arith.cmpi eq, %iota3A, %eq3A_174 : vector<10000x1xi32>
    %broadcast_in_dim3A_176 = vector.shape_cast %get3A_173 : vector<64xf32> to vector<1x64xf32>
    %jit3A_177 = arith.constant 0.000000e+00 : f32
    %broadcast_in_dim3A_178 = vector.shape_cast %eq3A_175 : vector<10000x1xi1> to vector<10000x1xi1>
    %broadcast_in_dim3A_179 = vector.broadcast %broadcast_in_dim3A_178 : vector<10000x1xi1> to vector<10000x64xi1>
    %broadcast_in_dim3A_180 = vector.shape_cast %broadcast_in_dim3A_176 : vector<1x64xf32> to vector<1x64xf32>
    %broadcast_in_dim3A_181 = vector.broadcast %broadcast_in_dim3A_180 : vector<1x64xf32> to vector<10000x64xf32>
    %broadcast_in_dim3A_182 = vector.broadcast %jit3A_177 : f32 to vector<10000x64xf32>
    %select_n3A_183 = arith.select %broadcast_in_dim3A_179, %broadcast_in_dim3A_181, %broadcast_in_dim3A_182 : vector<10000x64xi1>, vector<10000x64xf32>
    %add3A_184 = arith.addf %add3A_166, %select_n3A_183 : vector<10000x64xf32>
    %get3A_185 = arith.constant 11 : index
    %get3A_186 = memref.load %arg2[%get3A_185] : memref<32xi32, #tpu.memory_space<smem>>
    %get3A_187 = arith.constant 0 : index
    %get3A_188 = arith.constant 10011 : index
    %get3A_189 = arith.constant 0 : index
    %get3A_190 = vector.load %arg1[%get3A_187, %get3A_188, %get3A_189] : memref<2x10240x64xf32, #tpu.memory_space<vmem>>, vector<1x1x64xf32>
    %get3A_191 = vector.shape_cast %get3A_190 : vector<1x1x64xf32> to vector<64xf32>
    %eq3A_192 = vector.broadcast %get3A_186 : i32 to vector<10000x1xi32>
    %eq3A_193 = arith.cmpi eq, %iota3A, %eq3A_192 : vector<10000x1xi32>
    %broadcast_in_dim3A_194 = vector.shape_cast %get3A_191 : vector<64xf32> to vector<1x64xf32>
    %jit3A_195 = arith.constant 0.000000e+00 : f32
    %broadcast_in_dim3A_196 = vector.shape_cast %eq3A_193 : vector<10000x1xi1> to vector<10000x1xi1>
    %broadcast_in_dim3A_197 = vector.broadcast %broadcast_in_dim3A_196 : vector<10000x1xi1> to vector<10000x64xi1>
    %broadcast_in_dim3A_198 = vector.shape_cast %broadcast_in_dim3A_194 : vector<1x64xf32> to vector<1x64xf32>
    %broadcast_in_dim3A_199 = vector.broadcast %broadcast_in_dim3A_198 : vector<1x64xf32> to vector<10000x64xf32>
    %broadcast_in_dim3A_200 = vector.broadcast %jit3A_195 : f32 to vector<10000x64xf32>
    %select_n3A_201 = arith.select %broadcast_in_dim3A_197, %broadcast_in_dim3A_199, %broadcast_in_dim3A_200 : vector<10000x64xi1>, vector<10000x64xf32>
    %add3A_202 = arith.addf %add3A_184, %select_n3A_201 : vector<10000x64xf32>
    %get3A_203 = arith.constant 12 : index
    %get3A_204 = memref.load %arg2[%get3A_203] : memref<32xi32, #tpu.memory_space<smem>>
    %get3A_205 = arith.constant 0 : index
    %get3A_206 = arith.constant 10012 : index
    %get3A_207 = arith.constant 0 : index
    %get3A_208 = vector.load %arg1[%get3A_205, %get3A_206, %get3A_207] : memref<2x10240x64xf32, #tpu.memory_space<vmem>>, vector<1x1x64xf32>
    %get3A_209 = vector.shape_cast %get3A_208 : vector<1x1x64xf32> to vector<64xf32>
    %eq3A_210 = vector.broadcast %get3A_204 : i32 to vector<10000x1xi32>
    %eq3A_211 = arith.cmpi eq, %iota3A, %eq3A_210 : vector<10000x1xi32>
    %broadcast_in_dim3A_212 = vector.shape_cast %get3A_209 : vector<64xf32> to vector<1x64xf32>
    %jit3A_213 = arith.constant 0.000000e+00 : f32
    %broadcast_in_dim3A_214 = vector.shape_cast %eq3A_211 : vector<10000x1xi1> to vector<10000x1xi1>
    %broadcast_in_dim3A_215 = vector.broadcast %broadcast_in_dim3A_214 : vector<10000x1xi1> to vector<10000x64xi1>
    %broadcast_in_dim3A_216 = vector.shape_cast %broadcast_in_dim3A_212 : vector<1x64xf32> to vector<1x64xf32>
    %broadcast_in_dim3A_217 = vector.broadcast %broadcast_in_dim3A_216 : vector<1x64xf32> to vector<10000x64xf32>
    %broadcast_in_dim3A_218 = vector.broadcast %jit3A_213 : f32 to vector<10000x64xf32>
    %select_n3A_219 = arith.select %broadcast_in_dim3A_215, %broadcast_in_dim3A_217, %broadcast_in_dim3A_218 : vector<10000x64xi1>, vector<10000x64xf32>
    %add3A_220 = arith.addf %add3A_202, %select_n3A_219 : vector<10000x64xf32>
    %get3A_221 = arith.constant 13 : index
    %get3A_222 = memref.load %arg2[%get3A_221] : memref<32xi32, #tpu.memory_space<smem>>
    %get3A_223 = arith.constant 0 : index
    %get3A_224 = arith.constant 10013 : index
    %get3A_225 = arith.constant 0 : index
    %get3A_226 = vector.load %arg1[%get3A_223, %get3A_224, %get3A_225] : memref<2x10240x64xf32, #tpu.memory_space<vmem>>, vector<1x1x64xf32>
    %get3A_227 = vector.shape_cast %get3A_226 : vector<1x1x64xf32> to vector<64xf32>
    %eq3A_228 = vector.broadcast %get3A_222 : i32 to vector<10000x1xi32>
    %eq3A_229 = arith.cmpi eq, %iota3A, %eq3A_228 : vector<10000x1xi32>
    %broadcast_in_dim3A_230 = vector.shape_cast %get3A_227 : vector<64xf32> to vector<1x64xf32>
    %jit3A_231 = arith.constant 0.000000e+00 : f32
    %broadcast_in_dim3A_232 = vector.shape_cast %eq3A_229 : vector<10000x1xi1> to vector<10000x1xi1>
    %broadcast_in_dim3A_233 = vector.broadcast %broadcast_in_dim3A_232 : vector<10000x1xi1> to vector<10000x64xi1>
    %broadcast_in_dim3A_234 = vector.shape_cast %broadcast_in_dim3A_230 : vector<1x64xf32> to vector<1x64xf32>
    %broadcast_in_dim3A_235 = vector.broadcast %broadcast_in_dim3A_234 : vector<1x64xf32> to vector<10000x64xf32>
    %broadcast_in_dim3A_236 = vector.broadcast %jit3A_231 : f32 to vector<10000x64xf32>
    %select_n3A_237 = arith.select %broadcast_in_dim3A_233, %broadcast_in_dim3A_235, %broadcast_in_dim3A_236 : vector<10000x64xi1>, vector<10000x64xf32>
    %add3A_238 = arith.addf %add3A_220, %select_n3A_237 : vector<10000x64xf32>
    %get3A_239 = arith.constant 14 : index
    %get3A_240 = memref.load %arg2[%get3A_239] : memref<32xi32, #tpu.memory_space<smem>>
    %get3A_241 = arith.constant 0 : index
    %get3A_242 = arith.constant 10014 : index
    %get3A_243 = arith.constant 0 : index
    %get3A_244 = vector.load %arg1[%get3A_241, %get3A_242, %get3A_243] : memref<2x10240x64xf32, #tpu.memory_space<vmem>>, vector<1x1x64xf32>
    %get3A_245 = vector.shape_cast %get3A_244 : vector<1x1x64xf32> to vector<64xf32>
    %eq3A_246 = vector.broadcast %get3A_240 : i32 to vector<10000x1xi32>
    %eq3A_247 = arith.cmpi eq, %iota3A, %eq3A_246 : vector<10000x1xi32>
    %broadcast_in_dim3A_248 = vector.shape_cast %get3A_245 : vector<64xf32> to vector<1x64xf32>
    %jit3A_249 = arith.constant 0.000000e+00 : f32
    %broadcast_in_dim3A_250 = vector.shape_cast %eq3A_247 : vector<10000x1xi1> to vector<10000x1xi1>
    %broadcast_in_dim3A_251 = vector.broadcast %broadcast_in_dim3A_250 : vector<10000x1xi1> to vector<10000x64xi1>
    %broadcast_in_dim3A_252 = vector.shape_cast %broadcast_in_dim3A_248 : vector<1x64xf32> to vector<1x64xf32>
    %broadcast_in_dim3A_253 = vector.broadcast %broadcast_in_dim3A_252 : vector<1x64xf32> to vector<10000x64xf32>
    %broadcast_in_dim3A_254 = vector.broadcast %jit3A_249 : f32 to vector<10000x64xf32>
    %select_n3A_255 = arith.select %broadcast_in_dim3A_251, %broadcast_in_dim3A_253, %broadcast_in_dim3A_254 : vector<10000x64xi1>, vector<10000x64xf32>
    %add3A_256 = arith.addf %add3A_238, %select_n3A_255 : vector<10000x64xf32>
    %get3A_257 = arith.constant 15 : index
    %get3A_258 = memref.load %arg2[%get3A_257] : memref<32xi32, #tpu.memory_space<smem>>
    %get3A_259 = arith.constant 0 : index
    %get3A_260 = arith.constant 10015 : index
    %get3A_261 = arith.constant 0 : index
    %get3A_262 = vector.load %arg1[%get3A_259, %get3A_260, %get3A_261] : memref<2x10240x64xf32, #tpu.memory_space<vmem>>, vector<1x1x64xf32>
    %get3A_263 = vector.shape_cast %get3A_262 : vector<1x1x64xf32> to vector<64xf32>
    %eq3A_264 = vector.broadcast %get3A_258 : i32 to vector<10000x1xi32>
    %eq3A_265 = arith.cmpi eq, %iota3A, %eq3A_264 : vector<10000x1xi32>
    %broadcast_in_dim3A_266 = vector.shape_cast %get3A_263 : vector<64xf32> to vector<1x64xf32>
    %jit3A_267 = arith.constant 0.000000e+00 : f32
    %broadcast_in_dim3A_268 = vector.shape_cast %eq3A_265 : vector<10000x1xi1> to vector<10000x1xi1>
    %broadcast_in_dim3A_269 = vector.broadcast %broadcast_in_dim3A_268 : vector<10000x1xi1> to vector<10000x64xi1>
    %broadcast_in_dim3A_270 = vector.shape_cast %broadcast_in_dim3A_266 : vector<1x64xf32> to vector<1x64xf32>
    %broadcast_in_dim3A_271 = vector.broadcast %broadcast_in_dim3A_270 : vector<1x64xf32> to vector<10000x64xf32>
    %broadcast_in_dim3A_272 = vector.broadcast %jit3A_267 : f32 to vector<10000x64xf32>
    %select_n3A_273 = arith.select %broadcast_in_dim3A_269, %broadcast_in_dim3A_271, %broadcast_in_dim3A_272 : vector<10000x64xi1>, vector<10000x64xf32>
    %add3A_274 = arith.addf %add3A_256, %select_n3A_273 : vector<10000x64xf32>
    %get3A_275 = arith.constant 16 : index
    %get3A_276 = memref.load %arg2[%get3A_275] : memref<32xi32, #tpu.memory_space<smem>>
    %get3A_277 = arith.constant 1 : index
    %get3A_278 = arith.constant 10016 : index
    %get3A_279 = arith.constant 0 : index
    %get3A_280 = vector.load %arg1[%get3A_277, %get3A_278, %get3A_279] : memref<2x10240x64xf32, #tpu.memory_space<vmem>>, vector<1x1x64xf32>
    %get3A_281 = vector.shape_cast %get3A_280 : vector<1x1x64xf32> to vector<64xf32>
    %eq3A_282 = vector.broadcast %get3A_276 : i32 to vector<10000x1xi32>
    %eq3A_283 = arith.cmpi eq, %iota3A, %eq3A_282 : vector<10000x1xi32>
    %broadcast_in_dim3A_284 = vector.shape_cast %get3A_281 : vector<64xf32> to vector<1x64xf32>
    %jit3A_285 = arith.constant 0.000000e+00 : f32
    %broadcast_in_dim3A_286 = vector.shape_cast %eq3A_283 : vector<10000x1xi1> to vector<10000x1xi1>
    %broadcast_in_dim3A_287 = vector.broadcast %broadcast_in_dim3A_286 : vector<10000x1xi1> to vector<10000x64xi1>
    %broadcast_in_dim3A_288 = vector.shape_cast %broadcast_in_dim3A_284 : vector<1x64xf32> to vector<1x64xf32>
    %broadcast_in_dim3A_289 = vector.broadcast %broadcast_in_dim3A_288 : vector<1x64xf32> to vector<10000x64xf32>
    %broadcast_in_dim3A_290 = vector.broadcast %jit3A_285 : f32 to vector<10000x64xf32>
    %select_n3A_291 = arith.select %broadcast_in_dim3A_287, %broadcast_in_dim3A_289, %broadcast_in_dim3A_290 : vector<10000x64xi1>, vector<10000x64xf32>
    %add3A_292 = arith.addf %add3A_274, %select_n3A_291 : vector<10000x64xf32>
    %get3A_293 = arith.constant 17 : index
    %get3A_294 = memref.load %arg2[%get3A_293] : memref<32xi32, #tpu.memory_space<smem>>
    %get3A_295 = arith.constant 1 : index
    %get3A_296 = arith.constant 10017 : index
    %get3A_297 = arith.constant 0 : index
    %get3A_298 = vector.load %arg1[%get3A_295, %get3A_296, %get3A_297] : memref<2x10240x64xf32, #tpu.memory_space<vmem>>, vector<1x1x64xf32>
    %get3A_299 = vector.shape_cast %get3A_298 : vector<1x1x64xf32> to vector<64xf32>
    %eq3A_300 = vector.broadcast %get3A_294 : i32 to vector<10000x1xi32>
    %eq3A_301 = arith.cmpi eq, %iota3A, %eq3A_300 : vector<10000x1xi32>
    %broadcast_in_dim3A_302 = vector.shape_cast %get3A_299 : vector<64xf32> to vector<1x64xf32>
    %jit3A_303 = arith.constant 0.000000e+00 : f32
    %broadcast_in_dim3A_304 = vector.shape_cast %eq3A_301 : vector<10000x1xi1> to vector<10000x1xi1>
    %broadcast_in_dim3A_305 = vector.broadcast %broadcast_in_dim3A_304 : vector<10000x1xi1> to vector<10000x64xi1>
    %broadcast_in_dim3A_306 = vector.shape_cast %broadcast_in_dim3A_302 : vector<1x64xf32> to vector<1x64xf32>
    %broadcast_in_dim3A_307 = vector.broadcast %broadcast_in_dim3A_306 : vector<1x64xf32> to vector<10000x64xf32>
    %broadcast_in_dim3A_308 = vector.broadcast %jit3A_303 : f32 to vector<10000x64xf32>
    %select_n3A_309 = arith.select %broadcast_in_dim3A_305, %broadcast_in_dim3A_307, %broadcast_in_dim3A_308 : vector<10000x64xi1>, vector<10000x64xf32>
    %add3A_310 = arith.addf %add3A_292, %select_n3A_309 : vector<10000x64xf32>
    %get3A_311 = arith.constant 18 : index
    %get3A_312 = memref.load %arg2[%get3A_311] : memref<32xi32, #tpu.memory_space<smem>>
    %get3A_313 = arith.constant 1 : index
    %get3A_314 = arith.constant 10018 : index
    %get3A_315 = arith.constant 0 : index
    %get3A_316 = vector.load %arg1[%get3A_313, %get3A_314, %get3A_315] : memref<2x10240x64xf32, #tpu.memory_space<vmem>>, vector<1x1x64xf32>
    %get3A_317 = vector.shape_cast %get3A_316 : vector<1x1x64xf32> to vector<64xf32>
    %eq3A_318 = vector.broadcast %get3A_312 : i32 to vector<10000x1xi32>
    %eq3A_319 = arith.cmpi eq, %iota3A, %eq3A_318 : vector<10000x1xi32>
    %broadcast_in_dim3A_320 = vector.shape_cast %get3A_317 : vector<64xf32> to vector<1x64xf32>
    %jit3A_321 = arith.constant 0.000000e+00 : f32
    %broadcast_in_dim3A_322 = vector.shape_cast %eq3A_319 : vector<10000x1xi1> to vector<10000x1xi1>
    %broadcast_in_dim3A_323 = vector.broadcast %broadcast_in_dim3A_322 : vector<10000x1xi1> to vector<10000x64xi1>
    %broadcast_in_dim3A_324 = vector.shape_cast %broadcast_in_dim3A_320 : vector<1x64xf32> to vector<1x64xf32>
    %broadcast_in_dim3A_325 = vector.broadcast %broadcast_in_dim3A_324 : vector<1x64xf32> to vector<10000x64xf32>
    %broadcast_in_dim3A_326 = vector.broadcast %jit3A_321 : f32 to vector<10000x64xf32>
    %select_n3A_327 = arith.select %broadcast_in_dim3A_323, %broadcast_in_dim3A_325, %broadcast_in_dim3A_326 : vector<10000x64xi1>, vector<10000x64xf32>
    %add3A_328 = arith.addf %add3A_310, %select_n3A_327 : vector<10000x64xf32>
    %get3A_329 = arith.constant 19 : index
    %get3A_330 = memref.load %arg2[%get3A_329] : memref<32xi32, #tpu.memory_space<smem>>
    %get3A_331 = arith.constant 1 : index
    %get3A_332 = arith.constant 10019 : index
    %get3A_333 = arith.constant 0 : index
    %get3A_334 = vector.load %arg1[%get3A_331, %get3A_332, %get3A_333] : memref<2x10240x64xf32, #tpu.memory_space<vmem>>, vector<1x1x64xf32>
    %get3A_335 = vector.shape_cast %get3A_334 : vector<1x1x64xf32> to vector<64xf32>
    %eq3A_336 = vector.broadcast %get3A_330 : i32 to vector<10000x1xi32>
    %eq3A_337 = arith.cmpi eq, %iota3A, %eq3A_336 : vector<10000x1xi32>
    %broadcast_in_dim3A_338 = vector.shape_cast %get3A_335 : vector<64xf32> to vector<1x64xf32>
    %jit3A_339 = arith.constant 0.000000e+00 : f32
    %broadcast_in_dim3A_340 = vector.shape_cast %eq3A_337 : vector<10000x1xi1> to vector<10000x1xi1>
    %broadcast_in_dim3A_341 = vector.broadcast %broadcast_in_dim3A_340 : vector<10000x1xi1> to vector<10000x64xi1>
    %broadcast_in_dim3A_342 = vector.shape_cast %broadcast_in_dim3A_338 : vector<1x64xf32> to vector<1x64xf32>
    %broadcast_in_dim3A_343 = vector.broadcast %broadcast_in_dim3A_342 : vector<1x64xf32> to vector<10000x64xf32>
    %broadcast_in_dim3A_344 = vector.broadcast %jit3A_339 : f32 to vector<10000x64xf32>
    %select_n3A_345 = arith.select %broadcast_in_dim3A_341, %broadcast_in_dim3A_343, %broadcast_in_dim3A_344 : vector<10000x64xi1>, vector<10000x64xf32>
    %add3A_346 = arith.addf %add3A_328, %select_n3A_345 : vector<10000x64xf32>
    %get3A_347 = arith.constant 20 : index
    %get3A_348 = memref.load %arg2[%get3A_347] : memref<32xi32, #tpu.memory_space<smem>>
    %get3A_349 = arith.constant 1 : index
    %get3A_350 = arith.constant 10020 : index
    %get3A_351 = arith.constant 0 : index
    %get3A_352 = vector.load %arg1[%get3A_349, %get3A_350, %get3A_351] : memref<2x10240x64xf32, #tpu.memory_space<vmem>>, vector<1x1x64xf32>
    %get3A_353 = vector.shape_cast %get3A_352 : vector<1x1x64xf32> to vector<64xf32>
    %eq3A_354 = vector.broadcast %get3A_348 : i32 to vector<10000x1xi32>
    %eq3A_355 = arith.cmpi eq, %iota3A, %eq3A_354 : vector<10000x1xi32>
    %broadcast_in_dim3A_356 = vector.shape_cast %get3A_353 : vector<64xf32> to vector<1x64xf32>
    %jit3A_357 = arith.constant 0.000000e+00 : f32
    %broadcast_in_dim3A_358 = vector.shape_cast %eq3A_355 : vector<10000x1xi1> to vector<10000x1xi1>
    %broadcast_in_dim3A_359 = vector.broadcast %broadcast_in_dim3A_358 : vector<10000x1xi1> to vector<10000x64xi1>
    %broadcast_in_dim3A_360 = vector.shape_cast %broadcast_in_dim3A_356 : vector<1x64xf32> to vector<1x64xf32>
    %broadcast_in_dim3A_361 = vector.broadcast %broadcast_in_dim3A_360 : vector<1x64xf32> to vector<10000x64xf32>
    %broadcast_in_dim3A_362 = vector.broadcast %jit3A_357 : f32 to vector<10000x64xf32>
    %select_n3A_363 = arith.select %broadcast_in_dim3A_359, %broadcast_in_dim3A_361, %broadcast_in_dim3A_362 : vector<10000x64xi1>, vector<10000x64xf32>
    %add3A_364 = arith.addf %add3A_346, %select_n3A_363 : vector<10000x64xf32>
    %get3A_365 = arith.constant 21 : index
    %get3A_366 = memref.load %arg2[%get3A_365] : memref<32xi32, #tpu.memory_space<smem>>
    %get3A_367 = arith.constant 1 : index
    %get3A_368 = arith.constant 10021 : index
    %get3A_369 = arith.constant 0 : index
    %get3A_370 = vector.load %arg1[%get3A_367, %get3A_368, %get3A_369] : memref<2x10240x64xf32, #tpu.memory_space<vmem>>, vector<1x1x64xf32>
    %get3A_371 = vector.shape_cast %get3A_370 : vector<1x1x64xf32> to vector<64xf32>
    %eq3A_372 = vector.broadcast %get3A_366 : i32 to vector<10000x1xi32>
    %eq3A_373 = arith.cmpi eq, %iota3A, %eq3A_372 : vector<10000x1xi32>
    %broadcast_in_dim3A_374 = vector.shape_cast %get3A_371 : vector<64xf32> to vector<1x64xf32>
    %jit3A_375 = arith.constant 0.000000e+00 : f32
    %broadcast_in_dim3A_376 = vector.shape_cast %eq3A_373 : vector<10000x1xi1> to vector<10000x1xi1>
    %broadcast_in_dim3A_377 = vector.broadcast %broadcast_in_dim3A_376 : vector<10000x1xi1> to vector<10000x64xi1>
    %broadcast_in_dim3A_378 = vector.shape_cast %broadcast_in_dim3A_374 : vector<1x64xf32> to vector<1x64xf32>
    %broadcast_in_dim3A_379 = vector.broadcast %broadcast_in_dim3A_378 : vector<1x64xf32> to vector<10000x64xf32>
    %broadcast_in_dim3A_380 = vector.broadcast %jit3A_375 : f32 to vector<10000x64xf32>
    %select_n3A_381 = arith.select %broadcast_in_dim3A_377, %broadcast_in_dim3A_379, %broadcast_in_dim3A_380 : vector<10000x64xi1>, vector<10000x64xf32>
    %add3A_382 = arith.addf %add3A_364, %select_n3A_381 : vector<10000x64xf32>
    %get3A_383 = arith.constant 22 : index
    %get3A_384 = memref.load %arg2[%get3A_383] : memref<32xi32, #tpu.memory_space<smem>>
    %get3A_385 = arith.constant 1 : index
    %get3A_386 = arith.constant 10022 : index
    %get3A_387 = arith.constant 0 : index
    %get3A_388 = vector.load %arg1[%get3A_385, %get3A_386, %get3A_387] : memref<2x10240x64xf32, #tpu.memory_space<vmem>>, vector<1x1x64xf32>
    %get3A_389 = vector.shape_cast %get3A_388 : vector<1x1x64xf32> to vector<64xf32>
    %eq3A_390 = vector.broadcast %get3A_384 : i32 to vector<10000x1xi32>
    %eq3A_391 = arith.cmpi eq, %iota3A, %eq3A_390 : vector<10000x1xi32>
    %broadcast_in_dim3A_392 = vector.shape_cast %get3A_389 : vector<64xf32> to vector<1x64xf32>
    %jit3A_393 = arith.constant 0.000000e+00 : f32
    %broadcast_in_dim3A_394 = vector.shape_cast %eq3A_391 : vector<10000x1xi1> to vector<10000x1xi1>
    %broadcast_in_dim3A_395 = vector.broadcast %broadcast_in_dim3A_394 : vector<10000x1xi1> to vector<10000x64xi1>
    %broadcast_in_dim3A_396 = vector.shape_cast %broadcast_in_dim3A_392 : vector<1x64xf32> to vector<1x64xf32>
    %broadcast_in_dim3A_397 = vector.broadcast %broadcast_in_dim3A_396 : vector<1x64xf32> to vector<10000x64xf32>
    %broadcast_in_dim3A_398 = vector.broadcast %jit3A_393 : f32 to vector<10000x64xf32>
    %select_n3A_399 = arith.select %broadcast_in_dim3A_395, %broadcast_in_dim3A_397, %broadcast_in_dim3A_398 : vector<10000x64xi1>, vector<10000x64xf32>
    %add3A_400 = arith.addf %add3A_382, %select_n3A_399 : vector<10000x64xf32>
    %get3A_401 = arith.constant 23 : index
    %get3A_402 = memref.load %arg2[%get3A_401] : memref<32xi32, #tpu.memory_space<smem>>
    %get3A_403 = arith.constant 1 : index
    %get3A_404 = arith.constant 10023 : index
    %get3A_405 = arith.constant 0 : index
    %get3A_406 = vector.load %arg1[%get3A_403, %get3A_404, %get3A_405] : memref<2x10240x64xf32, #tpu.memory_space<vmem>>, vector<1x1x64xf32>
    %get3A_407 = vector.shape_cast %get3A_406 : vector<1x1x64xf32> to vector<64xf32>
    %eq3A_408 = vector.broadcast %get3A_402 : i32 to vector<10000x1xi32>
    %eq3A_409 = arith.cmpi eq, %iota3A, %eq3A_408 : vector<10000x1xi32>
    %broadcast_in_dim3A_410 = vector.shape_cast %get3A_407 : vector<64xf32> to vector<1x64xf32>
    %jit3A_411 = arith.constant 0.000000e+00 : f32
    %broadcast_in_dim3A_412 = vector.shape_cast %eq3A_409 : vector<10000x1xi1> to vector<10000x1xi1>
    %broadcast_in_dim3A_413 = vector.broadcast %broadcast_in_dim3A_412 : vector<10000x1xi1> to vector<10000x64xi1>
    %broadcast_in_dim3A_414 = vector.shape_cast %broadcast_in_dim3A_410 : vector<1x64xf32> to vector<1x64xf32>
    %broadcast_in_dim3A_415 = vector.broadcast %broadcast_in_dim3A_414 : vector<1x64xf32> to vector<10000x64xf32>
    %broadcast_in_dim3A_416 = vector.broadcast %jit3A_411 : f32 to vector<10000x64xf32>
    %select_n3A_417 = arith.select %broadcast_in_dim3A_413, %broadcast_in_dim3A_415, %broadcast_in_dim3A_416 : vector<10000x64xi1>, vector<10000x64xf32>
    %add3A_418 = arith.addf %add3A_400, %select_n3A_417 : vector<10000x64xf32>
    %get3A_419 = arith.constant 24 : index
    %get3A_420 = memref.load %arg2[%get3A_419] : memref<32xi32, #tpu.memory_space<smem>>
    %get3A_421 = arith.constant 1 : index
    %get3A_422 = arith.constant 10024 : index
    %get3A_423 = arith.constant 0 : index
    %get3A_424 = vector.load %arg1[%get3A_421, %get3A_422, %get3A_423] : memref<2x10240x64xf32, #tpu.memory_space<vmem>>, vector<1x1x64xf32>
    %get3A_425 = vector.shape_cast %get3A_424 : vector<1x1x64xf32> to vector<64xf32>
    %eq3A_426 = vector.broadcast %get3A_420 : i32 to vector<10000x1xi32>
    %eq3A_427 = arith.cmpi eq, %iota3A, %eq3A_426 : vector<10000x1xi32>
    %broadcast_in_dim3A_428 = vector.shape_cast %get3A_425 : vector<64xf32> to vector<1x64xf32>
    %jit3A_429 = arith.constant 0.000000e+00 : f32
    %broadcast_in_dim3A_430 = vector.shape_cast %eq3A_427 : vector<10000x1xi1> to vector<10000x1xi1>
    %broadcast_in_dim3A_431 = vector.broadcast %broadcast_in_dim3A_430 : vector<10000x1xi1> to vector<10000x64xi1>
    %broadcast_in_dim3A_432 = vector.shape_cast %broadcast_in_dim3A_428 : vector<1x64xf32> to vector<1x64xf32>
    %broadcast_in_dim3A_433 = vector.broadcast %broadcast_in_dim3A_432 : vector<1x64xf32> to vector<10000x64xf32>
    %broadcast_in_dim3A_434 = vector.broadcast %jit3A_429 : f32 to vector<10000x64xf32>
    %select_n3A_435 = arith.select %broadcast_in_dim3A_431, %broadcast_in_dim3A_433, %broadcast_in_dim3A_434 : vector<10000x64xi1>, vector<10000x64xf32>
    %add3A_436 = arith.addf %add3A_418, %select_n3A_435 : vector<10000x64xf32>
    %get3A_437 = arith.constant 25 : index
    %get3A_438 = memref.load %arg2[%get3A_437] : memref<32xi32, #tpu.memory_space<smem>>
    %get3A_439 = arith.constant 1 : index
    %get3A_440 = arith.constant 10025 : index
    %get3A_441 = arith.constant 0 : index
    %get3A_442 = vector.load %arg1[%get3A_439, %get3A_440, %get3A_441] : memref<2x10240x64xf32, #tpu.memory_space<vmem>>, vector<1x1x64xf32>
    %get3A_443 = vector.shape_cast %get3A_442 : vector<1x1x64xf32> to vector<64xf32>
    %eq3A_444 = vector.broadcast %get3A_438 : i32 to vector<10000x1xi32>
    %eq3A_445 = arith.cmpi eq, %iota3A, %eq3A_444 : vector<10000x1xi32>
    %broadcast_in_dim3A_446 = vector.shape_cast %get3A_443 : vector<64xf32> to vector<1x64xf32>
    %jit3A_447 = arith.constant 0.000000e+00 : f32
    %broadcast_in_dim3A_448 = vector.shape_cast %eq3A_445 : vector<10000x1xi1> to vector<10000x1xi1>
    %broadcast_in_dim3A_449 = vector.broadcast %broadcast_in_dim3A_448 : vector<10000x1xi1> to vector<10000x64xi1>
    %broadcast_in_dim3A_450 = vector.shape_cast %broadcast_in_dim3A_446 : vector<1x64xf32> to vector<1x64xf32>
    %broadcast_in_dim3A_451 = vector.broadcast %broadcast_in_dim3A_450 : vector<1x64xf32> to vector<10000x64xf32>
    %broadcast_in_dim3A_452 = vector.broadcast %jit3A_447 : f32 to vector<10000x64xf32>
    %select_n3A_453 = arith.select %broadcast_in_dim3A_449, %broadcast_in_dim3A_451, %broadcast_in_dim3A_452 : vector<10000x64xi1>, vector<10000x64xf32>
    %add3A_454 = arith.addf %add3A_436, %select_n3A_453 : vector<10000x64xf32>
    %get3A_455 = arith.constant 26 : index
    %get3A_456 = memref.load %arg2[%get3A_455] : memref<32xi32, #tpu.memory_space<smem>>
    %get3A_457 = arith.constant 1 : index
    %get3A_458 = arith.constant 10026 : index
    %get3A_459 = arith.constant 0 : index
    %get3A_460 = vector.load %arg1[%get3A_457, %get3A_458, %get3A_459] : memref<2x10240x64xf32, #tpu.memory_space<vmem>>, vector<1x1x64xf32>
    %get3A_461 = vector.shape_cast %get3A_460 : vector<1x1x64xf32> to vector<64xf32>
    %eq3A_462 = vector.broadcast %get3A_456 : i32 to vector<10000x1xi32>
    %eq3A_463 = arith.cmpi eq, %iota3A, %eq3A_462 : vector<10000x1xi32>
    %broadcast_in_dim3A_464 = vector.shape_cast %get3A_461 : vector<64xf32> to vector<1x64xf32>
    %jit3A_465 = arith.constant 0.000000e+00 : f32
    %broadcast_in_dim3A_466 = vector.shape_cast %eq3A_463 : vector<10000x1xi1> to vector<10000x1xi1>
    %broadcast_in_dim3A_467 = vector.broadcast %broadcast_in_dim3A_466 : vector<10000x1xi1> to vector<10000x64xi1>
    %broadcast_in_dim3A_468 = vector.shape_cast %broadcast_in_dim3A_464 : vector<1x64xf32> to vector<1x64xf32>
    %broadcast_in_dim3A_469 = vector.broadcast %broadcast_in_dim3A_468 : vector<1x64xf32> to vector<10000x64xf32>
    %broadcast_in_dim3A_470 = vector.broadcast %jit3A_465 : f32 to vector<10000x64xf32>
    %select_n3A_471 = arith.select %broadcast_in_dim3A_467, %broadcast_in_dim3A_469, %broadcast_in_dim3A_470 : vector<10000x64xi1>, vector<10000x64xf32>
    %add3A_472 = arith.addf %add3A_454, %select_n3A_471 : vector<10000x64xf32>
    %get3A_473 = arith.constant 27 : index
    %get3A_474 = memref.load %arg2[%get3A_473] : memref<32xi32, #tpu.memory_space<smem>>
    %get3A_475 = arith.constant 1 : index
    %get3A_476 = arith.constant 10027 : index
    %get3A_477 = arith.constant 0 : index
    %get3A_478 = vector.load %arg1[%get3A_475, %get3A_476, %get3A_477] : memref<2x10240x64xf32, #tpu.memory_space<vmem>>, vector<1x1x64xf32>
    %get3A_479 = vector.shape_cast %get3A_478 : vector<1x1x64xf32> to vector<64xf32>
    %eq3A_480 = vector.broadcast %get3A_474 : i32 to vector<10000x1xi32>
    %eq3A_481 = arith.cmpi eq, %iota3A, %eq3A_480 : vector<10000x1xi32>
    %broadcast_in_dim3A_482 = vector.shape_cast %get3A_479 : vector<64xf32> to vector<1x64xf32>
    %jit3A_483 = arith.constant 0.000000e+00 : f32
    %broadcast_in_dim3A_484 = vector.shape_cast %eq3A_481 : vector<10000x1xi1> to vector<10000x1xi1>
    %broadcast_in_dim3A_485 = vector.broadcast %broadcast_in_dim3A_484 : vector<10000x1xi1> to vector<10000x64xi1>
    %broadcast_in_dim3A_486 = vector.shape_cast %broadcast_in_dim3A_482 : vector<1x64xf32> to vector<1x64xf32>
    %broadcast_in_dim3A_487 = vector.broadcast %broadcast_in_dim3A_486 : vector<1x64xf32> to vector<10000x64xf32>
    %broadcast_in_dim3A_488 = vector.broadcast %jit3A_483 : f32 to vector<10000x64xf32>
    %select_n3A_489 = arith.select %broadcast_in_dim3A_485, %broadcast_in_dim3A_487, %broadcast_in_dim3A_488 : vector<10000x64xi1>, vector<10000x64xf32>
    %add3A_490 = arith.addf %add3A_472, %select_n3A_489 : vector<10000x64xf32>
    %get3A_491 = arith.constant 28 : index
    %get3A_492 = memref.load %arg2[%get3A_491] : memref<32xi32, #tpu.memory_space<smem>>
    %get3A_493 = arith.constant 1 : index
    %get3A_494 = arith.constant 10028 : index
    %get3A_495 = arith.constant 0 : index
    %get3A_496 = vector.load %arg1[%get3A_493, %get3A_494, %get3A_495] : memref<2x10240x64xf32, #tpu.memory_space<vmem>>, vector<1x1x64xf32>
    %get3A_497 = vector.shape_cast %get3A_496 : vector<1x1x64xf32> to vector<64xf32>
    %eq3A_498 = vector.broadcast %get3A_492 : i32 to vector<10000x1xi32>
    %eq3A_499 = arith.cmpi eq, %iota3A, %eq3A_498 : vector<10000x1xi32>
    %broadcast_in_dim3A_500 = vector.shape_cast %get3A_497 : vector<64xf32> to vector<1x64xf32>
    %jit3A_501 = arith.constant 0.000000e+00 : f32
    %broadcast_in_dim3A_502 = vector.shape_cast %eq3A_499 : vector<10000x1xi1> to vector<10000x1xi1>
    %broadcast_in_dim3A_503 = vector.broadcast %broadcast_in_dim3A_502 : vector<10000x1xi1> to vector<10000x64xi1>
    %broadcast_in_dim3A_504 = vector.shape_cast %broadcast_in_dim3A_500 : vector<1x64xf32> to vector<1x64xf32>
    %broadcast_in_dim3A_505 = vector.broadcast %broadcast_in_dim3A_504 : vector<1x64xf32> to vector<10000x64xf32>
    %broadcast_in_dim3A_506 = vector.broadcast %jit3A_501 : f32 to vector<10000x64xf32>
    %select_n3A_507 = arith.select %broadcast_in_dim3A_503, %broadcast_in_dim3A_505, %broadcast_in_dim3A_506 : vector<10000x64xi1>, vector<10000x64xf32>
    %add3A_508 = arith.addf %add3A_490, %select_n3A_507 : vector<10000x64xf32>
    %get3A_509 = arith.constant 29 : index
    %get3A_510 = memref.load %arg2[%get3A_509] : memref<32xi32, #tpu.memory_space<smem>>
    %get3A_511 = arith.constant 1 : index
    %get3A_512 = arith.constant 10029 : index
    %get3A_513 = arith.constant 0 : index
    %get3A_514 = vector.load %arg1[%get3A_511, %get3A_512, %get3A_513] : memref<2x10240x64xf32, #tpu.memory_space<vmem>>, vector<1x1x64xf32>
    %get3A_515 = vector.shape_cast %get3A_514 : vector<1x1x64xf32> to vector<64xf32>
    %eq3A_516 = vector.broadcast %get3A_510 : i32 to vector<10000x1xi32>
    %eq3A_517 = arith.cmpi eq, %iota3A, %eq3A_516 : vector<10000x1xi32>
    %broadcast_in_dim3A_518 = vector.shape_cast %get3A_515 : vector<64xf32> to vector<1x64xf32>
    %jit3A_519 = arith.constant 0.000000e+00 : f32
    %broadcast_in_dim3A_520 = vector.shape_cast %eq3A_517 : vector<10000x1xi1> to vector<10000x1xi1>
    %broadcast_in_dim3A_521 = vector.broadcast %broadcast_in_dim3A_520 : vector<10000x1xi1> to vector<10000x64xi1>
    %broadcast_in_dim3A_522 = vector.shape_cast %broadcast_in_dim3A_518 : vector<1x64xf32> to vector<1x64xf32>
    %broadcast_in_dim3A_523 = vector.broadcast %broadcast_in_dim3A_522 : vector<1x64xf32> to vector<10000x64xf32>
    %broadcast_in_dim3A_524 = vector.broadcast %jit3A_519 : f32 to vector<10000x64xf32>
    %select_n3A_525 = arith.select %broadcast_in_dim3A_521, %broadcast_in_dim3A_523, %broadcast_in_dim3A_524 : vector<10000x64xi1>, vector<10000x64xf32>
    %add3A_526 = arith.addf %add3A_508, %select_n3A_525 : vector<10000x64xf32>
    %get3A_527 = arith.constant 30 : index
    %get3A_528 = memref.load %arg2[%get3A_527] : memref<32xi32, #tpu.memory_space<smem>>
    %get3A_529 = arith.constant 1 : index
    %get3A_530 = arith.constant 10030 : index
    %get3A_531 = arith.constant 0 : index
    %get3A_532 = vector.load %arg1[%get3A_529, %get3A_530, %get3A_531] : memref<2x10240x64xf32, #tpu.memory_space<vmem>>, vector<1x1x64xf32>
    %get3A_533 = vector.shape_cast %get3A_532 : vector<1x1x64xf32> to vector<64xf32>
    %eq3A_534 = vector.broadcast %get3A_528 : i32 to vector<10000x1xi32>
    %eq3A_535 = arith.cmpi eq, %iota3A, %eq3A_534 : vector<10000x1xi32>
    %broadcast_in_dim3A_536 = vector.shape_cast %get3A_533 : vector<64xf32> to vector<1x64xf32>
    %jit3A_537 = arith.constant 0.000000e+00 : f32
    %broadcast_in_dim3A_538 = vector.shape_cast %eq3A_535 : vector<10000x1xi1> to vector<10000x1xi1>
    %broadcast_in_dim3A_539 = vector.broadcast %broadcast_in_dim3A_538 : vector<10000x1xi1> to vector<10000x64xi1>
    %broadcast_in_dim3A_540 = vector.shape_cast %broadcast_in_dim3A_536 : vector<1x64xf32> to vector<1x64xf32>
    %broadcast_in_dim3A_541 = vector.broadcast %broadcast_in_dim3A_540 : vector<1x64xf32> to vector<10000x64xf32>
    %broadcast_in_dim3A_542 = vector.broadcast %jit3A_537 : f32 to vector<10000x64xf32>
    %select_n3A_543 = arith.select %broadcast_in_dim3A_539, %broadcast_in_dim3A_541, %broadcast_in_dim3A_542 : vector<10000x64xi1>, vector<10000x64xf32>
    %add3A_544 = arith.addf %add3A_526, %select_n3A_543 : vector<10000x64xf32>
    %get3A_545 = arith.constant 31 : index
    %get3A_546 = memref.load %arg2[%get3A_545] : memref<32xi32, #tpu.memory_space<smem>>
    %get3A_547 = arith.constant 1 : index
    %get3A_548 = arith.constant 10031 : index
    %get3A_549 = arith.constant 0 : index
    %get3A_550 = vector.load %arg1[%get3A_547, %get3A_548, %get3A_549] : memref<2x10240x64xf32, #tpu.memory_space<vmem>>, vector<1x1x64xf32>
    %get3A_551 = vector.shape_cast %get3A_550 : vector<1x1x64xf32> to vector<64xf32>
    %eq3A_552 = vector.broadcast %get3A_546 : i32 to vector<10000x1xi32>
    %eq3A_553 = arith.cmpi eq, %iota3A, %eq3A_552 : vector<10000x1xi32>
    %broadcast_in_dim3A_554 = vector.shape_cast %get3A_551 : vector<64xf32> to vector<1x64xf32>
    %jit3A_555 = arith.constant 0.000000e+00 : f32
    %broadcast_in_dim3A_556 = vector.shape_cast %eq3A_553 : vector<10000x1xi1> to vector<10000x1xi1>
    %broadcast_in_dim3A_557 = vector.broadcast %broadcast_in_dim3A_556 : vector<10000x1xi1> to vector<10000x64xi1>
    %broadcast_in_dim3A_558 = vector.shape_cast %broadcast_in_dim3A_554 : vector<1x64xf32> to vector<1x64xf32>
    %broadcast_in_dim3A_559 = vector.broadcast %broadcast_in_dim3A_558 : vector<1x64xf32> to vector<10000x64xf32>
    %broadcast_in_dim3A_560 = vector.broadcast %jit3A_555 : f32 to vector<10000x64xf32>
    %select_n3A_561 = arith.select %broadcast_in_dim3A_557, %broadcast_in_dim3A_559, %broadcast_in_dim3A_560 : vector<10000x64xi1>, vector<10000x64xf32>
    %add3A_562 = arith.addf %add3A_544, %select_n3A_561 : vector<10000x64xf32>
    %get3A_563 = arith.constant 0 : index
    %get3A_564 = arith.constant 0 : index
    %get3A_565 = vector.load %arg0[%get3A_563, %get3A_564] : memref<10000x64xf32, #tpu.memory_space<vmem>>, vector<10000x64xf32>
    %add3A_566 = arith.addf %get3A_565, %add3A_562 : vector<10000x64xf32>
    %get3A_567 = arith.constant 0 : index
    %get3A_568 = arith.constant 0 : index
    %get3A_569 = vector.load %arg3[%get3A_567, %get3A_568] : memref<64x64xf32, #tpu.memory_space<vmem>>, vector<64x64xf32>
    %transpose3A = tpu.transpose %get3A_569, [1, 0] : vector<64x64xf32> -> vector<64x64xf32>
    %dot_general3A = arith.constant dense<0.000000e+00> : vector<10000x64xf32>
    %dot_general3A_570 = tpu.matmul %add3A_566, %transpose3A, %dot_general3A {dimension_numbers = #tpu.dot_dimension_numbers<[1], [0], [0], [1], [0, 0, 1, 1], [], []>, transpose_lhs_hint = false} : vector<10000x64xf32>, vector<64x64xf32>, vector<10000x64xf32> -> vector<10000x64xf32>
    %get3A_571 = arith.constant 0 : index
    %get3A_572 = vector.load %arg4[%get3A_571] : memref<64xf32, #tpu.memory_space<vmem>>, vector<64xf32>
    %broadcast_in_dim3A_573 = vector.shape_cast %get3A_572 : vector<64xf32> to vector<1x64xf32>
    %add3A_574 = vector.broadcast %broadcast_in_dim3A_573 : vector<1x64xf32> to vector<10000x64xf32>
    %add3A_575 = arith.addf %dot_general3A_570, %add3A_574 : vector<10000x64xf32>
    %max3A = arith.constant 0.000000e+00 : f32
    %max3A_576 = vector.broadcast %max3A : f32 to vector<10000x64xf32>
    %max3A_577 = arith.maximumf %add3A_575, %max3A_576 : vector<10000x64xf32>
    %get3A_578 = arith.constant 0 : index
    %get3A_579 = arith.constant 0 : index
    %get3A_580 = vector.load %arg5[%get3A_578, %get3A_579] : memref<64x64xf32, #tpu.memory_space<vmem>>, vector<64x64xf32>
    %transpose3A_581 = tpu.transpose %get3A_580, [1, 0] : vector<64x64xf32> -> vector<64x64xf32>
    %dot_general3A_582 = arith.constant dense<0.000000e+00> : vector<10000x64xf32>
    %dot_general3A_583 = tpu.matmul %max3A_577, %transpose3A_581, %dot_general3A_582 {dimension_numbers = #tpu.dot_dimension_numbers<[1], [0], [0], [1], [0, 0, 1, 1], [], []>, transpose_lhs_hint = false} : vector<10000x64xf32>, vector<64x64xf32>, vector<10000x64xf32> -> vector<10000x64xf32>
    %get3A_584 = arith.constant 0 : index
    %get3A_585 = vector.load %arg6[%get3A_584] : memref<64xf32, #tpu.memory_space<vmem>>, vector<64xf32>
    %broadcast_in_dim3A_586 = vector.shape_cast %get3A_585 : vector<64xf32> to vector<1x64xf32>
    %add3A_587 = vector.broadcast %broadcast_in_dim3A_586 : vector<1x64xf32> to vector<10000x64xf32>
    %add3A_588 = arith.addf %dot_general3A_583, %add3A_587 : vector<10000x64xf32>
    %swap3A = arith.constant 0 : index
    %swap3A_589 = arith.constant 0 : index
    %swap3A_590 = vector.load %arg7[%swap3A, %swap3A_589] : memref<10000x64xf32, #tpu.memory_space<vmem>>, vector<10000x64xf32>
    tpu.vector_store %arg7[%swap3A, %swap3A_589], %add3A_588 {strides = array<i32>} : memref<10000x64xf32, #tpu.memory_space<vmem>>, vector<10000x64xf32>,
    return
  }
}

</mosaic_0001>

<sc_bundles>
// kernel: gather_offload_async_start.1
scs
__scs_entry_jumppad:
0x0: {  	(pc) =	sbr.rel $0x88, $3  }
0x1: {  	(tag) =	ssettag $0x0;
	lr =	simm.s32 $0x1  }
0x2: {  	[smem:$0x3F92] =	sst lr;
	_ =	strace $0xD0000000  }
0x3: {  	_ = 	snop  }
0x4: {  	_ = 	snop  }
0x5: {  	_ = 	snop  }
0x6: {  	_ = 	snop  }
0x7: {  	_ = 	snop  }
__scs_overlays_trampoline_lowered:
0x8: {  	[smem:$0x3FA1] =	sst s0  }
0x9: {  	[smem:$0x3FA2] =	sst s1  }
0xa: {  	[smem:$0x3FA3] =	sst s2  }
0xb: {  	[smem:$0x3FA4] =	sst s3  }
0xc: {  	[smem:$0x3FA5] =	sst s4  }
0xd: {  	[smem:$0x3FA6] =	sst s5  }
0xe: {  	[smem:$0x3FA7] =	sst s6  }
0xf: {  	[smem:$0x3FA8] =	sst s7  }
0x10: {  	[smem:$0x3FA9] =	sst s8  }
0x11: {  	[smem:$0x3FAA] =	sst s9;
	s0 =	simm.s32 @!p0 $0x0  }
0x12: {  	s1 =	sld [smem:$0x3F90];
	s0 =	simm.s32 @p0 $0x1  }
0x13: {  	[smem:$0x3FAB] =	sst s0;
	s0 =	simm.s32 @!p1 $0x0  }
0x14: {  	s2 =	sld [smem:$0x3F8F];
	s0 =	simm.s32 @p1 $0x1  }
0x15: {  	[smem:$0x3FAC] =	sst s0;
	s0 =	simm.s32 @!p2 $0x0  }
0x16: {  	s3 =	sld [smem:$0x3FDB];
	s0 =	simm.s32 @p2 $0x1  }
0x17: {  	s4 =	simm.s32 $0x1BF5;
	[smem:$0x3FAE] =	sst s0  }
0x18: {  	s0 =	sld [smem:$0x3F91];
	_ =	swait.ge [sflag:s4], $0x0  }
0x19: {  	s7 =	sld [smem:$0x3F92]  }
0x1a: {  	s8 =	sadd.s32 $0xFFFFE003, lr  }
0x1b: {  	s9 =	sadd.s32 $0xFFFFFEF7, lr;
	s5 =	simm.s32 $0xFFFFFFFF;
	p2 =	slt.u32 s8, $0xFFFFF086  }
0x1c: {  	p1 =	slt.u32 s9, $0xF7A;
	s5 =	simm.s32 @!p2 $0x0  }
0x1d: {  	s5 =	simm.s32 @p1 $0x1;
	p0 =	seq.s32 s7, s2  }
0x1e: {  	s7 =	smul.u32 @!p0 $0xF7A, s2;
	p2 =	seq.s32 @!p0 s5, $0x0  }
0x1f: {  	s9 =	smul.u32 $0xF7A, s1;
	s8 =	simm.s32 @!p0 $0x1BF5;
	p2 =	por !p2, p0  }
0x20: {  	[sflag:s8] =	ssyncset.s32 @!p0 $0xFFFFF086;
	s6 =	sadd.s32 @!p0 s3, s7;
	s7 =	simm.s32 @!p0 $0x108  }
0x21: {  	s3 =	sadd.s32 s3, s9;
	s6 =	sadd.s32 @!p0 $0x88, s6;
	s7 =	simm.s32 @p2 $0x1082  }
0x22: {  	[simem:s7], [sflag:s8] =	dma.local @!p0 [hbm:s6], $0xF7A  }
0x23: {  	s9 =	sor.u32 $0xD0000000, s2;
	s6 =	simm.s32 $0x108;
	_ =	swait.ge @!p0 [sflag:s8], $0x0  }
0x24: {  	s3 =	sadd.s32 $0x88, s3;
	s6 =	simm.s32 @!p1 $0x1082;
	[sflag:s4] =	ssyncset.s32 $0xFFFFF086  }
0x25: {  	[simem:s6], [sflag:s4] =	dma.local [hbm:s3], $0xF7A  }
0x26: {  	[smem:$0x3F92] =	sst s1;
	(tag) =	ssettag s2;
	_ =	strace s9  }
0x27: {  	s1 =	sld [smem:$0x3FA2]  }
0x28: {  	s2 =	sld [smem:$0x3FA3]  }
0x29: {  	s4 =	sld [smem:$0x3FA5]  }
0x2a: {  	p0 =	seq.s32 s5, $0x0;
	s5 =	sld [smem:$0x3FA6]  }
0x2b: {  	s6 =	sld [smem:$0x3FA7]  }
0x2c: {  	s7 =	sld [smem:$0x3FA8]  }
0x2d: {  	s3 =	simm.s32 $0x108;
	s8 =	sld [smem:$0x3FA9]  }
0x2e: {  	s3 =	simm.s32 @!p0 $0x1082;
	s9 =	sld [smem:$0x3FAA]  }
0x2f: {  	lr =	sadd.s32 s0, s3;
	s0 =	sld [smem:$0x3FA1]  }
0x30: {  	s3 =	sld [smem:$0x3FA4]  }
0x31: {  	[smem:$0x3FAD] =	sst s10  }
0x32: {  	s10 =	sld [smem:$0x3FAB];
	_ =	sdelay $0x3  }
0x33: {  	p0 =	seq.s32 s10, $0x1;
	s10 =	sld [smem:$0x3FAD];
	_ =	sdelay $0x3  }
0x34: {  	[smem:$0x3FAD] =	sst s10  }
0x35: {  	s10 =	sld [smem:$0x3FAC];
	_ =	sdelay $0x3  }
0x36: {  	p1 =	seq.s32 s10, $0x1;
	s10 =	sld [smem:$0x3FAD];
	_ =	sdelay $0x3  }
0x37: {  	[smem:$0x3FAD] =	sst s10  }
0x38: {  	s10 =	sld [smem:$0x3FAE]  }
0x39: {  	_ = 	snop;
	(pc) =	sbr.ind lr, $3  }
0x3a: {  	_ = 	snop  }
0x3b: {  	_ = 	snop  }
0x3c: {  	p2 =	seq.s32 s10, $0x1;
	s10 =	sld [smem:$0x3FAD]  }
0x3d: {  	_ =	shalt  }
0x3e: {  	_ =	shalt  }
0x3f: {  	_ =	shalt  }
0x40: {  	_ =	shalt  }
0x41: {  	_ =	shalt  }
0x42: {  	_ =	shalt  }
0x43: {  	_ =	shalt  }
0x44: {  	_ =	shalt  }
0x45: {  	_ =	shalt  }
0x46: {  	_ =	shalt  }
0x47: {  	_ =	shalt  }
0x48: {  	_ =	shalt  }
0x49: {  	_ =	shalt  }
0x4a: {  	_ =	shalt  }
0x4b: {  	_ =	shalt  }
0x4c: {  	_ =	shalt  }
0x4d: {  	_ =	shalt  }
0x4e: {  	_ =	shalt  }
0x4f: {  	_ =	shalt  }
0x50: {  	_ =	shalt  }
0x51: {  	_ =	shalt  }
0x52: {  	_ =	shalt  }
0x53: {  	_ =	shalt  }
0x54: {  	_ =	shalt  }
0x55: {  	_ =	shalt  }
0x56: {  	_ =	shalt  }
0x57: {  	_ =	shalt  }
0x58: {  	_ =	shalt  }
0x59: {  	_ =	shalt  }
0x5a: {  	_ =	shalt  }
0x5b: {  	_ =	shalt  }
0x5c: {  	_ =	shalt  }
0x5d: {  	_ =	shalt  }
0x5e: {  	_ =	shalt  }
0x5f: {  	_ =	shalt  }
0x60: {  	_ =	shalt  }
0x61: {  	_ =	shalt  }
0x62: {  	_ =	shalt  }
0x63: {  	_ =	shalt  }
0x64: {  	_ =	shalt  }
0x65: {  	_ =	shalt  }
0x66: {  	_ =	shalt  }
0x67: {  	_ =	shalt  }
0x68: {  	_ =	shalt  }
0x69: {  	_ =	shalt  }
0x6a: {  	_ =	shalt  }
0x6b: {  	_ =	shalt  }
0x6c: {  	_ =	shalt  }
0x6d: {  	_ =	shalt  }
0x6e: {  	_ =	shalt  }
0x6f: {  	_ =	shalt  }
0x70: {  	_ =	shalt  }
0x71: {  	_ =	shalt  }
0x72: {  	_ =	shalt  }
0x73: {  	_ =	shalt  }
0x74: {  	_ =	shalt  }
0x75: {  	_ =	shalt  }
0x76: {  	_ =	shalt  }
0x77: {  	_ =	shalt  }
0x78: {  	_ =	shalt  }
0x79: {  	_ =	shalt  }
0x7a: {  	_ =	shalt  }
0x7b: {  	_ =	shalt  }
0x7c: {  	_ =	shalt  }
0x7d: {  	_ =	shalt  }
0x7e: {  	_ =	shalt  }
0x7f: {  	_ =	shalt  }
0x80: {  	_ =	shalt  }
0x81: {  	_ =	shalt  }
0x82: {  	_ =	shalt  }
0x83: {  	_ =	shalt  }
0x84: {  	_ =	shalt  }
0x85: {  	_ =	shalt  }
0x86: {  	_ =	shalt  }
0x87: {  	_ =	shalt  }
.Lfunc_end0:
.L_simem_size_0:
called_computation.1_lowered:
.L_overlay_start_0:
0x88: {  	s2 =	sld [smem:$0x3FD9]  }
0x89: {  	s3 =	sld [smem:$0x3FFE];
	_ =	sdelay $0x1  }
0x8a: {  	s1 =	srdreg.scid  }
0x8b: {  	s0 =	sand.u32 $0x1, s1  }
0x8c: {  	s16 =	sshll.u32 s0, $0xA;
	s2 =	sadd.s32 s3, s2  }
0x8d: {  	s2 =	sadd.s32 s2, s16  }
0x8e: {  	[smem:$0x3FB9] =	sst s2  }
0x8f: {  	_ = 	snop  }
0x90: {  	(tm) =	ssettm $0x1  }
0x91: {  	s17 =	sld [smem:$0x3FFB];
	_ =	sdelay $0x3  }
0x92: {  	_ =	strace s17  }
0x93: {  	s2 =	sld [smem:$0x3FFC];
	_ =	sdelay $0x3  }
0x94: {  	_ =	strace s2  }
0x95: {  	s2 =	sld [smem:$0x3FFD];
	_ =	sdelay $0x3  }
0x96: {  	_ =	strace s2  }
0x97: {  	_ =	strace $0x8FFFFFFF  }
0x98: {  	s18 =	sld [smem:$0x3FDB];
	_ =	sdelay $0x1  }
0x99: {  	s19 =	simm.s32 $_scs_section_size  }
0x9a: {  	s4 =	simm.s32 $_size__tile_overlayer_lowered;
	s5 =	simm.s32 $_tile_overlayer_lowered  }
0x9b: {  	s22 =	simm.s32 $0x1BFF;
	s21 =	sshll.u32 s5, $0x1;
	s2 =	sadd.s32 s19, s18  }
0x9c: {  	s6 =	simm.s32 $0x0;
	s20 =	sshll.u32 s4, $0x1;
	s4 =	sadd.s32 s21, s2  }
0x9d: {  	[timem:s6], [sflag:s22] =	dma.local [hbm:s4], s20  }
0x9e: {  	_ =	swait.ge [sflag:s22], s20  }
0x9f: {  	s3 =	ssub.s32 $0x0, s20;
	[sflag:s22] =	ssyncset.done $0x0  }
0xa0: {  	[sflag:s22] =	ssyncadd.s32 s3;
	_ =	sdelay $0x1  }
0xa1: {  	s23 =	simm.s32 $0x1B8B  }
0xa2: {  	_ =	swait.ge [sflag:s23], $0x1  }
0xa3: {  	[sflag:s23] =	ssyncset.done $0x0  }
0xa4: {  	s25 =	simm.s32 $0x1B8E;
	s24 =	sld [smem:$0x3FFE];
	[sflag:s23] =	ssyncadd.s32 $0xFFFFFFFF  }
0xa5: {  	s26 =	simm.s32 $execute0_lowered;
	[smem:$0x3FD2] =	sst s25  }
0xa6: {  	s4 =	sshll.u32 s26, $0x1;
	_ =	strace $0x80000046;
	[dreg:$0x1] =	wrdreg $0xFFFFFFFF  }
0xa7: {  	s28 =	simm.s32 $_size_execute0_lowered;
	s2 =	sadd.s32 s2, s4;
	[dreg:$0x0] =	wrdreg $0x0  }
0xa8: {  	s4 =	sshll.u32 s28, $0x1;
	[dreg:$0x2] =	wrdreg s2  }
0xa9: {  	[dreg:$0x3] =	wrdreg s4  }
0xaa: {  	[dreg:$0x4] =	wrdreg $0xC0  }
0xab: {  	_ =	task [dreg:s6], $0x5FFFF  }
0xac: {  	[dreg:$0x1] =	wrdreg $0xFFFFFFFF  }
0xad: {  	[dreg:$0x0] =	wrdreg $0x60  }
0xae: {  	[dreg:$0x2] =	wrdreg s24  }
0xaf: {  	[dreg:$0x3] =	wrdreg $0x9  }
0xb0: {  	_ =	task.clear_ibuf [dreg:s6], $0x4FFFF;
	_ =	strace $0x90000046  }
0xb1: {  	s29 =	simm.s32 $0x9;
	_ =	strace $0x80000048  }
0xb2: {  	_ =	swait.ge [sflag:s29], $0x1  }
0xb3: {  	[sflag:s29] =	ssyncadd.s32 $0xFFFFFFFF  }
0xb4: {  	_ =	strace $0x90000048  }
0xb5: {  	_ =	sfence  }
0xb6: {  	s30 =	sld [smem:$0x0];
	_ =	sdelay $0x2  }
0xb7: {  	s31 =	sshll.u32 s1, $0xD;
	s1 =	sshrl.u32 s1, $0x2  }
0xb8: {  	s3 =	sand.u32 $0x4000, s31;
	s1 =	sadd.s32 s1, s30  }
0xb9: {  	s0 =	sor.u32 s3, s0;
	s1 =	sshll.u32 s1, $0x11  }
0xba: {  	s0 =	sor.u32 s1, s0  }
0xbb: {  	s0 =	sadd.s32 $0x8F2B, s0  }
0xbc: {  	[sflag:s0] =	ssyncadd.remote.s32 $0x1  }
0xbd: {  	_ =	sfence.sel $0xFFFF  }
0xbe: {  	[dreg:$0x0] =	wrdreg $0xFFFFFFFF;
	(pc) =	sbr.abs _section_cstart, $3  }
0xbf: {  	[dreg:$0x1] =	wrdreg $0xFFFFFFFF  }
0xc0: {  	_ =	task.clear_ibuf [dreg:s6], $0x2FFFF;
	_ =	strace $0x9FFFFFFF  }
0xc1: {  	(tm) =	ssettm $0x7FFFFFFF  }
tec
execute0_lowered:
.L_overlay_start_1:
0x0: {  	(tag) =	ssettag $0x1  }
0x1: {  	s8 =	rddreg [dreg:$0x0]  }
0x2: {  	s0 =	rddreg [dreg:$0x1];
	_ =	strace $0x80000047;
	s1 =	stileid.u32  }
0x3: {  	s3 =	srdreg.scid;
	s4 =	simm.s32 $0x1;
	s7 =	simm.s32 $0x1  }
0x4: {  	s9 =	simm.s32 $0x1;
	s10 =	simm.s32 $0x3;
	s13 =	simm.s32 $0x0  }
0x5: {  	s12 =	simm.s32 $0x0;
	s5 =	sand.u32 $0x1, s3;
	s6 =	sshll.u32 s1, $0x1  }
0x6: {  	s2 =	sadd.s32 $0x10200, s8;
	s3 =	sadd.s32 $0x1A000, s8;
	s5 =	sor.u32 s6, s5  }
.Ltmp0:
0x7: {  	[sflag:s4] =	ssyncpa.u1 $0x0;
	p0 =	slt.u32 s5, $0x9;
	(pc) =	sbr.rel .LBB2_1-.Ltmp0, $4  }
0x8: {  	s6 =	simm.s32 $0x2;
	s7 =	simm.s32 @!p0 $0x0;
	p0 =	sne.s32 s5, $0x8  }
0x9: {  	[sflag:s6] =	ssyncpa.u1 $0x0;
	s5 =	smul.u32 $0x1F40, s5;
	s9 =	simm.s32 @!p0 $0x0  }
0xa: {  	s8 =	sadd.s32 $0x24000, s8;
	[sflag:s10] =	ssyncpa.u1 $0x0;
	s7 =	sadd.s32 s9, s7  }
0xb: {  	vm0 =	vmmov $0xffff;
	s10 =	simm.s32 $0x0;
	s11 =	smov.u32 s5;
	s9 =	sadd.s32 $0x1, s7  }
.LBB2_4:
0xc: {  	v2 =	vnsel vm1, $0x0, v2  }
0xd: {  	vm1 =	vgt.s32 v0, $0x0;
	v2 =	vmin.u32 v2, $0x4E1FF  }
0xe: {  	v0 =	vnsel vm1, $0x0, v0  }
0xf: {  	v0 =	vmin.u32 v0, $0x4E1FF  }
0x10: {  	[tilespmem:s18], [sflag:$0x1] =	stream.indirect_vreg.gather [hbm4b:s2+s10], $0x1, v1, vm0, $0x4038;
	[tilespmem:$0x7D00] =	vst v63  }
0x11: {  	(ifvalue) =	ssetifvalue $0x7FFFFFFF  }
0x12: {  	[tilespmem:s15], [sflag:$0x1] =	stream.indirect_vreg.gather [hbm4b:s2+s10], $0x1, v2, vm0, $0x4038;
	[tilespmem:$0x7D00] =	vst v63  }
0x13: {  	s29 =	sadd.s32 $0x10, s15;
	(ifvalue) =	ssetifvalue $0x7FFFFFFF  }
0x14: {  	[tilespmem:s29], [sflag:$0x1] =	stream.indirect_vreg.gather [hbm4b:s2+s10], $0x1, v0, vm0, $0x4038;
	[tilespmem:$0x7D00] =	vst v63  }
0x15: {  	_ =	swait.ge [sflag:s4], $0x1F40  }
0x16: {  	s30 =	sshrl.u32 s13, $0x3;
	[sflag:s4] =	ssyncset.done $0x0  }
0x17: {  	s31 =	sand.u32 $0x7, s13;
	s15 =	sadd.s32 s8, s30;
	[sflag:s4] =	ssyncadd.s32 $0xFFFFE0C0  }
0x18: {  	[hbm4b:s15+s31] =	stream.linear.scatter [tilespmem:s14], [sflag:$0x3], $0x1F40, $0x38;
	[tilespmem:$0x7D00] =	vst v63  }
.LBB2_5:
0x19: {  	s15 =	sadd.s32 $0x3E800, s11  }
0x1a: {  	p1 =	sgt.s32 s15, $0x4E1FF  }
0x1b: {  	s15 =	smov.u32 @p1 s5;
	p1 =	sne.s32 s12, s9  }
.Ltmp1:
0x1c: {  	p0 =	slt.u32 s12, $0x2;
	(pc) =	sbr.rel @!p1 .LBB2_6-.Ltmp1, $4  }
0x1d: {  	s14 =	simm.s32 @!p0 $0x3  }
0x1e: {  	_ =	swait.ge @!p0 [sflag:s14], $0x1F40  }
0x1f: {  	s16 =	sadd.s32 $0x1, s12;
	s13 =	smov.u32 s11;
	[sflag:s14] =	ssyncset.done @!p0 $0x0  }
0x20: {  	s12 =	smov.u32 s16;
	s11 =	smov.u32 s15;
	[sflag:s14] =	ssyncadd.s32 @!p0 $0xFFFFE0C0  }
.LBB2_1:
0x21: {  	p0 =	sge.u32 s12, s7  }
0x22: {  	s14 =	sxor.u32 @!p0 $0x1, s12  }
0x23: {  	s14 =	smul.u32 @!p0 $0x7D00, s14  }
0x24: {  	s31 =	sadd.s32 $0xFFFFFFFF, s12;
	s15 =	sshrl.u32 @!p0 s11, $0x3  }
0x25: {  	s16 =	sand.u32 @!p0 $0x7, s11;
	s15 =	sadd.s32 @!p0 s3, s15;
	s14 =	sshra.s32 @!p0 s14, $0x2  }
0x26: {  	[tilespmem:s14], [sflag:$0x2] =	stream.linear.gather @!p0 [hbm4b:s15+s16], $0x1F40, $0x38;
	[tilespmem:$0x7D00] =	vst v63  }
0x27: {  	p0 =	sge.u32 s31, s7  }
.Ltmp2:
0x28: {  	_ = 	snop;
	(pc) =	sbr.rel @p0 .LBB2_5-.Ltmp2, $1  }
0x29: {  	_ =	sdelay $0x3  }
0x2a: {  	s14 =	sand.u32 $0x1, s12  }
0x2b: {  	_ =	swait.ge [sflag:s6], $0x1F40;
	p0 =	seq.s32 s14, $0x1;
	s14 =	simm.s32 $0x1F40  }
0x2c: {  	[sflag:s6] =	ssyncset.done $0x0;
	s14 =	simm.s32 @!p0 $0x0  }
0x2d: {  	[sflag:s6] =	ssyncadd.s32 $0xFFFFE0C0;
	(ifvalue) =	ssetifvalue $0x7FFFFFFF;
	v0 =	vld.msk [tilespmem:s14+$0x0 ss:$0x1], $0xffff;
	_ =	sdelay $0x4  }
0x2e: {  	s15 =	sadd.s32 $0x10, s14;
	vm1 =	vgt.s32 v0, $0x0  }
0x2f: {  	v2 =	vld.msk [tilespmem:s15+$0x0 ss:$0x1], $0xffff;
	v1 =	vnsel vm1, $0x0, v0  }
0x30: {  	v1 =	vmin.u32 v1, $0x4E1FF;
	_ =	sdelay $0x2  }
0x31: {  	s17 =	simm.s32 $0x20;
	s14 =	sadd.s32 $0x3E80, s14;
	s16 =	sadd.s32 $0x10, s15  }
0x32: {  	s15 =	sadd.s32 $0x10, s14;
	s18 =	smov.u32 s14;
	v0 =	vld.msk [tilespmem:s16+$0x0 ss:$0x1], $0xffff;
	vm1 =	vgt.s32 v2, $0x0;
	(ifvalue) =	ssetifvalue $0x7FFFFFFF  }
.LBB2_3:
0x33: {  	[tilespmem:s18], [sflag:$0x1] =	stream.indirect_vreg.gather [hbm4b:s2+s10], $0x1, v1, vm0, $0x4038;
	[tilespmem:$0x7D00] =	vst v63  }
0x34: {  	s17 =	sadd.s32 $0x10, s17  }
0x35: {  	v2 =	vnsel vm1, $0x0, v2;
	p0 =	slt.u32 s17, $0x1F30  }
.Ltmp3:
0x36: {  	s18 =	smov.u32 s15;
	v1 =	vmin.u32 v2, $0x4E1FF;
	(pc) =	sbr.rel @p0 .LBB2_3-.Ltmp3, $3  }
0x37: {  	_ =	sdelay $0x1  }
0x38: {  	s16 =	sadd.s32 $0x10, s16  }
0x39: {  	vm1 =	vgt.s32 v0, $0x0;
	s15 =	sadd.s32 $0x10, s15;
	v2 =	vmov v0;
	(ifvalue) =	ssetifvalue $0x7FFFFFFF;
	v0 =	vld.msk [tilespmem:s16+$0x0 ss:$0x1], $0xffff  }
.Ltmp4:
0x3a: {  	_ = 	snop;
	(pc) =	sbr.rel .LBB2_4-.Ltmp4, $1  }
0x3b: {  	_ =	sdelay $0x3  }
.LBB2_6:
0x3c: {  	_ =	sfence.sel $0x180000  }
0x3d: {  	s2 =	simm.s32 $0x2;
	[bflag:$0x0] =	sbarrier.arrive $0xFFFF  }
0x3e: {  	s30 =	simm.s32 $0x3;
	[sflag:s2] =	ssyncpa.u1 $0x1  }
0x3f: {  	s31 =	simm.s32 $0x1;
	[sflag:s30] =	ssyncpa.u1 $0x1  }
0x40: {  	[sflag:s31] =	ssyncpa.u1 $0x1  }
0x41: {  	p0 =	sne.s32 s1, $0x0;
	_ =	strace $0x90000047  }
0x42: {  	s0 =	sadd.s32 @!p0 $0x100000, s0;
	[bflag:$0x2] =	sbarrier.arrive $0xFFFF  }
0x43: {  	[sflag:s0] =	ssyncadd.tile.s32 @!p0 $0x1;
	_ =	shalt  }
.Lfunc_end2:
_tile_overlayer_lowered:
.L_overlay_start_2:
0x44: {  	(tag) =	ssettag $0x2  }
0x45: {  	s0 =	rddreg [dreg:$0x0];
	s2 =	stileid.u32  }
0x46: {  	s1 =	rddreg [dreg:$0x1];
	p0 =	sne.s32 s2, $0x0  }
0x47: {  	s3 =	rddreg [dreg:$0x2];
	[bflag:$0x3] =	sbarrier.arrive $0xFFFF;
	s2 =	simm.s32 @!p0 $0x1C01  }
0x48: {  	[timem:s3], [sflag:s2] =	dma.local @!p0 [hbm:s0], s1  }
0x49: {  	s0 =	simm.s32 @!p0 $0x1  }
0x4a: {  	_ =	swait.ge @!p0 [sflag:s0], s1  }
0x4b: {  	s1 =	ssub.s32 @!p0 $0x0, s1;
	[sflag:s0] =	ssyncset.done @!p0 $0x0  }
0x4c: {  	[sflag:s0] =	ssyncadd.s32 @!p0 s1  }
0x4d: {  	[bflag:$0x3] =	sbarrier.arrive $0xFFFF  }
0x4e: {  	_ =	shalt  }

// kernel: gather_offload_async_start.2
scs
__scs_entry_jumppad:
0x0: {  	(pc) =	sbr.rel $0x88, $3  }
0x1: {  	(tag) =	ssettag $0x0;
	lr =	simm.s32 $0x1  }
0x2: {  	[smem:$0x3F92] =	sst lr;
	_ =	strace $0xD0000000  }
0x3: {  	_ = 	snop  }
0x4: {  	_ = 	snop  }
0x5: {  	_ = 	snop  }
0x6: {  	_ = 	snop  }
0x7: {  	_ = 	snop  }
__scs_overlays_trampoline_lowered:
0x8: {  	[smem:$0x3FA1] =	sst s0  }
0x9: {  	[smem:$0x3FA2] =	sst s1  }
0xa: {  	[smem:$0x3FA3] =	sst s2  }
0xb: {  	[smem:$0x3FA4] =	sst s3  }
0xc: {  	[smem:$0x3FA5] =	sst s4  }
0xd: {  	[smem:$0x3FA6] =	sst s5  }
0xe: {  	[smem:$0x3FA7] =	sst s6  }
0xf: {  	[smem:$0x3FA8] =	sst s7  }
0x10: {  	[smem:$0x3FA9] =	sst s8  }
0x11: {  	[smem:$0x3FAA] =	sst s9;
	s0 =	simm.s32 @!p0 $0x0  }
0x12: {  	s1 =	sld [smem:$0x3F90];
	s0 =	simm.s32 @p0 $0x1  }
0x13: {  	[smem:$0x3FAB] =	sst s0;
	s0 =	simm.s32 @!p1 $0x0  }
0x14: {  	s2 =	sld [smem:$0x3F8F];
	s0 =	simm.s32 @p1 $0x1  }
0x15: {  	[smem:$0x3FAC] =	sst s0;
	s0 =	simm.s32 @!p2 $0x0  }
0x16: {  	s3 =	sld [smem:$0x3FDB];
	s0 =	simm.s32 @p2 $0x1  }
0x17: {  	s4 =	simm.s32 $0x1BF5;
	[smem:$0x3FAE] =	sst s0  }
0x18: {  	s0 =	sld [smem:$0x3F91];
	_ =	swait.ge [sflag:s4], $0x0  }
0x19: {  	s7 =	sld [smem:$0x3F92]  }
0x1a: {  	s8 =	sadd.s32 $0xFFFFE003, lr  }
0x1b: {  	s9 =	sadd.s32 $0xFFFFFEF7, lr;
	s5 =	simm.s32 $0xFFFFFFFF;
	p2 =	slt.u32 s8, $0xFFFFF086  }
0x1c: {  	p1 =	slt.u32 s9, $0xF7A;
	s5 =	simm.s32 @!p2 $0x0  }
0x1d: {  	s5 =	simm.s32 @p1 $0x1;
	p0 =	seq.s32 s7, s2  }
0x1e: {  	s7 =	smul.u32 @!p0 $0xF7A, s2;
	p2 =	seq.s32 @!p0 s5, $0x0  }
0x1f: {  	s9 =	smul.u32 $0xF7A, s1;
	s8 =	simm.s32 @!p0 $0x1BF5;
	p2 =	por !p2, p0  }
0x20: {  	[sflag:s8] =	ssyncset.s32 @!p0 $0xFFFFF086;
	s6 =	sadd.s32 @!p0 s3, s7;
	s7 =	simm.s32 @!p0 $0x108  }
0x21: {  	s3 =	sadd.s32 s3, s9;
	s6 =	sadd.s32 @!p0 $0x88, s6;
	s7 =	simm.s32 @p2 $0x1082  }
0x22: {  	[simem:s7], [sflag:s8] =	dma.local @!p0 [hbm:s6], $0xF7A  }
0x23: {  	s9 =	sor.u32 $0xD0000000, s2;
	s6 =	simm.s32 $0x108;
	_ =	swait.ge @!p0 [sflag:s8], $0x0  }
0x24: {  	s3 =	sadd.s32 $0x88, s3;
	s6 =	simm.s32 @!p1 $0x1082;
	[sflag:s4] =	ssyncset.s32 $0xFFFFF086  }
0x25: {  	[simem:s6], [sflag:s4] =	dma.local [hbm:s3], $0xF7A  }
0x26: {  	[smem:$0x3F92] =	sst s1;
	(tag) =	ssettag s2;
	_ =	strace s9  }
0x27: {  	s1 =	sld [smem:$0x3FA2]  }
0x28: {  	s2 =	sld [smem:$0x3FA3]  }
0x29: {  	s4 =	sld [smem:$0x3FA5]  }
0x2a: {  	p0 =	seq.s32 s5, $0x0;
	s5 =	sld [smem:$0x3FA6]  }
0x2b: {  	s6 =	sld [smem:$0x3FA7]  }
0x2c: {  	s7 =	sld [smem:$0x3FA8]  }
0x2d: {  	s3 =	simm.s32 $0x108;
	s8 =	sld [smem:$0x3FA9]  }
0x2e: {  	s3 =	simm.s32 @!p0 $0x1082;
	s9 =	sld [smem:$0x3FAA]  }
0x2f: {  	lr =	sadd.s32 s0, s3;
	s0 =	sld [smem:$0x3FA1]  }
0x30: {  	s3 =	sld [smem:$0x3FA4]  }
0x31: {  	[smem:$0x3FAD] =	sst s10  }
0x32: {  	s10 =	sld [smem:$0x3FAB];
	_ =	sdelay $0x3  }
0x33: {  	p0 =	seq.s32 s10, $0x1;
	s10 =	sld [smem:$0x3FAD];
	_ =	sdelay $0x3  }
0x34: {  	[smem:$0x3FAD] =	sst s10  }
0x35: {  	s10 =	sld [smem:$0x3FAC];
	_ =	sdelay $0x3  }
0x36: {  	p1 =	seq.s32 s10, $0x1;
	s10 =	sld [smem:$0x3FAD];
	_ =	sdelay $0x3  }
0x37: {  	[smem:$0x3FAD] =	sst s10  }
0x38: {  	s10 =	sld [smem:$0x3FAE]  }
0x39: {  	_ = 	snop;
	(pc) =	sbr.ind lr, $3  }
0x3a: {  	_ = 	snop  }
0x3b: {  	_ = 	snop  }
0x3c: {  	p2 =	seq.s32 s10, $0x1;
	s10 =	sld [smem:$0x3FAD]  }
0x3d: {  	_ =	shalt  }
0x3e: {  	_ =	shalt  }
0x3f: {  	_ =	shalt  }
0x40: {  	_ =	shalt  }
0x41: {  	_ =	shalt  }
0x42: {  	_ =	shalt  }
0x43: {  	_ =	shalt  }
0x44: {  	_ =	shalt  }
0x45: {  	_ =	shalt  }
0x46: {  	_ =	shalt  }
0x47: {  	_ =	shalt  }
0x48: {  	_ =	shalt  }
0x49: {  	_ =	shalt  }
0x4a: {  	_ =	shalt  }
0x4b: {  	_ =	shalt  }
0x4c: {  	_ =	shalt  }
0x4d: {  	_ =	shalt  }
0x4e: {  	_ =	shalt  }
0x4f: {  	_ =	shalt  }
0x50: {  	_ =	shalt  }
0x51: {  	_ =	shalt  }
0x52: {  	_ =	shalt  }
0x53: {  	_ =	shalt  }
0x54: {  	_ =	shalt  }
0x55: {  	_ =	shalt  }
0x56: {  	_ =	shalt  }
0x57: {  	_ =	shalt  }
0x58: {  	_ =	shalt  }
0x59: {  	_ =	shalt  }
0x5a: {  	_ =	shalt  }
0x5b: {  	_ =	shalt  }
0x5c: {  	_ =	shalt  }
0x5d: {  	_ =	shalt  }
0x5e: {  	_ =	shalt  }
0x5f: {  	_ =	shalt  }
0x60: {  	_ =	shalt  }
0x61: {  	_ =	shalt  }
0x62: {  	_ =	shalt  }
0x63: {  	_ =	shalt  }
0x64: {  	_ =	shalt  }
0x65: {  	_ =	shalt  }
0x66: {  	_ =	shalt  }
0x67: {  	_ =	shalt  }
0x68: {  	_ =	shalt  }
0x69: {  	_ =	shalt  }
0x6a: {  	_ =	shalt  }
0x6b: {  	_ =	shalt  }
0x6c: {  	_ =	shalt  }
0x6d: {  	_ =	shalt  }
0x6e: {  	_ =	shalt  }
0x6f: {  	_ =	shalt  }
0x70: {  	_ =	shalt  }
0x71: {  	_ =	shalt  }
0x72: {  	_ =	shalt  }
0x73: {  	_ =	shalt  }
0x74: {  	_ =	shalt  }
0x75: {  	_ =	shalt  }
0x76: {  	_ =	shalt  }
0x77: {  	_ =	shalt  }
0x78: {  	_ =	shalt  }
0x79: {  	_ =	shalt  }
0x7a: {  	_ =	shalt  }
0x7b: {  	_ =	shalt  }
0x7c: {  	_ =	shalt  }
0x7d: {  	_ =	shalt  }
0x7e: {  	_ =	shalt  }
0x7f: {  	_ =	shalt  }
0x80: {  	_ =	shalt  }
0x81: {  	_ =	shalt  }
0x82: {  	_ =	shalt  }
0x83: {  	_ =	shalt  }
0x84: {  	_ =	shalt  }
0x85: {  	_ =	shalt  }
0x86: {  	_ =	shalt  }
0x87: {  	_ =	shalt  }
.Lfunc_end0:
.L_simem_size_0:
called_computation.2_lowered:
.L_overlay_start_0:
0x88: {  	s2 =	sld [smem:$0x3FD9]  }
0x89: {  	s3 =	sld [smem:$0x3FFE];
	_ =	sdelay $0x1  }
0x8a: {  	s1 =	srdreg.scid  }
0x8b: {  	s0 =	sand.u32 $0x1, s1  }
0x8c: {  	s17 =	sshll.u32 s0, $0xA;
	s2 =	sadd.s32 s3, s2  }
0x8d: {  	s2 =	sadd.s32 s2, s17  }
0x8e: {  	[smem:$0x3FB9] =	sst s2  }
0x8f: {  	_ = 	snop  }
0x90: {  	s18 =	sld [smem:$0x3FD0];
	(tm) =	ssettm $0x1  }
0x91: {  	s19 =	sld [smem:$0x3FFB];
	_ =	sdelay $0x3  }
0x92: {  	_ =	strace s19  }
0x93: {  	s2 =	sld [smem:$0x3FFC];
	_ =	sdelay $0x3  }
0x94: {  	_ =	strace s2  }
0x95: {  	s2 =	sld [smem:$0x3FFD];
	_ =	sdelay $0x3  }
0x96: {  	_ =	strace s2  }
0x97: {  	_ =	strace $0x8FFFFFFF  }
0x98: {  	s20 =	sld [smem:$0x3FDB];
	_ =	sdelay $0x1  }
0x99: {  	s4 =	simm.s32 $_scs_section_size  }
0x9a: {  	s5 =	simm.s32 $_size__tile_overlayer_lowered;
	s6 =	simm.s32 $_tile_overlayer_lowered  }
0x9b: {  	s7 =	simm.s32 $0x1BFF;
	s21 =	sshll.u32 s6, $0x1;
	s4 =	sadd.s32 s4, s20  }
0x9c: {  	s22 =	simm.s32 $0x0;
	s5 =	sshll.u32 s5, $0x1;
	s6 =	sadd.s32 s21, s4  }
0x9d: {  	[timem:s22], [sflag:s7] =	dma.local [hbm:s6], s5  }
0x9e: {  	_ =	swait.ge [sflag:s7], s5  }
0x9f: {  	s5 =	ssub.s32 $0x0, s5;
	[sflag:s7] =	ssyncset.done $0x0  }
0xa0: {  	[sflag:s7] =	ssyncadd.s32 s5;
	_ =	sdelay $0x1  }
0xa1: {  	s23 =	simm.s32 $0x1B8B  }
0xa2: {  	_ =	swait.ge [sflag:s23], $0x1  }
0xa3: {  	[sflag:s23] =	ssyncset.done $0x0  }
0xa4: {  	[sflag:s23] =	ssyncadd.s32 $0xFFFFFFFF  }
0xa5: {  	s5 =	sld [smem:$0x0]  }
0xa6: {  	s6 =	sand.u32 $0xFFFFFFFE, s1  }
0xa7: {  	p0 =	sne.s32 s1, s6  }
0xa8: {  	s6 =	sshll.u32 @p0 s6, $0xE  }
0xa9: {  	s6 =	sadd.s32 @p0 $0x11B8D, s6;
	s7 =	sshll.u32 @p0 s5, $0x11  }
0xaa: {  	s6 =	sor.u32 @p0 s7, s6  }
0xab: {  	[sflag:s6] =	ssyncadd.remote.s32 @p0 $0x1;
	_ =	sdelay $0x1  }
0xac: {  	s6 =	simm.s32 @p0 $0x1B8D  }
0xad: {  	_ =	swait.eq @p0 [sflag:s6], $0x1  }
0xae: {  	[sflag:s6] =	ssyncadd.s32 @p0 $0xFFFFFFFF  }
0xaf: {  	s7 =	sshll.u32 @!p0 s1, $0xE  }
0xb0: {  	s7 =	sor.u32 @!p0 $0x4000, s7;
	s6 =	simm.s32 @!p0 $0x1B8D  }
0xb1: {  	s5 =	sshll.u32 @!p0 s5, $0x11;
	s7 =	sadd.s32 @!p0 $0x11B8D, s7;
	_ =	swait.eq @!p0 [sflag:s6], $0x1  }
0xb2: {  	s5 =	sor.u32 @!p0 s5, s7;
	[sflag:s6] =	ssyncadd.s32 @!p0 $0xFFFFFFFF  }
0xb3: {  	s25 =	simm.s32 $0x1B8E;
	s24 =	sld [smem:$0x3FFE];
	[sflag:s5] =	ssyncadd.remote.s32 @!p0 $0x1  }
0xb4: {  	s26 =	simm.s32 $execute0_lowered;
	[smem:$0x3FD2] =	sst s25  }
0xb5: {  	s6 =	sshll.u32 s26, $0x1;
	_ =	strace $0x8000004F;
	[dreg:$0x1] =	wrdreg $0xFFFFFFFF  }
0xb6: {  	s28 =	simm.s32 $_size_execute0_lowered;
	s4 =	sadd.s32 s4, s6;
	[dreg:$0x0] =	wrdreg $0x0  }
0xb7: {  	s6 =	sshll.u32 s28, $0x1;
	[dreg:$0x2] =	wrdreg s4  }
0xb8: {  	[dreg:$0x3] =	wrdreg s6  }
0xb9: {  	[dreg:$0x4] =	wrdreg $0xC0  }
0xba: {  	_ =	task [dreg:s22], $0x5FFFF  }
0xbb: {  	[dreg:$0x1] =	wrdreg $0xFFFFFFFF  }
0xbc: {  	[dreg:$0x0] =	wrdreg $0x60  }
0xbd: {  	[dreg:$0x2] =	wrdreg s24  }
0xbe: {  	[dreg:$0x3] =	wrdreg s18  }
0xbf: {  	[dreg:$0x4] =	wrdreg $0xA  }
0xc0: {  	_ =	task.clear_ibuf [dreg:s22], $0x5FFFF;
	_ =	strace $0x9000004F  }
0xc1: {  	s29 =	simm.s32 $0xA;
	_ =	strace $0x80000051  }
0xc2: {  	_ =	swait.ge [sflag:s29], $0x1  }
0xc3: {  	[sflag:s29] =	ssyncadd.s32 $0xFFFFFFFF  }
0xc4: {  	_ =	strace $0x90000051  }
0xc5: {  	_ =	sfence  }
0xc6: {  	s30 =	sld [smem:$0x0];
	_ =	sdelay $0x2  }
0xc7: {  	s31 =	sshll.u32 s1, $0xD;
	s1 =	sshrl.u32 s1, $0x2  }
0xc8: {  	s4 =	sand.u32 $0x4000, s31;
	s1 =	sadd.s32 s1, s30  }
0xc9: {  	s0 =	sor.u32 s4, s0;
	s1 =	sshll.u32 s1, $0x11  }
0xca: {  	s0 =	sor.u32 s1, s0  }
0xcb: {  	s0 =	sadd.s32 $0x8F2B, s0  }
0xcc: {  	[sflag:s0] =	ssyncadd.remote.s32 $0x1  }
0xcd: {  	_ =	sfence.sel $0xFFFF  }
0xce: {  	[dreg:$0x0] =	wrdreg $0xFFFFFFFF;
	(pc) =	sbr.abs _section_cstart, $3  }
0xcf: {  	[dreg:$0x1] =	wrdreg $0xFFFFFFFF  }
0xd0: {  	_ =	task.clear_ibuf [dreg:s22], $0x2FFFF;
	_ =	strace $0x9FFFFFFF  }
0xd1: {  	(tm) =	ssettm $0x7FFFFFFF  }
tec
execute0_lowered:
.L_overlay_start_1:
0x0: {  	(tag) =	ssettag $0x1  }
0x1: {  	s1 =	srdreg.scid;
	s5 =	rddreg [dreg:$0x0]  }
0x2: {  	s0 =	stileid.u32;
	s2 =	rddreg [dreg:$0x1];
	s6 =	simm.s32 $0x1  }
0x3: {  	s9 =	simm.s32 $0x1;
	s10 =	simm.s32 $0x3;
	s1 =	sshll.u32 s1, $0xD  }
0x4: {  	s13 =	simm.s32 $0x0;
	s3 =	sshll.u32 s0, $0xE;
	s4 =	sand.u32 $0x2000, s1  }
0x5: {  	s12 =	simm.s32 $0x0;
	s1 =	rddreg [dreg:$0x2];
	s3 =	sor.u32 s3, s4  }
0x6: {  	_ =	strace $0x80000050;
	s4 =	sadd.s32 $0x55000, s5;
	s8 =	ssub.s32 $0x50000, s3  }
.Ltmp0:
0x7: {  	s5 =	sadd.s32 $0x6400, s5;
	s7 =	sand.u32 $0x3E000, s8;
	(pc) =	sbr.rel .LBB2_1-.Ltmp0, $4  }
0x8: {  	[sflag:s6] =	ssyncpa.u1 $0x0;
	s11 =	smov.u32 s3;
	p0 =	sne.s32 s7, $0x0  }
0x9: {  	s8 =	sshrl.u32 s8, $0x12;
	s7 =	simm.s32 $0x2;
	s9 =	simm.s32 @!p0 $0x0  }
0xa: {  	[sflag:s7] =	ssyncpa.u1 $0x0;
	p0 =	por $0x0, $0x0;
	s8 =	sadd.s32 s9, s8  }
0xb: {  	vm0 =	vmmov $0xffff;
	[sflag:s10] =	ssyncpa.u1 $0x0;
	s10 =	simm.s32 $0x0;
	s9 =	sadd.s32 $0x1, s8  }
.LBB2_4:
0xc: {  	v2 =	vnsel vm1, $0x0, v2  }
0xd: {  	vm1 =	vgt.s32 v0, $0x0;
	v2 =	vmin.u32 v2, $0x4E1FF  }
0xe: {  	v0 =	vnsel vm1, $0x0, v0  }
0xf: {  	v0 =	vmin.u32 v0, $0x4E1FF  }
0x10: {  	[tilespmem:s15], [sflag:$0x1] =	stream.indirect_vreg.gather [hbm4b:s4+s10], $0x1, v1, vm0, $0x4038;
	[tilespmem:$0x8000] =	vst v63  }
0x11: {  	(ifvalue) =	ssetifvalue $0x7FFFFFFF  }
0x12: {  	[tilespmem:s16], [sflag:$0x1] =	stream.indirect_vreg.gather [hbm4b:s4+s10], $0x1, v2, vm0, $0x4038;
	[tilespmem:$0x8000] =	vst v63  }
0x13: {  	s29 =	sadd.s32 $0x10, s16;
	(ifvalue) =	ssetifvalue $0x7FFFFFFF  }
0x14: {  	[tilespmem:s29], [sflag:$0x1] =	stream.indirect_vreg.gather [hbm4b:s4+s10], $0x1, v0, vm0, $0x4038;
	[tilespmem:$0x8000] =	vst v63  }
0x15: {  	_ =	swait.ge [sflag:s6], $0x2000  }
0x16: {  	s30 =	sshrl.u32 s13, $0x3;
	[sflag:s6] =	ssyncset.done $0x0  }
0x17: {  	s31 =	sand.u32 $0x7, s13;
	s15 =	sadd.s32 s5, s30;
	[sflag:s6] =	ssyncadd.s32 $0xFFFFE000  }
0x18: {  	[hbm4b:s15+s31] =	stream.linear.scatter [tilespmem:s14], [sflag:$0x3], $0x2000, $0x38;
	[tilespmem:$0x8000] =	vst v63  }
.LBB2_5:
0x19: {  	s15 =	sadd.s32 $0x40000, s11  }
0x1a: {  	p2 =	sgt.s32 s15, $0x4FFFF  }
0x1b: {  	s15 =	smov.u32 @p2 s3;
	p2 =	sne.s32 s12, s9  }
.Ltmp1:
0x1c: {  	p1 =	slt.u32 s12, $0x2;
	(pc) =	sbr.rel @!p2 .LBB2_6-.Ltmp1, $4  }
0x1d: {  	s14 =	simm.s32 @!p1 $0x3  }
0x1e: {  	s16 =	sadd.s32 $0x1, s12;
	_ =	swait.ge @!p1 [sflag:s14], $0x2000  }
0x1f: {  	s13 =	smov.u32 s11;
	p0 =	por !p0, !p0;
	[sflag:s14] =	ssyncset.done @!p1 $0x0  }
0x20: {  	s12 =	smov.u32 s16;
	s11 =	smov.u32 s15;
	[sflag:s14] =	ssyncadd.s32 @!p1 $0xFFFFE000  }
.LBB2_1:
0x21: {  	p1 =	sge.u32 s12, s8  }
0x22: {  	s14 =	sxor.u32 @!p1 $0xFFFFFFFF, s12  }
0x23: {  	s31 =	sadd.s32 $0xFFFFFFFF, s12;
	s15 =	sshrl.u32 @!p1 s11, $0x3;
	s14 =	sshll.u32 @!p1 s14, $0xD  }
0x24: {  	s16 =	sand.u32 @!p1 $0x7, s11;
	s15 =	sadd.s32 @!p1 s2, s15;
	s14 =	sand.u32 @!p1 $0x2000, s14  }
0x25: {  	[tilespmem:s14], [sflag:$0x2] =	stream.linear.gather @!p1 [hbm4b:s15+s16], $0x2000, $0x38;
	[tilespmem:$0x8000] =	vst v63  }
0x26: {  	p1 =	sge.u32 s31, s8  }
.Ltmp2:
0x27: {  	_ = 	snop;
	(pc) =	sbr.rel @p1 .LBB2_5-.Ltmp2, $1  }
0x28: {  	_ =	sdelay $0x3  }
0x29: {  	s14 =	simm.s32 $0x1  }
0x2a: {  	_ =	swait.ge [sflag:s7], $0x2000;
	s14 =	simm.s32 @!p0 $0x0  }
0x2b: {  	[sflag:s7] =	ssyncset.done $0x0;
	s14 =	sshll.u32 s14, $0xD  }
0x2c: {  	[sflag:s7] =	ssyncadd.s32 $0xFFFFE000;
	(ifvalue) =	ssetifvalue $0x7FFFFFFF;
	v0 =	vld.msk [tilespmem:s14+$0x0 ss:$0x1], $0xffff;
	_ =	sdelay $0x4  }
0x2d: {  	s15 =	sadd.s32 $0x10, s14;
	vm1 =	vgt.s32 v0, $0x0  }
0x2e: {  	v2 =	vld.msk [tilespmem:s15+$0x0 ss:$0x1], $0xffff;
	v1 =	vnsel vm1, $0x0, v0  }
0x2f: {  	v1 =	vmin.u32 v1, $0x4E1FF;
	_ =	sdelay $0x1  }
0x30: {  	s16 =	sshll.u32 s12, $0xD;
	s18 =	simm.s32 $0x20  }
0x31: {  	s16 =	sand.u32 $0x2000, s16;
	s17 =	sadd.s32 $0x10, s15;
	s15 =	sor.u32 $0x4000, s14  }
0x32: {  	s14 =	sor.u32 $0x4000, s16;
	s16 =	sadd.s32 $0x10, s15;
	v0 =	vld.msk [tilespmem:s17+$0x0 ss:$0x1], $0xffff;
	vm1 =	vgt.s32 v2, $0x0;
	(ifvalue) =	ssetifvalue $0x7FFFFFFF  }
.LBB2_3:
0x33: {  	[tilespmem:s15], [sflag:$0x1] =	stream.indirect_vreg.gather [hbm4b:s4+s10], $0x1, v1, vm0, $0x4038;
	[tilespmem:$0x8000] =	vst v63  }
0x34: {  	s18 =	sadd.s32 $0x10, s18  }
0x35: {  	v2 =	vnsel vm1, $0x0, v2;
	p1 =	slt.u32 s18, $0x1FF0  }
.Ltmp3:
0x36: {  	s15 =	smov.u32 s16;
	v1 =	vmin.u32 v2, $0x4E1FF;
	(pc) =	sbr.rel @p1 .LBB2_3-.Ltmp3, $3  }
0x37: {  	_ =	sdelay $0x1  }
0x38: {  	s17 =	sadd.s32 $0x10, s17  }
0x39: {  	vm1 =	vgt.s32 v0, $0x0;
	s16 =	sadd.s32 $0x10, s16;
	v2 =	vmov v0;
	(ifvalue) =	ssetifvalue $0x7FFFFFFF;
	v0 =	vld.msk [tilespmem:s17+$0x0 ss:$0x1], $0xffff  }
.Ltmp4:
0x3a: {  	_ = 	snop;
	(pc) =	sbr.rel .LBB2_4-.Ltmp4, $1  }
0x3b: {  	_ =	sdelay $0x3  }
.LBB2_6:
0x3c: {  	_ =	sfence.sel $0x180000  }
0x3d: {  	s2 =	simm.s32 $0x2;
	[bflag:$0x0] =	sbarrier.arrive $0xFFFF  }
0x3e: {  	s30 =	simm.s32 $0x3;
	[sflag:s2] =	ssyncpa.u1 $0x1  }
0x3f: {  	s31 =	simm.s32 $0x1;
	[sflag:s30] =	ssyncpa.u1 $0x1  }
0x40: {  	[sflag:s31] =	ssyncpa.u1 $0x1  }
0x41: {  	p0 =	sne.s32 s0, $0x0;
	_ =	strace $0x90000050  }
0x42: {  	s0 =	sadd.s32 @!p0 $0x100000, s1;
	[bflag:$0x2] =	sbarrier.arrive $0xFFFF  }
0x43: {  	[sflag:s0] =	ssyncadd.tile.s32 @!p0 $0x1;
	_ =	shalt  }
.Lfunc_end2:
_tile_overlayer_lowered:
.L_overlay_start_2:
0x44: {  	(tag) =	ssettag $0x2  }
0x45: {  	s0 =	rddreg [dreg:$0x0];
	s2 =	stileid.u32  }
0x46: {  	s1 =	rddreg [dreg:$0x1];
	p0 =	sne.s32 s2, $0x0  }
0x47: {  	s3 =	rddreg [dreg:$0x2];
	[bflag:$0x3] =	sbarrier.arrive $0xFFFF;
	s2 =	simm.s32 @!p0 $0x1C01  }
0x48: {  	[timem:s3], [sflag:s2] =	dma.local @!p0 [hbm:s0], s1  }
0x49: {  	s0 =	simm.s32 @!p0 $0x1  }
0x4a: {  	_ =	swait.ge @!p0 [sflag:s0], s1  }
0x4b: {  	s1 =	ssub.s32 @!p0 $0x0, s1;
	[sflag:s0] =	ssyncset.done @!p0 $0x0  }
0x4c: {  	[sflag:s0] =	ssyncadd.s32 @!p0 s1  }
0x4d: {  	[bflag:$0x3] =	sbarrier.arrive $0xFFFF  }
0x4e: {  	_ =	shalt  }

// kernel: gather_offload_async_start.3
scs
__scs_entry_jumppad:
0x0: {  	(pc) =	sbr.rel $0x88, $3  }
0x1: {  	(tag) =	ssettag $0x0;
	lr =	simm.s32 $0x1  }
0x2: {  	[smem:$0x3F92] =	sst lr;
	_ =	strace $0xD0000000  }
0x3: {  	_ = 	snop  }
0x4: {  	_ = 	snop  }
0x5: {  	_ = 	snop  }
0x6: {  	_ = 	snop  }
0x7: {  	_ = 	snop  }
__scs_overlays_trampoline_lowered:
0x8: {  	[smem:$0x3FA1] =	sst s0  }
0x9: {  	[smem:$0x3FA2] =	sst s1  }
0xa: {  	[smem:$0x3FA3] =	sst s2  }
0xb: {  	[smem:$0x3FA4] =	sst s3  }
0xc: {  	[smem:$0x3FA5] =	sst s4  }
0xd: {  	[smem:$0x3FA6] =	sst s5  }
0xe: {  	[smem:$0x3FA7] =	sst s6  }
0xf: {  	[smem:$0x3FA8] =	sst s7  }
0x10: {  	[smem:$0x3FA9] =	sst s8  }
0x11: {  	[smem:$0x3FAA] =	sst s9;
	s0 =	simm.s32 @!p0 $0x0  }
0x12: {  	s1 =	sld [smem:$0x3F90];
	s0 =	simm.s32 @p0 $0x1  }
0x13: {  	[smem:$0x3FAB] =	sst s0;
	s0 =	simm.s32 @!p1 $0x0  }
0x14: {  	s2 =	sld [smem:$0x3F8F];
	s0 =	simm.s32 @p1 $0x1  }
0x15: {  	[smem:$0x3FAC] =	sst s0;
	s0 =	simm.s32 @!p2 $0x0  }
0x16: {  	s3 =	sld [smem:$0x3FDB];
	s0 =	simm.s32 @p2 $0x1  }
0x17: {  	s4 =	simm.s32 $0x1BF5;
	[smem:$0x3FAE] =	sst s0  }
0x18: {  	s0 =	sld [smem:$0x3F91];
	_ =	swait.ge [sflag:s4], $0x0  }
0x19: {  	s7 =	sld [smem:$0x3F92]  }
0x1a: {  	s8 =	sadd.s32 $0xFFFFE003, lr  }
0x1b: {  	s9 =	sadd.s32 $0xFFFFFEF7, lr;
	s5 =	simm.s32 $0xFFFFFFFF;
	p2 =	slt.u32 s8, $0xFFFFF086  }
0x1c: {  	p1 =	slt.u32 s9, $0xF7A;
	s5 =	simm.s32 @!p2 $0x0  }
0x1d: {  	s5 =	simm.s32 @p1 $0x1;
	p0 =	seq.s32 s7, s2  }
0x1e: {  	s7 =	smul.u32 @!p0 $0xF7A, s2;
	p2 =	seq.s32 @!p0 s5, $0x0  }
0x1f: {  	s9 =	smul.u32 $0xF7A, s1;
	s8 =	simm.s32 @!p0 $0x1BF5;
	p2 =	por !p2, p0  }
0x20: {  	[sflag:s8] =	ssyncset.s32 @!p0 $0xFFFFF086;
	s6 =	sadd.s32 @!p0 s3, s7;
	s7 =	simm.s32 @!p0 $0x108  }
0x21: {  	s3 =	sadd.s32 s3, s9;
	s6 =	sadd.s32 @!p0 $0x88, s6;
	s7 =	simm.s32 @p2 $0x1082  }
0x22: {  	[simem:s7], [sflag:s8] =	dma.local @!p0 [hbm:s6], $0xF7A  }
0x23: {  	s9 =	sor.u32 $0xD0000000, s2;
	s6 =	simm.s32 $0x108;
	_ =	swait.ge @!p0 [sflag:s8], $0x0  }
0x24: {  	s3 =	sadd.s32 $0x88, s3;
	s6 =	simm.s32 @!p1 $0x1082;
	[sflag:s4] =	ssyncset.s32 $0xFFFFF086  }
0x25: {  	[simem:s6], [sflag:s4] =	dma.local [hbm:s3], $0xF7A  }
0x26: {  	[smem:$0x3F92] =	sst s1;
	(tag) =	ssettag s2;
	_ =	strace s9  }
0x27: {  	s1 =	sld [smem:$0x3FA2]  }
0x28: {  	s2 =	sld [smem:$0x3FA3]  }
0x29: {  	s4 =	sld [smem:$0x3FA5]  }
0x2a: {  	p0 =	seq.s32 s5, $0x0;
	s5 =	sld [smem:$0x3FA6]  }
0x2b: {  	s6 =	sld [smem:$0x3FA7]  }
0x2c: {  	s7 =	sld [smem:$0x3FA8]  }
0x2d: {  	s3 =	simm.s32 $0x108;
	s8 =	sld [smem:$0x3FA9]  }
0x2e: {  	s3 =	simm.s32 @!p0 $0x1082;
	s9 =	sld [smem:$0x3FAA]  }
0x2f: {  	lr =	sadd.s32 s0, s3;
	s0 =	sld [smem:$0x3FA1]  }
0x30: {  	s3 =	sld [smem:$0x3FA4]  }
0x31: {  	[smem:$0x3FAD] =	sst s10  }
0x32: {  	s10 =	sld [smem:$0x3FAB];
	_ =	sdelay $0x3  }
0x33: {  	p0 =	seq.s32 s10, $0x1;
	s10 =	sld [smem:$0x3FAD];
	_ =	sdelay $0x3  }
0x34: {  	[smem:$0x3FAD] =	sst s10  }
0x35: {  	s10 =	sld [smem:$0x3FAC];
	_ =	sdelay $0x3  }
0x36: {  	p1 =	seq.s32 s10, $0x1;
	s10 =	sld [smem:$0x3FAD];
	_ =	sdelay $0x3  }
0x37: {  	[smem:$0x3FAD] =	sst s10  }
0x38: {  	s10 =	sld [smem:$0x3FAE]  }
0x39: {  	_ = 	snop;
	(pc) =	sbr.ind lr, $3  }
0x3a: {  	_ = 	snop  }
0x3b: {  	_ = 	snop  }
0x3c: {  	p2 =	seq.s32 s10, $0x1;
	s10 =	sld [smem:$0x3FAD]  }
0x3d: {  	_ =	shalt  }
0x3e: {  	_ =	shalt  }
0x3f: {  	_ =	shalt  }
0x40: {  	_ =	shalt  }
0x41: {  	_ =	shalt  }
0x42: {  	_ =	shalt  }
0x43: {  	_ =	shalt  }
0x44: {  	_ =	shalt  }
0x45: {  	_ =	shalt  }
0x46: {  	_ =	shalt  }
0x47: {  	_ =	shalt  }
0x48: {  	_ =	shalt  }
0x49: {  	_ =	shalt  }
0x4a: {  	_ =	shalt  }
0x4b: {  	_ =	shalt  }
0x4c: {  	_ =	shalt  }
0x4d: {  	_ =	shalt  }
0x4e: {  	_ =	shalt  }
0x4f: {  	_ =	shalt  }
0x50: {  	_ =	shalt  }
0x51: {  	_ =	shalt  }
0x52: {  	_ =	shalt  }
0x53: {  	_ =	shalt  }
0x54: {  	_ =	shalt  }
0x55: {  	_ =	shalt  }
0x56: {  	_ =	shalt  }
0x57: {  	_ =	shalt  }
0x58: {  	_ =	shalt  }
0x59: {  	_ =	shalt  }
0x5a: {  	_ =	shalt  }
0x5b: {  	_ =	shalt  }
0x5c: {  	_ =	shalt  }
0x5d: {  	_ =	shalt  }
0x5e: {  	_ =	shalt  }
0x5f: {  	_ =	shalt  }
0x60: {  	_ =	shalt  }
0x61: {  	_ =	shalt  }
0x62: {  	_ =	shalt  }
0x63: {  	_ =	shalt  }
0x64: {  	_ =	shalt  }
0x65: {  	_ =	shalt  }
0x66: {  	_ =	shalt  }
0x67: {  	_ =	shalt  }
0x68: {  	_ =	shalt  }
0x69: {  	_ =	shalt  }
0x6a: {  	_ =	shalt  }
0x6b: {  	_ =	shalt  }
0x6c: {  	_ =	shalt  }
0x6d: {  	_ =	shalt  }
0x6e: {  	_ =	shalt  }
0x6f: {  	_ =	shalt  }
0x70: {  	_ =	shalt  }
0x71: {  	_ =	shalt  }
0x72: {  	_ =	shalt  }
0x73: {  	_ =	shalt  }
0x74: {  	_ =	shalt  }
0x75: {  	_ =	shalt  }
0x76: {  	_ =	shalt  }
0x77: {  	_ =	shalt  }
0x78: {  	_ =	shalt  }
0x79: {  	_ =	shalt  }
0x7a: {  	_ =	shalt  }
0x7b: {  	_ =	shalt  }
0x7c: {  	_ =	shalt  }
0x7d: {  	_ =	shalt  }
0x7e: {  	_ =	shalt  }
0x7f: {  	_ =	shalt  }
0x80: {  	_ =	shalt  }
0x81: {  	_ =	shalt  }
0x82: {  	_ =	shalt  }
0x83: {  	_ =	shalt  }
0x84: {  	_ =	shalt  }
0x85: {  	_ =	shalt  }
0x86: {  	_ =	shalt  }
0x87: {  	_ =	shalt  }
.Lfunc_end0:
.L_simem_size_0:
called_computation.3_lowered:
.L_overlay_start_0:
0x88: {  	s2 =	sld [smem:$0x3FD9]  }
0x89: {  	s3 =	sld [smem:$0x3FFE];
	_ =	sdelay $0x1  }
0x8a: {  	s1 =	srdreg.scid  }
0x8b: {  	s0 =	sand.u32 $0x1, s1  }
0x8c: {  	s17 =	sshll.u32 s0, $0xA;
	s2 =	sadd.s32 s3, s2  }
0x8d: {  	s2 =	sadd.s32 s2, s17  }
0x8e: {  	[smem:$0x3FB9] =	sst s2  }
0x8f: {  	_ = 	snop  }
0x90: {  	s18 =	sld [smem:$0x3FD0];
	(tm) =	ssettm $0x1  }
0x91: {  	s19 =	sld [smem:$0x3FFB];
	_ =	sdelay $0x3  }
0x92: {  	_ =	strace s19  }
0x93: {  	s2 =	sld [smem:$0x3FFC];
	_ =	sdelay $0x3  }
0x94: {  	_ =	strace s2  }
0x95: {  	s2 =	sld [smem:$0x3FFD];
	_ =	sdelay $0x3  }
0x96: {  	_ =	strace s2  }
0x97: {  	_ =	strace $0x8FFFFFFF  }
0x98: {  	s20 =	sld [smem:$0x3FDB];
	_ =	sdelay $0x1  }
0x99: {  	s4 =	simm.s32 $_scs_section_size  }
0x9a: {  	s5 =	simm.s32 $_size__tile_overlayer_lowered;
	s6 =	simm.s32 $_tile_overlayer_lowered  }
0x9b: {  	s7 =	simm.s32 $0x1BFF;
	s21 =	sshll.u32 s6, $0x1;
	s4 =	sadd.s32 s4, s20  }
0x9c: {  	s22 =	simm.s32 $0x0;
	s5 =	sshll.u32 s5, $0x1;
	s6 =	sadd.s32 s21, s4  }
0x9d: {  	[timem:s22], [sflag:s7] =	dma.local [hbm:s6], s5  }
0x9e: {  	_ =	swait.ge [sflag:s7], s5  }
0x9f: {  	s5 =	ssub.s32 $0x0, s5;
	[sflag:s7] =	ssyncset.done $0x0  }
0xa0: {  	[sflag:s7] =	ssyncadd.s32 s5;
	_ =	sdelay $0x1  }
0xa1: {  	s23 =	simm.s32 $0x1B8B  }
0xa2: {  	_ =	swait.ge [sflag:s23], $0x1  }
0xa3: {  	[sflag:s23] =	ssyncset.done $0x0  }
0xa4: {  	[sflag:s23] =	ssyncadd.s32 $0xFFFFFFFF  }
0xa5: {  	s5 =	sld [smem:$0x0]  }
0xa6: {  	s6 =	sand.u32 $0xFFFFFFFE, s1  }
0xa7: {  	p0 =	sne.s32 s1, s6  }
0xa8: {  	s6 =	sshll.u32 @p0 s6, $0xE  }
0xa9: {  	s6 =	sadd.s32 @p0 $0x11B8D, s6;
	s7 =	sshll.u32 @p0 s5, $0x11  }
0xaa: {  	s6 =	sor.u32 @p0 s7, s6  }
0xab: {  	[sflag:s6] =	ssyncadd.remote.s32 @p0 $0x1;
	_ =	sdelay $0x1  }
0xac: {  	s6 =	simm.s32 @p0 $0x1B8D  }
0xad: {  	_ =	swait.eq @p0 [sflag:s6], $0x1  }
0xae: {  	[sflag:s6] =	ssyncadd.s32 @p0 $0xFFFFFFFF  }
0xaf: {  	s7 =	sshll.u32 @!p0 s1, $0xE  }
0xb0: {  	s7 =	sor.u32 @!p0 $0x4000, s7;
	s6 =	simm.s32 @!p0 $0x1B8D  }
0xb1: {  	s5 =	sshll.u32 @!p0 s5, $0x11;
	s7 =	sadd.s32 @!p0 $0x11B8D, s7;
	_ =	swait.eq @!p0 [sflag:s6], $0x1  }
0xb2: {  	s5 =	sor.u32 @!p0 s5, s7;
	[sflag:s6] =	ssyncadd.s32 @!p0 $0xFFFFFFFF  }
0xb3: {  	s25 =	simm.s32 $0x1B8E;
	s24 =	sld [smem:$0x3FFE];
	[sflag:s5] =	ssyncadd.remote.s32 @!p0 $0x1  }
0xb4: {  	s26 =	simm.s32 $execute0_lowered;
	[smem:$0x3FD2] =	sst s25  }
0xb5: {  	s6 =	sshll.u32 s26, $0x1;
	_ =	strace $0x8000004C;
	[dreg:$0x1] =	wrdreg $0xFFFFFFFF  }
0xb6: {  	s28 =	simm.s32 $_size_execute0_lowered;
	s4 =	sadd.s32 s4, s6;
	[dreg:$0x0] =	wrdreg $0x0  }
0xb7: {  	s6 =	sshll.u32 s28, $0x1;
	[dreg:$0x2] =	wrdreg s4  }
0xb8: {  	[dreg:$0x3] =	wrdreg s6  }
0xb9: {  	[dreg:$0x4] =	wrdreg $0xC0  }
0xba: {  	_ =	task [dreg:s22], $0x5FFFF  }
0xbb: {  	[dreg:$0x1] =	wrdreg $0xFFFFFFFF  }
0xbc: {  	[dreg:$0x0] =	wrdreg $0x60  }
0xbd: {  	[dreg:$0x2] =	wrdreg s24  }
0xbe: {  	[dreg:$0x3] =	wrdreg s18  }
0xbf: {  	[dreg:$0x4] =	wrdreg $0x9  }
0xc0: {  	_ =	task.clear_ibuf [dreg:s22], $0x5FFFF;
	_ =	strace $0x9000004C  }
0xc1: {  	s29 =	simm.s32 $0x9;
	_ =	strace $0x8000004E  }
0xc2: {  	_ =	swait.ge [sflag:s29], $0x1  }
0xc3: {  	[sflag:s29] =	ssyncadd.s32 $0xFFFFFFFF  }
0xc4: {  	_ =	strace $0x9000004E  }
0xc5: {  	_ =	sfence  }
0xc6: {  	s30 =	sld [smem:$0x0];
	_ =	sdelay $0x2  }
0xc7: {  	s31 =	sshll.u32 s1, $0xD;
	s1 =	sshrl.u32 s1, $0x2  }
0xc8: {  	s4 =	sand.u32 $0x4000, s31;
	s1 =	sadd.s32 s1, s30  }
0xc9: {  	s0 =	sor.u32 s4, s0;
	s1 =	sshll.u32 s1, $0x11  }
0xca: {  	s0 =	sor.u32 s1, s0  }
0xcb: {  	s0 =	sadd.s32 $0x8F2B, s0  }
0xcc: {  	[sflag:s0] =	ssyncadd.remote.s32 $0x1  }
0xcd: {  	_ =	sfence.sel $0xFFFF  }
0xce: {  	[dreg:$0x0] =	wrdreg $0xFFFFFFFF;
	(pc) =	sbr.abs _section_cstart, $3  }
0xcf: {  	[dreg:$0x1] =	wrdreg $0xFFFFFFFF  }
0xd0: {  	_ =	task.clear_ibuf [dreg:s22], $0x2FFFF;
	_ =	strace $0x9FFFFFFF  }
0xd1: {  	(tm) =	ssettm $0x7FFFFFFF  }
tec
execute0_lowered:
.L_overlay_start_1:
0x0: {  	(tag) =	ssettag $0x1  }
0x1: {  	s1 =	srdreg.scid;
	s5 =	rddreg [dreg:$0x0]  }
0x2: {  	s0 =	stileid.u32;
	s2 =	rddreg [dreg:$0x1];
	s6 =	simm.s32 $0x1  }
0x3: {  	s9 =	simm.s32 $0x1;
	s10 =	simm.s32 $0x3;
	s1 =	sshll.u32 s1, $0xD  }
0x4: {  	s13 =	simm.s32 $0x0;
	s3 =	sshll.u32 s0, $0xE;
	s4 =	sand.u32 $0x2000, s1  }
0x5: {  	s12 =	simm.s32 $0x0;
	s1 =	rddreg [dreg:$0x2];
	s3 =	sor.u32 s3, s4  }
0x6: {  	_ =	strace $0x8000004D;
	s4 =	sadd.s32 $0x24000, s5;
	s8 =	ssub.s32 $0x50000, s3  }
.Ltmp0:
0x7: {  	s5 =	sadd.s32 $0x5EE00, s5;
	s7 =	sand.u32 $0x3E000, s8;
	(pc) =	sbr.rel .LBB2_1-.Ltmp0, $4  }
0x8: {  	[sflag:s6] =	ssyncpa.u1 $0x0;
	s11 =	smov.u32 s3;
	p0 =	sne.s32 s7, $0x0  }
0x9: {  	s8 =	sshrl.u32 s8, $0x12;
	s7 =	simm.s32 $0x2;
	s9 =	simm.s32 @!p0 $0x0  }
0xa: {  	[sflag:s7] =	ssyncpa.u1 $0x0;
	p0 =	por $0x0, $0x0;
	s8 =	sadd.s32 s9, s8  }
0xb: {  	vm0 =	vmmov $0xffff;
	[sflag:s10] =	ssyncpa.u1 $0x0;
	s10 =	simm.s32 $0x0;
	s9 =	sadd.s32 $0x1, s8  }
.LBB2_4:
0xc: {  	v2 =	vnsel vm1, $0x0, v2  }
0xd: {  	vm1 =	vgt.s32 v0, $0x0;
	v2 =	vmin.u32 v2, $0x4E1FF  }
0xe: {  	v0 =	vnsel vm1, $0x0, v0  }
0xf: {  	v0 =	vmin.u32 v0, $0x4E1FF  }
0x10: {  	[tilespmem:s15], [sflag:$0x1] =	stream.indirect_vreg.gather [hbm4b:s4+s10], $0x1, v1, vm0, $0x4038;
	[tilespmem:$0x8000] =	vst v63  }
0x11: {  	(ifvalue) =	ssetifvalue $0x7FFFFFFF  }
0x12: {  	[tilespmem:s16], [sflag:$0x1] =	stream.indirect_vreg.gather [hbm4b:s4+s10], $0x1, v2, vm0, $0x4038;
	[tilespmem:$0x8000] =	vst v63  }
0x13: {  	s29 =	sadd.s32 $0x10, s16;
	(ifvalue) =	ssetifvalue $0x7FFFFFFF  }
0x14: {  	[tilespmem:s29], [sflag:$0x1] =	stream.indirect_vreg.gather [hbm4b:s4+s10], $0x1, v0, vm0, $0x4038;
	[tilespmem:$0x8000] =	vst v63  }
0x15: {  	_ =	swait.ge [sflag:s6], $0x2000  }
0x16: {  	s30 =	sshrl.u32 s13, $0x3;
	[sflag:s6] =	ssyncset.done $0x0  }
0x17: {  	s31 =	sand.u32 $0x7, s13;
	s15 =	sadd.s32 s5, s30;
	[sflag:s6] =	ssyncadd.s32 $0xFFFFE000  }
0x18: {  	[hbm4b:s15+s31] =	stream.linear.scatter [tilespmem:s14], [sflag:$0x3], $0x2000, $0x38;
	[tilespmem:$0x8000] =	vst v63  }
.LBB2_5:
0x19: {  	s15 =	sadd.s32 $0x40000, s11  }
0x1a: {  	p2 =	sgt.s32 s15, $0x4FFFF  }
0x1b: {  	s15 =	smov.u32 @p2 s3;
	p2 =	sne.s32 s12, s9  }
.Ltmp1:
0x1c: {  	p1 =	slt.u32 s12, $0x2;
	(pc) =	sbr.rel @!p2 .LBB2_6-.Ltmp1, $4  }
0x1d: {  	s14 =	simm.s32 @!p1 $0x3  }
0x1e: {  	s16 =	sadd.s32 $0x1, s12;
	_ =	swait.ge @!p1 [sflag:s14], $0x2000  }
0x1f: {  	s13 =	smov.u32 s11;
	p0 =	por !p0, !p0;
	[sflag:s14] =	ssyncset.done @!p1 $0x0  }
0x20: {  	s12 =	smov.u32 s16;
	s11 =	smov.u32 s15;
	[sflag:s14] =	ssyncadd.s32 @!p1 $0xFFFFE000  }
.LBB2_1:
0x21: {  	p1 =	sge.u32 s12, s8  }
0x22: {  	s14 =	sxor.u32 @!p1 $0xFFFFFFFF, s12  }
0x23: {  	s31 =	sadd.s32 $0xFFFFFFFF, s12;
	s15 =	sshrl.u32 @!p1 s11, $0x3;
	s14 =	sshll.u32 @!p1 s14, $0xD  }
0x24: {  	s16 =	sand.u32 @!p1 $0x7, s11;
	s15 =	sadd.s32 @!p1 s2, s15;
	s14 =	sand.u32 @!p1 $0x2000, s14  }
0x25: {  	[tilespmem:s14], [sflag:$0x2] =	stream.linear.gather @!p1 [hbm4b:s15+s16], $0x2000, $0x38;
	[tilespmem:$0x8000] =	vst v63  }
0x26: {  	p1 =	sge.u32 s31, s8  }
.Ltmp2:
0x27: {  	_ = 	snop;
	(pc) =	sbr.rel @p1 .LBB2_5-.Ltmp2, $1  }
0x28: {  	_ =	sdelay $0x3  }
0x29: {  	s14 =	simm.s32 $0x1  }
0x2a: {  	_ =	swait.ge [sflag:s7], $0x2000;
	s14 =	simm.s32 @!p0 $0x0  }
0x2b: {  	[sflag:s7] =	ssyncset.done $0x0;
	s14 =	sshll.u32 s14, $0xD  }
0x2c: {  	[sflag:s7] =	ssyncadd.s32 $0xFFFFE000;
	(ifvalue) =	ssetifvalue $0x7FFFFFFF;
	v0 =	vld.msk [tilespmem:s14+$0x0 ss:$0x1], $0xffff;
	_ =	sdelay $0x4  }
0x2d: {  	s15 =	sadd.s32 $0x10, s14;
	vm1 =	vgt.s32 v0, $0x0  }
0x2e: {  	v2 =	vld.msk [tilespmem:s15+$0x0 ss:$0x1], $0xffff;
	v1 =	vnsel vm1, $0x0, v0  }
0x2f: {  	v1 =	vmin.u32 v1, $0x4E1FF;
	_ =	sdelay $0x1  }
0x30: {  	s16 =	sshll.u32 s12, $0xD;
	s18 =	simm.s32 $0x20  }
0x31: {  	s16 =	sand.u32 $0x2000, s16;
	s17 =	sadd.s32 $0x10, s15;
	s15 =	sor.u32 $0x4000, s14  }
0x32: {  	s14 =	sor.u32 $0x4000, s16;
	s16 =	sadd.s32 $0x10, s15;
	v0 =	vld.msk [tilespmem:s17+$0x0 ss:$0x1], $0xffff;
	vm1 =	vgt.s32 v2, $0x0;
	(ifvalue) =	ssetifvalue $0x7FFFFFFF  }
.LBB2_3:
0x33: {  	[tilespmem:s15], [sflag:$0x1] =	stream.indirect_vreg.gather [hbm4b:s4+s10], $0x1, v1, vm0, $0x4038;
	[tilespmem:$0x8000] =	vst v63  }
0x34: {  	s18 =	sadd.s32 $0x10, s18  }
0x35: {  	v2 =	vnsel vm1, $0x0, v2;
	p1 =	slt.u32 s18, $0x1FF0  }
.Ltmp3:
0x36: {  	s15 =	smov.u32 s16;
	v1 =	vmin.u32 v2, $0x4E1FF;
	(pc) =	sbr.rel @p1 .LBB2_3-.Ltmp3, $3  }
0x37: {  	_ =	sdelay $0x1  }
0x38: {  	s17 =	sadd.s32 $0x10, s17  }
0x39: {  	vm1 =	vgt.s32 v0, $0x0;
	s16 =	sadd.s32 $0x10, s16;
	v2 =	vmov v0;
	(ifvalue) =	ssetifvalue $0x7FFFFFFF;
	v0 =	vld.msk [tilespmem:s17+$0x0 ss:$0x1], $0xffff  }
.Ltmp4:
0x3a: {  	_ = 	snop;
	(pc) =	sbr.rel .LBB2_4-.Ltmp4, $1  }
0x3b: {  	_ =	sdelay $0x3  }
.LBB2_6:
0x3c: {  	_ =	sfence.sel $0x180000  }
0x3d: {  	s2 =	simm.s32 $0x2;
	[bflag:$0x0] =	sbarrier.arrive $0xFFFF  }
0x3e: {  	s30 =	simm.s32 $0x3;
	[sflag:s2] =	ssyncpa.u1 $0x1  }
0x3f: {  	s31 =	simm.s32 $0x1;
	[sflag:s30] =	ssyncpa.u1 $0x1  }
0x40: {  	[sflag:s31] =	ssyncpa.u1 $0x1  }
0x41: {  	p0 =	sne.s32 s0, $0x0;
	_ =	strace $0x9000004D  }
0x42: {  	s0 =	sadd.s32 @!p0 $0x100000, s1;
	[bflag:$0x2] =	sbarrier.arrive $0xFFFF  }
0x43: {  	[sflag:s0] =	ssyncadd.tile.s32 @!p0 $0x1;
	_ =	shalt  }
.Lfunc_end2:
_tile_overlayer_lowered:
.L_overlay_start_2:
0x44: {  	(tag) =	ssettag $0x2  }
0x45: {  	s0 =	rddreg [dreg:$0x0];
	s2 =	stileid.u32  }
0x46: {  	s1 =	rddreg [dreg:$0x1];
	p0 =	sne.s32 s2, $0x0  }
0x47: {  	s3 =	rddreg [dreg:$0x2];
	[bflag:$0x3] =	sbarrier.arrive $0xFFFF;
	s2 =	simm.s32 @!p0 $0x1C01  }
0x48: {  	[timem:s3], [sflag:s2] =	dma.local @!p0 [hbm:s0], s1  }
0x49: {  	s0 =	simm.s32 @!p0 $0x1  }
0x4a: {  	_ =	swait.ge @!p0 [sflag:s0], s1  }
0x4b: {  	s1 =	ssub.s32 @!p0 $0x0, s1;
	[sflag:s0] =	ssyncset.done @!p0 $0x0  }
0x4c: {  	[sflag:s0] =	ssyncadd.s32 @!p0 s1  }
0x4d: {  	[bflag:$0x3] =	sbarrier.arrive $0xFFFF  }
0x4e: {  	_ =	shalt  }

// kernel: gather_offload_async_start
scs
__scs_entry_jumppad:
0x0: {  	(pc) =	sbr.rel $0x88, $3  }
0x1: {  	(tag) =	ssettag $0x0;
	lr =	simm.s32 $0x1  }
0x2: {  	[smem:$0x3F92] =	sst lr;
	_ =	strace $0xD0000000  }
0x3: {  	_ = 	snop  }
0x4: {  	_ = 	snop  }
0x5: {  	_ = 	snop  }
0x6: {  	_ = 	snop  }
0x7: {  	_ = 	snop  }
__scs_overlays_trampoline_lowered:
0x8: {  	[smem:$0x3FA1] =	sst s0  }
0x9: {  	[smem:$0x3FA2] =	sst s1  }
0xa: {  	[smem:$0x3FA3] =	sst s2  }
0xb: {  	[smem:$0x3FA4] =	sst s3  }
0xc: {  	[smem:$0x3FA5] =	sst s4  }
0xd: {  	[smem:$0x3FA6] =	sst s5  }
0xe: {  	[smem:$0x3FA7] =	sst s6  }
0xf: {  	[smem:$0x3FA8] =	sst s7  }
0x10: {  	[smem:$0x3FA9] =	sst s8  }
0x11: {  	[smem:$0x3FAA] =	sst s9;
	s0 =	simm.s32 @!p0 $0x0  }
0x12: {  	s1 =	sld [smem:$0x3F90];
	s0 =	simm.s32 @p0 $0x1  }
0x13: {  	[smem:$0x3FAB] =	sst s0;
	s0 =	simm.s32 @!p1 $0x0  }
0x14: {  	s2 =	sld [smem:$0x3F8F];
	s0 =	simm.s32 @p1 $0x1  }
0x15: {  	[smem:$0x3FAC] =	sst s0;
	s0 =	simm.s32 @!p2 $0x0  }
0x16: {  	s3 =	sld [smem:$0x3FDB];
	s0 =	simm.s32 @p2 $0x1  }
0x17: {  	s4 =	simm.s32 $0x1BF5;
	[smem:$0x3FAE] =	sst s0  }
0x18: {  	s0 =	sld [smem:$0x3F91];
	_ =	swait.ge [sflag:s4], $0x0  }
0x19: {  	s7 =	sld [smem:$0x3F92]  }
0x1a: {  	s8 =	sadd.s32 $0xFFFFE003, lr  }
0x1b: {  	s9 =	sadd.s32 $0xFFFFFEF7, lr;
	s5 =	simm.s32 $0xFFFFFFFF;
	p2 =	slt.u32 s8, $0xFFFFF086  }
0x1c: {  	p1 =	slt.u32 s9, $0xF7A;
	s5 =	simm.s32 @!p2 $0x0  }
0x1d: {  	s5 =	simm.s32 @p1 $0x1;
	p0 =	seq.s32 s7, s2  }
0x1e: {  	s7 =	smul.u32 @!p0 $0xF7A, s2;
	p2 =	seq.s32 @!p0 s5, $0x0  }
0x1f: {  	s9 =	smul.u32 $0xF7A, s1;
	s8 =	simm.s32 @!p0 $0x1BF5;
	p2 =	por !p2, p0  }
0x20: {  	[sflag:s8] =	ssyncset.s32 @!p0 $0xFFFFF086;
	s6 =	sadd.s32 @!p0 s3, s7;
	s7 =	simm.s32 @!p0 $0x108  }
0x21: {  	s3 =	sadd.s32 s3, s9;
	s6 =	sadd.s32 @!p0 $0x88, s6;
	s7 =	simm.s32 @p2 $0x1082  }
0x22: {  	[simem:s7], [sflag:s8] =	dma.local @!p0 [hbm:s6], $0xF7A  }
0x23: {  	s9 =	sor.u32 $0xD0000000, s2;
	s6 =	simm.s32 $0x108;
	_ =	swait.ge @!p0 [sflag:s8], $0x0  }
0x24: {  	s3 =	sadd.s32 $0x88, s3;
	s6 =	simm.s32 @!p1 $0x1082;
	[sflag:s4] =	ssyncset.s32 $0xFFFFF086  }
0x25: {  	[simem:s6], [sflag:s4] =	dma.local [hbm:s3], $0xF7A  }
0x26: {  	[smem:$0x3F92] =	sst s1;
	(tag) =	ssettag s2;
	_ =	strace s9  }
0x27: {  	s1 =	sld [smem:$0x3FA2]  }
0x28: {  	s2 =	sld [smem:$0x3FA3]  }
0x29: {  	s4 =	sld [smem:$0x3FA5]  }
0x2a: {  	p0 =	seq.s32 s5, $0x0;
	s5 =	sld [smem:$0x3FA6]  }
0x2b: {  	s6 =	sld [smem:$0x3FA7]  }
0x2c: {  	s7 =	sld [smem:$0x3FA8]  }
0x2d: {  	s3 =	simm.s32 $0x108;
	s8 =	sld [smem:$0x3FA9]  }
0x2e: {  	s3 =	simm.s32 @!p0 $0x1082;
	s9 =	sld [smem:$0x3FAA]  }
0x2f: {  	lr =	sadd.s32 s0, s3;
	s0 =	sld [smem:$0x3FA1]  }
0x30: {  	s3 =	sld [smem:$0x3FA4]  }
0x31: {  	[smem:$0x3FAD] =	sst s10  }
0x32: {  	s10 =	sld [smem:$0x3FAB];
	_ =	sdelay $0x3  }
0x33: {  	p0 =	seq.s32 s10, $0x1;
	s10 =	sld [smem:$0x3FAD];
	_ =	sdelay $0x3  }
0x34: {  	[smem:$0x3FAD] =	sst s10  }
0x35: {  	s10 =	sld [smem:$0x3FAC];
	_ =	sdelay $0x3  }
0x36: {  	p1 =	seq.s32 s10, $0x1;
	s10 =	sld [smem:$0x3FAD];
	_ =	sdelay $0x3  }
0x37: {  	[smem:$0x3FAD] =	sst s10  }
0x38: {  	s10 =	sld [smem:$0x3FAE]  }
0x39: {  	_ = 	snop;
	(pc) =	sbr.ind lr, $3  }
0x3a: {  	_ = 	snop  }
0x3b: {  	_ = 	snop  }
0x3c: {  	p2 =	seq.s32 s10, $0x1;
	s10 =	sld [smem:$0x3FAD]  }
0x3d: {  	_ =	shalt  }
0x3e: {  	_ =	shalt  }
0x3f: {  	_ =	shalt  }
0x40: {  	_ =	shalt  }
0x41: {  	_ =	shalt  }
0x42: {  	_ =	shalt  }
0x43: {  	_ =	shalt  }
0x44: {  	_ =	shalt  }
0x45: {  	_ =	shalt  }
0x46: {  	_ =	shalt  }
0x47: {  	_ =	shalt  }
0x48: {  	_ =	shalt  }
0x49: {  	_ =	shalt  }
0x4a: {  	_ =	shalt  }
0x4b: {  	_ =	shalt  }
0x4c: {  	_ =	shalt  }
0x4d: {  	_ =	shalt  }
0x4e: {  	_ =	shalt  }
0x4f: {  	_ =	shalt  }
0x50: {  	_ =	shalt  }
0x51: {  	_ =	shalt  }
0x52: {  	_ =	shalt  }
0x53: {  	_ =	shalt  }
0x54: {  	_ =	shalt  }
0x55: {  	_ =	shalt  }
0x56: {  	_ =	shalt  }
0x57: {  	_ =	shalt  }
0x58: {  	_ =	shalt  }
0x59: {  	_ =	shalt  }
0x5a: {  	_ =	shalt  }
0x5b: {  	_ =	shalt  }
0x5c: {  	_ =	shalt  }
0x5d: {  	_ =	shalt  }
0x5e: {  	_ =	shalt  }
0x5f: {  	_ =	shalt  }
0x60: {  	_ =	shalt  }
0x61: {  	_ =	shalt  }
0x62: {  	_ =	shalt  }
0x63: {  	_ =	shalt  }
0x64: {  	_ =	shalt  }
0x65: {  	_ =	shalt  }
0x66: {  	_ =	shalt  }
0x67: {  	_ =	shalt  }
0x68: {  	_ =	shalt  }
0x69: {  	_ =	shalt  }
0x6a: {  	_ =	shalt  }
0x6b: {  	_ =	shalt  }
0x6c: {  	_ =	shalt  }
0x6d: {  	_ =	shalt  }
0x6e: {  	_ =	shalt  }
0x6f: {  	_ =	shalt  }
0x70: {  	_ =	shalt  }
0x71: {  	_ =	shalt  }
0x72: {  	_ =	shalt  }
0x73: {  	_ =	shalt  }
0x74: {  	_ =	shalt  }
0x75: {  	_ =	shalt  }
0x76: {  	_ =	shalt  }
0x77: {  	_ =	shalt  }
0x78: {  	_ =	shalt  }
0x79: {  	_ =	shalt  }
0x7a: {  	_ =	shalt  }
0x7b: {  	_ =	shalt  }
0x7c: {  	_ =	shalt  }
0x7d: {  	_ =	shalt  }
0x7e: {  	_ =	shalt  }
0x7f: {  	_ =	shalt  }
0x80: {  	_ =	shalt  }
0x81: {  	_ =	shalt  }
0x82: {  	_ =	shalt  }
0x83: {  	_ =	shalt  }
0x84: {  	_ =	shalt  }
0x85: {  	_ =	shalt  }
0x86: {  	_ =	shalt  }
0x87: {  	_ =	shalt  }
.Lfunc_end0:
.L_simem_size_0:
called_computation_lowered:
.L_overlay_start_0:
0x88: {  	s2 =	sld [smem:$0x3FD9]  }
0x89: {  	s3 =	sld [smem:$0x3FFE];
	_ =	sdelay $0x1  }
0x8a: {  	s1 =	srdreg.scid  }
0x8b: {  	s0 =	sand.u32 $0x1, s1  }
0x8c: {  	s16 =	sshll.u32 s0, $0xA;
	s2 =	sadd.s32 s3, s2  }
0x8d: {  	s2 =	sadd.s32 s2, s16  }
0x8e: {  	[smem:$0x3FB9] =	sst s2  }
0x8f: {  	_ = 	snop  }
0x90: {  	(tm) =	ssettm $0x1  }
0x91: {  	s17 =	sld [smem:$0x3FFB];
	_ =	sdelay $0x3  }
0x92: {  	_ =	strace s17  }
0x93: {  	s2 =	sld [smem:$0x3FFC];
	_ =	sdelay $0x3  }
0x94: {  	_ =	strace s2  }
0x95: {  	s2 =	sld [smem:$0x3FFD];
	_ =	sdelay $0x3  }
0x96: {  	_ =	strace s2  }
0x97: {  	_ =	strace $0x8FFFFFFF  }
0x98: {  	s18 =	sld [smem:$0x3FDB];
	_ =	sdelay $0x1  }
0x99: {  	s19 =	simm.s32 $_scs_section_size  }
0x9a: {  	s4 =	simm.s32 $_size__tile_overlayer_lowered;
	s5 =	simm.s32 $_tile_overlayer_lowered  }
0x9b: {  	s22 =	simm.s32 $0x1BFF;
	s21 =	sshll.u32 s5, $0x1;
	s2 =	sadd.s32 s19, s18  }
0x9c: {  	s6 =	simm.s32 $0x0;
	s20 =	sshll.u32 s4, $0x1;
	s4 =	sadd.s32 s21, s2  }
0x9d: {  	[timem:s6], [sflag:s22] =	dma.local [hbm:s4], s20  }
0x9e: {  	_ =	swait.ge [sflag:s22], s20  }
0x9f: {  	s3 =	ssub.s32 $0x0, s20;
	[sflag:s22] =	ssyncset.done $0x0  }
0xa0: {  	[sflag:s22] =	ssyncadd.s32 s3;
	_ =	sdelay $0x1  }
0xa1: {  	s23 =	simm.s32 $0x1B8B  }
0xa2: {  	_ =	swait.ge [sflag:s23], $0x1  }
0xa3: {  	[sflag:s23] =	ssyncset.done $0x0  }
0xa4: {  	s25 =	simm.s32 $0x1B8E;
	s24 =	sld [smem:$0x3FFE];
	[sflag:s23] =	ssyncadd.s32 $0xFFFFFFFF  }
0xa5: {  	s26 =	simm.s32 $execute0_lowered;
	[smem:$0x3FD2] =	sst s25  }
0xa6: {  	s4 =	sshll.u32 s26, $0x1;
	_ =	strace $0x80000049;
	[dreg:$0x1] =	wrdreg $0xFFFFFFFF  }
0xa7: {  	s28 =	simm.s32 $_size_execute0_lowered;
	s2 =	sadd.s32 s2, s4;
	[dreg:$0x0] =	wrdreg $0x0  }
0xa8: {  	s4 =	sshll.u32 s28, $0x1;
	[dreg:$0x2] =	wrdreg s2  }
0xa9: {  	[dreg:$0x3] =	wrdreg s4  }
0xaa: {  	[dreg:$0x4] =	wrdreg $0xC0  }
0xab: {  	_ =	task [dreg:s6], $0x5FFFF  }
0xac: {  	[dreg:$0x1] =	wrdreg $0xFFFFFFFF  }
0xad: {  	[dreg:$0x0] =	wrdreg $0x60  }
0xae: {  	[dreg:$0x2] =	wrdreg s24  }
0xaf: {  	[dreg:$0x3] =	wrdreg $0xA  }
0xb0: {  	_ =	task.clear_ibuf [dreg:s6], $0x4FFFF;
	_ =	strace $0x90000049  }
0xb1: {  	s29 =	simm.s32 $0xA;
	_ =	strace $0x8000004B  }
0xb2: {  	_ =	swait.ge [sflag:s29], $0x1  }
0xb3: {  	[sflag:s29] =	ssyncadd.s32 $0xFFFFFFFF  }
0xb4: {  	_ =	strace $0x9000004B  }
0xb5: {  	_ =	sfence  }
0xb6: {  	s30 =	sld [smem:$0x0];
	_ =	sdelay $0x2  }
0xb7: {  	s31 =	sshll.u32 s1, $0xD;
	s1 =	sshrl.u32 s1, $0x2  }
0xb8: {  	s3 =	sand.u32 $0x4000, s31;
	s1 =	sadd.s32 s1, s30  }
0xb9: {  	s0 =	sor.u32 s3, s0;
	s1 =	sshll.u32 s1, $0x11  }
0xba: {  	s0 =	sor.u32 s1, s0  }
0xbb: {  	s0 =	sadd.s32 $0x8F2B, s0  }
0xbc: {  	[sflag:s0] =	ssyncadd.remote.s32 $0x1  }
0xbd: {  	_ =	sfence.sel $0xFFFF  }
0xbe: {  	[dreg:$0x0] =	wrdreg $0xFFFFFFFF;
	(pc) =	sbr.abs _section_cstart, $3  }
0xbf: {  	[dreg:$0x1] =	wrdreg $0xFFFFFFFF  }
0xc0: {  	_ =	task.clear_ibuf [dreg:s6], $0x2FFFF;
	_ =	strace $0x9FFFFFFF  }
0xc1: {  	(tm) =	ssettm $0x7FFFFFFF  }
tec
execute0_lowered:
.L_overlay_start_1:
0x0: {  	(tag) =	ssettag $0x1  }
0x1: {  	s8 =	rddreg [dreg:$0x0]  }
0x2: {  	s0 =	rddreg [dreg:$0x1];
	_ =	strace $0x8000004A;
	s1 =	stileid.u32  }
0x3: {  	s3 =	srdreg.scid;
	s4 =	simm.s32 $0x1;
	s7 =	simm.s32 $0x1  }
0x4: {  	s9 =	simm.s32 $0x1;
	s10 =	simm.s32 $0x3;
	s13 =	simm.s32 $0x0  }
0x5: {  	s12 =	simm.s32 $0x0;
	s5 =	sand.u32 $0x1, s3;
	s6 =	sshll.u32 s1, $0x1  }
0x6: {  	s2 =	sadd.s32 $0x6400, s8;
	s3 =	sadd.s32 $0x1A000, s8;
	s5 =	sor.u32 s6, s5  }
.Ltmp0:
0x7: {  	[sflag:s4] =	ssyncpa.u1 $0x0;
	p0 =	slt.u32 s5, $0x9;
	(pc) =	sbr.rel .LBB2_1-.Ltmp0, $4  }
0x8: {  	s6 =	simm.s32 $0x2;
	s7 =	simm.s32 @!p0 $0x0;
	p0 =	sne.s32 s5, $0x8  }
0x9: {  	[sflag:s6] =	ssyncpa.u1 $0x0;
	s5 =	smul.u32 $0x1F40, s5;
	s9 =	simm.s32 @!p0 $0x0  }
0xa: {  	s8 =	sadd.s32 $0x55000, s8;
	[sflag:s10] =	ssyncpa.u1 $0x0;
	s7 =	sadd.s32 s9, s7  }
0xb: {  	vm0 =	vmmov $0xffff;
	s10 =	simm.s32 $0x0;
	s11 =	smov.u32 s5;
	s9 =	sadd.s32 $0x1, s7  }
.LBB2_4:
0xc: {  	v2 =	vnsel vm1, $0x0, v2  }
0xd: {  	vm1 =	vgt.s32 v0, $0x0;
	v2 =	vmin.u32 v2, $0x4E1FF  }
0xe: {  	v0 =	vnsel vm1, $0x0, v0  }
0xf: {  	v0 =	vmin.u32 v0, $0x4E1FF  }
0x10: {  	[tilespmem:s18], [sflag:$0x1] =	stream.indirect_vreg.gather [hbm4b:s2+s10], $0x1, v1, vm0, $0x4038;
	[tilespmem:$0x7D00] =	vst v63  }
0x11: {  	(ifvalue) =	ssetifvalue $0x7FFFFFFF  }
0x12: {  	[tilespmem:s15], [sflag:$0x1] =	stream.indirect_vreg.gather [hbm4b:s2+s10], $0x1, v2, vm0, $0x4038;
	[tilespmem:$0x7D00] =	vst v63  }
0x13: {  	s29 =	sadd.s32 $0x10, s15;
	(ifvalue) =	ssetifvalue $0x7FFFFFFF  }
0x14: {  	[tilespmem:s29], [sflag:$0x1] =	stream.indirect_vreg.gather [hbm4b:s2+s10], $0x1, v0, vm0, $0x4038;
	[tilespmem:$0x7D00] =	vst v63  }
0x15: {  	_ =	swait.ge [sflag:s4], $0x1F40  }
0x16: {  	s30 =	sshrl.u32 s13, $0x3;
	[sflag:s4] =	ssyncset.done $0x0  }
0x17: {  	s31 =	sand.u32 $0x7, s13;
	s15 =	sadd.s32 s8, s30;
	[sflag:s4] =	ssyncadd.s32 $0xFFFFE0C0  }
0x18: {  	[hbm4b:s15+s31] =	stream.linear.scatter [tilespmem:s14], [sflag:$0x3], $0x1F40, $0x38;
	[tilespmem:$0x7D00] =	vst v63  }
.LBB2_5:
0x19: {  	s15 =	sadd.s32 $0x3E800, s11  }
0x1a: {  	p1 =	sgt.s32 s15, $0x4E1FF  }
0x1b: {  	s15 =	smov.u32 @p1 s5;
	p1 =	sne.s32 s12, s9  }
.Ltmp1:
0x1c: {  	p0 =	slt.u32 s12, $0x2;
	(pc) =	sbr.rel @!p1 .LBB2_6-.Ltmp1, $4  }
0x1d: {  	s14 =	simm.s32 @!p0 $0x3  }
0x1e: {  	_ =	swait.ge @!p0 [sflag:s14], $0x1F40  }
0x1f: {  	s16 =	sadd.s32 $0x1, s12;
	s13 =	smov.u32 s11;
	[sflag:s14] =	ssyncset.done @!p0 $0x0  }
0x20: {  	s12 =	smov.u32 s16;
	s11 =	smov.u32 s15;
	[sflag:s14] =	ssyncadd.s32 @!p0 $0xFFFFE0C0  }
.LBB2_1:
0x21: {  	p0 =	sge.u32 s12, s7  }
0x22: {  	s14 =	sxor.u32 @!p0 $0x1, s12  }
0x23: {  	s14 =	smul.u32 @!p0 $0x7D00, s14  }
0x24: {  	s31 =	sadd.s32 $0xFFFFFFFF, s12;
	s15 =	sshrl.u32 @!p0 s11, $0x3  }
0x25: {  	s16 =	sand.u32 @!p0 $0x7, s11;
	s15 =	sadd.s32 @!p0 s3, s15;
	s14 =	sshra.s32 @!p0 s14, $0x2  }
0x26: {  	[tilespmem:s14], [sflag:$0x2] =	stream.linear.gather @!p0 [hbm4b:s15+s16], $0x1F40, $0x38;
	[tilespmem:$0x7D00] =	vst v63  }
0x27: {  	p0 =	sge.u32 s31, s7  }
.Ltmp2:
0x28: {  	_ = 	snop;
	(pc) =	sbr.rel @p0 .LBB2_5-.Ltmp2, $1  }
0x29: {  	_ =	sdelay $0x3  }
0x2a: {  	s14 =	sand.u32 $0x1, s12  }
0x2b: {  	_ =	swait.ge [sflag:s6], $0x1F40;
	p0 =	seq.s32 s14, $0x1;
	s14 =	simm.s32 $0x1F40  }
0x2c: {  	[sflag:s6] =	ssyncset.done $0x0;
	s14 =	simm.s32 @!p0 $0x0  }
0x2d: {  	[sflag:s6] =	ssyncadd.s32 $0xFFFFE0C0;
	(ifvalue) =	ssetifvalue $0x7FFFFFFF;
	v0 =	vld.msk [tilespmem:s14+$0x0 ss:$0x1], $0xffff;
	_ =	sdelay $0x4  }
0x2e: {  	s15 =	sadd.s32 $0x10, s14;
	vm1 =	vgt.s32 v0, $0x0  }
0x2f: {  	v2 =	vld.msk [tilespmem:s15+$0x0 ss:$0x1], $0xffff;
	v1 =	vnsel vm1, $0x0, v0  }
0x30: {  	v1 =	vmin.u32 v1, $0x4E1FF;
	_ =	sdelay $0x2  }
0x31: {  	s17 =	simm.s32 $0x20;
	s14 =	sadd.s32 $0x3E80, s14;
	s16 =	sadd.s32 $0x10, s15  }
0x32: {  	s15 =	sadd.s32 $0x10, s14;
	s18 =	smov.u32 s14;
	v0 =	vld.msk [tilespmem:s16+$0x0 ss:$0x1], $0xffff;
	vm1 =	vgt.s32 v2, $0x0;
	(ifvalue) =	ssetifvalue $0x7FFFFFFF  }
.LBB2_3:
0x33: {  	[tilespmem:s18], [sflag:$0x1] =	stream.indirect_vreg.gather [hbm4b:s2+s10], $0x1, v1, vm0, $0x4038;
	[tilespmem:$0x7D00] =	vst v63  }
0x34: {  	s17 =	sadd.s32 $0x10, s17  }
0x35: {  	v2 =	vnsel vm1, $0x0, v2;
	p0 =	slt.u32 s17, $0x1F30  }
.Ltmp3:
0x36: {  	s18 =	smov.u32 s15;
	v1 =	vmin.u32 v2, $0x4E1FF;
	(pc) =	sbr.rel @p0 .LBB2_3-.Ltmp3, $3  }
0x37: {  	_ =	sdelay $0x1  }
0x38: {  	s16 =	sadd.s32 $0x10, s16  }
0x39: {  	vm1 =	vgt.s32 v0, $0x0;
	s15 =	sadd.s32 $0x10, s15;
	v2 =	vmov v0;
	(ifvalue) =	ssetifvalue $0x7FFFFFFF;
	v0 =	vld.msk [tilespmem:s16+$0x0 ss:$0x1], $0xffff  }
.Ltmp4:
0x3a: {  	_ = 	snop;
	(pc) =	sbr.rel .LBB2_4-.Ltmp4, $1  }
0x3b: {  	_ =	sdelay $0x3  }
.LBB2_6:
0x3c: {  	_ =	sfence.sel $0x180000  }
0x3d: {  	s2 =	simm.s32 $0x2;
	[bflag:$0x0] =	sbarrier.arrive $0xFFFF  }
0x3e: {  	s30 =	simm.s32 $0x3;
	[sflag:s2] =	ssyncpa.u1 $0x1  }
0x3f: {  	s31 =	simm.s32 $0x1;
	[sflag:s30] =	ssyncpa.u1 $0x1  }
0x40: {  	[sflag:s31] =	ssyncpa.u1 $0x1  }
0x41: {  	p0 =	sne.s32 s1, $0x0;
	_ =	strace $0x9000004A  }
0x42: {  	s0 =	sadd.s32 @!p0 $0x100000, s0;
	[bflag:$0x2] =	sbarrier.arrive $0xFFFF  }
0x43: {  	[sflag:s0] =	ssyncadd.tile.s32 @!p0 $0x1;
	_ =	shalt  }
.Lfunc_end2:
_tile_overlayer_lowered:
.L_overlay_start_2:
0x44: {  	(tag) =	ssettag $0x2  }
0x45: {  	s0 =	rddreg [dreg:$0x0];
	s2 =	stileid.u32  }
0x46: {  	s1 =	rddreg [dreg:$0x1];
	p0 =	sne.s32 s2, $0x0  }
0x47: {  	s3 =	rddreg [dreg:$0x2];
	[bflag:$0x3] =	sbarrier.arrive $0xFFFF;
	s2 =	simm.s32 @!p0 $0x1C01  }
0x48: {  	[timem:s3], [sflag:s2] =	dma.local @!p0 [hbm:s0], s1  }
0x49: {  	s0 =	simm.s32 @!p0 $0x1  }
0x4a: {  	_ =	swait.ge @!p0 [sflag:s0], s1  }
0x4b: {  	s1 =	ssub.s32 @!p0 $0x0, s1;
	[sflag:s0] =	ssyncset.done @!p0 $0x0  }
0x4c: {  	[sflag:s0] =	ssyncadd.s32 @!p0 s1  }
0x4d: {  	[bflag:$0x3] =	sbarrier.arrive $0xFFFF  }
0x4e: {  	_ =	shalt  }

// kernel: kernel.15.cloned.1.call-start
scs
__scs_entry_jumppad:
0x0: {  	(pc) =	sbr.rel $0x88, $3  }
0x1: {  	(tag) =	ssettag $0x0;
	lr =	simm.s32 $0x1  }
0x2: {  	[smem:$0x3F92] =	sst lr;
	_ =	strace $0xD0000000  }
0x3: {  	_ = 	snop  }
0x4: {  	_ = 	snop  }
0x5: {  	_ = 	snop  }
0x6: {  	_ = 	snop  }
0x7: {  	_ = 	snop  }
__scs_overlays_trampoline_lowered:
0x8: {  	[smem:$0x3FA1] =	sst s0  }
0x9: {  	[smem:$0x3FA2] =	sst s1  }
0xa: {  	[smem:$0x3FA3] =	sst s2  }
0xb: {  	[smem:$0x3FA4] =	sst s3  }
0xc: {  	[smem:$0x3FA5] =	sst s4  }
0xd: {  	[smem:$0x3FA6] =	sst s5  }
0xe: {  	[smem:$0x3FA7] =	sst s6  }
0xf: {  	[smem:$0x3FA8] =	sst s7  }
0x10: {  	[smem:$0x3FA9] =	sst s8  }
0x11: {  	[smem:$0x3FAA] =	sst s9;
	s0 =	simm.s32 @!p0 $0x0  }
0x12: {  	s1 =	sld [smem:$0x3F90];
	s0 =	simm.s32 @p0 $0x1  }
0x13: {  	[smem:$0x3FAB] =	sst s0;
	s0 =	simm.s32 @!p1 $0x0  }
0x14: {  	s2 =	sld [smem:$0x3F8F];
	s0 =	simm.s32 @p1 $0x1  }
0x15: {  	[smem:$0x3FAC] =	sst s0;
	s0 =	simm.s32 @!p2 $0x0  }
0x16: {  	s3 =	sld [smem:$0x3FDB];
	s0 =	simm.s32 @p2 $0x1  }
0x17: {  	s4 =	simm.s32 $0x1BF5;
	[smem:$0x3FAE] =	sst s0  }
0x18: {  	s0 =	sld [smem:$0x3F91];
	_ =	swait.ge [sflag:s4], $0x0  }
0x19: {  	s7 =	sld [smem:$0x3F92]  }
0x1a: {  	s8 =	sadd.s32 $0xFFFFE003, lr  }
0x1b: {  	s9 =	sadd.s32 $0xFFFFFEF7, lr;
	s5 =	simm.s32 $0xFFFFFFFF;
	p2 =	slt.u32 s8, $0xFFFFF086  }
0x1c: {  	p1 =	slt.u32 s9, $0xF7A;
	s5 =	simm.s32 @!p2 $0x0  }
0x1d: {  	s5 =	simm.s32 @p1 $0x1;
	p0 =	seq.s32 s7, s2  }
0x1e: {  	s7 =	smul.u32 @!p0 $0xF7A, s2;
	p2 =	seq.s32 @!p0 s5, $0x0  }
0x1f: {  	s9 =	smul.u32 $0xF7A, s1;
	s8 =	simm.s32 @!p0 $0x1BF5;
	p2 =	por !p2, p0  }
0x20: {  	[sflag:s8] =	ssyncset.s32 @!p0 $0xFFFFF086;
	s6 =	sadd.s32 @!p0 s3, s7;
	s7 =	simm.s32 @!p0 $0x108  }
0x21: {  	s3 =	sadd.s32 s3, s9;
	s6 =	sadd.s32 @!p0 $0x88, s6;
	s7 =	simm.s32 @p2 $0x1082  }
0x22: {  	[simem:s7], [sflag:s8] =	dma.local @!p0 [hbm:s6], $0xF7A  }
0x23: {  	s9 =	sor.u32 $0xD0000000, s2;
	s6 =	simm.s32 $0x108;
	_ =	swait.ge @!p0 [sflag:s8], $0x0  }
0x24: {  	s3 =	sadd.s32 $0x88, s3;
	s6 =	simm.s32 @!p1 $0x1082;
	[sflag:s4] =	ssyncset.s32 $0xFFFFF086  }
0x25: {  	[simem:s6], [sflag:s4] =	dma.local [hbm:s3], $0xF7A  }
0x26: {  	[smem:$0x3F92] =	sst s1;
	(tag) =	ssettag s2;
	_ =	strace s9  }
0x27: {  	s1 =	sld [smem:$0x3FA2]  }
0x28: {  	s2 =	sld [smem:$0x3FA3]  }
0x29: {  	s4 =	sld [smem:$0x3FA5]  }
0x2a: {  	p0 =	seq.s32 s5, $0x0;
	s5 =	sld [smem:$0x3FA6]  }
0x2b: {  	s6 =	sld [smem:$0x3FA7]  }
0x2c: {  	s7 =	sld [smem:$0x3FA8]  }
0x2d: {  	s3 =	simm.s32 $0x108;
	s8 =	sld [smem:$0x3FA9]  }
0x2e: {  	s3 =	simm.s32 @!p0 $0x1082;
	s9 =	sld [smem:$0x3FAA]  }
0x2f: {  	lr =	sadd.s32 s0, s3;
	s0 =	sld [smem:$0x3FA1]  }
0x30: {  	s3 =	sld [smem:$0x3FA4]  }
0x31: {  	[smem:$0x3FAD] =	sst s10  }
0x32: {  	s10 =	sld [smem:$0x3FAB];
	_ =	sdelay $0x3  }
0x33: {  	p0 =	seq.s32 s10, $0x1;
	s10 =	sld [smem:$0x3FAD];
	_ =	sdelay $0x3  }
0x34: {  	[smem:$0x3FAD] =	sst s10  }
0x35: {  	s10 =	sld [smem:$0x3FAC];
	_ =	sdelay $0x3  }
0x36: {  	p1 =	seq.s32 s10, $0x1;
	s10 =	sld [smem:$0x3FAD];
	_ =	sdelay $0x3  }
0x37: {  	[smem:$0x3FAD] =	sst s10  }
0x38: {  	s10 =	sld [smem:$0x3FAE]  }
0x39: {  	_ = 	snop;
	(pc) =	sbr.ind lr, $3  }
0x3a: {  	_ = 	snop  }
0x3b: {  	_ = 	snop  }
0x3c: {  	p2 =	seq.s32 s10, $0x1;
	s10 =	sld [smem:$0x3FAD]  }
0x3d: {  	_ =	shalt  }
0x3e: {  	_ =	shalt  }
0x3f: {  	_ =	shalt  }
0x40: {  	_ =	shalt  }
0x41: {  	_ =	shalt  }
0x42: {  	_ =	shalt  }
0x43: {  	_ =	shalt  }
0x44: {  	_ =	shalt  }
0x45: {  	_ =	shalt  }
0x46: {  	_ =	shalt  }
0x47: {  	_ =	shalt  }
0x48: {  	_ =	shalt  }
0x49: {  	_ =	shalt  }
0x4a: {  	_ =	shalt  }
0x4b: {  	_ =	shalt  }
0x4c: {  	_ =	shalt  }
0x4d: {  	_ =	shalt  }
0x4e: {  	_ =	shalt  }
0x4f: {  	_ =	shalt  }
0x50: {  	_ =	shalt  }
0x51: {  	_ =	shalt  }
0x52: {  	_ =	shalt  }
0x53: {  	_ =	shalt  }
0x54: {  	_ =	shalt  }
0x55: {  	_ =	shalt  }
0x56: {  	_ =	shalt  }
0x57: {  	_ =	shalt  }
0x58: {  	_ =	shalt  }
0x59: {  	_ =	shalt  }
0x5a: {  	_ =	shalt  }
0x5b: {  	_ =	shalt  }
0x5c: {  	_ =	shalt  }
0x5d: {  	_ =	shalt  }
0x5e: {  	_ =	shalt  }
0x5f: {  	_ =	shalt  }
0x60: {  	_ =	shalt  }
0x61: {  	_ =	shalt  }
0x62: {  	_ =	shalt  }
0x63: {  	_ =	shalt  }
0x64: {  	_ =	shalt  }
0x65: {  	_ =	shalt  }
0x66: {  	_ =	shalt  }
0x67: {  	_ =	shalt  }
0x68: {  	_ =	shalt  }
0x69: {  	_ =	shalt  }
0x6a: {  	_ =	shalt  }
0x6b: {  	_ =	shalt  }
0x6c: {  	_ =	shalt  }
0x6d: {  	_ =	shalt  }
0x6e: {  	_ =	shalt  }
0x6f: {  	_ =	shalt  }
0x70: {  	_ =	shalt  }
0x71: {  	_ =	shalt  }
0x72: {  	_ =	shalt  }
0x73: {  	_ =	shalt  }
0x74: {  	_ =	shalt  }
0x75: {  	_ =	shalt  }
0x76: {  	_ =	shalt  }
0x77: {  	_ =	shalt  }
0x78: {  	_ =	shalt  }
0x79: {  	_ =	shalt  }
0x7a: {  	_ =	shalt  }
0x7b: {  	_ =	shalt  }
0x7c: {  	_ =	shalt  }
0x7d: {  	_ =	shalt  }
0x7e: {  	_ =	shalt  }
0x7f: {  	_ =	shalt  }
0x80: {  	_ =	shalt  }
0x81: {  	_ =	shalt  }
0x82: {  	_ =	shalt  }
0x83: {  	_ =	shalt  }
0x84: {  	_ =	shalt  }
0x85: {  	_ =	shalt  }
0x86: {  	_ =	shalt  }
0x87: {  	_ =	shalt  }
.Lfunc_end0:
.L_simem_size_0:
called_computation.4_lowered:
.L_overlay_start_0:
0x88: {  	s2 =	sld [smem:$0x3FD9]  }
0x89: {  	s3 =	sld [smem:$0x3FFE];
	_ =	sdelay $0x1  }
0x8a: {  	s1 =	srdreg.scid  }
0x8b: {  	s0 =	sand.u32 $0x1, s1  }
0x8c: {  	s16 =	sshll.u32 s0, $0xA;
	s2 =	sadd.s32 s3, s2  }
0x8d: {  	s2 =	sadd.s32 s2, s16  }
0x8e: {  	[smem:$0x3FB9] =	sst s2  }
0x8f: {  	_ = 	snop  }
0x90: {  	(tm) =	ssettm $0x1  }
0x91: {  	s17 =	sld [smem:$0x3FFB];
	_ =	sdelay $0x3  }
0x92: {  	_ =	strace s17  }
0x93: {  	s2 =	sld [smem:$0x3FFC];
	_ =	sdelay $0x3  }
0x94: {  	_ =	strace s2  }
0x95: {  	s2 =	sld [smem:$0x3FFD];
	_ =	sdelay $0x3  }
0x96: {  	_ =	strace s2  }
0x97: {  	_ =	strace $0x8FFFFFFF  }
0x98: {  	s18 =	sld [smem:$0x3FDB];
	_ =	sdelay $0x1  }
0x99: {  	s19 =	simm.s32 $_scs_section_size  }
0x9a: {  	s4 =	simm.s32 $_size__tile_overlayer_lowered;
	s5 =	simm.s32 $_tile_overlayer_lowered  }
0x9b: {  	s22 =	simm.s32 $0x1BFF;
	s21 =	sshll.u32 s5, $0x1;
	s2 =	sadd.s32 s19, s18  }
0x9c: {  	s6 =	simm.s32 $0x0;
	s20 =	sshll.u32 s4, $0x1;
	s4 =	sadd.s32 s21, s2  }
0x9d: {  	[timem:s6], [sflag:s22] =	dma.local [hbm:s4], s20  }
0x9e: {  	_ =	swait.ge [sflag:s22], s20  }
0x9f: {  	s3 =	ssub.s32 $0x0, s20;
	[sflag:s22] =	ssyncset.done $0x0  }
0xa0: {  	[sflag:s22] =	ssyncadd.s32 s3;
	_ =	sdelay $0x1  }
0xa1: {  	s23 =	simm.s32 $0x1B8B  }
0xa2: {  	_ =	swait.ge [sflag:s23], $0x1  }
0xa3: {  	[sflag:s23] =	ssyncset.done $0x0  }
0xa4: {  	s25 =	simm.s32 $0x1B8E;
	s24 =	sld [smem:$0x3FFE];
	[sflag:s23] =	ssyncadd.s32 $0xFFFFFFFF  }
0xa5: {  	s26 =	simm.s32 $execute0_lowered;
	[smem:$0x3FD2] =	sst s25  }
0xa6: {  	s4 =	sshll.u32 s26, $0x1;
	_ =	strace $0x80000052;
	[dreg:$0x1] =	wrdreg $0xFFFFFFFF  }
0xa7: {  	s28 =	simm.s32 $_size_execute0_lowered;
	s2 =	sadd.s32 s2, s4;
	[dreg:$0x0] =	wrdreg $0x0  }
0xa8: {  	s4 =	sshll.u32 s28, $0x1;
	[dreg:$0x2] =	wrdreg s2  }
0xa9: {  	[dreg:$0x3] =	wrdreg s4  }
0xaa: {  	[dreg:$0x4] =	wrdreg $0xC0  }
0xab: {  	_ =	task [dreg:s6], $0x5FFFF  }
0xac: {  	[dreg:$0x1] =	wrdreg $0xFFFFFFFF  }
0xad: {  	[dreg:$0x0] =	wrdreg $0x60  }
0xae: {  	[dreg:$0x2] =	wrdreg s24  }
0xaf: {  	[dreg:$0x3] =	wrdreg $0x90000  }
0xb0: {  	[dreg:$0x4] =	wrdreg $0x9  }
0xb1: {  	_ =	task.clear_ibuf [dreg:s6], $0x5FFFF;
	_ =	strace $0x90000052  }
0xb2: {  	s29 =	simm.s32 $0x9;
	_ =	strace $0x80000054  }
0xb3: {  	_ =	swait.ge [sflag:s29], $0x1  }
0xb4: {  	[sflag:s29] =	ssyncadd.s32 $0xFFFFFFFF  }
0xb5: {  	_ =	strace $0x90000054  }
0xb6: {  	_ =	sfence  }
0xb7: {  	s30 =	sld [smem:$0x0];
	_ =	sdelay $0x2  }
0xb8: {  	s31 =	sshll.u32 s1, $0xD;
	s1 =	sshrl.u32 s1, $0x2  }
0xb9: {  	s3 =	sand.u32 $0x4000, s31;
	s1 =	sadd.s32 s1, s30  }
0xba: {  	s0 =	sor.u32 s3, s0;
	s1 =	sshll.u32 s1, $0x11  }
0xbb: {  	s0 =	sor.u32 s1, s0  }
0xbc: {  	s0 =	sadd.s32 $0x8F2B, s0  }
0xbd: {  	[sflag:s0] =	ssyncadd.remote.s32 $0x1  }
0xbe: {  	_ =	sfence.sel $0xFFFF  }
0xbf: {  	[dreg:$0x0] =	wrdreg $0xFFFFFFFF;
	(pc) =	sbr.abs _section_cstart, $3  }
0xc0: {  	[dreg:$0x1] =	wrdreg $0xFFFFFFFF  }
0xc1: {  	_ =	task.clear_ibuf [dreg:s6], $0x2FFFF;
	_ =	strace $0x9FFFFFFF  }
0xc2: {  	(tm) =	ssettm $0x7FFFFFFF  }
0xc3: {  	_ =	shalt  }
tec
execute0_lowered:
.L_overlay_start_1:
0x0: {  	(tag) =	ssettag $0x1  }
0x1: {  	s0 =	srdreg.scid;
	s6 =	rddreg [dreg:$0x0]  }
0x2: {  	s2 =	rddreg [dreg:$0x1];
	s3 =	simm.s32 $0x0;
	s14 =	simm.s32 $0x80  }
0x3: {  	s15 =	simm.s32 $0x5000;
	s16 =	simm.s32 $0x1;
	s17 =	simm.s32 $0x10  }
0x4: {  	s18 =	simm.s32 $0x5800;
	s19 =	simm.s32 $0x6000;
	s20 =	simm.s32 $0x6800  }
0x5: {  	s21 =	simm.s32 $0x7000;
	s22 =	simm.s32 $0x7800;
	s23 =	simm.s32 $0x8000  }
0x6: {  	s24 =	simm.s32 $0x8800;
	s5 =	sand.u32 $0x1, s0;
	s0 =	stileid.u32  }
0x7: {  	s25 =	simm.s32 $0x0;
	[smem:$0x7FF] =	sst s3;
	s8 =	smul.u32 $0x14000, s0  }
0x8: {  	s4 =	sadd.s32 $0x2DE00, s6;
	s1 =	sshll.u32 s5, $0x4;
	s9 =	smul.u32 $0x140000, s5  }
0x9: {  	s5 =	ssub.s32 $0x2, s5;
	s31 =	sshll.u32 s0, $0x6;
	s1 =	sor.u32 s0, s1  }
0xa: {  	s30 =	sshrl.u32 s5, $0x1;
	s7 =	smul.u32 $0x500, s1;
	s1 =	rddreg [dreg:$0x2]  }
0xb: {  	_ =	strace $0x80000053;
	s28 =	sadd.s32 s8, s9;
	s29 =	sshrl.u32 s8, $0x3  }
0xc: {  	s12 =	ssub.s32 s5, s30;
	s13 =	sadd.s32 s8, s2;
	s9 =	sadd.s32 s29, s6  }
0xd: {  	s10 =	sadd.s32 s7, s6;
	s7 =	sshrl.u32 s28, $0x3;
	s5 =	sadd.s32 $0x72E00, s9  }
0xe: {  	s11 =	sadd.s32 s7, s6;
	s6 =	sor.u32 $0x1C02, s31;
	s7 =	sadd.s32 $0x68E00, s10  }
0xf: {  	s8 =	sadd.s32 $0x10400, s10;
	s10 =	smax.u32 s12, $0x1;
	s12 =	simm.s32 $0x2  }
0x10: {  	s9 =	sadd.s32 $0x9AE00, s11;
	s11 =	sshrl.u32 s13, $0x3;
	s13 =	simm.s32 $0x2800  }
.LBB2_1:
0x11: {  	[spmem:s11], [sflag:s6] =	dma.local [hbm:s5], $0x2800  }
0x12: {  	_ =	swait.ge [sflag:s12], $0x2800  }
0x13: {  	[sflag:s12] =	ssyncset.done $0x0  }
0x14: {  	[sflag:s12] =	ssyncadd.s32 $0xFFFFD800  }
0x15: {  	[tilespmem:s3], [sflag:$0x2] =	stream.linear.gather [hbm4b:s7+s3], $0x2800, $0x38;
	[tilespmem:$0x1D000] =	vst v63  }
0x16: {  	_ =	swait.ge [sflag:s12], $0x2800  }
0x17: {  	[sflag:s12] =	ssyncset.done $0x0  }
0x18: {  	[sflag:s12] =	ssyncadd.s32 $0xFFFFD800  }
0x19: {  	[tilespmem:s13], [sflag:$0x2] =	stream.linear.gather [hbm4b:s8+s3], $0x2800, $0x38;
	[tilespmem:$0x1D000] =	vst v63  }
0x1a: {  	_ =	swait.ge [sflag:s12], $0x2800  }
0x1b: {  	[sflag:s12] =	ssyncset.done $0x0  }
0x1c: {  	[sflag:s12] =	ssyncadd.s32 $0xFFFFD800  }
0x1d: {  	s26 =	simm.s32 $0x0;
	[bflag:$0x0] =	sbarrier.arrive $0xFFFF  }
0x1e: {  	[tilespmem:s15], [sflag:$0x1] =	stream.indirect.gather [hbm4b:s4+s14], $0x80, s26, s14, $0xb8;
	[tilespmem:$0x1D000] =	vst v63  }
0x1f: {  	_ =	swait.ge [sflag:s16], $0x4000  }
0x20: {  	[sflag:s16] =	ssyncset.done $0x0  }
0x21: {  	s29 =	simm.s32 $0x2800;
	[sflag:s16] =	ssyncadd.s32 $0xFFFFC000  }
0x22: {  	[spmem:s2] =	stream.indirect.scatter.add.f32 [tilespmem:s15], [sflag:$0x2], $0x80, s29, s17, $0xb8;
	[tilespmem:$0x1D000] =	vst v63  }
0x23: {  	_ =	swait.ge [sflag:s12], $0x800  }
0x24: {  	[sflag:s12] =	ssyncset.done $0x0  }
0x25: {  	s31 =	simm.s32 $0x2810;
	[sflag:s12] =	ssyncadd.s32 $0xFFFFF800  }
0x26: {  	[spmem:s2] =	stream.indirect.scatter.add.f32 [tilespmem:s18], [sflag:$0x2], $0x80, s31, s17, $0xb8;
	[tilespmem:$0x1D000] =	vst v63  }
0x27: {  	_ =	swait.ge [sflag:s12], $0x800  }
0x28: {  	[sflag:s12] =	ssyncset.done $0x0  }
0x29: {  	s28 =	simm.s32 $0x2820;
	[sflag:s12] =	ssyncadd.s32 $0xFFFFF800  }
0x2a: {  	[spmem:s2] =	stream.indirect.scatter.add.f32 [tilespmem:s19], [sflag:$0x2], $0x80, s28, s17, $0xb8;
	[tilespmem:$0x1D000] =	vst v63  }
0x2b: {  	_ =	swait.ge [sflag:s12], $0x800  }
0x2c: {  	[sflag:s12] =	ssyncset.done $0x0  }
0x2d: {  	s29 =	simm.s32 $0x2830;
	[sflag:s12] =	ssyncadd.s32 $0xFFFFF800  }
0x2e: {  	[spmem:s2] =	stream.indirect.scatter.add.f32 [tilespmem:s20], [sflag:$0x2], $0x80, s29, s17, $0xb8;
	[tilespmem:$0x1D000] =	vst v63  }
0x2f: {  	_ =	swait.ge [sflag:s12], $0x800  }
0x30: {  	[sflag:s12] =	ssyncset.done $0x0  }
0x31: {  	s31 =	simm.s32 $0x2840;
	[sflag:s12] =	ssyncadd.s32 $0xFFFFF800  }
0x32: {  	[spmem:s2] =	stream.indirect.scatter.add.f32 [tilespmem:s21], [sflag:$0x2], $0x80, s31, s17, $0xb8;
	[tilespmem:$0x1D000] =	vst v63  }
0x33: {  	_ =	swait.ge [sflag:s12], $0x800  }
0x34: {  	[sflag:s12] =	ssyncset.done $0x0  }
0x35: {  	s28 =	simm.s32 $0x2850;
	[sflag:s12] =	ssyncadd.s32 $0xFFFFF800  }
0x36: {  	[spmem:s2] =	stream.indirect.scatter.add.f32 [tilespmem:s22], [sflag:$0x2], $0x80, s28, s17, $0xb8;
	[tilespmem:$0x1D000] =	vst v63  }
0x37: {  	_ =	swait.ge [sflag:s12], $0x800  }
0x38: {  	[sflag:s12] =	ssyncset.done $0x0  }
0x39: {  	s29 =	simm.s32 $0x2860;
	[sflag:s12] =	ssyncadd.s32 $0xFFFFF800  }
0x3a: {  	[spmem:s2] =	stream.indirect.scatter.add.f32 [tilespmem:s23], [sflag:$0x2], $0x80, s29, s17, $0xb8;
	[tilespmem:$0x1D000] =	vst v63  }
0x3b: {  	_ =	swait.ge [sflag:s12], $0x800  }
0x3c: {  	[sflag:s12] =	ssyncset.done $0x0  }
0x3d: {  	s31 =	simm.s32 $0x2870;
	[sflag:s12] =	ssyncadd.s32 $0xFFFFF800  }
0x3e: {  	[spmem:s2] =	stream.indirect.scatter.add.f32 [tilespmem:s24], [sflag:$0x2], $0x80, s31, s17, $0xb8;
	[tilespmem:$0x1D000] =	vst v63  }
0x3f: {  	_ =	swait.ge [sflag:s12], $0x800  }
0x40: {  	s30 =	simm.s32 $0x400;
	s26 =	simm.s32 $0x200;
	[sflag:s12] =	ssyncset.done $0x0  }
.LBB2_2:
0x41: {  	s29 =	sshra.s32 s26, $0x2  }
0x42: {  	[sflag:s12] =	ssyncadd.s32 $0xFFFFF800;
	s26 =	smov.u32 s30;
	s28 =	sadd.s32 $0x200, s30  }
0x43: {  	[tilespmem:s15], [sflag:$0x1] =	stream.indirect.gather [hbm4b:s4+s14], $0x80, s29, s14, $0xb8;
	[tilespmem:$0x1D000] =	vst v63  }
0x44: {  	p0 =	sne.s32 s30, $0x9E00;
	_ =	swait.ge [sflag:s16], $0x4000  }
0x45: {  	[sflag:s16] =	ssyncset.done $0x0  }
0x46: {  	s30 =	sadd.s32 $0x2800, s29;
	[sflag:s16] =	ssyncadd.s32 $0xFFFFC000  }
0x47: {  	[spmem:s2] =	stream.indirect.scatter.add.f32 [tilespmem:s15], [sflag:$0x2], $0x80, s30, s17, $0xb8;
	[tilespmem:$0x1D000] =	vst v63  }
0x48: {  	_ =	swait.ge [sflag:s12], $0x800  }
0x49: {  	[sflag:s12] =	ssyncset.done $0x0  }
0x4a: {  	s30 =	sadd.s32 $0x2810, s29;
	[sflag:s12] =	ssyncadd.s32 $0xFFFFF800  }
0x4b: {  	[spmem:s2] =	stream.indirect.scatter.add.f32 [tilespmem:s18], [sflag:$0x2], $0x80, s30, s17, $0xb8;
	[tilespmem:$0x1D000] =	vst v63  }
0x4c: {  	_ =	swait.ge [sflag:s12], $0x800  }
0x4d: {  	[sflag:s12] =	ssyncset.done $0x0  }
0x4e: {  	s30 =	sadd.s32 $0x2820, s29;
	[sflag:s12] =	ssyncadd.s32 $0xFFFFF800  }
0x4f: {  	[spmem:s2] =	stream.indirect.scatter.add.f32 [tilespmem:s19], [sflag:$0x2], $0x80, s30, s17, $0xb8;
	[tilespmem:$0x1D000] =	vst v63  }
0x50: {  	_ =	swait.ge [sflag:s12], $0x800  }
0x51: {  	[sflag:s12] =	ssyncset.done $0x0  }
0x52: {  	s30 =	sadd.s32 $0x2830, s29;
	[sflag:s12] =	ssyncadd.s32 $0xFFFFF800  }
0x53: {  	[spmem:s2] =	stream.indirect.scatter.add.f32 [tilespmem:s20], [sflag:$0x2], $0x80, s30, s17, $0xb8;
	[tilespmem:$0x1D000] =	vst v63  }
0x54: {  	_ =	swait.ge [sflag:s12], $0x800  }
0x55: {  	[sflag:s12] =	ssyncset.done $0x0  }
0x56: {  	s30 =	sadd.s32 $0x2840, s29;
	[sflag:s12] =	ssyncadd.s32 $0xFFFFF800  }
0x57: {  	[spmem:s2] =	stream.indirect.scatter.add.f32 [tilespmem:s21], [sflag:$0x2], $0x80, s30, s17, $0xb8;
	[tilespmem:$0x1D000] =	vst v63  }
0x58: {  	_ =	swait.ge [sflag:s12], $0x800  }
0x59: {  	[sflag:s12] =	ssyncset.done $0x0  }
0x5a: {  	s30 =	sadd.s32 $0x2850, s29;
	[sflag:s12] =	ssyncadd.s32 $0xFFFFF800  }
0x5b: {  	[spmem:s2] =	stream.indirect.scatter.add.f32 [tilespmem:s22], [sflag:$0x2], $0x80, s30, s17, $0xb8;
	[tilespmem:$0x1D000] =	vst v63  }
0x5c: {  	_ =	swait.ge [sflag:s12], $0x800  }
0x5d: {  	[sflag:s12] =	ssyncset.done $0x0  }
0x5e: {  	s30 =	sadd.s32 $0x2860, s29;
	[sflag:s12] =	ssyncadd.s32 $0xFFFFF800  }
0x5f: {  	[spmem:s2] =	stream.indirect.scatter.add.f32 [tilespmem:s23], [sflag:$0x2], $0x80, s30, s17, $0xb8;
	[tilespmem:$0x1D000] =	vst v63  }
0x60: {  	_ =	swait.ge [sflag:s12], $0x800  }
.Ltmp0:
0x61: {  	[sflag:s12] =	ssyncset.done $0x0;
	(pc) =	sbr.rel @p0 .LBB2_2-.Ltmp0, $4  }
0x62: {  	s29 =	sadd.s32 $0x2870, s29;
	[sflag:s12] =	ssyncadd.s32 $0xFFFFF800  }
0x63: {  	[spmem:s2] =	stream.indirect.scatter.add.f32 [tilespmem:s24], [sflag:$0x2], $0x80, s29, s17, $0xb8;
	[tilespmem:$0x1D000] =	vst v63  }
0x64: {  	_ =	swait.ge [sflag:s12], $0x800  }
0x65: {  	s30 =	smov.u32 s28;
	[sflag:s12] =	ssyncset.done $0x0  }
0x66: {  	s26 =	sshra.s32 s26, $0x2;
	[sflag:s12] =	ssyncadd.s32 $0xFFFFF800  }
0x67: {  	[tilespmem:s15], [sflag:$0x1] =	stream.indirect.gather [hbm4b:s4+s14], $0x80, s26, s14, $0xb8;
	[tilespmem:$0x1D000] =	vst v63  }
0x68: {  	_ =	swait.ge [sflag:s16], $0x4000  }
0x69: {  	[sflag:s16] =	ssyncset.done $0x0  }
0x6a: {  	s28 =	sadd.s32 $0x2800, s26;
	[sflag:s16] =	ssyncadd.s32 $0xFFFFC000  }
0x6b: {  	[spmem:s2] =	stream.indirect.scatter.add.f32 [tilespmem:s15], [sflag:$0x2], $0x80, s28, s17, $0xb8;
	[tilespmem:$0x1D000] =	vst v63  }
0x6c: {  	_ =	swait.ge [sflag:s12], $0x800  }
0x6d: {  	[sflag:s12] =	ssyncset.done $0x0  }
0x6e: {  	s29 =	sadd.s32 $0x2810, s26;
	[sflag:s12] =	ssyncadd.s32 $0xFFFFF800  }
0x6f: {  	[spmem:s2] =	stream.indirect.scatter.add.f32 [tilespmem:s18], [sflag:$0x2], $0x80, s29, s17, $0xb8;
	[tilespmem:$0x1D000] =	vst v63  }
0x70: {  	_ =	swait.ge [sflag:s12], $0x800  }
0x71: {  	[sflag:s12] =	ssyncset.done $0x0  }
0x72: {  	s30 =	sadd.s32 $0x2820, s26;
	[sflag:s12] =	ssyncadd.s32 $0xFFFFF800  }
0x73: {  	[spmem:s2] =	stream.indirect.scatter.add.f32 [tilespmem:s19], [sflag:$0x2], $0x80, s30, s17, $0xb8;
	[tilespmem:$0x1D000] =	vst v63  }
0x74: {  	_ =	swait.ge [sflag:s12], $0x800  }
0x75: {  	[sflag:s12] =	ssyncset.done $0x0  }
0x76: {  	s31 =	sadd.s32 $0x2830, s26;
	[sflag:s12] =	ssyncadd.s32 $0xFFFFF800  }
0x77: {  	[spmem:s2] =	stream.indirect.scatter.add.f32 [tilespmem:s20], [sflag:$0x2], $0x80, s31, s17, $0xb8;
	[tilespmem:$0x1D000] =	vst v63  }
0x78: {  	_ =	swait.ge [sflag:s12], $0x800  }
0x79: {  	[sflag:s12] =	ssyncset.done $0x0  }
0x7a: {  	s29 =	sadd.s32 $0x2840, s26;
	[sflag:s12] =	ssyncadd.s32 $0xFFFFF800  }
0x7b: {  	[spmem:s2] =	stream.indirect.scatter.add.f32 [tilespmem:s21], [sflag:$0x2], $0x80, s29, s17, $0xb8;
	[tilespmem:$0x1D000] =	vst v63  }
0x7c: {  	_ =	swait.ge [sflag:s12], $0x800  }
0x7d: {  	[sflag:s12] =	ssyncset.done $0x0  }
0x7e: {  	s30 =	sadd.s32 $0x2850, s26;
	[sflag:s12] =	ssyncadd.s32 $0xFFFFF800  }
0x7f: {  	[spmem:s2] =	stream.indirect.scatter.add.f32 [tilespmem:s22], [sflag:$0x2], $0x80, s30, s17, $0xb8;
	[tilespmem:$0x1D000] =	vst v63  }
0x80: {  	_ =	swait.ge [sflag:s12], $0x800  }
0x81: {  	[sflag:s12] =	ssyncset.done $0x0  }
0x82: {  	s31 =	sadd.s32 $0x2860, s26;
	[sflag:s12] =	ssyncadd.s32 $0xFFFFF800  }
0x83: {  	[spmem:s2] =	stream.indirect.scatter.add.f32 [tilespmem:s23], [sflag:$0x2], $0x80, s31, s17, $0xb8;
	[tilespmem:$0x1D000] =	vst v63  }
0x84: {  	_ =	swait.ge [sflag:s12], $0x800  }
0x85: {  	[sflag:s12] =	ssyncset.done $0x0  }
0x86: {  	s26 =	sadd.s32 $0x2870, s26;
	[sflag:s12] =	ssyncadd.s32 $0xFFFFF800  }
0x87: {  	[spmem:s2] =	stream.indirect.scatter.add.f32 [tilespmem:s24], [sflag:$0x2], $0x80, s26, s17, $0xb8;
	[tilespmem:$0x1D000] =	vst v63  }
0x88: {  	_ =	swait.ge [sflag:s12], $0x800  }
0x89: {  	s25 =	sadd.s32 $0x1, s25;
	[sflag:s12] =	ssyncset.done $0x0  }
0x8a: {  	p0 =	sne.s32 s25, s10;
	[sflag:s12] =	ssyncadd.s32 $0xFFFFF800  }
.Ltmp1:
0x8b: {  	[bflag:$0x0] =	sbarrier.arrive $0xFFFF;
	(pc) =	sbr.rel @p0 .LBB2_1-.Ltmp1, $4  }
0x8c: {  	[hbm:s9], [sflag:s6] =	dma.local [spmem:s11], $0x2800  }
0x8d: {  	_ =	swait.ge [sflag:s12], $0x2800  }
0x8e: {  	[sflag:s12] =	ssyncset.done $0x0  }
0x8f: {  	[sflag:s12] =	ssyncadd.s32 $0xFFFFD800  }
0x90: {  	_ =	sfence.sel $0x180000  }
0x91: {  	[bflag:$0x0] =	sbarrier.arrive $0xFFFF  }
0x92: {  	p0 =	sne.s32 s0, $0x0;
	_ =	strace $0x90000053  }
0x93: {  	s0 =	sadd.s32 @!p0 $0x100000, s1;
	[bflag:$0x2] =	sbarrier.arrive $0xFFFF  }
0x94: {  	[sflag:s0] =	ssyncadd.tile.s32 @!p0 $0x1;
	_ =	shalt  }
.Lfunc_end2:
_tile_overlayer_lowered:
.L_overlay_start_2:
0x95: {  	(tag) =	ssettag $0x2  }
0x96: {  	s0 =	rddreg [dreg:$0x0];
	s2 =	stileid.u32  }
0x97: {  	s1 =	rddreg [dreg:$0x1];
	p0 =	sne.s32 s2, $0x0  }
0x98: {  	s3 =	rddreg [dreg:$0x2];
	[bflag:$0x3] =	sbarrier.arrive $0xFFFF;
	s2 =	simm.s32 @!p0 $0x1C02  }
0x99: {  	[timem:s3], [sflag:s2] =	dma.local @!p0 [hbm:s0], s1  }
0x9a: {  	s0 =	simm.s32 @!p0 $0x2  }
0x9b: {  	_ =	swait.ge @!p0 [sflag:s0], s1  }
0x9c: {  	s1 =	ssub.s32 @!p0 $0x0, s1;
	[sflag:s0] =	ssyncset.done @!p0 $0x0  }
0x9d: {  	[sflag:s0] =	ssyncadd.s32 @!p0 s1  }
0x9e: {  	[bflag:$0x3] =	sbarrier.arrive $0xFFFF  }
0x9f: {  	_ =	shalt  }

// kernel: kernel.18.cloned.1.call-start
scs
__scs_entry_jumppad:
0x0: {  	(pc) =	sbr.rel $0x88, $3  }
0x1: {  	(tag) =	ssettag $0x0;
	lr =	simm.s32 $0x1  }
0x2: {  	[smem:$0x3F92] =	sst lr;
	_ =	strace $0xD0000000  }
0x3: {  	_ = 	snop  }
0x4: {  	_ = 	snop  }
0x5: {  	_ = 	snop  }
0x6: {  	_ = 	snop  }
0x7: {  	_ = 	snop  }
__scs_overlays_trampoline_lowered:
0x8: {  	[smem:$0x3FA1] =	sst s0  }
0x9: {  	[smem:$0x3FA2] =	sst s1  }
0xa: {  	[smem:$0x3FA3] =	sst s2  }
0xb: {  	[smem:$0x3FA4] =	sst s3  }
0xc: {  	[smem:$0x3FA5] =	sst s4  }
0xd: {  	[smem:$0x3FA6] =	sst s5  }
0xe: {  	[smem:$0x3FA7] =	sst s6  }
0xf: {  	[smem:$0x3FA8] =	sst s7  }
0x10: {  	[smem:$0x3FA9] =	sst s8  }
0x11: {  	[smem:$0x3FAA] =	sst s9;
	s0 =	simm.s32 @!p0 $0x0  }
0x12: {  	s1 =	sld [smem:$0x3F90];
	s0 =	simm.s32 @p0 $0x1  }
0x13: {  	[smem:$0x3FAB] =	sst s0;
	s0 =	simm.s32 @!p1 $0x0  }
0x14: {  	s2 =	sld [smem:$0x3F8F];
	s0 =	simm.s32 @p1 $0x1  }
0x15: {  	[smem:$0x3FAC] =	sst s0;
	s0 =	simm.s32 @!p2 $0x0  }
0x16: {  	s3 =	sld [smem:$0x3FDB];
	s0 =	simm.s32 @p2 $0x1  }
0x17: {  	s4 =	simm.s32 $0x1BF5;
	[smem:$0x3FAE] =	sst s0  }
0x18: {  	s0 =	sld [smem:$0x3F91];
	_ =	swait.ge [sflag:s4], $0x0  }
0x19: {  	s7 =	sld [smem:$0x3F92]  }
0x1a: {  	s8 =	sadd.s32 $0xFFFFE003, lr  }
0x1b: {  	s9 =	sadd.s32 $0xFFFFFEF7, lr;
	s5 =	simm.s32 $0xFFFFFFFF;
	p2 =	slt.u32 s8, $0xFFFFF086  }
0x1c: {  	p1 =	slt.u32 s9, $0xF7A;
	s5 =	simm.s32 @!p2 $0x0  }
0x1d: {  	s5 =	simm.s32 @p1 $0x1;
	p0 =	seq.s32 s7, s2  }
0x1e: {  	s7 =	smul.u32 @!p0 $0xF7A, s2;
	p2 =	seq.s32 @!p0 s5, $0x0  }
0x1f: {  	s9 =	smul.u32 $0xF7A, s1;
	s8 =	simm.s32 @!p0 $0x1BF5;
	p2 =	por !p2, p0  }
0x20: {  	[sflag:s8] =	ssyncset.s32 @!p0 $0xFFFFF086;
	s6 =	sadd.s32 @!p0 s3, s7;
	s7 =	simm.s32 @!p0 $0x108  }
0x21: {  	s3 =	sadd.s32 s3, s9;
	s6 =	sadd.s32 @!p0 $0x88, s6;
	s7 =	simm.s32 @p2 $0x1082  }
0x22: {  	[simem:s7], [sflag:s8] =	dma.local @!p0 [hbm:s6], $0xF7A  }
0x23: {  	s9 =	sor.u32 $0xD0000000, s2;
	s6 =	simm.s32 $0x108;
	_ =	swait.ge @!p0 [sflag:s8], $0x0  }
0x24: {  	s3 =	sadd.s32 $0x88, s3;
	s6 =	simm.s32 @!p1 $0x1082;
	[sflag:s4] =	ssyncset.s32 $0xFFFFF086  }
0x25: {  	[simem:s6], [sflag:s4] =	dma.local [hbm:s3], $0xF7A  }
0x26: {  	[smem:$0x3F92] =	sst s1;
	(tag) =	ssettag s2;
	_ =	strace s9  }
0x27: {  	s1 =	sld [smem:$0x3FA2]  }
0x28: {  	s2 =	sld [smem:$0x3FA3]  }
0x29: {  	s4 =	sld [smem:$0x3FA5]  }
0x2a: {  	p0 =	seq.s32 s5, $0x0;
	s5 =	sld [smem:$0x3FA6]  }
0x2b: {  	s6 =	sld [smem:$0x3FA7]  }
0x2c: {  	s7 =	sld [smem:$0x3FA8]  }
0x2d: {  	s3 =	simm.s32 $0x108;
	s8 =	sld [smem:$0x3FA9]  }
0x2e: {  	s3 =	simm.s32 @!p0 $0x1082;
	s9 =	sld [smem:$0x3FAA]  }
0x2f: {  	lr =	sadd.s32 s0, s3;
	s0 =	sld [smem:$0x3FA1]  }
0x30: {  	s3 =	sld [smem:$0x3FA4]  }
0x31: {  	[smem:$0x3FAD] =	sst s10  }
0x32: {  	s10 =	sld [smem:$0x3FAB];
	_ =	sdelay $0x3  }
0x33: {  	p0 =	seq.s32 s10, $0x1;
	s10 =	sld [smem:$0x3FAD];
	_ =	sdelay $0x3  }
0x34: {  	[smem:$0x3FAD] =	sst s10  }
0x35: {  	s10 =	sld [smem:$0x3FAC];
	_ =	sdelay $0x3  }
0x36: {  	p1 =	seq.s32 s10, $0x1;
	s10 =	sld [smem:$0x3FAD];
	_ =	sdelay $0x3  }
0x37: {  	[smem:$0x3FAD] =	sst s10  }
0x38: {  	s10 =	sld [smem:$0x3FAE]  }
0x39: {  	_ = 	snop;
	(pc) =	sbr.ind lr, $3  }
0x3a: {  	_ = 	snop  }
0x3b: {  	_ = 	snop  }
0x3c: {  	p2 =	seq.s32 s10, $0x1;
	s10 =	sld [smem:$0x3FAD]  }
0x3d: {  	_ =	shalt  }
0x3e: {  	_ =	shalt  }
0x3f: {  	_ =	shalt  }
0x40: {  	_ =	shalt  }
0x41: {  	_ =	shalt  }
0x42: {  	_ =	shalt  }
0x43: {  	_ =	shalt  }
0x44: {  	_ =	shalt  }
0x45: {  	_ =	shalt  }
0x46: {  	_ =	shalt  }
0x47: {  	_ =	shalt  }
0x48: {  	_ =	shalt  }
0x49: {  	_ =	shalt  }
0x4a: {  	_ =	shalt  }
0x4b: {  	_ =	shalt  }
0x4c: {  	_ =	shalt  }
0x4d: {  	_ =	shalt  }
0x4e: {  	_ =	shalt  }
0x4f: {  	_ =	shalt  }
0x50: {  	_ =	shalt  }
0x51: {  	_ =	shalt  }
0x52: {  	_ =	shalt  }
0x53: {  	_ =	shalt  }
0x54: {  	_ =	shalt  }
0x55: {  	_ =	shalt  }
0x56: {  	_ =	shalt  }
0x57: {  	_ =	shalt  }
0x58: {  	_ =	shalt  }
0x59: {  	_ =	shalt  }
0x5a: {  	_ =	shalt  }
0x5b: {  	_ =	shalt  }
0x5c: {  	_ =	shalt  }
0x5d: {  	_ =	shalt  }
0x5e: {  	_ =	shalt  }
0x5f: {  	_ =	shalt  }
0x60: {  	_ =	shalt  }
0x61: {  	_ =	shalt  }
0x62: {  	_ =	shalt  }
0x63: {  	_ =	shalt  }
0x64: {  	_ =	shalt  }
0x65: {  	_ =	shalt  }
0x66: {  	_ =	shalt  }
0x67: {  	_ =	shalt  }
0x68: {  	_ =	shalt  }
0x69: {  	_ =	shalt  }
0x6a: {  	_ =	shalt  }
0x6b: {  	_ =	shalt  }
0x6c: {  	_ =	shalt  }
0x6d: {  	_ =	shalt  }
0x6e: {  	_ =	shalt  }
0x6f: {  	_ =	shalt  }
0x70: {  	_ =	shalt  }
0x71: {  	_ =	shalt  }
0x72: {  	_ =	shalt  }
0x73: {  	_ =	shalt  }
0x74: {  	_ =	shalt  }
0x75: {  	_ =	shalt  }
0x76: {  	_ =	shalt  }
0x77: {  	_ =	shalt  }
0x78: {  	_ =	shalt  }
0x79: {  	_ =	shalt  }
0x7a: {  	_ =	shalt  }
0x7b: {  	_ =	shalt  }
0x7c: {  	_ =	shalt  }
0x7d: {  	_ =	shalt  }
0x7e: {  	_ =	shalt  }
0x7f: {  	_ =	shalt  }
0x80: {  	_ =	shalt  }
0x81: {  	_ =	shalt  }
0x82: {  	_ =	shalt  }
0x83: {  	_ =	shalt  }
0x84: {  	_ =	shalt  }
0x85: {  	_ =	shalt  }
0x86: {  	_ =	shalt  }
0x87: {  	_ =	shalt  }
.Lfunc_end0:
.L_simem_size_0:
called_computation.5_lowered:
.L_overlay_start_0:
0x88: {  	s2 =	sld [smem:$0x3FD9]  }
0x89: {  	s3 =	sld [smem:$0x3FFE];
	_ =	sdelay $0x1  }
0x8a: {  	s1 =	srdreg.scid  }
0x8b: {  	s0 =	sand.u32 $0x1, s1  }
0x8c: {  	s17 =	sshll.u32 s0, $0xA;
	s2 =	sadd.s32 s3, s2  }
0x8d: {  	s2 =	sadd.s32 s2, s17  }
0x8e: {  	[smem:$0x3FB9] =	sst s2  }
0x8f: {  	_ = 	snop  }
0x90: {  	s2 =	sld [smem:$0x3FD0];
	(tm) =	ssettm $0x1  }
0x91: {  	s18 =	sld [smem:$0x3FFB];
	_ =	sdelay $0x3  }
0x92: {  	_ =	strace s18  }
0x93: {  	s3 =	sld [smem:$0x3FFC];
	_ =	sdelay $0x3  }
0x94: {  	_ =	strace s3  }
0x95: {  	s3 =	sld [smem:$0x3FFD];
	_ =	sdelay $0x3  }
0x96: {  	_ =	strace s3  }
0x97: {  	_ =	strace $0x8FFFFFFF  }
0x98: {  	s19 =	sld [smem:$0x3FDB];
	_ =	sdelay $0x1  }
0x99: {  	s4 =	simm.s32 $_scs_section_size  }
0x9a: {  	s5 =	simm.s32 $_size__tile_overlayer_lowered;
	s6 =	simm.s32 $_tile_overlayer_lowered  }
0x9b: {  	s22 =	simm.s32 $0x1BFF;
	s21 =	sshll.u32 s6, $0x1;
	s3 =	sadd.s32 s4, s19  }
0x9c: {  	s7 =	simm.s32 $0x0;
	s20 =	sshll.u32 s5, $0x1;
	s5 =	sadd.s32 s21, s3  }
0x9d: {  	[timem:s7], [sflag:s22] =	dma.local [hbm:s5], s20  }
0x9e: {  	_ =	swait.ge [sflag:s22], s20  }
0x9f: {  	s4 =	ssub.s32 $0x0, s20;
	[sflag:s22] =	ssyncset.done $0x0  }
0xa0: {  	[sflag:s22] =	ssyncadd.s32 s4;
	_ =	sdelay $0x1  }
0xa1: {  	s23 =	simm.s32 $0x1B8B  }
0xa2: {  	_ =	swait.ge [sflag:s23], $0x1  }
0xa3: {  	[sflag:s23] =	ssyncset.done $0x0  }
0xa4: {  	s25 =	simm.s32 $0x1B8E;
	s24 =	sld [smem:$0x3FFE];
	[sflag:s23] =	ssyncadd.s32 $0xFFFFFFFF  }
0xa5: {  	s26 =	simm.s32 $execute0_lowered;
	[smem:$0x3FD2] =	sst s25  }
0xa6: {  	s5 =	sshll.u32 s26, $0x1;
	_ =	strace $0x80000055;
	[dreg:$0x1] =	wrdreg $0xFFFFFFFF  }
0xa7: {  	s28 =	simm.s32 $_size_execute0_lowered;
	s3 =	sadd.s32 s3, s5;
	[dreg:$0x0] =	wrdreg $0x0  }
0xa8: {  	s5 =	sshll.u32 s28, $0x1;
	[dreg:$0x2] =	wrdreg s3  }
0xa9: {  	[dreg:$0x3] =	wrdreg s5  }
0xaa: {  	[dreg:$0x4] =	wrdreg $0xC0  }
0xab: {  	_ =	task [dreg:s7], $0x5FFFF  }
0xac: {  	[dreg:$0x1] =	wrdreg $0xFFFFFFFF  }
0xad: {  	[dreg:$0x0] =	wrdreg $0x60  }
0xae: {  	[dreg:$0x2] =	wrdreg s2  }
0xaf: {  	[dreg:$0x3] =	wrdreg s24  }
0xb0: {  	[dreg:$0x4] =	wrdreg $0x70000  }
0xb1: {  	[dreg:$0x5] =	wrdreg $0x9  }
0xb2: {  	_ =	task.clear_ibuf [dreg:s7], $0x6FFFF;
	_ =	strace $0x90000055  }
0xb3: {  	s29 =	simm.s32 $0x9;
	_ =	strace $0x80000057  }
0xb4: {  	_ =	swait.ge [sflag:s29], $0x1  }
0xb5: {  	[sflag:s29] =	ssyncadd.s32 $0xFFFFFFFF  }
0xb6: {  	_ =	strace $0x90000057  }
0xb7: {  	_ =	sfence  }
0xb8: {  	s30 =	sld [smem:$0x0];
	_ =	sdelay $0x2  }
0xb9: {  	s31 =	sshll.u32 s1, $0xD;
	s1 =	sshrl.u32 s1, $0x2  }
0xba: {  	s3 =	sand.u32 $0x4000, s31;
	s1 =	sadd.s32 s1, s30  }
0xbb: {  	s0 =	sor.u32 s3, s0;
	s1 =	sshll.u32 s1, $0x11  }
0xbc: {  	s0 =	sor.u32 s1, s0  }
0xbd: {  	s0 =	sadd.s32 $0x8F2B, s0  }
0xbe: {  	[sflag:s0] =	ssyncadd.remote.s32 $0x1  }
0xbf: {  	_ =	sfence.sel $0xFFFF  }
0xc0: {  	[dreg:$0x0] =	wrdreg $0xFFFFFFFF;
	(pc) =	sbr.abs _section_cstart, $3  }
0xc1: {  	[dreg:$0x1] =	wrdreg $0xFFFFFFFF  }
0xc2: {  	_ =	task.clear_ibuf [dreg:s7], $0x2FFFF;
	_ =	strace $0x9FFFFFFF  }
0xc3: {  	(tm) =	ssettm $0x7FFFFFFF  }
tec
execute0_lowered:
.L_overlay_start_1:
0x0: {  	(tag) =	ssettag $0x1  }
0x1: {  	s2 =	rddreg [dreg:$0x0]  }
0x2: {  	s6 =	rddreg [dreg:$0x1]  }
0x3: {  	s0 =	srdreg.scid;
	s3 =	rddreg [dreg:$0x2];
	s4 =	simm.s32 $0x0  }
0x4: {  	s14 =	simm.s32 $0x80;
	s15 =	simm.s32 $0x5000;
	s16 =	simm.s32 $0x1  }
0x5: {  	s17 =	simm.s32 $0x10;
	s18 =	simm.s32 $0x5400;
	s19 =	simm.s32 $0x5800  }
0x6: {  	s20 =	simm.s32 $0x5C00;
	s21 =	simm.s32 $0x6000;
	s22 =	simm.s32 $0x6400  }
0x7: {  	s23 =	simm.s32 $0x6800;
	s5 =	sand.u32 $0x1, s0;
	s0 =	stileid.u32  }
0x8: {  	s24 =	simm.s32 $0x6C00;
	s25 =	simm.s32 $0x0;
	s8 =	smul.u32 $0xA000, s0  }
0x9: {  	[smem:$0x7FF] =	sst s4;
	s1 =	sshll.u32 s5, $0x4;
	s9 =	smul.u32 $0xA0000, s5  }
0xa: {  	s5 =	ssub.s32 $0x2, s5;
	s31 =	sshll.u32 s0, $0x6;
	s1 =	sor.u32 s0, s1  }
0xb: {  	s30 =	sshrl.u32 s5, $0x1;
	s7 =	smul.u32 $0x500, s1;
	s1 =	rddreg [dreg:$0x3]  }
0xc: {  	_ =	strace $0x80000056;
	s28 =	sadd.s32 s8, s9;
	s29 =	sshrl.u32 s8, $0x3  }
0xd: {  	s12 =	ssub.s32 s5, s30;
	s13 =	sadd.s32 s8, s3;
	s9 =	sadd.s32 s29, s6  }
0xe: {  	s10 =	sadd.s32 s7, s6;
	s7 =	sshrl.u32 s28, $0x3;
	s5 =	sadd.s32 $0x1A400, s9  }
0xf: {  	s11 =	sadd.s32 s7, s6;
	s6 =	sor.u32 $0x1C02, s31;
	s7 =	sadd.s32 $0x68E00, s10  }
0x10: {  	s8 =	sadd.s32 $0x10400, s10;
	s10 =	smax.u32 s12, $0x1;
	s12 =	simm.s32 $0x2  }
0x11: {  	s9 =	sadd.s32 $0x2E400, s11;
	s11 =	sshrl.u32 s13, $0x3;
	s13 =	simm.s32 $0x2800  }
.LBB2_1:
0x12: {  	[spmem:s11], [sflag:s6] =	dma.local [hbm:s5], $0x1400  }
0x13: {  	_ =	swait.ge [sflag:s12], $0x1400  }
0x14: {  	[sflag:s12] =	ssyncset.done $0x0  }
0x15: {  	[sflag:s12] =	ssyncadd.s32 $0xFFFFEC00  }
0x16: {  	[tilespmem:s4], [sflag:$0x2] =	stream.linear.gather [hbm4b:s7+s4], $0x2800, $0x38;
	[tilespmem:$0x11000] =	vst v63  }
0x17: {  	_ =	swait.ge [sflag:s12], $0x2800  }
0x18: {  	[sflag:s12] =	ssyncset.done $0x0  }
0x19: {  	[sflag:s12] =	ssyncadd.s32 $0xFFFFD800  }
0x1a: {  	[tilespmem:s13], [sflag:$0x2] =	stream.linear.gather [hbm4b:s8+s4], $0x2800, $0x38;
	[tilespmem:$0x11000] =	vst v63  }
0x1b: {  	_ =	swait.ge [sflag:s12], $0x2800  }
0x1c: {  	[sflag:s12] =	ssyncset.done $0x0  }
0x1d: {  	[sflag:s12] =	ssyncadd.s32 $0xFFFFD800  }
0x1e: {  	s26 =	simm.s32 $0x0;
	[bflag:$0x0] =	sbarrier.arrive $0xFFFF  }
0x1f: {  	[tilespmem:s15], [sflag:$0x1] =	stream.indirect.gather [hbm4b:s2+s14], $0x40, s26, s14, $0xb8;
	[tilespmem:$0x11000] =	vst v63  }
0x20: {  	_ =	swait.ge [sflag:s16], $0x2000  }
0x21: {  	[sflag:s16] =	ssyncset.done $0x0  }
0x22: {  	s29 =	simm.s32 $0x2800;
	[sflag:s16] =	ssyncadd.s32 $0xFFFFE000  }
0x23: {  	[spmem:s3] =	stream.indirect.scatter.add.f32 [tilespmem:s15], [sflag:$0x2], $0x40, s29, s17, $0xb8;
	[tilespmem:$0x11000] =	vst v63  }
0x24: {  	_ =	swait.ge [sflag:s12], $0x400  }
0x25: {  	[sflag:s12] =	ssyncset.done $0x0  }
0x26: {  	s31 =	simm.s32 $0x2810;
	[sflag:s12] =	ssyncadd.s32 $0xFFFFFC00  }
0x27: {  	[spmem:s3] =	stream.indirect.scatter.add.f32 [tilespmem:s18], [sflag:$0x2], $0x40, s31, s17, $0xb8;
	[tilespmem:$0x11000] =	vst v63  }
0x28: {  	_ =	swait.ge [sflag:s12], $0x400  }
0x29: {  	[sflag:s12] =	ssyncset.done $0x0  }
0x2a: {  	s28 =	simm.s32 $0x2820;
	[sflag:s12] =	ssyncadd.s32 $0xFFFFFC00  }
0x2b: {  	[spmem:s3] =	stream.indirect.scatter.add.f32 [tilespmem:s19], [sflag:$0x2], $0x40, s28, s17, $0xb8;
	[tilespmem:$0x11000] =	vst v63  }
0x2c: {  	_ =	swait.ge [sflag:s12], $0x400  }
0x2d: {  	[sflag:s12] =	ssyncset.done $0x0  }
0x2e: {  	s29 =	simm.s32 $0x2830;
	[sflag:s12] =	ssyncadd.s32 $0xFFFFFC00  }
0x2f: {  	[spmem:s3] =	stream.indirect.scatter.add.f32 [tilespmem:s20], [sflag:$0x2], $0x40, s29, s17, $0xb8;
	[tilespmem:$0x11000] =	vst v63  }
0x30: {  	_ =	swait.ge [sflag:s12], $0x400  }
0x31: {  	[sflag:s12] =	ssyncset.done $0x0  }
0x32: {  	s31 =	simm.s32 $0x2840;
	[sflag:s12] =	ssyncadd.s32 $0xFFFFFC00  }
0x33: {  	[spmem:s3] =	stream.indirect.scatter.add.f32 [tilespmem:s21], [sflag:$0x2], $0x40, s31, s17, $0xb8;
	[tilespmem:$0x11000] =	vst v63  }
0x34: {  	_ =	swait.ge [sflag:s12], $0x400  }
0x35: {  	[sflag:s12] =	ssyncset.done $0x0  }
0x36: {  	s28 =	simm.s32 $0x2850;
	[sflag:s12] =	ssyncadd.s32 $0xFFFFFC00  }
0x37: {  	[spmem:s3] =	stream.indirect.scatter.add.f32 [tilespmem:s22], [sflag:$0x2], $0x40, s28, s17, $0xb8;
	[tilespmem:$0x11000] =	vst v63  }
0x38: {  	_ =	swait.ge [sflag:s12], $0x400  }
0x39: {  	[sflag:s12] =	ssyncset.done $0x0  }
0x3a: {  	s29 =	simm.s32 $0x2860;
	[sflag:s12] =	ssyncadd.s32 $0xFFFFFC00  }
0x3b: {  	[spmem:s3] =	stream.indirect.scatter.add.f32 [tilespmem:s23], [sflag:$0x2], $0x40, s29, s17, $0xb8;
	[tilespmem:$0x11000] =	vst v63  }
0x3c: {  	_ =	swait.ge [sflag:s12], $0x400  }
0x3d: {  	[sflag:s12] =	ssyncset.done $0x0  }
0x3e: {  	s31 =	simm.s32 $0x2870;
	[sflag:s12] =	ssyncadd.s32 $0xFFFFFC00  }
0x3f: {  	[spmem:s3] =	stream.indirect.scatter.add.f32 [tilespmem:s24], [sflag:$0x2], $0x40, s31, s17, $0xb8;
	[tilespmem:$0x11000] =	vst v63  }
0x40: {  	_ =	swait.ge [sflag:s12], $0x400  }
0x41: {  	s30 =	simm.s32 $0x400;
	s26 =	simm.s32 $0x200;
	[sflag:s12] =	ssyncset.done $0x0  }
.LBB2_2:
0x42: {  	s29 =	sshra.s32 s26, $0x2  }
0x43: {  	[sflag:s12] =	ssyncadd.s32 $0xFFFFFC00;
	s26 =	smov.u32 s30;
	s28 =	sadd.s32 $0x200, s30  }
0x44: {  	[tilespmem:s15], [sflag:$0x1] =	stream.indirect.gather [hbm4b:s2+s14], $0x40, s29, s14, $0xb8;
	[tilespmem:$0x11000] =	vst v63  }
0x45: {  	p0 =	sne.s32 s30, $0x9E00;
	_ =	swait.ge [sflag:s16], $0x2000  }
0x46: {  	[sflag:s16] =	ssyncset.done $0x0  }
0x47: {  	s30 =	sadd.s32 $0x2800, s29;
	[sflag:s16] =	ssyncadd.s32 $0xFFFFE000  }
0x48: {  	[spmem:s3] =	stream.indirect.scatter.add.f32 [tilespmem:s15], [sflag:$0x2], $0x40, s30, s17, $0xb8;
	[tilespmem:$0x11000] =	vst v63  }
0x49: {  	_ =	swait.ge [sflag:s12], $0x400  }
0x4a: {  	[sflag:s12] =	ssyncset.done $0x0  }
0x4b: {  	s30 =	sadd.s32 $0x2810, s29;
	[sflag:s12] =	ssyncadd.s32 $0xFFFFFC00  }
0x4c: {  	[spmem:s3] =	stream.indirect.scatter.add.f32 [tilespmem:s18], [sflag:$0x2], $0x40, s30, s17, $0xb8;
	[tilespmem:$0x11000] =	vst v63  }
0x4d: {  	_ =	swait.ge [sflag:s12], $0x400  }
0x4e: {  	[sflag:s12] =	ssyncset.done $0x0  }
0x4f: {  	s30 =	sadd.s32 $0x2820, s29;
	[sflag:s12] =	ssyncadd.s32 $0xFFFFFC00  }
0x50: {  	[spmem:s3] =	stream.indirect.scatter.add.f32 [tilespmem:s19], [sflag:$0x2], $0x40, s30, s17, $0xb8;
	[tilespmem:$0x11000] =	vst v63  }
0x51: {  	_ =	swait.ge [sflag:s12], $0x400  }
0x52: {  	[sflag:s12] =	ssyncset.done $0x0  }
0x53: {  	s30 =	sadd.s32 $0x2830, s29;
	[sflag:s12] =	ssyncadd.s32 $0xFFFFFC00  }
0x54: {  	[spmem:s3] =	stream.indirect.scatter.add.f32 [tilespmem:s20], [sflag:$0x2], $0x40, s30, s17, $0xb8;
	[tilespmem:$0x11000] =	vst v63  }
0x55: {  	_ =	swait.ge [sflag:s12], $0x400  }
0x56: {  	[sflag:s12] =	ssyncset.done $0x0  }
0x57: {  	s30 =	sadd.s32 $0x2840, s29;
	[sflag:s12] =	ssyncadd.s32 $0xFFFFFC00  }
0x58: {  	[spmem:s3] =	stream.indirect.scatter.add.f32 [tilespmem:s21], [sflag:$0x2], $0x40, s30, s17, $0xb8;
	[tilespmem:$0x11000] =	vst v63  }
0x59: {  	_ =	swait.ge [sflag:s12], $0x400  }
0x5a: {  	[sflag:s12] =	ssyncset.done $0x0  }
0x5b: {  	s30 =	sadd.s32 $0x2850, s29;
	[sflag:s12] =	ssyncadd.s32 $0xFFFFFC00  }
0x5c: {  	[spmem:s3] =	stream.indirect.scatter.add.f32 [tilespmem:s22], [sflag:$0x2], $0x40, s30, s17, $0xb8;
	[tilespmem:$0x11000] =	vst v63  }
0x5d: {  	_ =	swait.ge [sflag:s12], $0x400  }
0x5e: {  	[sflag:s12] =	ssyncset.done $0x0  }
0x5f: {  	s30 =	sadd.s32 $0x2860, s29;
	[sflag:s12] =	ssyncadd.s32 $0xFFFFFC00  }
0x60: {  	[spmem:s3] =	stream.indirect.scatter.add.f32 [tilespmem:s23], [sflag:$0x2], $0x40, s30, s17, $0xb8;
	[tilespmem:$0x11000] =	vst v63  }
0x61: {  	_ =	swait.ge [sflag:s12], $0x400  }
.Ltmp0:
0x62: {  	[sflag:s12] =	ssyncset.done $0x0;
	(pc) =	sbr.rel @p0 .LBB2_2-.Ltmp0, $4  }
0x63: {  	s29 =	sadd.s32 $0x2870, s29;
	[sflag:s12] =	ssyncadd.s32 $0xFFFFFC00  }
0x64: {  	[spmem:s3] =	stream.indirect.scatter.add.f32 [tilespmem:s24], [sflag:$0x2], $0x40, s29, s17, $0xb8;
	[tilespmem:$0x11000] =	vst v63  }
0x65: {  	_ =	swait.ge [sflag:s12], $0x400  }
0x66: {  	s30 =	smov.u32 s28;
	[sflag:s12] =	ssyncset.done $0x0  }
0x67: {  	s26 =	sshra.s32 s26, $0x2;
	[sflag:s12] =	ssyncadd.s32 $0xFFFFFC00  }
0x68: {  	[tilespmem:s15], [sflag:$0x1] =	stream.indirect.gather [hbm4b:s2+s14], $0x40, s26, s14, $0xb8;
	[tilespmem:$0x11000] =	vst v63  }
0x69: {  	_ =	swait.ge [sflag:s16], $0x2000  }
0x6a: {  	[sflag:s16] =	ssyncset.done $0x0  }
0x6b: {  	s28 =	sadd.s32 $0x2800, s26;
	[sflag:s16] =	ssyncadd.s32 $0xFFFFE000  }
0x6c: {  	[spmem:s3] =	stream.indirect.scatter.add.f32 [tilespmem:s15], [sflag:$0x2], $0x40, s28, s17, $0xb8;
	[tilespmem:$0x11000] =	vst v63  }
0x6d: {  	_ =	swait.ge [sflag:s12], $0x400  }
0x6e: {  	[sflag:s12] =	ssyncset.done $0x0  }
0x6f: {  	s29 =	sadd.s32 $0x2810, s26;
	[sflag:s12] =	ssyncadd.s32 $0xFFFFFC00  }
0x70: {  	[spmem:s3] =	stream.indirect.scatter.add.f32 [tilespmem:s18], [sflag:$0x2], $0x40, s29, s17, $0xb8;
	[tilespmem:$0x11000] =	vst v63  }
0x71: {  	_ =	swait.ge [sflag:s12], $0x400  }
0x72: {  	[sflag:s12] =	ssyncset.done $0x0  }
0x73: {  	s30 =	sadd.s32 $0x2820, s26;
	[sflag:s12] =	ssyncadd.s32 $0xFFFFFC00  }
0x74: {  	[spmem:s3] =	stream.indirect.scatter.add.f32 [tilespmem:s19], [sflag:$0x2], $0x40, s30, s17, $0xb8;
	[tilespmem:$0x11000] =	vst v63  }
0x75: {  	_ =	swait.ge [sflag:s12], $0x400  }
0x76: {  	[sflag:s12] =	ssyncset.done $0x0  }
0x77: {  	s31 =	sadd.s32 $0x2830, s26;
	[sflag:s12] =	ssyncadd.s32 $0xFFFFFC00  }
0x78: {  	[spmem:s3] =	stream.indirect.scatter.add.f32 [tilespmem:s20], [sflag:$0x2], $0x40, s31, s17, $0xb8;
	[tilespmem:$0x11000] =	vst v63  }
0x79: {  	_ =	swait.ge [sflag:s12], $0x400  }
0x7a: {  	[sflag:s12] =	ssyncset.done $0x0  }
0x7b: {  	s29 =	sadd.s32 $0x2840, s26;
	[sflag:s12] =	ssyncadd.s32 $0xFFFFFC00  }
0x7c: {  	[spmem:s3] =	stream.indirect.scatter.add.f32 [tilespmem:s21], [sflag:$0x2], $0x40, s29, s17, $0xb8;
	[tilespmem:$0x11000] =	vst v63  }
0x7d: {  	_ =	swait.ge [sflag:s12], $0x400  }
0x7e: {  	[sflag:s12] =	ssyncset.done $0x0  }
0x7f: {  	s30 =	sadd.s32 $0x2850, s26;
	[sflag:s12] =	ssyncadd.s32 $0xFFFFFC00  }
0x80: {  	[spmem:s3] =	stream.indirect.scatter.add.f32 [tilespmem:s22], [sflag:$0x2], $0x40, s30, s17, $0xb8;
	[tilespmem:$0x11000] =	vst v63  }
0x81: {  	_ =	swait.ge [sflag:s12], $0x400  }
0x82: {  	[sflag:s12] =	ssyncset.done $0x0  }
0x83: {  	s31 =	sadd.s32 $0x2860, s26;
	[sflag:s12] =	ssyncadd.s32 $0xFFFFFC00  }
0x84: {  	[spmem:s3] =	stream.indirect.scatter.add.f32 [tilespmem:s23], [sflag:$0x2], $0x40, s31, s17, $0xb8;
	[tilespmem:$0x11000] =	vst v63  }
0x85: {  	_ =	swait.ge [sflag:s12], $0x400  }
0x86: {  	[sflag:s12] =	ssyncset.done $0x0  }
0x87: {  	s26 =	sadd.s32 $0x2870, s26;
	[sflag:s12] =	ssyncadd.s32 $0xFFFFFC00  }
0x88: {  	[spmem:s3] =	stream.indirect.scatter.add.f32 [tilespmem:s24], [sflag:$0x2], $0x40, s26, s17, $0xb8;
	[tilespmem:$0x11000] =	vst v63  }
0x89: {  	_ =	swait.ge [sflag:s12], $0x400  }
0x8a: {  	s25 =	sadd.s32 $0x1, s25;
	[sflag:s12] =	ssyncset.done $0x0  }
0x8b: {  	p0 =	sne.s32 s25, s10;
	[sflag:s12] =	ssyncadd.s32 $0xFFFFFC00  }
.Ltmp1:
0x8c: {  	[bflag:$0x0] =	sbarrier.arrive $0xFFFF;
	(pc) =	sbr.rel @p0 .LBB2_1-.Ltmp1, $4  }
0x8d: {  	[hbm:s9], [sflag:s6] =	dma.local [spmem:s11], $0x1400  }
0x8e: {  	_ =	swait.ge [sflag:s12], $0x1400  }
0x8f: {  	[sflag:s12] =	ssyncset.done $0x0  }
0x90: {  	[sflag:s12] =	ssyncadd.s32 $0xFFFFEC00  }
0x91: {  	_ =	sfence.sel $0x180000  }
0x92: {  	[bflag:$0x0] =	sbarrier.arrive $0xFFFF  }
0x93: {  	p0 =	sne.s32 s0, $0x0;
	_ =	strace $0x90000056  }
0x94: {  	s0 =	sadd.s32 @!p0 $0x100000, s1;
	[bflag:$0x2] =	sbarrier.arrive $0xFFFF  }
0x95: {  	[sflag:s0] =	ssyncadd.tile.s32 @!p0 $0x1;
	_ =	shalt  }
.Lfunc_end2:
_tile_overlayer_lowered:
.L_overlay_start_2:
0x96: {  	(tag) =	ssettag $0x2  }
0x97: {  	s0 =	rddreg [dreg:$0x0];
	s2 =	stileid.u32  }
0x98: {  	s1 =	rddreg [dreg:$0x1];
	p0 =	sne.s32 s2, $0x0  }
0x99: {  	s3 =	rddreg [dreg:$0x2];
	[bflag:$0x3] =	sbarrier.arrive $0xFFFF;
	s2 =	simm.s32 @!p0 $0x1C02  }
0x9a: {  	[timem:s3], [sflag:s2] =	dma.local @!p0 [hbm:s0], s1  }
0x9b: {  	s0 =	simm.s32 @!p0 $0x2  }
0x9c: {  	_ =	swait.ge @!p0 [sflag:s0], s1  }
0x9d: {  	s1 =	ssub.s32 @!p0 $0x0, s1;
	[sflag:s0] =	ssyncset.done @!p0 $0x0  }
0x9e: {  	[sflag:s0] =	ssyncadd.s32 @!p0 s1  }
0x9f: {  	[bflag:$0x3] =	sbarrier.arrive $0xFFFF  }
0xa0: {  	_ =	shalt  }

// kernel: kernel.21.cloned.1.call-start
scs
__scs_entry_jumppad:
0x0: {  	(pc) =	sbr.rel $0x88, $3  }
0x1: {  	(tag) =	ssettag $0x0;
	lr =	simm.s32 $0x1  }
0x2: {  	[smem:$0x3F92] =	sst lr;
	_ =	strace $0xD0000000  }
0x3: {  	_ = 	snop  }
0x4: {  	_ = 	snop  }
0x5: {  	_ = 	snop  }
0x6: {  	_ = 	snop  }
0x7: {  	_ = 	snop  }
__scs_overlays_trampoline_lowered:
0x8: {  	[smem:$0x3FA1] =	sst s0  }
0x9: {  	[smem:$0x3FA2] =	sst s1  }
0xa: {  	[smem:$0x3FA3] =	sst s2  }
0xb: {  	[smem:$0x3FA4] =	sst s3  }
0xc: {  	[smem:$0x3FA5] =	sst s4  }
0xd: {  	[smem:$0x3FA6] =	sst s5  }
0xe: {  	[smem:$0x3FA7] =	sst s6  }
0xf: {  	[smem:$0x3FA8] =	sst s7  }
0x10: {  	[smem:$0x3FA9] =	sst s8  }
0x11: {  	[smem:$0x3FAA] =	sst s9;
	s0 =	simm.s32 @!p0 $0x0  }
0x12: {  	s1 =	sld [smem:$0x3F90];
	s0 =	simm.s32 @p0 $0x1  }
0x13: {  	[smem:$0x3FAB] =	sst s0;
	s0 =	simm.s32 @!p1 $0x0  }
0x14: {  	s2 =	sld [smem:$0x3F8F];
	s0 =	simm.s32 @p1 $0x1  }
0x15: {  	[smem:$0x3FAC] =	sst s0;
	s0 =	simm.s32 @!p2 $0x0  }
0x16: {  	s3 =	sld [smem:$0x3FDB];
	s0 =	simm.s32 @p2 $0x1  }
0x17: {  	s4 =	simm.s32 $0x1BF5;
	[smem:$0x3FAE] =	sst s0  }
0x18: {  	s0 =	sld [smem:$0x3F91];
	_ =	swait.ge [sflag:s4], $0x0  }
0x19: {  	s7 =	sld [smem:$0x3F92]  }
0x1a: {  	s8 =	sadd.s32 $0xFFFFE003, lr  }
0x1b: {  	s9 =	sadd.s32 $0xFFFFFEF7, lr;
	s5 =	simm.s32 $0xFFFFFFFF;
	p2 =	slt.u32 s8, $0xFFFFF086  }
0x1c: {  	p1 =	slt.u32 s9, $0xF7A;
	s5 =	simm.s32 @!p2 $0x0  }
0x1d: {  	s5 =	simm.s32 @p1 $0x1;
	p0 =	seq.s32 s7, s2  }
0x1e: {  	s7 =	smul.u32 @!p0 $0xF7A, s2;
	p2 =	seq.s32 @!p0 s5, $0x0  }
0x1f: {  	s9 =	smul.u32 $0xF7A, s1;
	s8 =	simm.s32 @!p0 $0x1BF5;
	p2 =	por !p2, p0  }
0x20: {  	[sflag:s8] =	ssyncset.s32 @!p0 $0xFFFFF086;
	s6 =	sadd.s32 @!p0 s3, s7;
	s7 =	simm.s32 @!p0 $0x108  }
0x21: {  	s3 =	sadd.s32 s3, s9;
	s6 =	sadd.s32 @!p0 $0x88, s6;
	s7 =	simm.s32 @p2 $0x1082  }
0x22: {  	[simem:s7], [sflag:s8] =	dma.local @!p0 [hbm:s6], $0xF7A  }
0x23: {  	s9 =	sor.u32 $0xD0000000, s2;
	s6 =	simm.s32 $0x108;
	_ =	swait.ge @!p0 [sflag:s8], $0x0  }
0x24: {  	s3 =	sadd.s32 $0x88, s3;
	s6 =	simm.s32 @!p1 $0x1082;
	[sflag:s4] =	ssyncset.s32 $0xFFFFF086  }
0x25: {  	[simem:s6], [sflag:s4] =	dma.local [hbm:s3], $0xF7A  }
0x26: {  	[smem:$0x3F92] =	sst s1;
	(tag) =	ssettag s2;
	_ =	strace s9  }
0x27: {  	s1 =	sld [smem:$0x3FA2]  }
0x28: {  	s2 =	sld [smem:$0x3FA3]  }
0x29: {  	s4 =	sld [smem:$0x3FA5]  }
0x2a: {  	p0 =	seq.s32 s5, $0x0;
	s5 =	sld [smem:$0x3FA6]  }
0x2b: {  	s6 =	sld [smem:$0x3FA7]  }
0x2c: {  	s7 =	sld [smem:$0x3FA8]  }
0x2d: {  	s3 =	simm.s32 $0x108;
	s8 =	sld [smem:$0x3FA9]  }
0x2e: {  	s3 =	simm.s32 @!p0 $0x1082;
	s9 =	sld [smem:$0x3FAA]  }
0x2f: {  	lr =	sadd.s32 s0, s3;
	s0 =	sld [smem:$0x3FA1]  }
0x30: {  	s3 =	sld [smem:$0x3FA4]  }
0x31: {  	[smem:$0x3FAD] =	sst s10  }
0x32: {  	s10 =	sld [smem:$0x3FAB];
	_ =	sdelay $0x3  }
0x33: {  	p0 =	seq.s32 s10, $0x1;
	s10 =	sld [smem:$0x3FAD];
	_ =	sdelay $0x3  }
0x34: {  	[smem:$0x3FAD] =	sst s10  }
0x35: {  	s10 =	sld [smem:$0x3FAC];
	_ =	sdelay $0x3  }
0x36: {  	p1 =	seq.s32 s10, $0x1;
	s10 =	sld [smem:$0x3FAD];
	_ =	sdelay $0x3  }
0x37: {  	[smem:$0x3FAD] =	sst s10  }
0x38: {  	s10 =	sld [smem:$0x3FAE]  }
0x39: {  	_ = 	snop;
	(pc) =	sbr.ind lr, $3  }
0x3a: {  	_ = 	snop  }
0x3b: {  	_ = 	snop  }
0x3c: {  	p2 =	seq.s32 s10, $0x1;
	s10 =	sld [smem:$0x3FAD]  }
0x3d: {  	_ =	shalt  }
0x3e: {  	_ =	shalt  }
0x3f: {  	_ =	shalt  }
0x40: {  	_ =	shalt  }
0x41: {  	_ =	shalt  }
0x42: {  	_ =	shalt  }
0x43: {  	_ =	shalt  }
0x44: {  	_ =	shalt  }
0x45: {  	_ =	shalt  }
0x46: {  	_ =	shalt  }
0x47: {  	_ =	shalt  }
0x48: {  	_ =	shalt  }
0x49: {  	_ =	shalt  }
0x4a: {  	_ =	shalt  }
0x4b: {  	_ =	shalt  }
0x4c: {  	_ =	shalt  }
0x4d: {  	_ =	shalt  }
0x4e: {  	_ =	shalt  }
0x4f: {  	_ =	shalt  }
0x50: {  	_ =	shalt  }
0x51: {  	_ =	shalt  }
0x52: {  	_ =	shalt  }
0x53: {  	_ =	shalt  }
0x54: {  	_ =	shalt  }
0x55: {  	_ =	shalt  }
0x56: {  	_ =	shalt  }
0x57: {  	_ =	shalt  }
0x58: {  	_ =	shalt  }
0x59: {  	_ =	shalt  }
0x5a: {  	_ =	shalt  }
0x5b: {  	_ =	shalt  }
0x5c: {  	_ =	shalt  }
0x5d: {  	_ =	shalt  }
0x5e: {  	_ =	shalt  }
0x5f: {  	_ =	shalt  }
0x60: {  	_ =	shalt  }
0x61: {  	_ =	shalt  }
0x62: {  	_ =	shalt  }
0x63: {  	_ =	shalt  }
0x64: {  	_ =	shalt  }
0x65: {  	_ =	shalt  }
0x66: {  	_ =	shalt  }
0x67: {  	_ =	shalt  }
0x68: {  	_ =	shalt  }
0x69: {  	_ =	shalt  }
0x6a: {  	_ =	shalt  }
0x6b: {  	_ =	shalt  }
0x6c: {  	_ =	shalt  }
0x6d: {  	_ =	shalt  }
0x6e: {  	_ =	shalt  }
0x6f: {  	_ =	shalt  }
0x70: {  	_ =	shalt  }
0x71: {  	_ =	shalt  }
0x72: {  	_ =	shalt  }
0x73: {  	_ =	shalt  }
0x74: {  	_ =	shalt  }
0x75: {  	_ =	shalt  }
0x76: {  	_ =	shalt  }
0x77: {  	_ =	shalt  }
0x78: {  	_ =	shalt  }
0x79: {  	_ =	shalt  }
0x7a: {  	_ =	shalt  }
0x7b: {  	_ =	shalt  }
0x7c: {  	_ =	shalt  }
0x7d: {  	_ =	shalt  }
0x7e: {  	_ =	shalt  }
0x7f: {  	_ =	shalt  }
0x80: {  	_ =	shalt  }
0x81: {  	_ =	shalt  }
0x82: {  	_ =	shalt  }
0x83: {  	_ =	shalt  }
0x84: {  	_ =	shalt  }
0x85: {  	_ =	shalt  }
0x86: {  	_ =	shalt  }
0x87: {  	_ =	shalt  }
.Lfunc_end0:
.L_simem_size_0:
called_computation.6_lowered:
.L_overlay_start_0:
0x88: {  	s2 =	sld [smem:$0x3FD9]  }
0x89: {  	s3 =	sld [smem:$0x3FFE];
	_ =	sdelay $0x1  }
0x8a: {  	s1 =	srdreg.scid  }
0x8b: {  	s0 =	sand.u32 $0x1, s1  }
0x8c: {  	s17 =	sshll.u32 s0, $0xA;
	s2 =	sadd.s32 s3, s2  }
0x8d: {  	s2 =	sadd.s32 s2, s17  }
0x8e: {  	[smem:$0x3FB9] =	sst s2  }
0x8f: {  	_ = 	snop  }
0x90: {  	s2 =	sld [smem:$0x3FD0];
	(tm) =	ssettm $0x1  }
0x91: {  	s18 =	sld [smem:$0x3FFB];
	_ =	sdelay $0x3  }
0x92: {  	_ =	strace s18  }
0x93: {  	s3 =	sld [smem:$0x3FFC];
	_ =	sdelay $0x3  }
0x94: {  	_ =	strace s3  }
0x95: {  	s3 =	sld [smem:$0x3FFD];
	_ =	sdelay $0x3  }
0x96: {  	_ =	strace s3  }
0x97: {  	_ =	strace $0x8FFFFFFF  }
0x98: {  	s19 =	sld [smem:$0x3FDB];
	_ =	sdelay $0x1  }
0x99: {  	s4 =	simm.s32 $_scs_section_size  }
0x9a: {  	s5 =	simm.s32 $_size__tile_overlayer_lowered;
	s6 =	simm.s32 $_tile_overlayer_lowered  }
0x9b: {  	s22 =	simm.s32 $0x1BFF;
	s21 =	sshll.u32 s6, $0x1;
	s3 =	sadd.s32 s4, s19  }
0x9c: {  	s7 =	simm.s32 $0x0;
	s20 =	sshll.u32 s5, $0x1;
	s5 =	sadd.s32 s21, s3  }
0x9d: {  	[timem:s7], [sflag:s22] =	dma.local [hbm:s5], s20  }
0x9e: {  	_ =	swait.ge [sflag:s22], s20  }
0x9f: {  	s4 =	ssub.s32 $0x0, s20;
	[sflag:s22] =	ssyncset.done $0x0  }
0xa0: {  	[sflag:s22] =	ssyncadd.s32 s4;
	_ =	sdelay $0x1  }
0xa1: {  	s23 =	simm.s32 $0x1B8B  }
0xa2: {  	_ =	swait.ge [sflag:s23], $0x1  }
0xa3: {  	[sflag:s23] =	ssyncset.done $0x0  }
0xa4: {  	s25 =	simm.s32 $0x1B8E;
	s24 =	sld [smem:$0x3FFE];
	[sflag:s23] =	ssyncadd.s32 $0xFFFFFFFF  }
0xa5: {  	s26 =	simm.s32 $execute0_lowered;
	[smem:$0x3FD2] =	sst s25  }
0xa6: {  	s5 =	sshll.u32 s26, $0x1;
	_ =	strace $0x80000058;
	[dreg:$0x1] =	wrdreg $0xFFFFFFFF  }
0xa7: {  	s28 =	simm.s32 $_size_execute0_lowered;
	s3 =	sadd.s32 s3, s5;
	[dreg:$0x0] =	wrdreg $0x0  }
0xa8: {  	s5 =	sshll.u32 s28, $0x1;
	[dreg:$0x2] =	wrdreg s3  }
0xa9: {  	[dreg:$0x3] =	wrdreg s5  }
0xaa: {  	[dreg:$0x4] =	wrdreg $0xC0  }
0xab: {  	_ =	task [dreg:s7], $0x5FFFF  }
0xac: {  	[dreg:$0x1] =	wrdreg $0xFFFFFFFF  }
0xad: {  	[dreg:$0x0] =	wrdreg $0x60  }
0xae: {  	[dreg:$0x2] =	wrdreg s2  }
0xaf: {  	[dreg:$0x3] =	wrdreg s24  }
0xb0: {  	[dreg:$0x4] =	wrdreg $0x70000  }
0xb1: {  	[dreg:$0x5] =	wrdreg $0x9  }
0xb2: {  	_ =	task.clear_ibuf [dreg:s7], $0x6FFFF;
	_ =	strace $0x90000058  }
0xb3: {  	s29 =	simm.s32 $0x9;
	_ =	strace $0x8000005A  }
0xb4: {  	_ =	swait.ge [sflag:s29], $0x1  }
0xb5: {  	[sflag:s29] =	ssyncadd.s32 $0xFFFFFFFF  }
0xb6: {  	_ =	strace $0x9000005A  }
0xb7: {  	_ =	sfence  }
0xb8: {  	s30 =	sld [smem:$0x0];
	_ =	sdelay $0x2  }
0xb9: {  	s31 =	sshll.u32 s1, $0xD;
	s1 =	sshrl.u32 s1, $0x2  }
0xba: {  	s3 =	sand.u32 $0x4000, s31;
	s1 =	sadd.s32 s1, s30  }
0xbb: {  	s0 =	sor.u32 s3, s0;
	s1 =	sshll.u32 s1, $0x11  }
0xbc: {  	s0 =	sor.u32 s1, s0  }
0xbd: {  	s0 =	sadd.s32 $0x8F2B, s0  }
0xbe: {  	[sflag:s0] =	ssyncadd.remote.s32 $0x1  }
0xbf: {  	_ =	sfence.sel $0xFFFF  }
0xc0: {  	[dreg:$0x0] =	wrdreg $0xFFFFFFFF;
	(pc) =	sbr.abs _section_cstart, $3  }
0xc1: {  	[dreg:$0x1] =	wrdreg $0xFFFFFFFF  }
0xc2: {  	_ =	task.clear_ibuf [dreg:s7], $0x2FFFF;
	_ =	strace $0x9FFFFFFF  }
0xc3: {  	(tm) =	ssettm $0x7FFFFFFF  }
tec
execute0_lowered:
.L_overlay_start_1:
0x0: {  	(tag) =	ssettag $0x1  }
0x1: {  	s2 =	rddreg [dreg:$0x0]  }
0x2: {  	s6 =	rddreg [dreg:$0x1]  }
0x3: {  	s0 =	srdreg.scid;
	s3 =	rddreg [dreg:$0x2];
	s4 =	simm.s32 $0x0  }
0x4: {  	s14 =	simm.s32 $0x80;
	s15 =	simm.s32 $0x5000;
	s16 =	simm.s32 $0x1  }
0x5: {  	s17 =	simm.s32 $0x10;
	s18 =	simm.s32 $0x5400;
	s19 =	simm.s32 $0x5800  }
0x6: {  	s20 =	simm.s32 $0x5C00;
	s21 =	simm.s32 $0x6000;
	s22 =	simm.s32 $0x6400  }
0x7: {  	s23 =	simm.s32 $0x6800;
	s5 =	sand.u32 $0x1, s0;
	s0 =	stileid.u32  }
0x8: {  	s24 =	simm.s32 $0x6C00;
	s25 =	simm.s32 $0x0;
	s8 =	smul.u32 $0xA000, s0  }
0x9: {  	[smem:$0x7FF] =	sst s4;
	s1 =	sshll.u32 s5, $0x4;
	s9 =	smul.u32 $0xA0000, s5  }
0xa: {  	s5 =	ssub.s32 $0x2, s5;
	s31 =	sshll.u32 s0, $0x6;
	s1 =	sor.u32 s0, s1  }
0xb: {  	s30 =	sshrl.u32 s5, $0x1;
	s7 =	smul.u32 $0x500, s1;
	s1 =	rddreg [dreg:$0x3]  }
0xc: {  	_ =	strace $0x80000059;
	s28 =	sadd.s32 s8, s9;
	s29 =	sshrl.u32 s8, $0x3  }
0xd: {  	s12 =	ssub.s32 s5, s30;
	s13 =	sadd.s32 s8, s3;
	s9 =	sadd.s32 s29, s6  }
0xe: {  	s10 =	sadd.s32 s7, s6;
	s7 =	sshrl.u32 s28, $0x3;
	s5 =	sadd.s32 $0x1A400, s9  }
0xf: {  	s11 =	sadd.s32 s7, s6;
	s6 =	sor.u32 $0x1C02, s31;
	s7 =	sadd.s32 $0x68E00, s10  }
0x10: {  	s8 =	sadd.s32 $0x10400, s10;
	s10 =	smax.u32 s12, $0x1;
	s12 =	simm.s32 $0x2  }
0x11: {  	s9 =	sadd.s32 $0x2E400, s11;
	s11 =	sshrl.u32 s13, $0x3;
	s13 =	simm.s32 $0x2800  }
.LBB2_1:
0x12: {  	[spmem:s11], [sflag:s6] =	dma.local [hbm:s5], $0x1400  }
0x13: {  	_ =	swait.ge [sflag:s12], $0x1400  }
0x14: {  	[sflag:s12] =	ssyncset.done $0x0  }
0x15: {  	[sflag:s12] =	ssyncadd.s32 $0xFFFFEC00  }
0x16: {  	[tilespmem:s4], [sflag:$0x2] =	stream.linear.gather [hbm4b:s7+s4], $0x2800, $0x38;
	[tilespmem:$0x11000] =	vst v63  }
0x17: {  	_ =	swait.ge [sflag:s12], $0x2800  }
0x18: {  	[sflag:s12] =	ssyncset.done $0x0  }
0x19: {  	[sflag:s12] =	ssyncadd.s32 $0xFFFFD800  }
0x1a: {  	[tilespmem:s13], [sflag:$0x2] =	stream.linear.gather [hbm4b:s8+s4], $0x2800, $0x38;
	[tilespmem:$0x11000] =	vst v63  }
0x1b: {  	_ =	swait.ge [sflag:s12], $0x2800  }
0x1c: {  	[sflag:s12] =	ssyncset.done $0x0  }
0x1d: {  	[sflag:s12] =	ssyncadd.s32 $0xFFFFD800  }
0x1e: {  	s26 =	simm.s32 $0x0;
	[bflag:$0x0] =	sbarrier.arrive $0xFFFF  }
0x1f: {  	[tilespmem:s15], [sflag:$0x1] =	stream.indirect.gather [hbm4b:s2+s14], $0x40, s26, s14, $0xb8;
	[tilespmem:$0x11000] =	vst v63  }
0x20: {  	_ =	swait.ge [sflag:s16], $0x2000  }
0x21: {  	[sflag:s16] =	ssyncset.done $0x0  }
0x22: {  	s29 =	simm.s32 $0x2800;
	[sflag:s16] =	ssyncadd.s32 $0xFFFFE000  }
0x23: {  	[spmem:s3] =	stream.indirect.scatter.add.f32 [tilespmem:s15], [sflag:$0x2], $0x40, s29, s17, $0xb8;
	[tilespmem:$0x11000] =	vst v63  }
0x24: {  	_ =	swait.ge [sflag:s12], $0x400  }
0x25: {  	[sflag:s12] =	ssyncset.done $0x0  }
0x26: {  	s31 =	simm.s32 $0x2810;
	[sflag:s12] =	ssyncadd.s32 $0xFFFFFC00  }
0x27: {  	[spmem:s3] =	stream.indirect.scatter.add.f32 [tilespmem:s18], [sflag:$0x2], $0x40, s31, s17, $0xb8;
	[tilespmem:$0x11000] =	vst v63  }
0x28: {  	_ =	swait.ge [sflag:s12], $0x400  }
0x29: {  	[sflag:s12] =	ssyncset.done $0x0  }
0x2a: {  	s28 =	simm.s32 $0x2820;
	[sflag:s12] =	ssyncadd.s32 $0xFFFFFC00  }
0x2b: {  	[spmem:s3] =	stream.indirect.scatter.add.f32 [tilespmem:s19], [sflag:$0x2], $0x40, s28, s17, $0xb8;
	[tilespmem:$0x11000] =	vst v63  }
0x2c: {  	_ =	swait.ge [sflag:s12], $0x400  }
0x2d: {  	[sflag:s12] =	ssyncset.done $0x0  }
0x2e: {  	s29 =	simm.s32 $0x2830;
	[sflag:s12] =	ssyncadd.s32 $0xFFFFFC00  }
0x2f: {  	[spmem:s3] =	stream.indirect.scatter.add.f32 [tilespmem:s20], [sflag:$0x2], $0x40, s29, s17, $0xb8;
	[tilespmem:$0x11000] =	vst v63  }
0x30: {  	_ =	swait.ge [sflag:s12], $0x400  }
0x31: {  	[sflag:s12] =	ssyncset.done $0x0  }
0x32: {  	s31 =	simm.s32 $0x2840;
	[sflag:s12] =	ssyncadd.s32 $0xFFFFFC00  }
0x33: {  	[spmem:s3] =	stream.indirect.scatter.add.f32 [tilespmem:s21], [sflag:$0x2], $0x40, s31, s17, $0xb8;
	[tilespmem:$0x11000] =	vst v63  }
0x34: {  	_ =	swait.ge [sflag:s12], $0x400  }
0x35: {  	[sflag:s12] =	ssyncset.done $0x0  }
0x36: {  	s28 =	simm.s32 $0x2850;
	[sflag:s12] =	ssyncadd.s32 $0xFFFFFC00  }
0x37: {  	[spmem:s3] =	stream.indirect.scatter.add.f32 [tilespmem:s22], [sflag:$0x2], $0x40, s28, s17, $0xb8;
	[tilespmem:$0x11000] =	vst v63  }
0x38: {  	_ =	swait.ge [sflag:s12], $0x400  }
0x39: {  	[sflag:s12] =	ssyncset.done $0x0  }
0x3a: {  	s29 =	simm.s32 $0x2860;
	[sflag:s12] =	ssyncadd.s32 $0xFFFFFC00  }
0x3b: {  	[spmem:s3] =	stream.indirect.scatter.add.f32 [tilespmem:s23], [sflag:$0x2], $0x40, s29, s17, $0xb8;
	[tilespmem:$0x11000] =	vst v63  }
0x3c: {  	_ =	swait.ge [sflag:s12], $0x400  }
0x3d: {  	[sflag:s12] =	ssyncset.done $0x0  }
0x3e: {  	s31 =	simm.s32 $0x2870;
	[sflag:s12] =	ssyncadd.s32 $0xFFFFFC00  }
0x3f: {  	[spmem:s3] =	stream.indirect.scatter.add.f32 [tilespmem:s24], [sflag:$0x2], $0x40, s31, s17, $0xb8;
	[tilespmem:$0x11000] =	vst v63  }
0x40: {  	_ =	swait.ge [sflag:s12], $0x400  }
0x41: {  	s30 =	simm.s32 $0x400;
	s26 =	simm.s32 $0x200;
	[sflag:s12] =	ssyncset.done $0x0  }
.LBB2_2:
0x42: {  	s29 =	sshra.s32 s26, $0x2  }
0x43: {  	[sflag:s12] =	ssyncadd.s32 $0xFFFFFC00;
	s26 =	smov.u32 s30;
	s28 =	sadd.s32 $0x200, s30  }
0x44: {  	[tilespmem:s15], [sflag:$0x1] =	stream.indirect.gather [hbm4b:s2+s14], $0x40, s29, s14, $0xb8;
	[tilespmem:$0x11000] =	vst v63  }
0x45: {  	p0 =	sne.s32 s30, $0x9E00;
	_ =	swait.ge [sflag:s16], $0x2000  }
0x46: {  	[sflag:s16] =	ssyncset.done $0x0  }
0x47: {  	s30 =	sadd.s32 $0x2800, s29;
	[sflag:s16] =	ssyncadd.s32 $0xFFFFE000  }
0x48: {  	[spmem:s3] =	stream.indirect.scatter.add.f32 [tilespmem:s15], [sflag:$0x2], $0x40, s30, s17, $0xb8;
	[tilespmem:$0x11000] =	vst v63  }
0x49: {  	_ =	swait.ge [sflag:s12], $0x400  }
0x4a: {  	[sflag:s12] =	ssyncset.done $0x0  }
0x4b: {  	s30 =	sadd.s32 $0x2810, s29;
	[sflag:s12] =	ssyncadd.s32 $0xFFFFFC00  }
0x4c: {  	[spmem:s3] =	stream.indirect.scatter.add.f32 [tilespmem:s18], [sflag:$0x2], $0x40, s30, s17, $0xb8;
	[tilespmem:$0x11000] =	vst v63  }
0x4d: {  	_ =	swait.ge [sflag:s12], $0x400  }
0x4e: {  	[sflag:s12] =	ssyncset.done $0x0  }
0x4f: {  	s30 =	sadd.s32 $0x2820, s29;
	[sflag:s12] =	ssyncadd.s32 $0xFFFFFC00  }
0x50: {  	[spmem:s3] =	stream.indirect.scatter.add.f32 [tilespmem:s19], [sflag:$0x2], $0x40, s30, s17, $0xb8;
	[tilespmem:$0x11000] =	vst v63  }
0x51: {  	_ =	swait.ge [sflag:s12], $0x400  }
0x52: {  	[sflag:s12] =	ssyncset.done $0x0  }
0x53: {  	s30 =	sadd.s32 $0x2830, s29;
	[sflag:s12] =	ssyncadd.s32 $0xFFFFFC00  }
0x54: {  	[spmem:s3] =	stream.indirect.scatter.add.f32 [tilespmem:s20], [sflag:$0x2], $0x40, s30, s17, $0xb8;
	[tilespmem:$0x11000] =	vst v63  }
0x55: {  	_ =	swait.ge [sflag:s12], $0x400  }
0x56: {  	[sflag:s12] =	ssyncset.done $0x0  }
0x57: {  	s30 =	sadd.s32 $0x2840, s29;
	[sflag:s12] =	ssyncadd.s32 $0xFFFFFC00  }
0x58: {  	[spmem:s3] =	stream.indirect.scatter.add.f32 [tilespmem:s21], [sflag:$0x2], $0x40, s30, s17, $0xb8;
	[tilespmem:$0x11000] =	vst v63  }
0x59: {  	_ =	swait.ge [sflag:s12], $0x400  }
0x5a: {  	[sflag:s12] =	ssyncset.done $0x0  }
0x5b: {  	s30 =	sadd.s32 $0x2850, s29;
	[sflag:s12] =	ssyncadd.s32 $0xFFFFFC00  }
0x5c: {  	[spmem:s3] =	stream.indirect.scatter.add.f32 [tilespmem:s22], [sflag:$0x2], $0x40, s30, s17, $0xb8;
	[tilespmem:$0x11000] =	vst v63  }
0x5d: {  	_ =	swait.ge [sflag:s12], $0x400  }
0x5e: {  	[sflag:s12] =	ssyncset.done $0x0  }
0x5f: {  	s30 =	sadd.s32 $0x2860, s29;
	[sflag:s12] =	ssyncadd.s32 $0xFFFFFC00  }
0x60: {  	[spmem:s3] =	stream.indirect.scatter.add.f32 [tilespmem:s23], [sflag:$0x2], $0x40, s30, s17, $0xb8;
	[tilespmem:$0x11000] =	vst v63  }
0x61: {  	_ =	swait.ge [sflag:s12], $0x400  }
.Ltmp0:
0x62: {  	[sflag:s12] =	ssyncset.done $0x0;
	(pc) =	sbr.rel @p0 .LBB2_2-.Ltmp0, $4  }
0x63: {  	s29 =	sadd.s32 $0x2870, s29;
	[sflag:s12] =	ssyncadd.s32 $0xFFFFFC00  }
0x64: {  	[spmem:s3] =	stream.indirect.scatter.add.f32 [tilespmem:s24], [sflag:$0x2], $0x40, s29, s17, $0xb8;
	[tilespmem:$0x11000] =	vst v63  }
0x65: {  	_ =	swait.ge [sflag:s12], $0x400  }
0x66: {  	s30 =	smov.u32 s28;
	[sflag:s12] =	ssyncset.done $0x0  }
0x67: {  	s26 =	sshra.s32 s26, $0x2;
	[sflag:s12] =	ssyncadd.s32 $0xFFFFFC00  }
0x68: {  	[tilespmem:s15], [sflag:$0x1] =	stream.indirect.gather [hbm4b:s2+s14], $0x40, s26, s14, $0xb8;
	[tilespmem:$0x11000] =	vst v63  }
0x69: {  	_ =	swait.ge [sflag:s16], $0x2000  }
0x6a: {  	[sflag:s16] =	ssyncset.done $0x0  }
0x6b: {  	s28 =	sadd.s32 $0x2800, s26;
	[sflag:s16] =	ssyncadd.s32 $0xFFFFE000  }
0x6c: {  	[spmem:s3] =	stream.indirect.scatter.add.f32 [tilespmem:s15], [sflag:$0x2], $0x40, s28, s17, $0xb8;
	[tilespmem:$0x11000] =	vst v63  }
0x6d: {  	_ =	swait.ge [sflag:s12], $0x400  }
0x6e: {  	[sflag:s12] =	ssyncset.done $0x0  }
0x6f: {  	s29 =	sadd.s32 $0x2810, s26;
	[sflag:s12] =	ssyncadd.s32 $0xFFFFFC00  }
0x70: {  	[spmem:s3] =	stream.indirect.scatter.add.f32 [tilespmem:s18], [sflag:$0x2], $0x40, s29, s17, $0xb8;
	[tilespmem:$0x11000] =	vst v63  }
0x71: {  	_ =	swait.ge [sflag:s12], $0x400  }
0x72: {  	[sflag:s12] =	ssyncset.done $0x0  }
0x73: {  	s30 =	sadd.s32 $0x2820, s26;
	[sflag:s12] =	ssyncadd.s32 $0xFFFFFC00  }
0x74: {  	[spmem:s3] =	stream.indirect.scatter.add.f32 [tilespmem:s19], [sflag:$0x2], $0x40, s30, s17, $0xb8;
	[tilespmem:$0x11000] =	vst v63  }
0x75: {  	_ =	swait.ge [sflag:s12], $0x400  }
0x76: {  	[sflag:s12] =	ssyncset.done $0x0  }
0x77: {  	s31 =	sadd.s32 $0x2830, s26;
	[sflag:s12] =	ssyncadd.s32 $0xFFFFFC00  }
0x78: {  	[spmem:s3] =	stream.indirect.scatter.add.f32 [tilespmem:s20], [sflag:$0x2], $0x40, s31, s17, $0xb8;
	[tilespmem:$0x11000] =	vst v63  }
0x79: {  	_ =	swait.ge [sflag:s12], $0x400  }
0x7a: {  	[sflag:s12] =	ssyncset.done $0x0  }
0x7b: {  	s29 =	sadd.s32 $0x2840, s26;
	[sflag:s12] =	ssyncadd.s32 $0xFFFFFC00  }
0x7c: {  	[spmem:s3] =	stream.indirect.scatter.add.f32 [tilespmem:s21], [sflag:$0x2], $0x40, s29, s17, $0xb8;
	[tilespmem:$0x11000] =	vst v63  }
0x7d: {  	_ =	swait.ge [sflag:s12], $0x400  }
0x7e: {  	[sflag:s12] =	ssyncset.done $0x0  }
0x7f: {  	s30 =	sadd.s32 $0x2850, s26;
	[sflag:s12] =	ssyncadd.s32 $0xFFFFFC00  }
0x80: {  	[spmem:s3] =	stream.indirect.scatter.add.f32 [tilespmem:s22], [sflag:$0x2], $0x40, s30, s17, $0xb8;
	[tilespmem:$0x11000] =	vst v63  }
0x81: {  	_ =	swait.ge [sflag:s12], $0x400  }
0x82: {  	[sflag:s12] =	ssyncset.done $0x0  }
0x83: {  	s31 =	sadd.s32 $0x2860, s26;
	[sflag:s12] =	ssyncadd.s32 $0xFFFFFC00  }
0x84: {  	[spmem:s3] =	stream.indirect.scatter.add.f32 [tilespmem:s23], [sflag:$0x2], $0x40, s31, s17, $0xb8;
	[tilespmem:$0x11000] =	vst v63  }
0x85: {  	_ =	swait.ge [sflag:s12], $0x400  }
0x86: {  	[sflag:s12] =	ssyncset.done $0x0  }
0x87: {  	s26 =	sadd.s32 $0x2870, s26;
	[sflag:s12] =	ssyncadd.s32 $0xFFFFFC00  }
0x88: {  	[spmem:s3] =	stream.indirect.scatter.add.f32 [tilespmem:s24], [sflag:$0x2], $0x40, s26, s17, $0xb8;
	[tilespmem:$0x11000] =	vst v63  }
0x89: {  	_ =	swait.ge [sflag:s12], $0x400  }
0x8a: {  	s25 =	sadd.s32 $0x1, s25;
	[sflag:s12] =	ssyncset.done $0x0  }
0x8b: {  	p0 =	sne.s32 s25, s10;
	[sflag:s12] =	ssyncadd.s32 $0xFFFFFC00  }
.Ltmp1:
0x8c: {  	[bflag:$0x0] =	sbarrier.arrive $0xFFFF;
	(pc) =	sbr.rel @p0 .LBB2_1-.Ltmp1, $4  }
0x8d: {  	[hbm:s9], [sflag:s6] =	dma.local [spmem:s11], $0x1400  }
0x8e: {  	_ =	swait.ge [sflag:s12], $0x1400  }
0x8f: {  	[sflag:s12] =	ssyncset.done $0x0  }
0x90: {  	[sflag:s12] =	ssyncadd.s32 $0xFFFFEC00  }
0x91: {  	_ =	sfence.sel $0x180000  }
0x92: {  	[bflag:$0x0] =	sbarrier.arrive $0xFFFF  }
0x93: {  	p0 =	sne.s32 s0, $0x0;
	_ =	strace $0x90000059  }
0x94: {  	s0 =	sadd.s32 @!p0 $0x100000, s1;
	[bflag:$0x2] =	sbarrier.arrive $0xFFFF  }
0x95: {  	[sflag:s0] =	ssyncadd.tile.s32 @!p0 $0x1;
	_ =	shalt  }
.Lfunc_end2:
_tile_overlayer_lowered:
.L_overlay_start_2:
0x96: {  	(tag) =	ssettag $0x2  }
0x97: {  	s0 =	rddreg [dreg:$0x0];
	s2 =	stileid.u32  }
0x98: {  	s1 =	rddreg [dreg:$0x1];
	p0 =	sne.s32 s2, $0x0  }
0x99: {  	s3 =	rddreg [dreg:$0x2];
	[bflag:$0x3] =	sbarrier.arrive $0xFFFF;
	s2 =	simm.s32 @!p0 $0x1C02  }
0x9a: {  	[timem:s3], [sflag:s2] =	dma.local @!p0 [hbm:s0], s1  }
0x9b: {  	s0 =	simm.s32 @!p0 $0x2  }
0x9c: {  	_ =	swait.ge @!p0 [sflag:s0], s1  }
0x9d: {  	s1 =	ssub.s32 @!p0 $0x0, s1;
	[sflag:s0] =	ssyncset.done @!p0 $0x0  }
0x9e: {  	[sflag:s0] =	ssyncadd.s32 @!p0 s1  }
0x9f: {  	[bflag:$0x3] =	sbarrier.arrive $0xFFFF  }
0xa0: {  	_ =	shalt  }

// kernel: kernel.24.cloned.1.call-start
scs
__scs_entry_jumppad:
0x0: {  	(pc) =	sbr.rel $0x88, $3  }
0x1: {  	(tag) =	ssettag $0x0;
	lr =	simm.s32 $0x1  }
0x2: {  	[smem:$0x3F92] =	sst lr;
	_ =	strace $0xD0000000  }
0x3: {  	_ = 	snop  }
0x4: {  	_ = 	snop  }
0x5: {  	_ = 	snop  }
0x6: {  	_ = 	snop  }
0x7: {  	_ = 	snop  }
__scs_overlays_trampoline_lowered:
0x8: {  	[smem:$0x3FA1] =	sst s0  }
0x9: {  	[smem:$0x3FA2] =	sst s1  }
0xa: {  	[smem:$0x3FA3] =	sst s2  }
0xb: {  	[smem:$0x3FA4] =	sst s3  }
0xc: {  	[smem:$0x3FA5] =	sst s4  }
0xd: {  	[smem:$0x3FA6] =	sst s5  }
0xe: {  	[smem:$0x3FA7] =	sst s6  }
0xf: {  	[smem:$0x3FA8] =	sst s7  }
0x10: {  	[smem:$0x3FA9] =	sst s8  }
0x11: {  	[smem:$0x3FAA] =	sst s9;
	s0 =	simm.s32 @!p0 $0x0  }
0x12: {  	s1 =	sld [smem:$0x3F90];
	s0 =	simm.s32 @p0 $0x1  }
0x13: {  	[smem:$0x3FAB] =	sst s0;
	s0 =	simm.s32 @!p1 $0x0  }
0x14: {  	s2 =	sld [smem:$0x3F8F];
	s0 =	simm.s32 @p1 $0x1  }
0x15: {  	[smem:$0x3FAC] =	sst s0;
	s0 =	simm.s32 @!p2 $0x0  }
0x16: {  	s3 =	sld [smem:$0x3FDB];
	s0 =	simm.s32 @p2 $0x1  }
0x17: {  	s4 =	simm.s32 $0x1BF5;
	[smem:$0x3FAE] =	sst s0  }
0x18: {  	s0 =	sld [smem:$0x3F91];
	_ =	swait.ge [sflag:s4], $0x0  }
0x19: {  	s7 =	sld [smem:$0x3F92]  }
0x1a: {  	s8 =	sadd.s32 $0xFFFFE003, lr  }
0x1b: {  	s9 =	sadd.s32 $0xFFFFFEF7, lr;
	s5 =	simm.s32 $0xFFFFFFFF;
	p2 =	slt.u32 s8, $0xFFFFF086  }
0x1c: {  	p1 =	slt.u32 s9, $0xF7A;
	s5 =	simm.s32 @!p2 $0x0  }
0x1d: {  	s5 =	simm.s32 @p1 $0x1;
	p0 =	seq.s32 s7, s2  }
0x1e: {  	s7 =	smul.u32 @!p0 $0xF7A, s2;
	p2 =	seq.s32 @!p0 s5, $0x0  }
0x1f: {  	s9 =	smul.u32 $0xF7A, s1;
	s8 =	simm.s32 @!p0 $0x1BF5;
	p2 =	por !p2, p0  }
0x20: {  	[sflag:s8] =	ssyncset.s32 @!p0 $0xFFFFF086;
	s6 =	sadd.s32 @!p0 s3, s7;
	s7 =	simm.s32 @!p0 $0x108  }
0x21: {  	s3 =	sadd.s32 s3, s9;
	s6 =	sadd.s32 @!p0 $0x88, s6;
	s7 =	simm.s32 @p2 $0x1082  }
0x22: {  	[simem:s7], [sflag:s8] =	dma.local @!p0 [hbm:s6], $0xF7A  }
0x23: {  	s9 =	sor.u32 $0xD0000000, s2;
	s6 =	simm.s32 $0x108;
	_ =	swait.ge @!p0 [sflag:s8], $0x0  }
0x24: {  	s3 =	sadd.s32 $0x88, s3;
	s6 =	simm.s32 @!p1 $0x1082;
	[sflag:s4] =	ssyncset.s32 $0xFFFFF086  }
0x25: {  	[simem:s6], [sflag:s4] =	dma.local [hbm:s3], $0xF7A  }
0x26: {  	[smem:$0x3F92] =	sst s1;
	(tag) =	ssettag s2;
	_ =	strace s9  }
0x27: {  	s1 =	sld [smem:$0x3FA2]  }
0x28: {  	s2 =	sld [smem:$0x3FA3]  }
0x29: {  	s4 =	sld [smem:$0x3FA5]  }
0x2a: {  	p0 =	seq.s32 s5, $0x0;
	s5 =	sld [smem:$0x3FA6]  }
0x2b: {  	s6 =	sld [smem:$0x3FA7]  }
0x2c: {  	s7 =	sld [smem:$0x3FA8]  }
0x2d: {  	s3 =	simm.s32 $0x108;
	s8 =	sld [smem:$0x3FA9]  }
0x2e: {  	s3 =	simm.s32 @!p0 $0x1082;
	s9 =	sld [smem:$0x3FAA]  }
0x2f: {  	lr =	sadd.s32 s0, s3;
	s0 =	sld [smem:$0x3FA1]  }
0x30: {  	s3 =	sld [smem:$0x3FA4]  }
0x31: {  	[smem:$0x3FAD] =	sst s10  }
0x32: {  	s10 =	sld [smem:$0x3FAB];
	_ =	sdelay $0x3  }
0x33: {  	p0 =	seq.s32 s10, $0x1;
	s10 =	sld [smem:$0x3FAD];
	_ =	sdelay $0x3  }
0x34: {  	[smem:$0x3FAD] =	sst s10  }
0x35: {  	s10 =	sld [smem:$0x3FAC];
	_ =	sdelay $0x3  }
0x36: {  	p1 =	seq.s32 s10, $0x1;
	s10 =	sld [smem:$0x3FAD];
	_ =	sdelay $0x3  }
0x37: {  	[smem:$0x3FAD] =	sst s10  }
0x38: {  	s10 =	sld [smem:$0x3FAE]  }
0x39: {  	_ = 	snop;
	(pc) =	sbr.ind lr, $3  }
0x3a: {  	_ = 	snop  }
0x3b: {  	_ = 	snop  }
0x3c: {  	p2 =	seq.s32 s10, $0x1;
	s10 =	sld [smem:$0x3FAD]  }
0x3d: {  	_ =	shalt  }
0x3e: {  	_ =	shalt  }
0x3f: {  	_ =	shalt  }
0x40: {  	_ =	shalt  }
0x41: {  	_ =	shalt  }
0x42: {  	_ =	shalt  }
0x43: {  	_ =	shalt  }
0x44: {  	_ =	shalt  }
0x45: {  	_ =	shalt  }
0x46: {  	_ =	shalt  }
0x47: {  	_ =	shalt  }
0x48: {  	_ =	shalt  }
0x49: {  	_ =	shalt  }
0x4a: {  	_ =	shalt  }
0x4b: {  	_ =	shalt  }
0x4c: {  	_ =	shalt  }
0x4d: {  	_ =	shalt  }
0x4e: {  	_ =	shalt  }
0x4f: {  	_ =	shalt  }
0x50: {  	_ =	shalt  }
0x51: {  	_ =	shalt  }
0x52: {  	_ =	shalt  }
0x53: {  	_ =	shalt  }
0x54: {  	_ =	shalt  }
0x55: {  	_ =	shalt  }
0x56: {  	_ =	shalt  }
0x57: {  	_ =	shalt  }
0x58: {  	_ =	shalt  }
0x59: {  	_ =	shalt  }
0x5a: {  	_ =	shalt  }
0x5b: {  	_ =	shalt  }
0x5c: {  	_ =	shalt  }
0x5d: {  	_ =	shalt  }
0x5e: {  	_ =	shalt  }
0x5f: {  	_ =	shalt  }
0x60: {  	_ =	shalt  }
0x61: {  	_ =	shalt  }
0x62: {  	_ =	shalt  }
0x63: {  	_ =	shalt  }
0x64: {  	_ =	shalt  }
0x65: {  	_ =	shalt  }
0x66: {  	_ =	shalt  }
0x67: {  	_ =	shalt  }
0x68: {  	_ =	shalt  }
0x69: {  	_ =	shalt  }
0x6a: {  	_ =	shalt  }
0x6b: {  	_ =	shalt  }
0x6c: {  	_ =	shalt  }
0x6d: {  	_ =	shalt  }
0x6e: {  	_ =	shalt  }
0x6f: {  	_ =	shalt  }
0x70: {  	_ =	shalt  }
0x71: {  	_ =	shalt  }
0x72: {  	_ =	shalt  }
0x73: {  	_ =	shalt  }
0x74: {  	_ =	shalt  }
0x75: {  	_ =	shalt  }
0x76: {  	_ =	shalt  }
0x77: {  	_ =	shalt  }
0x78: {  	_ =	shalt  }
0x79: {  	_ =	shalt  }
0x7a: {  	_ =	shalt  }
0x7b: {  	_ =	shalt  }
0x7c: {  	_ =	shalt  }
0x7d: {  	_ =	shalt  }
0x7e: {  	_ =	shalt  }
0x7f: {  	_ =	shalt  }
0x80: {  	_ =	shalt  }
0x81: {  	_ =	shalt  }
0x82: {  	_ =	shalt  }
0x83: {  	_ =	shalt  }
0x84: {  	_ =	shalt  }
0x85: {  	_ =	shalt  }
0x86: {  	_ =	shalt  }
0x87: {  	_ =	shalt  }
.Lfunc_end0:
.L_simem_size_0:
called_computation.7_lowered:
.L_overlay_start_0:
0x88: {  	s2 =	sld [smem:$0x3FD9]  }
0x89: {  	s3 =	sld [smem:$0x3FFE];
	_ =	sdelay $0x1  }
0x8a: {  	s1 =	srdreg.scid  }
0x8b: {  	s0 =	sand.u32 $0x1, s1  }
0x8c: {  	s17 =	sshll.u32 s0, $0xA;
	s2 =	sadd.s32 s3, s2  }
0x8d: {  	s2 =	sadd.s32 s2, s17  }
0x8e: {  	[smem:$0x3FB9] =	sst s2  }
0x8f: {  	_ = 	snop  }
0x90: {  	s2 =	sld [smem:$0x3FD0];
	(tm) =	ssettm $0x1  }
0x91: {  	s18 =	sld [smem:$0x3FFB];
	_ =	sdelay $0x3  }
0x92: {  	_ =	strace s18  }
0x93: {  	s3 =	sld [smem:$0x3FFC];
	_ =	sdelay $0x3  }
0x94: {  	_ =	strace s3  }
0x95: {  	s3 =	sld [smem:$0x3FFD];
	_ =	sdelay $0x3  }
0x96: {  	_ =	strace s3  }
0x97: {  	_ =	strace $0x8FFFFFFF  }
0x98: {  	s19 =	sld [smem:$0x3FDB];
	_ =	sdelay $0x1  }
0x99: {  	s4 =	simm.s32 $_scs_section_size  }
0x9a: {  	s5 =	simm.s32 $_size__tile_overlayer_lowered;
	s6 =	simm.s32 $_tile_overlayer_lowered  }
0x9b: {  	s22 =	simm.s32 $0x1BFF;
	s21 =	sshll.u32 s6, $0x1;
	s3 =	sadd.s32 s4, s19  }
0x9c: {  	s7 =	simm.s32 $0x0;
	s20 =	sshll.u32 s5, $0x1;
	s5 =	sadd.s32 s21, s3  }
0x9d: {  	[timem:s7], [sflag:s22] =	dma.local [hbm:s5], s20  }
0x9e: {  	_ =	swait.ge [sflag:s22], s20  }
0x9f: {  	s4 =	ssub.s32 $0x0, s20;
	[sflag:s22] =	ssyncset.done $0x0  }
0xa0: {  	[sflag:s22] =	ssyncadd.s32 s4;
	_ =	sdelay $0x1  }
0xa1: {  	s23 =	simm.s32 $0x1B8B  }
0xa2: {  	_ =	swait.ge [sflag:s23], $0x1  }
0xa3: {  	[sflag:s23] =	ssyncset.done $0x0  }
0xa4: {  	s25 =	simm.s32 $0x1B8E;
	s24 =	sld [smem:$0x3FFE];
	[sflag:s23] =	ssyncadd.s32 $0xFFFFFFFF  }
0xa5: {  	s26 =	simm.s32 $execute0_lowered;
	[smem:$0x3FD2] =	sst s25  }
0xa6: {  	s5 =	sshll.u32 s26, $0x1;
	_ =	strace $0x8000005B;
	[dreg:$0x1] =	wrdreg $0xFFFFFFFF  }
0xa7: {  	s28 =	simm.s32 $_size_execute0_lowered;
	s3 =	sadd.s32 s3, s5;
	[dreg:$0x0] =	wrdreg $0x0  }
0xa8: {  	s5 =	sshll.u32 s28, $0x1;
	[dreg:$0x2] =	wrdreg s3  }
0xa9: {  	[dreg:$0x3] =	wrdreg s5  }
0xaa: {  	[dreg:$0x4] =	wrdreg $0xC0  }
0xab: {  	_ =	task [dreg:s7], $0x5FFFF  }
0xac: {  	[dreg:$0x1] =	wrdreg $0xFFFFFFFF  }
0xad: {  	[dreg:$0x0] =	wrdreg $0x60  }
0xae: {  	[dreg:$0x2] =	wrdreg s2  }
0xaf: {  	[dreg:$0x3] =	wrdreg s24  }
0xb0: {  	[dreg:$0x4] =	wrdreg $0x70000  }
0xb1: {  	[dreg:$0x5] =	wrdreg $0x9  }
0xb2: {  	_ =	task.clear_ibuf [dreg:s7], $0x6FFFF;
	_ =	strace $0x9000005B  }
0xb3: {  	s29 =	simm.s32 $0x9;
	_ =	strace $0x8000005D  }
0xb4: {  	_ =	swait.ge [sflag:s29], $0x1  }
0xb5: {  	[sflag:s29] =	ssyncadd.s32 $0xFFFFFFFF  }
0xb6: {  	_ =	strace $0x9000005D  }
0xb7: {  	_ =	sfence  }
0xb8: {  	s30 =	sld [smem:$0x0];
	_ =	sdelay $0x2  }
0xb9: {  	s31 =	sshll.u32 s1, $0xD;
	s1 =	sshrl.u32 s1, $0x2  }
0xba: {  	s3 =	sand.u32 $0x4000, s31;
	s1 =	sadd.s32 s1, s30  }
0xbb: {  	s0 =	sor.u32 s3, s0;
	s1 =	sshll.u32 s1, $0x11  }
0xbc: {  	s0 =	sor.u32 s1, s0  }
0xbd: {  	s0 =	sadd.s32 $0x8F2B, s0  }
0xbe: {  	[sflag:s0] =	ssyncadd.remote.s32 $0x1  }
0xbf: {  	_ =	sfence.sel $0xFFFF  }
0xc0: {  	[dreg:$0x0] =	wrdreg $0xFFFFFFFF;
	(pc) =	sbr.abs _section_cstart, $3  }
0xc1: {  	[dreg:$0x1] =	wrdreg $0xFFFFFFFF  }
0xc2: {  	_ =	task.clear_ibuf [dreg:s7], $0x2FFFF;
	_ =	strace $0x9FFFFFFF  }
0xc3: {  	(tm) =	ssettm $0x7FFFFFFF  }
tec
execute0_lowered:
.L_overlay_start_1:
0x0: {  	(tag) =	ssettag $0x1  }
0x1: {  	s2 =	rddreg [dreg:$0x0]  }
0x2: {  	s6 =	rddreg [dreg:$0x1]  }
0x3: {  	s0 =	srdreg.scid;
	s3 =	rddreg [dreg:$0x2];
	s4 =	simm.s32 $0x0  }
0x4: {  	s14 =	simm.s32 $0x80;
	s15 =	simm.s32 $0x5000;
	s16 =	simm.s32 $0x1  }
0x5: {  	s17 =	simm.s32 $0x10;
	s18 =	simm.s32 $0x5400;
	s19 =	simm.s32 $0x5800  }
0x6: {  	s20 =	simm.s32 $0x5C00;
	s21 =	simm.s32 $0x6000;
	s22 =	simm.s32 $0x6400  }
0x7: {  	s23 =	simm.s32 $0x6800;
	s5 =	sand.u32 $0x1, s0;
	s0 =	stileid.u32  }
0x8: {  	s24 =	simm.s32 $0x6C00;
	s25 =	simm.s32 $0x0;
	s8 =	smul.u32 $0xA000, s0  }
0x9: {  	[smem:$0x7FF] =	sst s4;
	s1 =	sshll.u32 s5, $0x4;
	s9 =	smul.u32 $0xA0000, s5  }
0xa: {  	s5 =	ssub.s32 $0x2, s5;
	s31 =	sshll.u32 s0, $0x6;
	s1 =	sor.u32 s0, s1  }
0xb: {  	s30 =	sshrl.u32 s5, $0x1;
	s7 =	smul.u32 $0x500, s1;
	s1 =	rddreg [dreg:$0x3]  }
0xc: {  	_ =	strace $0x8000005C;
	s28 =	sadd.s32 s8, s9;
	s29 =	sshrl.u32 s8, $0x3  }
0xd: {  	s12 =	ssub.s32 s5, s30;
	s13 =	sadd.s32 s8, s3;
	s9 =	sadd.s32 s29, s6  }
0xe: {  	s10 =	sadd.s32 s7, s6;
	s7 =	sshrl.u32 s28, $0x3;
	s5 =	sadd.s32 $0x1A400, s9  }
0xf: {  	s11 =	sadd.s32 s7, s6;
	s6 =	sor.u32 $0x1C02, s31;
	s7 =	sadd.s32 $0x68E00, s10  }
0x10: {  	s8 =	sadd.s32 $0x10400, s10;
	s10 =	smax.u32 s12, $0x1;
	s12 =	simm.s32 $0x2  }
0x11: {  	s9 =	sadd.s32 $0x2E400, s11;
	s11 =	sshrl.u32 s13, $0x3;
	s13 =	simm.s32 $0x2800  }
.LBB2_1:
0x12: {  	[spmem:s11], [sflag:s6] =	dma.local [hbm:s5], $0x1400  }
0x13: {  	_ =	swait.ge [sflag:s12], $0x1400  }
0x14: {  	[sflag:s12] =	ssyncset.done $0x0  }
0x15: {  	[sflag:s12] =	ssyncadd.s32 $0xFFFFEC00  }
0x16: {  	[tilespmem:s4], [sflag:$0x2] =	stream.linear.gather [hbm4b:s7+s4], $0x2800, $0x38;
	[tilespmem:$0x11000] =	vst v63  }
0x17: {  	_ =	swait.ge [sflag:s12], $0x2800  }
0x18: {  	[sflag:s12] =	ssyncset.done $0x0  }
0x19: {  	[sflag:s12] =	ssyncadd.s32 $0xFFFFD800  }
0x1a: {  	[tilespmem:s13], [sflag:$0x2] =	stream.linear.gather [hbm4b:s8+s4], $0x2800, $0x38;
	[tilespmem:$0x11000] =	vst v63  }
0x1b: {  	_ =	swait.ge [sflag:s12], $0x2800  }
0x1c: {  	[sflag:s12] =	ssyncset.done $0x0  }
0x1d: {  	[sflag:s12] =	ssyncadd.s32 $0xFFFFD800  }
0x1e: {  	s26 =	simm.s32 $0x0;
	[bflag:$0x0] =	sbarrier.arrive $0xFFFF  }
0x1f: {  	[tilespmem:s15], [sflag:$0x1] =	stream.indirect.gather [hbm4b:s2+s14], $0x40, s26, s14, $0xb8;
	[tilespmem:$0x11000] =	vst v63  }
0x20: {  	_ =	swait.ge [sflag:s16], $0x2000  }
0x21: {  	[sflag:s16] =	ssyncset.done $0x0  }
0x22: {  	s29 =	simm.s32 $0x2800;
	[sflag:s16] =	ssyncadd.s32 $0xFFFFE000  }
0x23: {  	[spmem:s3] =	stream.indirect.scatter.add.f32 [tilespmem:s15], [sflag:$0x2], $0x40, s29, s17, $0xb8;
	[tilespmem:$0x11000] =	vst v63  }
0x24: {  	_ =	swait.ge [sflag:s12], $0x400  }
0x25: {  	[sflag:s12] =	ssyncset.done $0x0  }
0x26: {  	s31 =	simm.s32 $0x2810;
	[sflag:s12] =	ssyncadd.s32 $0xFFFFFC00  }
0x27: {  	[spmem:s3] =	stream.indirect.scatter.add.f32 [tilespmem:s18], [sflag:$0x2], $0x40, s31, s17, $0xb8;
	[tilespmem:$0x11000] =	vst v63  }
0x28: {  	_ =	swait.ge [sflag:s12], $0x400  }
0x29: {  	[sflag:s12] =	ssyncset.done $0x0  }
0x2a: {  	s28 =	simm.s32 $0x2820;
	[sflag:s12] =	ssyncadd.s32 $0xFFFFFC00  }
0x2b: {  	[spmem:s3] =	stream.indirect.scatter.add.f32 [tilespmem:s19], [sflag:$0x2], $0x40, s28, s17, $0xb8;
	[tilespmem:$0x11000] =	vst v63  }
0x2c: {  	_ =	swait.ge [sflag:s12], $0x400  }
0x2d: {  	[sflag:s12] =	ssyncset.done $0x0  }
0x2e: {  	s29 =	simm.s32 $0x2830;
	[sflag:s12] =	ssyncadd.s32 $0xFFFFFC00  }
0x2f: {  	[spmem:s3] =	stream.indirect.scatter.add.f32 [tilespmem:s20], [sflag:$0x2], $0x40, s29, s17, $0xb8;
	[tilespmem:$0x11000] =	vst v63  }
0x30: {  	_ =	swait.ge [sflag:s12], $0x400  }
0x31: {  	[sflag:s12] =	ssyncset.done $0x0  }
0x32: {  	s31 =	simm.s32 $0x2840;
	[sflag:s12] =	ssyncadd.s32 $0xFFFFFC00  }
0x33: {  	[spmem:s3] =	stream.indirect.scatter.add.f32 [tilespmem:s21], [sflag:$0x2], $0x40, s31, s17, $0xb8;
	[tilespmem:$0x11000] =	vst v63  }
0x34: {  	_ =	swait.ge [sflag:s12], $0x400  }
0x35: {  	[sflag:s12] =	ssyncset.done $0x0  }
0x36: {  	s28 =	simm.s32 $0x2850;
	[sflag:s12] =	ssyncadd.s32 $0xFFFFFC00  }
0x37: {  	[spmem:s3] =	stream.indirect.scatter.add.f32 [tilespmem:s22], [sflag:$0x2], $0x40, s28, s17, $0xb8;
	[tilespmem:$0x11000] =	vst v63  }
0x38: {  	_ =	swait.ge [sflag:s12], $0x400  }
0x39: {  	[sflag:s12] =	ssyncset.done $0x0  }
0x3a: {  	s29 =	simm.s32 $0x2860;
	[sflag:s12] =	ssyncadd.s32 $0xFFFFFC00  }
0x3b: {  	[spmem:s3] =	stream.indirect.scatter.add.f32 [tilespmem:s23], [sflag:$0x2], $0x40, s29, s17, $0xb8;
	[tilespmem:$0x11000] =	vst v63  }
0x3c: {  	_ =	swait.ge [sflag:s12], $0x400  }
0x3d: {  	[sflag:s12] =	ssyncset.done $0x0  }
0x3e: {  	s31 =	simm.s32 $0x2870;
	[sflag:s12] =	ssyncadd.s32 $0xFFFFFC00  }
0x3f: {  	[spmem:s3] =	stream.indirect.scatter.add.f32 [tilespmem:s24], [sflag:$0x2], $0x40, s31, s17, $0xb8;
	[tilespmem:$0x11000] =	vst v63  }
0x40: {  	_ =	swait.ge [sflag:s12], $0x400  }
0x41: {  	s30 =	simm.s32 $0x400;
	s26 =	simm.s32 $0x200;
	[sflag:s12] =	ssyncset.done $0x0  }
.LBB2_2:
0x42: {  	s29 =	sshra.s32 s26, $0x2  }
0x43: {  	[sflag:s12] =	ssyncadd.s32 $0xFFFFFC00;
	s26 =	smov.u32 s30;
	s28 =	sadd.s32 $0x200, s30  }
0x44: {  	[tilespmem:s15], [sflag:$0x1] =	stream.indirect.gather [hbm4b:s2+s14], $0x40, s29, s14, $0xb8;
	[tilespmem:$0x11000] =	vst v63  }
0x45: {  	p0 =	sne.s32 s30, $0x9E00;
	_ =	swait.ge [sflag:s16], $0x2000  }
0x46: {  	[sflag:s16] =	ssyncset.done $0x0  }
0x47: {  	s30 =	sadd.s32 $0x2800, s29;
	[sflag:s16] =	ssyncadd.s32 $0xFFFFE000  }
0x48: {  	[spmem:s3] =	stream.indirect.scatter.add.f32 [tilespmem:s15], [sflag:$0x2], $0x40, s30, s17, $0xb8;
	[tilespmem:$0x11000] =	vst v63  }
0x49: {  	_ =	swait.ge [sflag:s12], $0x400  }
0x4a: {  	[sflag:s12] =	ssyncset.done $0x0  }
0x4b: {  	s30 =	sadd.s32 $0x2810, s29;
	[sflag:s12] =	ssyncadd.s32 $0xFFFFFC00  }
0x4c: {  	[spmem:s3] =	stream.indirect.scatter.add.f32 [tilespmem:s18], [sflag:$0x2], $0x40, s30, s17, $0xb8;
	[tilespmem:$0x11000] =	vst v63  }
0x4d: {  	_ =	swait.ge [sflag:s12], $0x400  }
0x4e: {  	[sflag:s12] =	ssyncset.done $0x0  }
0x4f: {  	s30 =	sadd.s32 $0x2820, s29;
	[sflag:s12] =	ssyncadd.s32 $0xFFFFFC00  }
0x50: {  	[spmem:s3] =	stream.indirect.scatter.add.f32 [tilespmem:s19], [sflag:$0x2], $0x40, s30, s17, $0xb8;
	[tilespmem:$0x11000] =	vst v63  }
0x51: {  	_ =	swait.ge [sflag:s12], $0x400  }
0x52: {  	[sflag:s12] =	ssyncset.done $0x0  }
0x53: {  	s30 =	sadd.s32 $0x2830, s29;
	[sflag:s12] =	ssyncadd.s32 $0xFFFFFC00  }
0x54: {  	[spmem:s3] =	stream.indirect.scatter.add.f32 [tilespmem:s20], [sflag:$0x2], $0x40, s30, s17, $0xb8;
	[tilespmem:$0x11000] =	vst v63  }
0x55: {  	_ =	swait.ge [sflag:s12], $0x400  }
0x56: {  	[sflag:s12] =	ssyncset.done $0x0  }
0x57: {  	s30 =	sadd.s32 $0x2840, s29;
	[sflag:s12] =	ssyncadd.s32 $0xFFFFFC00  }
0x58: {  	[spmem:s3] =	stream.indirect.scatter.add.f32 [tilespmem:s21], [sflag:$0x2], $0x40, s30, s17, $0xb8;
	[tilespmem:$0x11000] =	vst v63  }
0x59: {  	_ =	swait.ge [sflag:s12], $0x400  }
0x5a: {  	[sflag:s12] =	ssyncset.done $0x0  }
0x5b: {  	s30 =	sadd.s32 $0x2850, s29;
	[sflag:s12] =	ssyncadd.s32 $0xFFFFFC00  }
0x5c: {  	[spmem:s3] =	stream.indirect.scatter.add.f32 [tilespmem:s22], [sflag:$0x2], $0x40, s30, s17, $0xb8;
	[tilespmem:$0x11000] =	vst v63  }
0x5d: {  	_ =	swait.ge [sflag:s12], $0x400  }
0x5e: {  	[sflag:s12] =	ssyncset.done $0x0  }
0x5f: {  	s30 =	sadd.s32 $0x2860, s29;
	[sflag:s12] =	ssyncadd.s32 $0xFFFFFC00  }
0x60: {  	[spmem:s3] =	stream.indirect.scatter.add.f32 [tilespmem:s23], [sflag:$0x2], $0x40, s30, s17, $0xb8;
	[tilespmem:$0x11000] =	vst v63  }
0x61: {  	_ =	swait.ge [sflag:s12], $0x400  }
.Ltmp0:
0x62: {  	[sflag:s12] =	ssyncset.done $0x0;
	(pc) =	sbr.rel @p0 .LBB2_2-.Ltmp0, $4  }
0x63: {  	s29 =	sadd.s32 $0x2870, s29;
	[sflag:s12] =	ssyncadd.s32 $0xFFFFFC00  }
0x64: {  	[spmem:s3] =	stream.indirect.scatter.add.f32 [tilespmem:s24], [sflag:$0x2], $0x40, s29, s17, $0xb8;
	[tilespmem:$0x11000] =	vst v63  }
0x65: {  	_ =	swait.ge [sflag:s12], $0x400  }
0x66: {  	s30 =	smov.u32 s28;
	[sflag:s12] =	ssyncset.done $0x0  }
0x67: {  	s26 =	sshra.s32 s26, $0x2;
	[sflag:s12] =	ssyncadd.s32 $0xFFFFFC00  }
0x68: {  	[tilespmem:s15], [sflag:$0x1] =	stream.indirect.gather [hbm4b:s2+s14], $0x40, s26, s14, $0xb8;
	[tilespmem:$0x11000] =	vst v63  }
0x69: {  	_ =	swait.ge [sflag:s16], $0x2000  }
0x6a: {  	[sflag:s16] =	ssyncset.done $0x0  }
0x6b: {  	s28 =	sadd.s32 $0x2800, s26;
	[sflag:s16] =	ssyncadd.s32 $0xFFFFE000  }
0x6c: {  	[spmem:s3] =	stream.indirect.scatter.add.f32 [tilespmem:s15], [sflag:$0x2], $0x40, s28, s17, $0xb8;
	[tilespmem:$0x11000] =	vst v63  }
0x6d: {  	_ =	swait.ge [sflag:s12], $0x400  }
0x6e: {  	[sflag:s12] =	ssyncset.done $0x0  }
0x6f: {  	s29 =	sadd.s32 $0x2810, s26;
	[sflag:s12] =	ssyncadd.s32 $0xFFFFFC00  }
0x70: {  	[spmem:s3] =	stream.indirect.scatter.add.f32 [tilespmem:s18], [sflag:$0x2], $0x40, s29, s17, $0xb8;
	[tilespmem:$0x11000] =	vst v63  }
0x71: {  	_ =	swait.ge [sflag:s12], $0x400  }
0x72: {  	[sflag:s12] =	ssyncset.done $0x0  }
0x73: {  	s30 =	sadd.s32 $0x2820, s26;
	[sflag:s12] =	ssyncadd.s32 $0xFFFFFC00  }
0x74: {  	[spmem:s3] =	stream.indirect.scatter.add.f32 [tilespmem:s19], [sflag:$0x2], $0x40, s30, s17, $0xb8;
	[tilespmem:$0x11000] =	vst v63  }
0x75: {  	_ =	swait.ge [sflag:s12], $0x400  }
0x76: {  	[sflag:s12] =	ssyncset.done $0x0  }
0x77: {  	s31 =	sadd.s32 $0x2830, s26;
	[sflag:s12] =	ssyncadd.s32 $0xFFFFFC00  }
0x78: {  	[spmem:s3] =	stream.indirect.scatter.add.f32 [tilespmem:s20], [sflag:$0x2], $0x40, s31, s17, $0xb8;
	[tilespmem:$0x11000] =	vst v63  }
0x79: {  	_ =	swait.ge [sflag:s12], $0x400  }
0x7a: {  	[sflag:s12] =	ssyncset.done $0x0  }
0x7b: {  	s29 =	sadd.s32 $0x2840, s26;
	[sflag:s12] =	ssyncadd.s32 $0xFFFFFC00  }
0x7c: {  	[spmem:s3] =	stream.indirect.scatter.add.f32 [tilespmem:s21], [sflag:$0x2], $0x40, s29, s17, $0xb8;
	[tilespmem:$0x11000] =	vst v63  }
0x7d: {  	_ =	swait.ge [sflag:s12], $0x400  }
0x7e: {  	[sflag:s12] =	ssyncset.done $0x0  }
0x7f: {  	s30 =	sadd.s32 $0x2850, s26;
	[sflag:s12] =	ssyncadd.s32 $0xFFFFFC00  }
0x80: {  	[spmem:s3] =	stream.indirect.scatter.add.f32 [tilespmem:s22], [sflag:$0x2], $0x40, s30, s17, $0xb8;
	[tilespmem:$0x11000] =	vst v63  }
0x81: {  	_ =	swait.ge [sflag:s12], $0x400  }
0x82: {  	[sflag:s12] =	ssyncset.done $0x0  }
0x83: {  	s31 =	sadd.s32 $0x2860, s26;
	[sflag:s12] =	ssyncadd.s32 $0xFFFFFC00  }
0x84: {  	[spmem:s3] =	stream.indirect.scatter.add.f32 [tilespmem:s23], [sflag:$0x2], $0x40, s31, s17, $0xb8;
	[tilespmem:$0x11000] =	vst v63  }
0x85: {  	_ =	swait.ge [sflag:s12], $0x400  }
0x86: {  	[sflag:s12] =	ssyncset.done $0x0  }
0x87: {  	s26 =	sadd.s32 $0x2870, s26;
	[sflag:s12] =	ssyncadd.s32 $0xFFFFFC00  }
0x88: {  	[spmem:s3] =	stream.indirect.scatter.add.f32 [tilespmem:s24], [sflag:$0x2], $0x40, s26, s17, $0xb8;
	[tilespmem:$0x11000] =	vst v63  }
0x89: {  	_ =	swait.ge [sflag:s12], $0x400  }
0x8a: {  	s25 =	sadd.s32 $0x1, s25;
	[sflag:s12] =	ssyncset.done $0x0  }
0x8b: {  	p0 =	sne.s32 s25, s10;
	[sflag:s12] =	ssyncadd.s32 $0xFFFFFC00  }
.Ltmp1:
0x8c: {  	[bflag:$0x0] =	sbarrier.arrive $0xFFFF;
	(pc) =	sbr.rel @p0 .LBB2_1-.Ltmp1, $4  }
0x8d: {  	[hbm:s9], [sflag:s6] =	dma.local [spmem:s11], $0x1400  }
0x8e: {  	_ =	swait.ge [sflag:s12], $0x1400  }
0x8f: {  	[sflag:s12] =	ssyncset.done $0x0  }
0x90: {  	[sflag:s12] =	ssyncadd.s32 $0xFFFFEC00  }
0x91: {  	_ =	sfence.sel $0x180000  }
0x92: {  	[bflag:$0x0] =	sbarrier.arrive $0xFFFF  }
0x93: {  	p0 =	sne.s32 s0, $0x0;
	_ =	strace $0x9000005C  }
0x94: {  	s0 =	sadd.s32 @!p0 $0x100000, s1;
	[bflag:$0x2] =	sbarrier.arrive $0xFFFF  }
0x95: {  	[sflag:s0] =	ssyncadd.tile.s32 @!p0 $0x1;
	_ =	shalt  }
.Lfunc_end2:
_tile_overlayer_lowered:
.L_overlay_start_2:
0x96: {  	(tag) =	ssettag $0x2  }
0x97: {  	s0 =	rddreg [dreg:$0x0];
	s2 =	stileid.u32  }
0x98: {  	s1 =	rddreg [dreg:$0x1];
	p0 =	sne.s32 s2, $0x0  }
0x99: {  	s3 =	rddreg [dreg:$0x2];
	[bflag:$0x3] =	sbarrier.arrive $0xFFFF;
	s2 =	simm.s32 @!p0 $0x1C02  }
0x9a: {  	[timem:s3], [sflag:s2] =	dma.local @!p0 [hbm:s0], s1  }
0x9b: {  	s0 =	simm.s32 @!p0 $0x2  }
0x9c: {  	_ =	swait.ge @!p0 [sflag:s0], s1  }
0x9d: {  	s1 =	ssub.s32 @!p0 $0x0, s1;
	[sflag:s0] =	ssyncset.done @!p0 $0x0  }
0x9e: {  	[sflag:s0] =	ssyncadd.s32 @!p0 s1  }
0x9f: {  	[bflag:$0x3] =	sbarrier.arrive $0xFFFF  }
0xa0: {  	_ =	shalt  }

</sc_bundles>
